<compile_context>
chip_gen: v7x
topology: tpu7x:2x2x1
jax: 0.10.2.dev20260603
libtpu: 0.0.44.dev20260713+nightly
codegen_flags: <defaults>
</compile_context>

<pallas_src>
import dataclasses
import functools

import jax
import jax.numpy as jnp
from jax import lax
from jax.experimental import pallas as pl
from jax.experimental.pallas import tpu as pltpu
from jax.experimental.pallas import tpu_sc as plsc

N = 10000
E = 320000
F = 128

NC = 2
NS = 16
NW = NC * NS

EPT = E // NW
NPAD = 10240
SLICE = NPAD // NS

_vector_mesh = plsc.VectorSubcoreMesh(
    core_axis_name="c", subcore_axis_name="s")

_sc_params = pltpu.CompilerParams()
if "needs_layout_passes" in pltpu.CompilerParams.__dataclass_fields__:
    _sc_params = dataclasses.replace(_sc_params, needs_layout_passes=False)


@functools.partial(
    pl.kernel,
    out_type=[
        jax.ShapeDtypeStruct((NC, NPAD), jnp.float32),
        jax.ShapeDtypeStruct((NC, NS, NPAD), jnp.float32),
    ],
    mesh=_vector_mesh,
    compiler_params=_sc_params,
    scratch_types=[
        pltpu.VMEM((NPAD,), jnp.float32),
        pltpu.VMEM((EPT,), jnp.int32),
        pltpu.VMEM((SLICE,), jnp.float32),
        pltpu.VMEM((NS, SLICE), jnp.float32),
    ],
)
def _sc_degree(col_hbm, out_hbm, stage_hbm, hist_v, cidx_v, acc_v, tmp_v):
    cid = lax.axis_index("c")
    sid = lax.axis_index("s")
    wid = cid * NS + sid

    @pl.loop(0, NPAD, step=16)
    def _zero(i):
        hist_v[pl.ds(i, 16)] = jnp.zeros((16,), jnp.float32)

    pltpu.sync_copy(col_hbm.at[pl.ds(wid * EPT, EPT)], cidx_v)
    ones = jnp.ones((16,), jnp.float32)

    @pl.loop(0, EPT, step=16)
    def _hist(i):
        idx = cidx_v[pl.ds(i, 16)]
        plsc.addupdate_scatter(hist_v, [idx], ones)

    pltpu.sync_copy(hist_v, stage_hbm.at[cid, sid])
    plsc.subcore_barrier()

    base = sid * SLICE
    pltpu.sync_copy(stage_hbm.at[cid, :, pl.ds(base, SLICE)], tmp_v)

    @pl.loop(0, SLICE, step=16)
    def _add(j):
        s = tmp_v[0, pl.ds(j, 16)]
        for k in range(1, NS):
            s = s + tmp_v[k, pl.ds(j, 16)]
        acc_v[pl.ds(j, 16)] = s

    pltpu.sync_copy(acc_v, out_hbm.at[cid, pl.ds(base, SLICE)])


ECH = 128
EPC = E // NS
SCH = 4000
NSC = EPC // SCH
KMAX = 4352
NHALF = 5120
NP2 = 2 * NHALF
TRASH = NHALF
RPT = NHALF // NS
DB = 160


@functools.partial(
    pl.kernel,
    out_type=jax.ShapeDtypeStruct((NP2, F), jnp.float32),
    mesh=_vector_mesh,
    compiler_params=_sc_params,
    scratch_types=[
        pltpu.VMEM((KMAX,), jnp.int32),
        pltpu.VMEM((KMAX,), jnp.int32),
        pltpu.VMEM((SCH,), jnp.int32),
        pltpu.VMEM((SCH,), jnp.int32),
        pltpu.VMEM((2, ECH, F), jnp.float32),
        pltpu.VMEM((ECH,), jnp.int32),
        pltpu.VMEM((DB, F), jnp.float32),
        pltpu.SemaphoreType.DMA,
        pltpu.SemaphoreType.DMA,
        pltpu.VMEM_SHARED((NHALF + 8, F), jnp.float32),
    ],
)
def _sc_propagate(h2_hbm, row_hbm, col_hbm, out_hbm,
                  rkeep, ckeep, escan_r, escan_c, rows_v, sidx_v, dump_v,
                  sg0, sg1, acc_sp):
    cid = lax.axis_index("c")
    sid = lax.axis_index("s")
    ebase = sid * EPC
    rbase = sid * RPT
    lo = cid * NHALF

    @pl.loop(0, DB)
    def _zr(r):
        @pl.loop(0, F, step=16)
        def _zq(q):
            dump_v[r, pl.ds(q, 16)] = jnp.zeros((16,), jnp.float32)

    pltpu.sync_copy(dump_v, acc_sp.at[pl.ds(rbase, DB)])
    pltpu.sync_copy(dump_v, acc_sp.at[pl.ds(rbase + DB, DB)])

    @pl.when(sid == 0)
    def _zero_trash():
        pltpu.sync_copy(dump_v.at[pl.ds(0, 8)], acc_sp.at[pl.ds(NHALF, 8)])

    plsc.subcore_barrier()

    for p in range(NSC):
        e0 = ebase + p * SCH
        pltpu.sync_copy(row_hbm.at[pl.ds(e0, SCH)], escan_r)
        pltpu.sync_copy(col_hbm.at[pl.ds(e0, SCH)], escan_c)

        def _scan(i, off):
            r16 = escan_r[pl.ds(i, 16)]
            c16 = escan_c[pl.ds(i, 16)]
            loc = c16 - lo
            ok = (loc >= 0) & (loc < NHALF)
            cs = plsc.cumsum(jnp.where(ok, 1, 0).astype(jnp.int32))
            pos = off + cs - 1
            plsc.store_scatter(rkeep, [pos], r16, mask=ok)
            plsc.store_scatter(ckeep, [pos], loc, mask=ok)
            return off + jnp.max(cs)

        kc = pl.loop(0, SCH, step=16, init_carry=jnp.int32(0))(_scan)

        @pl.loop(0, 256, step=16)
        def _pad(t):
            idx16 = kc + t + lax.iota(jnp.int32, 16)
            plsc.store_scatter(rkeep, [idx16], jnp.zeros((16,), jnp.int32))
            plsc.store_scatter(ckeep, [idx16],
                               jnp.full((16,), TRASH, jnp.int32))

        nch = (kc + (ECH - 1)) // ECH

        @pl.when(nch > 0)
        def _prologue():
            pltpu.async_copy(h2_hbm.at[rkeep.at[pl.ds(0, ECH)]],
                             rows_v.at[0], sg0)

        def _item(item, b, sg, sg_o):
            for q in range(ECH // 16):
                sidx_v[pl.ds(q * 16, 16)] = ckeep[pl.ds(item * ECH + q * 16,
                                                        16)]
            pltpu.make_async_copy(
                h2_hbm.at[rkeep.at[pl.ds(item * ECH, ECH)]],
                rows_v.at[b], sg).wait()

            @pl.when(item + 1 < nch)
            def _next():
                pltpu.async_copy(
                    h2_hbm.at[rkeep.at[pl.ds((item + 1) * ECH, ECH)]],
                    rows_v.at[1 - b], sg_o)

            pltpu.sync_copy(rows_v.at[b], acc_sp.at[sidx_v], add=True)

        @pl.loop(0, nch, step=2)
        def _phase_b(j):
            _item(j, 0, sg0, sg1)

            @pl.when(j + 1 < nch)
            def _odd():
                _item(j + 1, 1, sg1, sg0)

    plsc.subcore_barrier()
    for t in range(2):
        pltpu.sync_copy(acc_sp.at[pl.ds(rbase + t * DB, DB)], dump_v)
        pltpu.sync_copy(dump_v, out_hbm.at[pl.ds(lo + rbase + t * DB, DB)])


_RB = 1000
_NB = N // _RB


def _tc_mm_body(x_ref, dg_ref, wi_ref, wr_ref, b_ref, h2_ref, root_ref):
    d = dg_ref[0] + dg_ref[1]
    dis = jnp.where(d > 0, lax.rsqrt(d), 0.0)
    xb = x_ref[...]
    h2_ref[...] = jnp.dot(xb, wi_ref[...],
                          preferred_element_type=jnp.float32) * dis
    root_ref[...] = jnp.dot(xb, wr_ref[...],
                            preferred_element_type=jnp.float32) + b_ref[...]


def _tc_matmuls(x, degp, wi, wr, b2):
    return pl.pallas_call(
        _tc_mm_body,
        grid=(_NB,),
        in_specs=[
            pl.BlockSpec((_RB, F), lambda i: (i, 0)),
            pl.BlockSpec((NC, _RB, 1), lambda i: (0, i, 0)),
            pl.BlockSpec((F, F), lambda i: (0, 0)),
            pl.BlockSpec((F, F), lambda i: (0, 0)),
            pl.BlockSpec((1, F), lambda i: (0, 0)),
        ],
        out_specs=[
            pl.BlockSpec((_RB, F), lambda i: (i, 0)),
            pl.BlockSpec((_RB, F), lambda i: (i, 0)),
        ],
        out_shape=[
            jax.ShapeDtypeStruct((N, F), jnp.float32),
            jax.ShapeDtypeStruct((N, F), jnp.float32),
        ],
    )(x, degp, wi, wr, b2)


def _tc_fin_body(p_ref, dg_ref, root_ref, o_ref):
    d = dg_ref[0] + dg_ref[1]
    dis = jnp.where(d > 0, lax.rsqrt(d), 0.0)
    s = p_ref[...] * dis + root_ref[...]
    o_ref[...] = jnp.maximum(s, 0.0)


def _tc_finish(parts, degp, root):
    return pl.pallas_call(
        _tc_fin_body,
        grid=(_NB,),
        in_specs=[
            pl.BlockSpec((_RB, F), lambda i: (i, 0)),
            pl.BlockSpec((NC, _RB, 1), lambda i: (0, i, 0)),
            pl.BlockSpec((_RB, F), lambda i: (i, 0)),
        ],
        out_specs=pl.BlockSpec((_RB, F), lambda i: (i, 0)),
        out_shape=jax.ShapeDtypeStruct((N, F), jnp.float32),
    )(parts, degp, root)


def kernel(x, edge_index, init_weight, root_weight, bias):
    row = edge_index[0]
    col = edge_index[1]
    deg2, _ = _sc_degree(col)
    degp = deg2[:, :N, None]
    b2 = bias[0, 0]
    h2, root = _tc_matmuls(x, degp, init_weight[0], root_weight[0, 0], b2)
    parts = _sc_propagate(h2, row, col)
    return _tc_finish(parts, degp, root)

# --- scband reference (transcript-rebuilt; emitter-appended) ---
"""Pipeline reference for scband-arma-45681272160999 (READ-ONLY COPY).

The authoritative reference and input builder live on the scoring server;
editing this copy changes nothing except your own understanding.
"""

import jax, jax.numpy as jnp
import numpy as np

N = 10000
E = 320000
F_IN = 128
F_HID = 128


def setup_inputs(seed: int = 0) -> dict:
    key = jax.random.key(seed)
    k1, k2, k3, k4 = jax.random.split(key, 4)
    x = jax.random.normal(k1, (N, F_IN), dtype=jnp.float32)
    edge_index = jax.random.randint(k2, (2, E), 0, N, dtype=jnp.int32)
    # ARMAConv(in_channels=128, hidden_channels=128): num_stacks K=1, num_layers T=1
    # init_weight: [K, F_in, F_out]; root_weight: [T, K, F_in, F_out]; bias: [T, K, 1, F_out]
    init_weight = jax.random.normal(k3, (1, F_IN, F_HID), dtype=jnp.float32) * (1.0 / np.sqrt(F_IN))
    root_weight = jax.random.normal(k4, (1, 1, F_IN, F_HID), dtype=jnp.float32) * (1.0 / np.sqrt(F_IN))
    bias = jnp.zeros((1, 1, 1, F_HID), dtype=jnp.float32)
    return {"x": x, "edge_index": edge_index, "init_weight": init_weight,
            "root_weight": root_weight, "bias": bias}


def reference(x, edge_index, init_weight, root_weight, bias):
    # ARMA.forward (eval mode): dropout(p=0.5) is identity; conv1 = ARMAConv; then .relu()
    n = x.shape[0]
    row = edge_index[0]
    col = edge_index[1]
    # gcn_norm with add_self_loops=False, edge_weight=None -> ones
    ew = jnp.ones((row.shape[0],), dtype=x.dtype)
    deg = jax.ops.segment_sum(ew, col, num_segments=n)
    deg_safe = jnp.where(deg > 0, deg, 1.0)
    dis = jnp.where(deg > 0, deg_safe ** -0.5, 0.0)
    norm = dis[row] * ew * dis[col]
    # ARMAConv with K=1, T=1 (stack dim squeezed):
    # t=0: out = x @ init_weight[0]
    h = x @ init_weight[0]
    # propagate: message = norm * x_j, aggregate sum at dst (col)
    agg = jax.ops.segment_sum(norm[:, None] * h[row], col, num_segments=n)
    # root skip: dropout(x) @ root_weight (dropout inactive in eval)
    root = x @ root_weight[0, 0]
    out = agg + root + bias[0, 0, 0]
    # ARMAConv act (ReLU) applied each layer; mean over stacks dim (K=1) is identity
    out = jax.nn.relu(out)
    # ARMA.forward outer .relu()
    out = jax.nn.relu(out)
    return out

if __name__ == "__main__":
    import jax
    _d = setup_inputs()
    print(jax.jit(kernel)(*tuple(_d.values())))

</pallas_src>

<mosaic_0001>
#map = affine_map<(d0, d1) -> (0)>
#map1 = affine_map<(d0, d1) -> (0, 0)>
#map2 = affine_map<(d0, d1) -> (0, 0, 0)>
module attributes {stable_mosaic.version = 14 : i64} {
  func.func @_sc_degree(%arg0: i32, %arg1: i32, %arg2: memref<320000xi32, #tpu.memory_space<hbm>>, %arg3: memref<2x10240xf32, #tpu.memory_space<hbm>>, %arg4: memref<2x16x10240xf32, #tpu.memory_space<hbm>>, %arg5: memref<10240xf32, #tpu.memory_space<vmem>>, %arg6: memref<10000xi32, #tpu.memory_space<vmem>>, %arg7: memref<640xf32, #tpu.memory_space<vmem>>, %arg8: memref<16x640xf32, #tpu.memory_space<vmem>>) attributes {dimension_semantics = [#tpu.dimension_semantics<core_parallel>, #tpu.dimension_semantics<subcore_parallel>], iteration_bounds = array<i64: 2, 16>, scalar_prefetch = 0 : i64, scratch_operands = 4 : i64, tpu.core_type = #tpu.core_type<sc_vector_subcore>, window_params = [{transform_indices = #map}, {transform_indices = #map1}, {transform_indices = #map2}]} {
    %mul3A = arith.constant 16 : i32
    %mul3A_0 = arith.muli %arg0, %mul3A : i32
    %add3A = arith.addi %mul3A_0, %arg1 : i32
    %scan3A = arith.constant 0 : i32
    %scan3A_1 = arith.constant 640 : i32
    %scan3A_2 = arith.addi %scan3A, %scan3A_1 : i32
    %scan3A_3 = arith.constant 1 : i32
    scf.for %scan3A_20 = %scan3A to %scan3A_2 step %scan3A_3  : i32 {
      %mul3A_21 = arith.constant 16 : i32
      %mul3A_22 = arith.muli %scan3A_20, %mul3A_21 : i32
      %add3A_23 = arith.constant 0 : i32
      %add3A_24 = arith.addi %add3A_23, %mul3A_22 : i32
      %broadcast_in_dim3A_25 = arith.constant 0.000000e+00 : f32
      %broadcast_in_dim3A_26 = vector.broadcast %broadcast_in_dim3A_25 : f32 to vector<16xf32>
      %swap3A = arith.index_cast %add3A_24 : i32 to index
      %swap3A_27 = tpu.vector_load %arg5[%swap3A] {strides = array<i32>} : memref<10240xf32, #tpu.memory_space<vmem>>, vector<16xf32>,
      tpu.vector_store %arg5[%swap3A], %broadcast_in_dim3A_26 {strides = array<i32>} : memref<10240xf32, #tpu.memory_space<vmem>>, vector<16xf32>,
    }
    %scan3A_4 = arith.constant 640 : i32
    %mul3A_5 = arith.constant 10000 : i32
    %mul3A_6 = arith.muli %add3A, %mul3A_5 : i32
    "tpu.region"() ({
      %run_scoped3A = tpu.sem_alloc : memref<!tpu.dma_semaphore, #tpu.memory_space<semaphore_mem>>
      %dma_start3A = tpu.memref_slice %arg2[%mul3A_6] : memref<320000xi32, #tpu.memory_space<hbm>> -> memref<10000xi32, #tpu.memory_space<hbm>>
      %dma_start3A_20 = tpu.memref_slice %arg2[%mul3A_6] : memref<320000xi32, #tpu.memory_space<hbm>> -> memref<10000xi32, #tpu.memory_space<hbm>>
      tpu.enqueue_dma source(%dma_start3A_20 : memref<10000xi32, #tpu.memory_space<hbm>>) target(%arg6 : memref<10000xi32, #tpu.memory_space<vmem>>) target_semaphore(%run_scoped3A : memref<!tpu.dma_semaphore, #tpu.memory_space<semaphore_mem>>)
      %dma_wait3A = tpu.memref_slice %arg2[%mul3A_6] : memref<320000xi32, #tpu.memory_space<hbm>> -> memref<10000xi32, #tpu.memory_space<hbm>>
      %dma_wait3A_21 = tpu.memref_slice %arg2[%mul3A_6] : memref<320000xi32, #tpu.memory_space<hbm>> -> memref<10000xi32, #tpu.memory_space<hbm>>
      tpu.wait_dma2 semaphore(%run_scoped3A : memref<!tpu.dma_semaphore, #tpu.memory_space<semaphore_mem>>) src(%dma_wait3A_21 : memref<10000xi32, #tpu.memory_space<hbm>>) dst(%arg6 : memref<10000xi32, #tpu.memory_space<vmem>>)
      tpu.yield
    }) : () -> ()
    %broadcast_in_dim3A = arith.constant 1.000000e+00 : f32
    %broadcast_in_dim3A_7 = vector.broadcast %broadcast_in_dim3A : f32 to vector<16xf32>
    %scan3A_8 = arith.constant 0 : i32
    %scan3A_9 = arith.constant 625 : i32
    %scan3A_10 = arith.addi %scan3A_8, %scan3A_9 : i32
    %scan3A_11 = arith.constant 1 : i32
    scf.for %scan3A_20 = %scan3A_8 to %scan3A_10 step %scan3A_11  : i32 {
      %mul3A_21 = arith.constant 16 : i32
      %mul3A_22 = arith.muli %scan3A_20, %mul3A_21 : i32
      %add3A_23 = arith.constant 0 : i32
      %add3A_24 = arith.addi %add3A_23, %mul3A_22 : i32
      %get3A = arith.index_cast %add3A_24 : i32 to index
      %get3A_25 = tpu.vector_load %arg6[%get3A] {strides = array<i32>} : memref<10000xi32, #tpu.memory_space<vmem>>, vector<16xi32>,
      tpu.vector_store_idx %arg5[%get3A_25], %broadcast_in_dim3A_7 {add = true} : memref<10240xf32, #tpu.memory_space<vmem>>[vector<16xi32>], vector<16xf32>,
    }
    %scan3A_12 = arith.constant 625 : i32
    "tpu.region"() ({
      %run_scoped3A = tpu.sem_alloc : memref<!tpu.dma_semaphore, #tpu.memory_space<semaphore_mem>>
      %dma_start3A = arith.constant 0 : i32
      %dma_start3A_20 = tpu.memref_slice %arg4[%arg0, %arg1, %dma_start3A] : memref<2x16x10240xf32, #tpu.memory_space<hbm>> -> memref<1x1x10240xf32, #tpu.memory_space<hbm>>
      %dma_start3A_21 = tpu.memref_squeeze %dma_start3A_20 : memref<1x1x10240xf32, #tpu.memory_space<hbm>> -> memref<10240xf32, #tpu.memory_space<hbm>>
      %dma_start3A_22 = arith.constant 0 : i32
      %dma_start3A_23 = tpu.memref_slice %arg4[%arg0, %arg1, %dma_start3A_22] : memref<2x16x10240xf32, #tpu.memory_space<hbm>> -> memref<1x1x10240xf32, #tpu.memory_space<hbm>>
      %dma_start3A_24 = tpu.memref_squeeze %dma_start3A_23 : memref<1x1x10240xf32, #tpu.memory_space<hbm>> -> memref<10240xf32, #tpu.memory_space<hbm>>
      tpu.enqueue_dma source(%arg5 : memref<10240xf32, #tpu.memory_space<vmem>>) target(%dma_start3A_24 : memref<10240xf32, #tpu.memory_space<hbm>>) target_semaphore(%run_scoped3A : memref<!tpu.dma_semaphore, #tpu.memory_space<semaphore_mem>>)
      %dma_wait3A = arith.constant 0 : i32
      %dma_wait3A_25 = tpu.memref_slice %arg4[%arg0, %arg1, %dma_wait3A] : memref<2x16x10240xf32, #tpu.memory_space<hbm>> -> memref<1x1x10240xf32, #tpu.memory_space<hbm>>
      %dma_wait3A_26 = tpu.memref_squeeze %dma_wait3A_25 : memref<1x1x10240xf32, #tpu.memory_space<hbm>> -> memref<10240xf32, #tpu.memory_space<hbm>>
      %dma_wait3A_27 = arith.constant 0 : i32
      %dma_wait3A_28 = tpu.memref_slice %arg4[%arg0, %arg1, %dma_wait3A_27] : memref<2x16x10240xf32, #tpu.memory_space<hbm>> -> memref<1x1x10240xf32, #tpu.memory_space<hbm>>
      %dma_wait3A_29 = tpu.memref_squeeze %dma_wait3A_28 : memref<1x1x10240xf32, #tpu.memory_space<hbm>> -> memref<10240xf32, #tpu.memory_space<hbm>>
      tpu.wait_dma2 semaphore(%run_scoped3A : memref<!tpu.dma_semaphore, #tpu.memory_space<semaphore_mem>>) src(%arg5 : memref<10240xf32, #tpu.memory_space<vmem>>) dst(%dma_wait3A_29 : memref<10240xf32, #tpu.memory_space<hbm>>)
      tpu.yield
    }) : () -> ()
    %barrier3A = arith.constant 0 : index
    tpu.barrier barrier_id(%barrier3A)
    %mul3A_13 = arith.constant 640 : i32
    %mul3A_14 = arith.muli %arg1, %mul3A_13 : i32
    "tpu.region"() ({
      %run_scoped3A = tpu.sem_alloc : memref<!tpu.dma_semaphore, #tpu.memory_space<semaphore_mem>>
      %dma_start3A = arith.constant 0 : i32
      %dma_start3A_20 = tpu.memref_slice %arg4[%arg0, %dma_start3A, %mul3A_14] : memref<2x16x10240xf32, #tpu.memory_space<hbm>> -> memref<1x16x640xf32, #tpu.memory_space<hbm>>
      %dma_start3A_21 = tpu.memref_squeeze %dma_start3A_20 : memref<1x16x640xf32, #tpu.memory_space<hbm>> -> memref<16x640xf32, #tpu.memory_space<hbm>>
      %dma_start3A_22 = arith.constant 0 : i32
      %dma_start3A_23 = tpu.memref_slice %arg4[%arg0, %dma_start3A_22, %mul3A_14] : memref<2x16x10240xf32, #tpu.memory_space<hbm>> -> memref<1x16x640xf32, #tpu.memory_space<hbm>>
      %dma_start3A_24 = tpu.memref_squeeze %dma_start3A_23 : memref<1x16x640xf32, #tpu.memory_space<hbm>> -> memref<16x640xf32, #tpu.memory_space<hbm>>
      tpu.enqueue_dma source(%dma_start3A_24 : memref<16x640xf32, #tpu.memory_space<hbm>>) target(%arg8 : memref<16x640xf32, #tpu.memory_space<vmem>>) target_semaphore(%run_scoped3A : memref<!tpu.dma_semaphore, #tpu.memory_space<semaphore_mem>>)
      %dma_wait3A = arith.constant 0 : i32
      %dma_wait3A_25 = tpu.memref_slice %arg4[%arg0, %dma_wait3A, %mul3A_14] : memref<2x16x10240xf32, #tpu.memory_space<hbm>> -> memref<1x16x640xf32, #tpu.memory_space<hbm>>
      %dma_wait3A_26 = tpu.memref_squeeze %dma_wait3A_25 : memref<1x16x640xf32, #tpu.memory_space<hbm>> -> memref<16x640xf32, #tpu.memory_space<hbm>>
      %dma_wait3A_27 = arith.constant 0 : i32
      %dma_wait3A_28 = tpu.memref_slice %arg4[%arg0, %dma_wait3A_27, %mul3A_14] : memref<2x16x10240xf32, #tpu.memory_space<hbm>> -> memref<1x16x640xf32, #tpu.memory_space<hbm>>
      %dma_wait3A_29 = tpu.memref_squeeze %dma_wait3A_28 : memref<1x16x640xf32, #tpu.memory_space<hbm>> -> memref<16x640xf32, #tpu.memory_space<hbm>>
      tpu.wait_dma2 semaphore(%run_scoped3A : memref<!tpu.dma_semaphore, #tpu.memory_space<semaphore_mem>>) src(%dma_wait3A_29 : memref<16x640xf32, #tpu.memory_space<hbm>>) dst(%arg8 : memref<16x640xf32, #tpu.memory_space<vmem>>)
      tpu.yield
    }) : () -> ()
    %scan3A_15 = arith.constant 0 : i32
    %scan3A_16 = arith.constant 40 : i32
    %scan3A_17 = arith.addi %scan3A_15, %scan3A_16 : i32
    %scan3A_18 = arith.constant 1 : i32
    scf.for %scan3A_20 = %scan3A_15 to %scan3A_17 step %scan3A_18  : i32 {
      %mul3A_21 = arith.constant 16 : i32
      %mul3A_22 = arith.muli %scan3A_20, %mul3A_21 : i32
      %add3A_23 = arith.constant 0 : i32
      %add3A_24 = arith.addi %add3A_23, %mul3A_22 : i32
      %get3A = arith.constant 0 : i32
      %get3A_25 = arith.index_cast %get3A : i32 to index
      %get3A_26 = arith.index_cast %add3A_24 : i32 to index
      %get3A_27 = tpu.vector_load %arg8[%get3A_25, %get3A_26] {strides = array<i32>} : memref<16x640xf32, #tpu.memory_space<vmem>>, vector<16xf32>,
      %get3A_28 = arith.constant 1 : i32
      %get3A_29 = arith.index_cast %get3A_28 : i32 to index
      %get3A_30 = arith.index_cast %add3A_24 : i32 to index
      %get3A_31 = tpu.vector_load %arg8[%get3A_29, %get3A_30] {strides = array<i32>} : memref<16x640xf32, #tpu.memory_space<vmem>>, vector<16xf32>,
      %add3A_32 = arith.addf %get3A_27, %get3A_31 : vector<16xf32>
      %get3A_33 = arith.constant 2 : i32
      %get3A_34 = arith.index_cast %get3A_33 : i32 to index
      %get3A_35 = arith.index_cast %add3A_24 : i32 to index
      %get3A_36 = tpu.vector_load %arg8[%get3A_34, %get3A_35] {strides = array<i32>} : memref<16x640xf32, #tpu.memory_space<vmem>>, vector<16xf32>,
      %add3A_37 = arith.addf %add3A_32, %get3A_36 : vector<16xf32>
      %get3A_38 = arith.constant 3 : i32
      %get3A_39 = arith.index_cast %get3A_38 : i32 to index
      %get3A_40 = arith.index_cast %add3A_24 : i32 to index
      %get3A_41 = tpu.vector_load %arg8[%get3A_39, %get3A_40] {strides = array<i32>} : memref<16x640xf32, #tpu.memory_space<vmem>>, vector<16xf32>,
      %add3A_42 = arith.addf %add3A_37, %get3A_41 : vector<16xf32>
      %get3A_43 = arith.constant 4 : i32
      %get3A_44 = arith.index_cast %get3A_43 : i32 to index
      %get3A_45 = arith.index_cast %add3A_24 : i32 to index
      %get3A_46 = tpu.vector_load %arg8[%get3A_44, %get3A_45] {strides = array<i32>} : memref<16x640xf32, #tpu.memory_space<vmem>>, vector<16xf32>,
      %add3A_47 = arith.addf %add3A_42, %get3A_46 : vector<16xf32>
      %get3A_48 = arith.constant 5 : i32
      %get3A_49 = arith.index_cast %get3A_48 : i32 to index
      %get3A_50 = arith.index_cast %add3A_24 : i32 to index
      %get3A_51 = tpu.vector_load %arg8[%get3A_49, %get3A_50] {strides = array<i32>} : memref<16x640xf32, #tpu.memory_space<vmem>>, vector<16xf32>,
      %add3A_52 = arith.addf %add3A_47, %get3A_51 : vector<16xf32>
      %get3A_53 = arith.constant 6 : i32
      %get3A_54 = arith.index_cast %get3A_53 : i32 to index
      %get3A_55 = arith.index_cast %add3A_24 : i32 to index
      %get3A_56 = tpu.vector_load %arg8[%get3A_54, %get3A_55] {strides = array<i32>} : memref<16x640xf32, #tpu.memory_space<vmem>>, vector<16xf32>,
      %add3A_57 = arith.addf %add3A_52, %get3A_56 : vector<16xf32>
      %get3A_58 = arith.constant 7 : i32
      %get3A_59 = arith.index_cast %get3A_58 : i32 to index
      %get3A_60 = arith.index_cast %add3A_24 : i32 to index
      %get3A_61 = tpu.vector_load %arg8[%get3A_59, %get3A_60] {strides = array<i32>} : memref<16x640xf32, #tpu.memory_space<vmem>>, vector<16xf32>,
      %add3A_62 = arith.addf %add3A_57, %get3A_61 : vector<16xf32>
      %get3A_63 = arith.constant 8 : i32
      %get3A_64 = arith.index_cast %get3A_63 : i32 to index
      %get3A_65 = arith.index_cast %add3A_24 : i32 to index
      %get3A_66 = tpu.vector_load %arg8[%get3A_64, %get3A_65] {strides = array<i32>} : memref<16x640xf32, #tpu.memory_space<vmem>>, vector<16xf32>,
      %add3A_67 = arith.addf %add3A_62, %get3A_66 : vector<16xf32>
      %get3A_68 = arith.constant 9 : i32
      %get3A_69 = arith.index_cast %get3A_68 : i32 to index
      %get3A_70 = arith.index_cast %add3A_24 : i32 to index
      %get3A_71 = tpu.vector_load %arg8[%get3A_69, %get3A_70] {strides = array<i32>} : memref<16x640xf32, #tpu.memory_space<vmem>>, vector<16xf32>,
      %add3A_72 = arith.addf %add3A_67, %get3A_71 : vector<16xf32>
      %get3A_73 = arith.constant 10 : i32
      %get3A_74 = arith.index_cast %get3A_73 : i32 to index
      %get3A_75 = arith.index_cast %add3A_24 : i32 to index
      %get3A_76 = tpu.vector_load %arg8[%get3A_74, %get3A_75] {strides = array<i32>} : memref<16x640xf32, #tpu.memory_space<vmem>>, vector<16xf32>,
      %add3A_77 = arith.addf %add3A_72, %get3A_76 : vector<16xf32>
      %get3A_78 = arith.constant 11 : i32
      %get3A_79 = arith.index_cast %get3A_78 : i32 to index
      %get3A_80 = arith.index_cast %add3A_24 : i32 to index
      %get3A_81 = tpu.vector_load %arg8[%get3A_79, %get3A_80] {strides = array<i32>} : memref<16x640xf32, #tpu.memory_space<vmem>>, vector<16xf32>,
      %add3A_82 = arith.addf %add3A_77, %get3A_81 : vector<16xf32>
      %get3A_83 = arith.constant 12 : i32
      %get3A_84 = arith.index_cast %get3A_83 : i32 to index
      %get3A_85 = arith.index_cast %add3A_24 : i32 to index
      %get3A_86 = tpu.vector_load %arg8[%get3A_84, %get3A_85] {strides = array<i32>} : memref<16x640xf32, #tpu.memory_space<vmem>>, vector<16xf32>,
      %add3A_87 = arith.addf %add3A_82, %get3A_86 : vector<16xf32>
      %get3A_88 = arith.constant 13 : i32
      %get3A_89 = arith.index_cast %get3A_88 : i32 to index
      %get3A_90 = arith.index_cast %add3A_24 : i32 to index
      %get3A_91 = tpu.vector_load %arg8[%get3A_89, %get3A_90] {strides = array<i32>} : memref<16x640xf32, #tpu.memory_space<vmem>>, vector<16xf32>,
      %add3A_92 = arith.addf %add3A_87, %get3A_91 : vector<16xf32>
      %get3A_93 = arith.constant 14 : i32
      %get3A_94 = arith.index_cast %get3A_93 : i32 to index
      %get3A_95 = arith.index_cast %add3A_24 : i32 to index
      %get3A_96 = tpu.vector_load %arg8[%get3A_94, %get3A_95] {strides = array<i32>} : memref<16x640xf32, #tpu.memory_space<vmem>>, vector<16xf32>,
      %add3A_97 = arith.addf %add3A_92, %get3A_96 : vector<16xf32>
      %get3A_98 = arith.constant 15 : i32
      %get3A_99 = arith.index_cast %get3A_98 : i32 to index
      %get3A_100 = arith.index_cast %add3A_24 : i32 to index
      %get3A_101 = tpu.vector_load %arg8[%get3A_99, %get3A_100] {strides = array<i32>} : memref<16x640xf32, #tpu.memory_space<vmem>>, vector<16xf32>,
      %add3A_102 = arith.addf %add3A_97, %get3A_101 : vector<16xf32>
      %swap3A = arith.index_cast %add3A_24 : i32 to index
      %swap3A_103 = tpu.vector_load %arg7[%swap3A] {strides = array<i32>} : memref<640xf32, #tpu.memory_space<vmem>>, vector<16xf32>,
      tpu.vector_store %arg7[%swap3A], %add3A_102 {strides = array<i32>} : memref<640xf32, #tpu.memory_space<vmem>>, vector<16xf32>,
    }
    %scan3A_19 = arith.constant 40 : i32
    "tpu.region"() ({
      %run_scoped3A = tpu.sem_alloc : memref<!tpu.dma_semaphore, #tpu.memory_space<semaphore_mem>>
      %dma_start3A = tpu.memref_slice %arg3[%arg0, %mul3A_14] : memref<2x10240xf32, #tpu.memory_space<hbm>> -> memref<1x640xf32, #tpu.memory_space<hbm>>
      %dma_start3A_20 = tpu.memref_squeeze %dma_start3A : memref<1x640xf32, #tpu.memory_space<hbm>> -> memref<640xf32, #tpu.memory_space<hbm>>
      %dma_start3A_21 = tpu.memref_slice %arg3[%arg0, %mul3A_14] : memref<2x10240xf32, #tpu.memory_space<hbm>> -> memref<1x640xf32, #tpu.memory_space<hbm>>
      %dma_start3A_22 = tpu.memref_squeeze %dma_start3A_21 : memref<1x640xf32, #tpu.memory_space<hbm>> -> memref<640xf32, #tpu.memory_space<hbm>>
      tpu.enqueue_dma source(%arg7 : memref<640xf32, #tpu.memory_space<vmem>>) target(%dma_start3A_22 : memref<640xf32, #tpu.memory_space<hbm>>) target_semaphore(%run_scoped3A : memref<!tpu.dma_semaphore, #tpu.memory_space<semaphore_mem>>)
      %dma_wait3A = tpu.memref_slice %arg3[%arg0, %mul3A_14] : memref<2x10240xf32, #tpu.memory_space<hbm>> -> memref<1x640xf32, #tpu.memory_space<hbm>>
      %dma_wait3A_23 = tpu.memref_squeeze %dma_wait3A : memref<1x640xf32, #tpu.memory_space<hbm>> -> memref<640xf32, #tpu.memory_space<hbm>>
      %dma_wait3A_24 = tpu.memref_slice %arg3[%arg0, %mul3A_14] : memref<2x10240xf32, #tpu.memory_space<hbm>> -> memref<1x640xf32, #tpu.memory_space<hbm>>
      %dma_wait3A_25 = tpu.memref_squeeze %dma_wait3A_24 : memref<1x640xf32, #tpu.memory_space<hbm>> -> memref<640xf32, #tpu.memory_space<hbm>>
      tpu.wait_dma2 semaphore(%run_scoped3A : memref<!tpu.dma_semaphore, #tpu.memory_space<semaphore_mem>>) src(%arg7 : memref<640xf32, #tpu.memory_space<vmem>>) dst(%dma_wait3A_25 : memref<640xf32, #tpu.memory_space<hbm>>)
      tpu.yield
    }) : () -> ()
    return
  }
}

#map = affine_map<(d0, d1) -> (0, 0)>
#map1 = affine_map<(d0, d1) -> (0)>
module attributes {stable_mosaic.version = 14 : i64} {
  func.func @_sc_propagate(%arg0: i32, %arg1: i32, %arg2: memref<10000x128xf32, #tpu.memory_space<hbm>>, %arg3: memref<320000xi32, #tpu.memory_space<hbm>>, %arg4: memref<320000xi32, #tpu.memory_space<hbm>>, %arg5: memref<10240x128xf32, #tpu.memory_space<hbm>>, %arg6: memref<4352xi32, #tpu.memory_space<vmem>>, %arg7: memref<4352xi32, #tpu.memory_space<vmem>>, %arg8: memref<4000xi32, #tpu.memory_space<vmem>>, %arg9: memref<4000xi32, #tpu.memory_space<vmem>>, %arg10: memref<2x128x128xf32, #tpu.memory_space<vmem>>, %arg11: memref<128xi32, #tpu.memory_space<vmem>>, %arg12: memref<160x128xf32, #tpu.memory_space<vmem>>, %arg13: memref<!tpu.dma_semaphore, #tpu.memory_space<semaphore_mem>>, %arg14: memref<!tpu.dma_semaphore, #tpu.memory_space<semaphore_mem>>, %arg15: memref<5128x128xf32, #tpu.memory_space<vmem_shared>>) attributes {dimension_semantics = [#tpu.dimension_semantics<core_parallel>, #tpu.dimension_semantics<subcore_parallel>], iteration_bounds = array<i64: 2, 16>, scalar_prefetch = 0 : i64, scratch_operands = 10 : i64, tpu.core_type = #tpu.core_type<sc_vector_subcore>, window_params = [{transform_indices = #map}, {transform_indices = #map1}, {transform_indices = #map1}, {transform_indices = #map}]} {
    %mul3A = arith.constant 20000 : i32
    %mul3A_0 = arith.muli %arg1, %mul3A : i32
    %mul3A_1 = arith.constant 320 : i32
    %mul3A_2 = arith.muli %arg1, %mul3A_1 : i32
    %mul3A_3 = arith.constant 5120 : i32
    %mul3A_4 = arith.muli %arg0, %mul3A_3 : i32
    %scan3A = arith.constant 0 : i32
    %scan3A_5 = arith.constant 160 : i32
    %scan3A_6 = arith.addi %scan3A, %scan3A_5 : i32
    %scan3A_7 = arith.constant 1 : i32
    scf.for %scan3A_333 = %scan3A to %scan3A_6 step %scan3A_7  : i32 {
      %mul3A_334 = arith.constant 1 : i32
      %mul3A_335 = arith.muli %scan3A_333, %mul3A_334 : i32
      %add3A_336 = arith.constant 0 : i32
      %add3A_337 = arith.addi %add3A_336, %mul3A_335 : i32
      %scan3A_338 = arith.constant 0 : i32
      %scan3A_339 = arith.constant 8 : i32
      %scan3A_340 = arith.addi %scan3A_338, %scan3A_339 : i32
      %scan3A_341 = arith.constant 1 : i32
      scf.for %scan3A_343 = %scan3A_338 to %scan3A_340 step %scan3A_341  : i32 {
        %mul3A_344 = arith.constant 16 : i32
        %mul3A_345 = arith.muli %scan3A_343, %mul3A_344 : i32
        %add3A_346 = arith.constant 0 : i32
        %add3A_347 = arith.addi %add3A_346, %mul3A_345 : i32
        %broadcast_in_dim3A = arith.constant 0.000000e+00 : f32
        %broadcast_in_dim3A_348 = vector.broadcast %broadcast_in_dim3A : f32 to vector<16xf32>
        %swap3A = arith.index_cast %add3A_337 : i32 to index
        %swap3A_349 = arith.index_cast %add3A_347 : i32 to index
        %swap3A_350 = tpu.vector_load %arg12[%swap3A, %swap3A_349] {strides = array<i32>} : memref<160x128xf32, #tpu.memory_space<vmem>>, vector<16xf32>,
        tpu.vector_store %arg12[%swap3A, %swap3A_349], %broadcast_in_dim3A_348 {strides = array<i32>} : memref<160x128xf32, #tpu.memory_space<vmem>>, vector<16xf32>,
      }
      %scan3A_342 = arith.constant 8 : i32
    }
    %scan3A_8 = arith.constant 160 : i32
    "tpu.region"() ({
      %run_scoped3A = tpu.sem_alloc : memref<!tpu.dma_semaphore, #tpu.memory_space<semaphore_mem>>
      %dma_start3A = arith.constant 0 : i32
      %dma_start3A_333 = tpu.memref_slice %arg15[%mul3A_2, %dma_start3A] : memref<5128x128xf32, #tpu.memory_space<vmem_shared>> -> memref<160x128xf32, #tpu.memory_space<vmem_shared>>
      %dma_start3A_334 = arith.constant 0 : i32
      %dma_start3A_335 = tpu.memref_slice %arg15[%mul3A_2, %dma_start3A_334] : memref<5128x128xf32, #tpu.memory_space<vmem_shared>> -> memref<160x128xf32, #tpu.memory_space<vmem_shared>>
      tpu.enqueue_dma source(%arg12 : memref<160x128xf32, #tpu.memory_space<vmem>>) target(%dma_start3A_335 : memref<160x128xf32, #tpu.memory_space<vmem_shared>>) target_semaphore(%run_scoped3A : memref<!tpu.dma_semaphore, #tpu.memory_space<semaphore_mem>>)
      %dma_wait3A = arith.constant 0 : i32
      %dma_wait3A_336 = tpu.memref_slice %arg15[%mul3A_2, %dma_wait3A] : memref<5128x128xf32, #tpu.memory_space<vmem_shared>> -> memref<160x128xf32, #tpu.memory_space<vmem_shared>>
      %dma_wait3A_337 = arith.constant 0 : i32
      %dma_wait3A_338 = tpu.memref_slice %arg15[%mul3A_2, %dma_wait3A_337] : memref<5128x128xf32, #tpu.memory_space<vmem_shared>> -> memref<160x128xf32, #tpu.memory_space<vmem_shared>>
      tpu.wait_dma2 semaphore(%run_scoped3A : memref<!tpu.dma_semaphore, #tpu.memory_space<semaphore_mem>>) src(%arg12 : memref<160x128xf32, #tpu.memory_space<vmem>>) dst(%dma_wait3A_338 : memref<160x128xf32, #tpu.memory_space<vmem_shared>>)
      tpu.yield
    }) : () -> ()
    %add3A = arith.constant 160 : i32
    %add3A_9 = arith.addi %mul3A_2, %add3A : i32
    "tpu.region"() ({
      %run_scoped3A = tpu.sem_alloc : memref<!tpu.dma_semaphore, #tpu.memory_space<semaphore_mem>>
      %dma_start3A = arith.constant 0 : i32
      %dma_start3A_333 = tpu.memref_slice %arg15[%add3A_9, %dma_start3A] : memref<5128x128xf32, #tpu.memory_space<vmem_shared>> -> memref<160x128xf32, #tpu.memory_space<vmem_shared>>
      %dma_start3A_334 = arith.constant 0 : i32
      %dma_start3A_335 = tpu.memref_slice %arg15[%add3A_9, %dma_start3A_334] : memref<5128x128xf32, #tpu.memory_space<vmem_shared>> -> memref<160x128xf32, #tpu.memory_space<vmem_shared>>
      tpu.enqueue_dma source(%arg12 : memref<160x128xf32, #tpu.memory_space<vmem>>) target(%dma_start3A_335 : memref<160x128xf32, #tpu.memory_space<vmem_shared>>) target_semaphore(%run_scoped3A : memref<!tpu.dma_semaphore, #tpu.memory_space<semaphore_mem>>)
      %dma_wait3A = arith.constant 0 : i32
      %dma_wait3A_336 = tpu.memref_slice %arg15[%add3A_9, %dma_wait3A] : memref<5128x128xf32, #tpu.memory_space<vmem_shared>> -> memref<160x128xf32, #tpu.memory_space<vmem_shared>>
      %dma_wait3A_337 = arith.constant 0 : i32
      %dma_wait3A_338 = tpu.memref_slice %arg15[%add3A_9, %dma_wait3A_337] : memref<5128x128xf32, #tpu.memory_space<vmem_shared>> -> memref<160x128xf32, #tpu.memory_space<vmem_shared>>
      tpu.wait_dma2 semaphore(%run_scoped3A : memref<!tpu.dma_semaphore, #tpu.memory_space<semaphore_mem>>) src(%arg12 : memref<160x128xf32, #tpu.memory_space<vmem>>) dst(%dma_wait3A_338 : memref<160x128xf32, #tpu.memory_space<vmem_shared>>)
      tpu.yield
    }) : () -> ()
    %eq3A = arith.constant 0 : i32
    %eq3A_10 = arith.cmpi eq, %arg1, %eq3A : i32
    %convert_element_type3A = arith.extui %eq3A_10 : i1 to i32
    %cond3A = arith.constant 0 : i32
    %cond3A_11 = arith.cmpi ne, %convert_element_type3A, %cond3A : i32
    scf.if %cond3A_11 {
      "tpu.region"() ({
        %run_scoped3A = tpu.sem_alloc : memref<!tpu.dma_semaphore, #tpu.memory_space<semaphore_mem>>
        %dma_start3A = arith.constant 0 : i32
        %dma_start3A_333 = arith.constant 0 : i32
        %dma_start3A_334 = tpu.memref_slice %arg12[%dma_start3A, %dma_start3A_333] : memref<160x128xf32, #tpu.memory_space<vmem>> -> memref<8x128xf32, #tpu.memory_space<vmem>>
        %dma_start3A_335 = arith.constant 5120 : i32
        %dma_start3A_336 = arith.constant 0 : i32
        %dma_start3A_337 = tpu.memref_slice %arg15[%dma_start3A_335, %dma_start3A_336] : memref<5128x128xf32, #tpu.memory_space<vmem_shared>> -> memref<8x128xf32, #tpu.memory_space<vmem_shared>>
        %dma_start3A_338 = arith.constant 5120 : i32
        %dma_start3A_339 = arith.constant 0 : i32
        %dma_start3A_340 = tpu.memref_slice %arg15[%dma_start3A_338, %dma_start3A_339] : memref<5128x128xf32, #tpu.memory_space<vmem_shared>> -> memref<8x128xf32, #tpu.memory_space<vmem_shared>>
        %dma_start3A_341 = arith.constant 0 : i32
        %dma_start3A_342 = arith.constant 0 : i32
        %dma_start3A_343 = tpu.memref_slice %arg12[%dma_start3A_341, %dma_start3A_342] : memref<160x128xf32, #tpu.memory_space<vmem>> -> memref<8x128xf32, #tpu.memory_space<vmem>>
        tpu.enqueue_dma source(%dma_start3A_343 : memref<8x128xf32, #tpu.memory_space<vmem>>) target(%dma_start3A_340 : memref<8x128xf32, #tpu.memory_space<vmem_shared>>) target_semaphore(%run_scoped3A : memref<!tpu.dma_semaphore, #tpu.memory_space<semaphore_mem>>)
        %dma_wait3A = arith.constant 0 : i32
        %dma_wait3A_344 = arith.constant 0 : i32
        %dma_wait3A_345 = tpu.memref_slice %arg12[%dma_wait3A, %dma_wait3A_344] : memref<160x128xf32, #tpu.memory_space<vmem>> -> memref<8x128xf32, #tpu.memory_space<vmem>>
        %dma_wait3A_346 = arith.constant 5120 : i32
        %dma_wait3A_347 = arith.constant 0 : i32
        %dma_wait3A_348 = tpu.memref_slice %arg15[%dma_wait3A_346, %dma_wait3A_347] : memref<5128x128xf32, #tpu.memory_space<vmem_shared>> -> memref<8x128xf32, #tpu.memory_space<vmem_shared>>
        %dma_wait3A_349 = arith.constant 5120 : i32
        %dma_wait3A_350 = arith.constant 0 : i32
        %dma_wait3A_351 = tpu.memref_slice %arg15[%dma_wait3A_349, %dma_wait3A_350] : memref<5128x128xf32, #tpu.memory_space<vmem_shared>> -> memref<8x128xf32, #tpu.memory_space<vmem_shared>>
        %dma_wait3A_352 = arith.constant 0 : i32
        %dma_wait3A_353 = arith.constant 0 : i32
        %dma_wait3A_354 = tpu.memref_slice %arg12[%dma_wait3A_352, %dma_wait3A_353] : memref<160x128xf32, #tpu.memory_space<vmem>> -> memref<8x128xf32, #tpu.memory_space<vmem>>
        tpu.wait_dma2 semaphore(%run_scoped3A : memref<!tpu.dma_semaphore, #tpu.memory_space<semaphore_mem>>) src(%dma_wait3A_354 : memref<8x128xf32, #tpu.memory_space<vmem>>) dst(%dma_wait3A_351 : memref<8x128xf32, #tpu.memory_space<vmem_shared>>)
        tpu.yield
      }) : () -> ()
    } else {
    }
    %barrier3A = arith.constant 0 : index
    tpu.barrier barrier_id(%barrier3A)
    %add3A_12 = arith.constant 0 : i32
    %add3A_13 = arith.addi %mul3A_0, %add3A_12 : i32
    "tpu.region"() ({
      %run_scoped3A = tpu.sem_alloc : memref<!tpu.dma_semaphore, #tpu.memory_space<semaphore_mem>>
      %dma_start3A = tpu.memref_slice %arg3[%add3A_13] : memref<320000xi32, #tpu.memory_space<hbm>> -> memref<4000xi32, #tpu.memory_space<hbm>>
      %dma_start3A_333 = tpu.memref_slice %arg3[%add3A_13] : memref<320000xi32, #tpu.memory_space<hbm>> -> memref<4000xi32, #tpu.memory_space<hbm>>
      tpu.enqueue_dma source(%dma_start3A_333 : memref<4000xi32, #tpu.memory_space<hbm>>) target(%arg8 : memref<4000xi32, #tpu.memory_space<vmem>>) target_semaphore(%run_scoped3A : memref<!tpu.dma_semaphore, #tpu.memory_space<semaphore_mem>>)
      %dma_wait3A = tpu.memref_slice %arg3[%add3A_13] : memref<320000xi32, #tpu.memory_space<hbm>> -> memref<4000xi32, #tpu.memory_space<hbm>>
      %dma_wait3A_334 = tpu.memref_slice %arg3[%add3A_13] : memref<320000xi32, #tpu.memory_space<hbm>> -> memref<4000xi32, #tpu.memory_space<hbm>>
      tpu.wait_dma2 semaphore(%run_scoped3A : memref<!tpu.dma_semaphore, #tpu.memory_space<semaphore_mem>>) src(%dma_wait3A_334 : memref<4000xi32, #tpu.memory_space<hbm>>) dst(%arg8 : memref<4000xi32, #tpu.memory_space<vmem>>)
      tpu.yield
    }) : () -> ()
    "tpu.region"() ({
      %run_scoped3A = tpu.sem_alloc : memref<!tpu.dma_semaphore, #tpu.memory_space<semaphore_mem>>
      %dma_start3A = tpu.memref_slice %arg4[%add3A_13] : memref<320000xi32, #tpu.memory_space<hbm>> -> memref<4000xi32, #tpu.memory_space<hbm>>
      %dma_start3A_333 = tpu.memref_slice %arg4[%add3A_13] : memref<320000xi32, #tpu.memory_space<hbm>> -> memref<4000xi32, #tpu.memory_space<hbm>>
      tpu.enqueue_dma source(%dma_start3A_333 : memref<4000xi32, #tpu.memory_space<hbm>>) target(%arg9 : memref<4000xi32, #tpu.memory_space<vmem>>) target_semaphore(%run_scoped3A : memref<!tpu.dma_semaphore, #tpu.memory_space<semaphore_mem>>)
      %dma_wait3A = tpu.memref_slice %arg4[%add3A_13] : memref<320000xi32, #tpu.memory_space<hbm>> -> memref<4000xi32, #tpu.memory_space<hbm>>
      %dma_wait3A_334 = tpu.memref_slice %arg4[%add3A_13] : memref<320000xi32, #tpu.memory_space<hbm>> -> memref<4000xi32, #tpu.memory_space<hbm>>
      tpu.wait_dma2 semaphore(%run_scoped3A : memref<!tpu.dma_semaphore, #tpu.memory_space<semaphore_mem>>) src(%dma_wait3A_334 : memref<4000xi32, #tpu.memory_space<hbm>>) dst(%arg9 : memref<4000xi32, #tpu.memory_space<vmem>>)
      tpu.yield
    }) : () -> ()
    %scan3A_14 = arith.constant 0 : i32
    %scan3A_15 = arith.constant 0 : i32
    %scan3A_16 = arith.constant 250 : i32
    %scan3A_17 = arith.addi %scan3A_15, %scan3A_16 : i32
    %scan3A_18 = arith.constant 1 : i32
    %scan3A_19 = scf.for %scan3A_333 = %scan3A_15 to %scan3A_17 step %scan3A_18 iter_args(%scan3A_334 = %scan3A_14) -> (i32)  : i32 {
      %mul3A_335 = arith.constant 16 : i32
      %mul3A_336 = arith.muli %scan3A_333, %mul3A_335 : i32
      %add3A_337 = arith.constant 0 : i32
      %add3A_338 = arith.addi %add3A_337, %mul3A_336 : i32
      %get3A = arith.index_cast %add3A_338 : i32 to index
      %get3A_339 = tpu.vector_load %arg8[%get3A] {strides = array<i32>} : memref<4000xi32, #tpu.memory_space<vmem>>, vector<16xi32>,
      %get3A_340 = arith.index_cast %add3A_338 : i32 to index
      %get3A_341 = tpu.vector_load %arg9[%get3A_340] {strides = array<i32>} : memref<4000xi32, #tpu.memory_space<vmem>>, vector<16xi32>,
      %sub3A_342 = vector.broadcast %mul3A_4 : i32 to vector<16xi32>
      %sub3A_343 = arith.subi %get3A_341, %sub3A_342 : vector<16xi32>
      %ge3A = arith.constant 0 : i32
      %ge3A_344 = vector.broadcast %ge3A : i32 to vector<16xi32>
      %ge3A_345 = arith.cmpi sge, %sub3A_343, %ge3A_344 : vector<16xi32>
      %lt3A = arith.constant 5120 : i32
      %lt3A_346 = vector.broadcast %lt3A : i32 to vector<16xi32>
      %lt3A_347 = arith.cmpi slt, %sub3A_343, %lt3A_346 : vector<16xi32>
      %and3A_348 = arith.andi %ge3A_345, %lt3A_347 : vector<16xi1>
      %jit3A_349 = arith.constant 1 : i32
      %jit3A_350 = arith.constant 0 : i32
      %broadcast_in_dim3A = vector.broadcast %jit3A_349 : i32 to vector<16xi32>
      %broadcast_in_dim3A_351 = vector.broadcast %jit3A_350 : i32 to vector<16xi32>
      %select_n3A_352 = arith.select %and3A_348, %broadcast_in_dim3A, %broadcast_in_dim3A_351 : vector<16xi1>, vector<16xi32>
      %broadcast_in_dim3A_353 = arith.constant true
      %broadcast_in_dim3A_354 = vector.broadcast %broadcast_in_dim3A_353 : i1 to vector<16xi1>
      %masked_cumsum3A = tpu.scan <sum>, %select_n3A_352 masked %broadcast_in_dim3A_354 : vector<16xi32>, vector<16xi1> -> vector<16xi32>
      %add3A_355 = vector.broadcast %scan3A_334 : i32 to vector<16xi32>
      %add3A_356 = arith.addi %add3A_355, %masked_cumsum3A : vector<16xi32>
      %sub3A_357 = arith.constant 1 : i32
      %sub3A_358 = vector.broadcast %sub3A_357 : i32 to vector<16xi32>
      %sub3A_359 = arith.subi %add3A_356, %sub3A_358 : vector<16xi32>
      tpu.vector_store_idx %arg6[%sub3A_359], %get3A_339 masked %and3A_348 : memref<4352xi32, #tpu.memory_space<vmem>>[vector<16xi32>], vector<16xi32>, vector<16xi1>
      tpu.vector_store_idx %arg7[%sub3A_359], %sub3A_343 masked %and3A_348 : memref<4352xi32, #tpu.memory_space<vmem>>[vector<16xi32>], vector<16xi32>, vector<16xi1>
      %reduce_max3A = arith.constant true
      %reduce_max3A_360 = vector.broadcast %reduce_max3A : i1 to vector<16xi1>
      %reduce_max3A_361 = arith.constant -2147483648 : i32
      %reduce_max3A_362 = vector.broadcast %reduce_max3A_361 : i32 to vector<16xi32>
      %reduce_max3A_363 = arith.xori %masked_cumsum3A, %reduce_max3A_362 : vector<16xi32>
      %reduce_max3A_364 = tpu.scan <max>, %reduce_max3A_363 masked %reduce_max3A_360 : vector<16xi32>, vector<16xi1> -> vector<16xi32>
      %reduce_max3A_365 = arith.xori %reduce_max3A_364, %reduce_max3A_362 : vector<16xi32>
      %reduce_max3A_366 = vector.extract %reduce_max3A_365[15] : i32 from vector<16xi32>
      %add3A_367 = arith.addi %scan3A_334, %reduce_max3A_366 : i32
      scf.yield %add3A_367 : i32
    }
    %scan3A_20 = arith.constant 250 : i32
    %scan3A_21 = arith.constant 0 : i32
    %scan3A_22 = arith.constant 16 : i32
    %scan3A_23 = arith.addi %scan3A_21, %scan3A_22 : i32
    %scan3A_24 = arith.constant 1 : i32
    scf.for %scan3A_333 = %scan3A_21 to %scan3A_23 step %scan3A_24  : i32 {
      %mul3A_334 = arith.constant 16 : i32
      %mul3A_335 = arith.muli %scan3A_333, %mul3A_334 : i32
      %add3A_336 = arith.constant 0 : i32
      %add3A_337 = arith.addi %add3A_336, %mul3A_335 : i32
      %add3A_338 = arith.addi %scan3A_19, %add3A_337 : i32
      %iota3A = tpu.iota {dimensions = array<i32: 0>} : vector<16xi32>
      %add3A_339 = vector.broadcast %add3A_338 : i32 to vector<16xi32>
      %add3A_340 = arith.addi %add3A_339, %iota3A : vector<16xi32>
      %broadcast_in_dim3A = arith.constant 0 : i32
      %broadcast_in_dim3A_341 = vector.broadcast %broadcast_in_dim3A : i32 to vector<16xi32>
      tpu.vector_store_idx %arg6[%add3A_340], %broadcast_in_dim3A_341 : memref<4352xi32, #tpu.memory_space<vmem>>[vector<16xi32>], vector<16xi32>,
      %broadcast_in_dim3A_342 = arith.constant 5120 : i32
      %broadcast_in_dim3A_343 = vector.broadcast %broadcast_in_dim3A_342 : i32 to vector<16xi32>
      tpu.vector_store_idx %arg7[%add3A_340], %broadcast_in_dim3A_343 : memref<4352xi32, #tpu.memory_space<vmem>>[vector<16xi32>], vector<16xi32>,
    }
    %scan3A_25 = arith.constant 16 : i32
    %add3A_26 = arith.constant 127 : i32
    %add3A_27 = arith.addi %scan3A_19, %add3A_26 : i32
    %jit3A = arith.constant 128 : i32
    %div3A = arith.divsi %add3A_27, %jit3A : i32
    %sign3A = arith.constant 0 : i32
    %sign3A_28 = arith.cmpi sgt, %add3A_27, %sign3A : i32
    %sign3A_29 = arith.extui %sign3A_28 : i1 to i32
    %sign3A_30 = arith.constant 0 : i32
    %sign3A_31 = arith.cmpi slt, %add3A_27, %sign3A_30 : i32
    %sign3A_32 = arith.extui %sign3A_31 : i1 to i32
    %sign3A_33 = arith.subi %sign3A_29, %sign3A_32 : i32
    %sign3A_34 = arith.constant 0 : i32
    %sign3A_35 = arith.cmpi sgt, %jit3A, %sign3A_34 : i32
    %sign3A_36 = arith.extui %sign3A_35 : i1 to i32
    %sign3A_37 = arith.constant 0 : i32
    %sign3A_38 = arith.cmpi slt, %jit3A, %sign3A_37 : i32
    %sign3A_39 = arith.extui %sign3A_38 : i1 to i32
    %sign3A_40 = arith.subi %sign3A_36, %sign3A_39 : i32
    %ne3A = arith.cmpi ne, %sign3A_33, %sign3A_40 : i32
    %rem3A = arith.remsi %add3A_27, %jit3A : i32
    %ne3A_41 = arith.constant 0 : i32
    %ne3A_42 = arith.cmpi ne, %rem3A, %ne3A_41 : i32
    %and3A = arith.andi %ne3A, %ne3A_42 : i1
    %sub3A = arith.constant 1 : i32
    %sub3A_43 = arith.subi %div3A, %sub3A : i32
    %select_n3A = arith.select %and3A, %sub3A_43, %div3A : i32
    %gt3A = arith.constant 0 : i32
    %gt3A_44 = arith.cmpi sgt, %select_n3A, %gt3A : i32
    %convert_element_type3A_45 = arith.extui %gt3A_44 : i1 to i32
    %cond3A_46 = arith.constant 0 : i32
    %cond3A_47 = arith.cmpi ne, %convert_element_type3A_45, %cond3A_46 : i32
    scf.if %cond3A_47 {
      %dma_start3A = arith.constant 0 : i32
      %dma_start3A_333 = arith.constant 0 : i32
      %dma_start3A_334 = arith.constant 0 : i32
      %dma_start3A_335 = tpu.memref_slice %arg10[%dma_start3A, %dma_start3A_333, %dma_start3A_334] : memref<2x128x128xf32, #tpu.memory_space<vmem>> -> memref<1x128x128xf32, #tpu.memory_space<vmem>>
      %dma_start3A_336 = tpu.memref_squeeze %dma_start3A_335 : memref<1x128x128xf32, #tpu.memory_space<vmem>> -> memref<128x128xf32, #tpu.memory_space<vmem>>
      %dma_start3A_337 = arith.constant 0 : i32
      %dma_start3A_338 = tpu.memref_slice %arg6[%dma_start3A_337] : memref<4352xi32, #tpu.memory_space<vmem>> -> memref<128xi32, #tpu.memory_space<vmem>>
      %dma_start3A_339 = arith.constant 0 : i32
      %dma_start3A_340 = arith.constant 0 : i32
      %dma_start3A_341 = tpu.memref_slice %arg2[%dma_start3A_339, %dma_start3A_340] : memref<10000x128xf32, #tpu.memory_space<hbm>> -> memref<10000x128xf32, #tpu.memory_space<hbm>>
      tpu.enqueue_indirect_dma source(%dma_start3A_341 : memref<10000x128xf32, #tpu.memory_space<hbm>>) target(%dma_start3A_336 : memref<128x128xf32, #tpu.memory_space<vmem>>) offsets(%dma_start3A_338 : memref<128xi32, #tpu.memory_space<vmem>>) semaphore(%arg13 : memref<!tpu.dma_semaphore, #tpu.memory_space<semaphore_mem>>)
    } else {
    }
    %sub3A_48 = arith.constant 0 : i32
    %sub3A_49 = arith.subi %select_n3A, %sub3A_48 : i32
    %sub3A_50 = arith.constant 2 : i32
    %sub3A_51 = arith.constant 1 : i32
    %sub3A_52 = arith.subi %sub3A_50, %sub3A_51 : i32
    %add3A_53 = arith.addi %sub3A_49, %sub3A_52 : i32
    %div3A_54 = arith.constant 2 : i32
    %div3A_55 = arith.divsi %add3A_53, %div3A_54 : i32
    %while3A = arith.constant 2 : i32
    %while3A_56 = arith.constant 0 : i32
    %while3A_57 = arith.constant 0 : i32
    %while3A_58 = arith.subi %div3A_55, %while3A_57 : i32
    %while3A_59 = arith.addi %while3A_57, %while3A_58 : i32
    %while3A_60 = arith.constant 1 : i32
    %while3A_61 = arith.divsi %while3A_58, %while3A_60 : i32
    %while3A_62 = arith.muli %while3A_61, %while3A_60 : i32
    %while3A_63 = arith.addi %while3A_57, %while3A_62 : i32
    %while3A_64 = arith.constant 1 : i32
    scf.for %while3A_333 = %while3A_57 to %while3A_63 step %while3A_64  : i32 {
      %mul3A_334 = arith.muli %while3A_333, %while3A : i32
      %add3A_335 = arith.addi %while3A_56, %mul3A_334 : i32
      %mul3A_336 = arith.constant 128 : i32
      %mul3A_337 = arith.muli %add3A_335, %mul3A_336 : i32
      %add3A_338 = arith.constant 0 : i32
      %add3A_339 = arith.addi %mul3A_337, %add3A_338 : i32
      %get3A = arith.index_cast %add3A_339 : i32 to index
      %get3A_340 = tpu.vector_load %arg7[%get3A] {strides = array<i32>} : memref<4352xi32, #tpu.memory_space<vmem>>, vector<16xi32>,
      %swap3A = arith.constant 0 : index
      %swap3A_341 = tpu.vector_load %arg11[%swap3A] {strides = array<i32>} : memref<128xi32, #tpu.memory_space<vmem>>, vector<16xi32>,
      tpu.vector_store %arg11[%swap3A], %get3A_340 {strides = array<i32>} : memref<128xi32, #tpu.memory_space<vmem>>, vector<16xi32>,
      %mul3A_342 = arith.constant 128 : i32
      %mul3A_343 = arith.muli %add3A_335, %mul3A_342 : i32
      %add3A_344 = arith.constant 16 : i32
      %add3A_345 = arith.addi %mul3A_343, %add3A_344 : i32
      %get3A_346 = arith.index_cast %add3A_345 : i32 to index
      %get3A_347 = tpu.vector_load %arg7[%get3A_346] {strides = array<i32>} : memref<4352xi32, #tpu.memory_space<vmem>>, vector<16xi32>,
      %swap3A_348 = arith.constant 16 : index
      %swap3A_349 = tpu.vector_load %arg11[%swap3A_348] {strides = array<i32>} : memref<128xi32, #tpu.memory_space<vmem>>, vector<16xi32>,
      tpu.vector_store %arg11[%swap3A_348], %get3A_347 {strides = array<i32>} : memref<128xi32, #tpu.memory_space<vmem>>, vector<16xi32>,
      %mul3A_350 = arith.constant 128 : i32
      %mul3A_351 = arith.muli %add3A_335, %mul3A_350 : i32
      %add3A_352 = arith.constant 32 : i32
      %add3A_353 = arith.addi %mul3A_351, %add3A_352 : i32
      %get3A_354 = arith.index_cast %add3A_353 : i32 to index
      %get3A_355 = tpu.vector_load %arg7[%get3A_354] {strides = array<i32>} : memref<4352xi32, #tpu.memory_space<vmem>>, vector<16xi32>,
      %swap3A_356 = arith.constant 32 : index
      %swap3A_357 = tpu.vector_load %arg11[%swap3A_356] {strides = array<i32>} : memref<128xi32, #tpu.memory_space<vmem>>, vector<16xi32>,
      tpu.vector_store %arg11[%swap3A_356], %get3A_355 {strides = array<i32>} : memref<128xi32, #tpu.memory_space<vmem>>, vector<16xi32>,
      %mul3A_358 = arith.constant 128 : i32
      %mul3A_359 = arith.muli %add3A_335, %mul3A_358 : i32
      %add3A_360 = arith.constant 48 : i32
      %add3A_361 = arith.addi %mul3A_359, %add3A_360 : i32
      %get3A_362 = arith.index_cast %add3A_361 : i32 to index
      %get3A_363 = tpu.vector_load %arg7[%get3A_362] {strides = array<i32>} : memref<4352xi32, #tpu.memory_space<vmem>>, vector<16xi32>,
      %swap3A_364 = arith.constant 48 : index
      %swap3A_365 = tpu.vector_load %arg11[%swap3A_364] {strides = array<i32>} : memref<128xi32, #tpu.memory_space<vmem>>, vector<16xi32>,
      tpu.vector_store %arg11[%swap3A_364], %get3A_363 {strides = array<i32>} : memref<128xi32, #tpu.memory_space<vmem>>, vector<16xi32>,
      %mul3A_366 = arith.constant 128 : i32
      %mul3A_367 = arith.muli %add3A_335, %mul3A_366 : i32
      %add3A_368 = arith.constant 64 : i32
      %add3A_369 = arith.addi %mul3A_367, %add3A_368 : i32
      %get3A_370 = arith.index_cast %add3A_369 : i32 to index
      %get3A_371 = tpu.vector_load %arg7[%get3A_370] {strides = array<i32>} : memref<4352xi32, #tpu.memory_space<vmem>>, vector<16xi32>,
      %swap3A_372 = arith.constant 64 : index
      %swap3A_373 = tpu.vector_load %arg11[%swap3A_372] {strides = array<i32>} : memref<128xi32, #tpu.memory_space<vmem>>, vector<16xi32>,
      tpu.vector_store %arg11[%swap3A_372], %get3A_371 {strides = array<i32>} : memref<128xi32, #tpu.memory_space<vmem>>, vector<16xi32>,
      %mul3A_374 = arith.constant 128 : i32
      %mul3A_375 = arith.muli %add3A_335, %mul3A_374 : i32
      %add3A_376 = arith.constant 80 : i32
      %add3A_377 = arith.addi %mul3A_375, %add3A_376 : i32
      %get3A_378 = arith.index_cast %add3A_377 : i32 to index
      %get3A_379 = tpu.vector_load %arg7[%get3A_378] {strides = array<i32>} : memref<4352xi32, #tpu.memory_space<vmem>>, vector<16xi32>,
      %swap3A_380 = arith.constant 80 : index
      %swap3A_381 = tpu.vector_load %arg11[%swap3A_380] {strides = array<i32>} : memref<128xi32, #tpu.memory_space<vmem>>, vector<16xi32>,
      tpu.vector_store %arg11[%swap3A_380], %get3A_379 {strides = array<i32>} : memref<128xi32, #tpu.memory_space<vmem>>, vector<16xi32>,
      %mul3A_382 = arith.constant 128 : i32
      %mul3A_383 = arith.muli %add3A_335, %mul3A_382 : i32
      %add3A_384 = arith.constant 96 : i32
      %add3A_385 = arith.addi %mul3A_383, %add3A_384 : i32
      %get3A_386 = arith.index_cast %add3A_385 : i32 to index
      %get3A_387 = tpu.vector_load %arg7[%get3A_386] {strides = array<i32>} : memref<4352xi32, #tpu.memory_space<vmem>>, vector<16xi32>,
      %swap3A_388 = arith.constant 96 : index
      %swap3A_389 = tpu.vector_load %arg11[%swap3A_388] {strides = array<i32>} : memref<128xi32, #tpu.memory_space<vmem>>, vector<16xi32>,
      tpu.vector_store %arg11[%swap3A_388], %get3A_387 {strides = array<i32>} : memref<128xi32, #tpu.memory_space<vmem>>, vector<16xi32>,
      %mul3A_390 = arith.constant 128 : i32
      %mul3A_391 = arith.muli %add3A_335, %mul3A_390 : i32
      %add3A_392 = arith.constant 112 : i32
      %add3A_393 = arith.addi %mul3A_391, %add3A_392 : i32
      %get3A_394 = arith.index_cast %add3A_393 : i32 to index
      %get3A_395 = tpu.vector_load %arg7[%get3A_394] {strides = array<i32>} : memref<4352xi32, #tpu.memory_space<vmem>>, vector<16xi32>,
      %swap3A_396 = arith.constant 112 : index
      %swap3A_397 = tpu.vector_load %arg11[%swap3A_396] {strides = array<i32>} : memref<128xi32, #tpu.memory_space<vmem>>, vector<16xi32>,
      tpu.vector_store %arg11[%swap3A_396], %get3A_395 {strides = array<i32>} : memref<128xi32, #tpu.memory_space<vmem>>, vector<16xi32>,
      %mul3A_398 = arith.constant 128 : i32
      %mul3A_399 = arith.muli %add3A_335, %mul3A_398 : i32
      %dma_wait3A = arith.constant 0 : i32
      %dma_wait3A_400 = arith.constant 0 : i32
      %dma_wait3A_401 = arith.constant 0 : i32
      %dma_wait3A_402 = tpu.memref_slice %arg10[%dma_wait3A, %dma_wait3A_400, %dma_wait3A_401] : memref<2x128x128xf32, #tpu.memory_space<vmem>> -> memref<1x128x128xf32, #tpu.memory_space<vmem>>
      %dma_wait3A_403 = tpu.memref_squeeze %dma_wait3A_402 : memref<1x128x128xf32, #tpu.memory_space<vmem>> -> memref<128x128xf32, #tpu.memory_space<vmem>>
      %dma_wait3A_404 = tpu.memref_slice %arg6[%mul3A_399] : memref<4352xi32, #tpu.memory_space<vmem>> -> memref<128xi32, #tpu.memory_space<vmem>>
      %dma_wait3A_405 = arith.constant 0 : i32
      %dma_wait3A_406 = arith.constant 0 : i32
      %dma_wait3A_407 = tpu.memref_slice %arg2[%dma_wait3A_405, %dma_wait3A_406] : memref<10000x128xf32, #tpu.memory_space<hbm>> -> memref<10000x128xf32, #tpu.memory_space<hbm>>
      tpu.wait_indirect_dma semaphore(%arg13 : memref<!tpu.dma_semaphore, #tpu.memory_space<semaphore_mem>>) src(%dma_wait3A_407 : memref<10000x128xf32, #tpu.memory_space<hbm>>) dst(%dma_wait3A_403 : memref<128x128xf32, #tpu.memory_space<vmem>>)
      %add3A_408 = arith.constant 1 : i32
      %add3A_409 = arith.addi %add3A_335, %add3A_408 : i32
      %lt3A = arith.cmpi slt, %add3A_409, %select_n3A : i32
      %convert_element_type3A_410 = arith.extui %lt3A : i1 to i32
      %cond3A_411 = arith.constant 0 : i32
      %cond3A_412 = arith.cmpi ne, %convert_element_type3A_410, %cond3A_411 : i32
      scf.if %cond3A_412 {
        %add3A_419 = arith.constant 1 : i32
        %add3A_420 = arith.addi %add3A_335, %add3A_419 : i32
        %mul3A_421 = arith.constant 128 : i32
        %mul3A_422 = arith.muli %add3A_420, %mul3A_421 : i32
        %dma_start3A = arith.constant 1 : i32
        %dma_start3A_423 = arith.constant 0 : i32
        %dma_start3A_424 = arith.constant 0 : i32
        %dma_start3A_425 = tpu.memref_slice %arg10[%dma_start3A, %dma_start3A_423, %dma_start3A_424] : memref<2x128x128xf32, #tpu.memory_space<vmem>> -> memref<1x128x128xf32, #tpu.memory_space<vmem>>
        %dma_start3A_426 = tpu.memref_squeeze %dma_start3A_425 : memref<1x128x128xf32, #tpu.memory_space<vmem>> -> memref<128x128xf32, #tpu.memory_space<vmem>>
        %dma_start3A_427 = tpu.memref_slice %arg6[%mul3A_422] : memref<4352xi32, #tpu.memory_space<vmem>> -> memref<128xi32, #tpu.memory_space<vmem>>
        %dma_start3A_428 = arith.constant 0 : i32
        %dma_start3A_429 = arith.constant 0 : i32
        %dma_start3A_430 = tpu.memref_slice %arg2[%dma_start3A_428, %dma_start3A_429] : memref<10000x128xf32, #tpu.memory_space<hbm>> -> memref<10000x128xf32, #tpu.memory_space<hbm>>
        tpu.enqueue_indirect_dma source(%dma_start3A_430 : memref<10000x128xf32, #tpu.memory_space<hbm>>) target(%dma_start3A_426 : memref<128x128xf32, #tpu.memory_space<vmem>>) offsets(%dma_start3A_427 : memref<128xi32, #tpu.memory_space<vmem>>) semaphore(%arg14 : memref<!tpu.dma_semaphore, #tpu.memory_space<semaphore_mem>>)
      } else {
      }
      %run_scoped3A = arith.constant 0 : i32
      "tpu.region"() ({
        %run_scoped3A_419 = tpu.sem_alloc : memref<!tpu.dma_semaphore, #tpu.memory_space<semaphore_mem>>
        %dma_start3A = arith.constant 0 : i32
        %dma_start3A_420 = arith.constant 0 : i32
        %dma_start3A_421 = tpu.memref_slice %arg10[%run_scoped3A, %dma_start3A, %dma_start3A_420] : memref<2x128x128xf32, #tpu.memory_space<vmem>> -> memref<1x128x128xf32, #tpu.memory_space<vmem>>
        %dma_start3A_422 = tpu.memref_squeeze %dma_start3A_421 : memref<1x128x128xf32, #tpu.memory_space<vmem>> -> memref<128x128xf32, #tpu.memory_space<vmem>>
        %dma_start3A_423 = arith.constant 0 : i32
        %dma_start3A_424 = arith.constant 0 : i32
        %dma_start3A_425 = tpu.memref_slice %arg15[%dma_start3A_423, %dma_start3A_424] : memref<5128x128xf32, #tpu.memory_space<vmem_shared>> -> memref<5128x128xf32, #tpu.memory_space<vmem_shared>>
        tpu.enqueue_indirect_dma source(%dma_start3A_422 : memref<128x128xf32, #tpu.memory_space<vmem>>) target(%dma_start3A_425 : memref<5128x128xf32, #tpu.memory_space<vmem_shared>>) offsets(%arg11 : memref<128xi32, #tpu.memory_space<vmem>>) semaphore(%run_scoped3A_419 : memref<!tpu.dma_semaphore, #tpu.memory_space<semaphore_mem>>) {add = true}
        %dma_wait3A_426 = arith.constant 0 : i32
        %dma_wait3A_427 = arith.constant 0 : i32
        %dma_wait3A_428 = tpu.memref_slice %arg10[%run_scoped3A, %dma_wait3A_426, %dma_wait3A_427] : memref<2x128x128xf32, #tpu.memory_space<vmem>> -> memref<1x128x128xf32, #tpu.memory_space<vmem>>
        %dma_wait3A_429 = tpu.memref_squeeze %dma_wait3A_428 : memref<1x128x128xf32, #tpu.memory_space<vmem>> -> memref<128x128xf32, #tpu.memory_space<vmem>>
        %dma_wait3A_430 = arith.constant 0 : i32
        %dma_wait3A_431 = arith.constant 0 : i32
        %dma_wait3A_432 = tpu.memref_slice %arg15[%dma_wait3A_430, %dma_wait3A_431] : memref<5128x128xf32, #tpu.memory_space<vmem_shared>> -> memref<5128x128xf32, #tpu.memory_space<vmem_shared>>
        tpu.wait_indirect_dma semaphore(%run_scoped3A_419 : memref<!tpu.dma_semaphore, #tpu.memory_space<semaphore_mem>>) src(%dma_wait3A_429 : memref<128x128xf32, #tpu.memory_space<vmem>>) dst(%dma_wait3A_432 : memref<5128x128xf32, #tpu.memory_space<vmem_shared>>)
        tpu.yield
      }) : () -> ()
      %add3A_413 = arith.constant 1 : i32
      %add3A_414 = arith.addi %add3A_335, %add3A_413 : i32
      %lt3A_415 = arith.cmpi slt, %add3A_414, %select_n3A : i32
      %convert_element_type3A_416 = arith.extui %lt3A_415 : i1 to i32
      %cond3A_417 = arith.constant 0 : i32
      %cond3A_418 = arith.cmpi ne, %convert_element_type3A_416, %cond3A_417 : i32
      scf.if %cond3A_418 {
        %add3A_419 = arith.constant 1 : i32
        %add3A_420 = arith.addi %add3A_335, %add3A_419 : i32
        %mul3A_421 = arith.constant 128 : i32
        %mul3A_422 = arith.muli %add3A_420, %mul3A_421 : i32
        %add3A_423 = arith.constant 0 : i32
        %add3A_424 = arith.addi %mul3A_422, %add3A_423 : i32
        %get3A_425 = arith.index_cast %add3A_424 : i32 to index
        %get3A_426 = tpu.vector_load %arg7[%get3A_425] {strides = array<i32>} : memref<4352xi32, #tpu.memory_space<vmem>>, vector<16xi32>,
        %swap3A_427 = arith.constant 0 : index
        %swap3A_428 = tpu.vector_load %arg11[%swap3A_427] {strides = array<i32>} : memref<128xi32, #tpu.memory_space<vmem>>, vector<16xi32>,
        tpu.vector_store %arg11[%swap3A_427], %get3A_426 {strides = array<i32>} : memref<128xi32, #tpu.memory_space<vmem>>, vector<16xi32>,
        %mul3A_429 = arith.constant 128 : i32
        %mul3A_430 = arith.muli %add3A_420, %mul3A_429 : i32
        %add3A_431 = arith.constant 16 : i32
        %add3A_432 = arith.addi %mul3A_430, %add3A_431 : i32
        %get3A_433 = arith.index_cast %add3A_432 : i32 to index
        %get3A_434 = tpu.vector_load %arg7[%get3A_433] {strides = array<i32>} : memref<4352xi32, #tpu.memory_space<vmem>>, vector<16xi32>,
        %swap3A_435 = arith.constant 16 : index
        %swap3A_436 = tpu.vector_load %arg11[%swap3A_435] {strides = array<i32>} : memref<128xi32, #tpu.memory_space<vmem>>, vector<16xi32>,
        tpu.vector_store %arg11[%swap3A_435], %get3A_434 {strides = array<i32>} : memref<128xi32, #tpu.memory_space<vmem>>, vector<16xi32>,
        %mul3A_437 = arith.constant 128 : i32
        %mul3A_438 = arith.muli %add3A_420, %mul3A_437 : i32
        %add3A_439 = arith.constant 32 : i32
        %add3A_440 = arith.addi %mul3A_438, %add3A_439 : i32
        %get3A_441 = arith.index_cast %add3A_440 : i32 to index
        %get3A_442 = tpu.vector_load %arg7[%get3A_441] {strides = array<i32>} : memref<4352xi32, #tpu.memory_space<vmem>>, vector<16xi32>,
        %swap3A_443 = arith.constant 32 : index
        %swap3A_444 = tpu.vector_load %arg11[%swap3A_443] {strides = array<i32>} : memref<128xi32, #tpu.memory_space<vmem>>, vector<16xi32>,
        tpu.vector_store %arg11[%swap3A_443], %get3A_442 {strides = array<i32>} : memref<128xi32, #tpu.memory_space<vmem>>, vector<16xi32>,
        %mul3A_445 = arith.constant 128 : i32
        %mul3A_446 = arith.muli %add3A_420, %mul3A_445 : i32
        %add3A_447 = arith.constant 48 : i32
        %add3A_448 = arith.addi %mul3A_446, %add3A_447 : i32
        %get3A_449 = arith.index_cast %add3A_448 : i32 to index
        %get3A_450 = tpu.vector_load %arg7[%get3A_449] {strides = array<i32>} : memref<4352xi32, #tpu.memory_space<vmem>>, vector<16xi32>,
        %swap3A_451 = arith.constant 48 : index
        %swap3A_452 = tpu.vector_load %arg11[%swap3A_451] {strides = array<i32>} : memref<128xi32, #tpu.memory_space<vmem>>, vector<16xi32>,
        tpu.vector_store %arg11[%swap3A_451], %get3A_450 {strides = array<i32>} : memref<128xi32, #tpu.memory_space<vmem>>, vector<16xi32>,
        %mul3A_453 = arith.constant 128 : i32
        %mul3A_454 = arith.muli %add3A_420, %mul3A_453 : i32
        %add3A_455 = arith.constant 64 : i32
        %add3A_456 = arith.addi %mul3A_454, %add3A_455 : i32
        %get3A_457 = arith.index_cast %add3A_456 : i32 to index
        %get3A_458 = tpu.vector_load %arg7[%get3A_457] {strides = array<i32>} : memref<4352xi32, #tpu.memory_space<vmem>>, vector<16xi32>,
        %swap3A_459 = arith.constant 64 : index
        %swap3A_460 = tpu.vector_load %arg11[%swap3A_459] {strides = array<i32>} : memref<128xi32, #tpu.memory_space<vmem>>, vector<16xi32>,
        tpu.vector_store %arg11[%swap3A_459], %get3A_458 {strides = array<i32>} : memref<128xi32, #tpu.memory_space<vmem>>, vector<16xi32>,
        %mul3A_461 = arith.constant 128 : i32
        %mul3A_462 = arith.muli %add3A_420, %mul3A_461 : i32
        %add3A_463 = arith.constant 80 : i32
        %add3A_464 = arith.addi %mul3A_462, %add3A_463 : i32
        %get3A_465 = arith.index_cast %add3A_464 : i32 to index
        %get3A_466 = tpu.vector_load %arg7[%get3A_465] {strides = array<i32>} : memref<4352xi32, #tpu.memory_space<vmem>>, vector<16xi32>,
        %swap3A_467 = arith.constant 80 : index
        %swap3A_468 = tpu.vector_load %arg11[%swap3A_467] {strides = array<i32>} : memref<128xi32, #tpu.memory_space<vmem>>, vector<16xi32>,
        tpu.vector_store %arg11[%swap3A_467], %get3A_466 {strides = array<i32>} : memref<128xi32, #tpu.memory_space<vmem>>, vector<16xi32>,
        %mul3A_469 = arith.constant 128 : i32
        %mul3A_470 = arith.muli %add3A_420, %mul3A_469 : i32
        %add3A_471 = arith.constant 96 : i32
        %add3A_472 = arith.addi %mul3A_470, %add3A_471 : i32
        %get3A_473 = arith.index_cast %add3A_472 : i32 to index
        %get3A_474 = tpu.vector_load %arg7[%get3A_473] {strides = array<i32>} : memref<4352xi32, #tpu.memory_space<vmem>>, vector<16xi32>,
        %swap3A_475 = arith.constant 96 : index
        %swap3A_476 = tpu.vector_load %arg11[%swap3A_475] {strides = array<i32>} : memref<128xi32, #tpu.memory_space<vmem>>, vector<16xi32>,
        tpu.vector_store %arg11[%swap3A_475], %get3A_474 {strides = array<i32>} : memref<128xi32, #tpu.memory_space<vmem>>, vector<16xi32>,
        %mul3A_477 = arith.constant 128 : i32
        %mul3A_478 = arith.muli %add3A_420, %mul3A_477 : i32
        %add3A_479 = arith.constant 112 : i32
        %add3A_480 = arith.addi %mul3A_478, %add3A_479 : i32
        %get3A_481 = arith.index_cast %add3A_480 : i32 to index
        %get3A_482 = tpu.vector_load %arg7[%get3A_481] {strides = array<i32>} : memref<4352xi32, #tpu.memory_space<vmem>>, vector<16xi32>,
        %swap3A_483 = arith.constant 112 : index
        %swap3A_484 = tpu.vector_load %arg11[%swap3A_483] {strides = array<i32>} : memref<128xi32, #tpu.memory_space<vmem>>, vector<16xi32>,
        tpu.vector_store %arg11[%swap3A_483], %get3A_482 {strides = array<i32>} : memref<128xi32, #tpu.memory_space<vmem>>, vector<16xi32>,
        %mul3A_485 = arith.constant 128 : i32
        %mul3A_486 = arith.muli %add3A_420, %mul3A_485 : i32
        %dma_wait3A_487 = arith.constant 1 : i32
        %dma_wait3A_488 = arith.constant 0 : i32
        %dma_wait3A_489 = arith.constant 0 : i32
        %dma_wait3A_490 = tpu.memref_slice %arg10[%dma_wait3A_487, %dma_wait3A_488, %dma_wait3A_489] : memref<2x128x128xf32, #tpu.memory_space<vmem>> -> memref<1x128x128xf32, #tpu.memory_space<vmem>>
        %dma_wait3A_491 = tpu.memref_squeeze %dma_wait3A_490 : memref<1x128x128xf32, #tpu.memory_space<vmem>> -> memref<128x128xf32, #tpu.memory_space<vmem>>
        %dma_wait3A_492 = tpu.memref_slice %arg6[%mul3A_486] : memref<4352xi32, #tpu.memory_space<vmem>> -> memref<128xi32, #tpu.memory_space<vmem>>
        %dma_wait3A_493 = arith.constant 0 : i32
        %dma_wait3A_494 = arith.constant 0 : i32
        %dma_wait3A_495 = tpu.memref_slice %arg2[%dma_wait3A_493, %dma_wait3A_494] : memref<10000x128xf32, #tpu.memory_space<hbm>> -> memref<10000x128xf32, #tpu.memory_space<hbm>>
        tpu.wait_indirect_dma semaphore(%arg14 : memref<!tpu.dma_semaphore, #tpu.memory_space<semaphore_mem>>) src(%dma_wait3A_495 : memref<10000x128xf32, #tpu.memory_space<hbm>>) dst(%dma_wait3A_491 : memref<128x128xf32, #tpu.memory_space<vmem>>)
        %add3A_496 = arith.constant 1 : i32
        %add3A_497 = arith.addi %add3A_420, %add3A_496 : i32
        %lt3A_498 = arith.cmpi slt, %add3A_497, %select_n3A : i32
        %convert_element_type3A_499 = arith.extui %lt3A_498 : i1 to i32
        %cond3A_500 = arith.constant 0 : i32
        %cond3A_501 = arith.cmpi ne, %convert_element_type3A_499, %cond3A_500 : i32
        scf.if %cond3A_501 {
          %add3A_503 = arith.constant 1 : i32
          %add3A_504 = arith.addi %add3A_420, %add3A_503 : i32
          %mul3A_505 = arith.constant 128 : i32
          %mul3A_506 = arith.muli %add3A_504, %mul3A_505 : i32
          %dma_start3A = arith.constant 0 : i32
          %dma_start3A_507 = arith.constant 0 : i32
          %dma_start3A_508 = arith.constant 0 : i32
          %dma_start3A_509 = tpu.memref_slice %arg10[%dma_start3A, %dma_start3A_507, %dma_start3A_508] : memref<2x128x128xf32, #tpu.memory_space<vmem>> -> memref<1x128x128xf32, #tpu.memory_space<vmem>>
          %dma_start3A_510 = tpu.memref_squeeze %dma_start3A_509 : memref<1x128x128xf32, #tpu.memory_space<vmem>> -> memref<128x128xf32, #tpu.memory_space<vmem>>
          %dma_start3A_511 = tpu.memref_slice %arg6[%mul3A_506] : memref<4352xi32, #tpu.memory_space<vmem>> -> memref<128xi32, #tpu.memory_space<vmem>>
          %dma_start3A_512 = arith.constant 0 : i32
          %dma_start3A_513 = arith.constant 0 : i32
          %dma_start3A_514 = tpu.memref_slice %arg2[%dma_start3A_512, %dma_start3A_513] : memref<10000x128xf32, #tpu.memory_space<hbm>> -> memref<10000x128xf32, #tpu.memory_space<hbm>>
          tpu.enqueue_indirect_dma source(%dma_start3A_514 : memref<10000x128xf32, #tpu.memory_space<hbm>>) target(%dma_start3A_510 : memref<128x128xf32, #tpu.memory_space<vmem>>) offsets(%dma_start3A_511 : memref<128xi32, #tpu.memory_space<vmem>>) semaphore(%arg13 : memref<!tpu.dma_semaphore, #tpu.memory_space<semaphore_mem>>)
        } else {
        }
        %run_scoped3A_502 = arith.constant 1 : i32
        "tpu.region"() ({
          %run_scoped3A_503 = tpu.sem_alloc : memref<!tpu.dma_semaphore, #tpu.memory_space<semaphore_mem>>
          %dma_start3A = arith.constant 0 : i32
          %dma_start3A_504 = arith.constant 0 : i32
          %dma_start3A_505 = tpu.memref_slice %arg10[%run_scoped3A_502, %dma_start3A, %dma_start3A_504] : memref<2x128x128xf32, #tpu.memory_space<vmem>> -> memref<1x128x128xf32, #tpu.memory_space<vmem>>
          %dma_start3A_506 = tpu.memref_squeeze %dma_start3A_505 : memref<1x128x128xf32, #tpu.memory_space<vmem>> -> memref<128x128xf32, #tpu.memory_space<vmem>>
          %dma_start3A_507 = arith.constant 0 : i32
          %dma_start3A_508 = arith.constant 0 : i32
          %dma_start3A_509 = tpu.memref_slice %arg15[%dma_start3A_507, %dma_start3A_508] : memref<5128x128xf32, #tpu.memory_space<vmem_shared>> -> memref<5128x128xf32, #tpu.memory_space<vmem_shared>>
          tpu.enqueue_indirect_dma source(%dma_start3A_506 : memref<128x128xf32, #tpu.memory_space<vmem>>) target(%dma_start3A_509 : memref<5128x128xf32, #tpu.memory_space<vmem_shared>>) offsets(%arg11 : memref<128xi32, #tpu.memory_space<vmem>>) semaphore(%run_scoped3A_503 : memref<!tpu.dma_semaphore, #tpu.memory_space<semaphore_mem>>) {add = true}
          %dma_wait3A_510 = arith.constant 0 : i32
          %dma_wait3A_511 = arith.constant 0 : i32
          %dma_wait3A_512 = tpu.memref_slice %arg10[%run_scoped3A_502, %dma_wait3A_510, %dma_wait3A_511] : memref<2x128x128xf32, #tpu.memory_space<vmem>> -> memref<1x128x128xf32, #tpu.memory_space<vmem>>
          %dma_wait3A_513 = tpu.memref_squeeze %dma_wait3A_512 : memref<1x128x128xf32, #tpu.memory_space<vmem>> -> memref<128x128xf32, #tpu.memory_space<vmem>>
          %dma_wait3A_514 = arith.constant 0 : i32
          %dma_wait3A_515 = arith.constant 0 : i32
          %dma_wait3A_516 = tpu.memref_slice %arg15[%dma_wait3A_514, %dma_wait3A_515] : memref<5128x128xf32, #tpu.memory_space<vmem_shared>> -> memref<5128x128xf32, #tpu.memory_space<vmem_shared>>
          tpu.wait_indirect_dma semaphore(%run_scoped3A_503 : memref<!tpu.dma_semaphore, #tpu.memory_space<semaphore_mem>>) src(%dma_wait3A_513 : memref<128x128xf32, #tpu.memory_space<vmem>>) dst(%dma_wait3A_516 : memref<5128x128xf32, #tpu.memory_space<vmem_shared>>)
          tpu.yield
        }) : () -> ()
      } else {
      }
    }
    %while3A_65 = arith.constant 1 : i32
    scf.for %while3A_333 = %while3A_63 to %while3A_59 step %while3A_65  : i32 {
      %mul3A_334 = arith.muli %while3A_333, %while3A : i32
      %add3A_335 = arith.addi %while3A_56, %mul3A_334 : i32
      %mul3A_336 = arith.constant 128 : i32
      %mul3A_337 = arith.muli %add3A_335, %mul3A_336 : i32
      %add3A_338 = arith.constant 0 : i32
      %add3A_339 = arith.addi %mul3A_337, %add3A_338 : i32
      %get3A = arith.index_cast %add3A_339 : i32 to index
      %get3A_340 = tpu.vector_load %arg7[%get3A] {strides = array<i32>} : memref<4352xi32, #tpu.memory_space<vmem>>, vector<16xi32>,
      %swap3A = arith.constant 0 : index
      %swap3A_341 = tpu.vector_load %arg11[%swap3A] {strides = array<i32>} : memref<128xi32, #tpu.memory_space<vmem>>, vector<16xi32>,
      tpu.vector_store %arg11[%swap3A], %get3A_340 {strides = array<i32>} : memref<128xi32, #tpu.memory_space<vmem>>, vector<16xi32>,
      %mul3A_342 = arith.constant 128 : i32
      %mul3A_343 = arith.muli %add3A_335, %mul3A_342 : i32
      %add3A_344 = arith.constant 16 : i32
      %add3A_345 = arith.addi %mul3A_343, %add3A_344 : i32
      %get3A_346 = arith.index_cast %add3A_345 : i32 to index
      %get3A_347 = tpu.vector_load %arg7[%get3A_346] {strides = array<i32>} : memref<4352xi32, #tpu.memory_space<vmem>>, vector<16xi32>,
      %swap3A_348 = arith.constant 16 : index
      %swap3A_349 = tpu.vector_load %arg11[%swap3A_348] {strides = array<i32>} : memref<128xi32, #tpu.memory_space<vmem>>, vector<16xi32>,
      tpu.vector_store %arg11[%swap3A_348], %get3A_347 {strides = array<i32>} : memref<128xi32, #tpu.memory_space<vmem>>, vector<16xi32>,
      %mul3A_350 = arith.constant 128 : i32
      %mul3A_351 = arith.muli %add3A_335, %mul3A_350 : i32
      %add3A_352 = arith.constant 32 : i32
      %add3A_353 = arith.addi %mul3A_351, %add3A_352 : i32
      %get3A_354 = arith.index_cast %add3A_353 : i32 to index
      %get3A_355 = tpu.vector_load %arg7[%get3A_354] {strides = array<i32>} : memref<4352xi32, #tpu.memory_space<vmem>>, vector<16xi32>,
      %swap3A_356 = arith.constant 32 : index
      %swap3A_357 = tpu.vector_load %arg11[%swap3A_356] {strides = array<i32>} : memref<128xi32, #tpu.memory_space<vmem>>, vector<16xi32>,
      tpu.vector_store %arg11[%swap3A_356], %get3A_355 {strides = array<i32>} : memref<128xi32, #tpu.memory_space<vmem>>, vector<16xi32>,
      %mul3A_358 = arith.constant 128 : i32
      %mul3A_359 = arith.muli %add3A_335, %mul3A_358 : i32
      %add3A_360 = arith.constant 48 : i32
      %add3A_361 = arith.addi %mul3A_359, %add3A_360 : i32
      %get3A_362 = arith.index_cast %add3A_361 : i32 to index
      %get3A_363 = tpu.vector_load %arg7[%get3A_362] {strides = array<i32>} : memref<4352xi32, #tpu.memory_space<vmem>>, vector<16xi32>,
      %swap3A_364 = arith.constant 48 : index
      %swap3A_365 = tpu.vector_load %arg11[%swap3A_364] {strides = array<i32>} : memref<128xi32, #tpu.memory_space<vmem>>, vector<16xi32>,
      tpu.vector_store %arg11[%swap3A_364], %get3A_363 {strides = array<i32>} : memref<128xi32, #tpu.memory_space<vmem>>, vector<16xi32>,
      %mul3A_366 = arith.constant 128 : i32
      %mul3A_367 = arith.muli %add3A_335, %mul3A_366 : i32
      %add3A_368 = arith.constant 64 : i32
      %add3A_369 = arith.addi %mul3A_367, %add3A_368 : i32
      %get3A_370 = arith.index_cast %add3A_369 : i32 to index
      %get3A_371 = tpu.vector_load %arg7[%get3A_370] {strides = array<i32>} : memref<4352xi32, #tpu.memory_space<vmem>>, vector<16xi32>,
      %swap3A_372 = arith.constant 64 : index
      %swap3A_373 = tpu.vector_load %arg11[%swap3A_372] {strides = array<i32>} : memref<128xi32, #tpu.memory_space<vmem>>, vector<16xi32>,
      tpu.vector_store %arg11[%swap3A_372], %get3A_371 {strides = array<i32>} : memref<128xi32, #tpu.memory_space<vmem>>, vector<16xi32>,
      %mul3A_374 = arith.constant 128 : i32
      %mul3A_375 = arith.muli %add3A_335, %mul3A_374 : i32
      %add3A_376 = arith.constant 80 : i32
      %add3A_377 = arith.addi %mul3A_375, %add3A_376 : i32
      %get3A_378 = arith.index_cast %add3A_377 : i32 to index
      %get3A_379 = tpu.vector_load %arg7[%get3A_378] {strides = array<i32>} : memref<4352xi32, #tpu.memory_space<vmem>>, vector<16xi32>,
      %swap3A_380 = arith.constant 80 : index
      %swap3A_381 = tpu.vector_load %arg11[%swap3A_380] {strides = array<i32>} : memref<128xi32, #tpu.memory_space<vmem>>, vector<16xi32>,
      tpu.vector_store %arg11[%swap3A_380], %get3A_379 {strides = array<i32>} : memref<128xi32, #tpu.memory_space<vmem>>, vector<16xi32>,
      %mul3A_382 = arith.constant 128 : i32
      %mul3A_383 = arith.muli %add3A_335, %mul3A_382 : i32
      %add3A_384 = arith.constant 96 : i32
      %add3A_385 = arith.addi %mul3A_383, %add3A_384 : i32
      %get3A_386 = arith.index_cast %add3A_385 : i32 to index
      %get3A_387 = tpu.vector_load %arg7[%get3A_386] {strides = array<i32>} : memref<4352xi32, #tpu.memory_space<vmem>>, vector<16xi32>,
      %swap3A_388 = arith.constant 96 : index
      %swap3A_389 = tpu.vector_load %arg11[%swap3A_388] {strides = array<i32>} : memref<128xi32, #tpu.memory_space<vmem>>, vector<16xi32>,
      tpu.vector_store %arg11[%swap3A_388], %get3A_387 {strides = array<i32>} : memref<128xi32, #tpu.memory_space<vmem>>, vector<16xi32>,
      %mul3A_390 = arith.constant 128 : i32
      %mul3A_391 = arith.muli %add3A_335, %mul3A_390 : i32
      %add3A_392 = arith.constant 112 : i32
      %add3A_393 = arith.addi %mul3A_391, %add3A_392 : i32
      %get3A_394 = arith.index_cast %add3A_393 : i32 to index
      %get3A_395 = tpu.vector_load %arg7[%get3A_394] {strides = array<i32>} : memref<4352xi32, #tpu.memory_space<vmem>>, vector<16xi32>,
      %swap3A_396 = arith.constant 112 : index
      %swap3A_397 = tpu.vector_load %arg11[%swap3A_396] {strides = array<i32>} : memref<128xi32, #tpu.memory_space<vmem>>, vector<16xi32>,
      tpu.vector_store %arg11[%swap3A_396], %get3A_395 {strides = array<i32>} : memref<128xi32, #tpu.memory_space<vmem>>, vector<16xi32>,
      %mul3A_398 = arith.constant 128 : i32
      %mul3A_399 = arith.muli %add3A_335, %mul3A_398 : i32
      %dma_wait3A = arith.constant 0 : i32
      %dma_wait3A_400 = arith.constant 0 : i32
      %dma_wait3A_401 = arith.constant 0 : i32
      %dma_wait3A_402 = tpu.memref_slice %arg10[%dma_wait3A, %dma_wait3A_400, %dma_wait3A_401] : memref<2x128x128xf32, #tpu.memory_space<vmem>> -> memref<1x128x128xf32, #tpu.memory_space<vmem>>
      %dma_wait3A_403 = tpu.memref_squeeze %dma_wait3A_402 : memref<1x128x128xf32, #tpu.memory_space<vmem>> -> memref<128x128xf32, #tpu.memory_space<vmem>>
      %dma_wait3A_404 = tpu.memref_slice %arg6[%mul3A_399] : memref<4352xi32, #tpu.memory_space<vmem>> -> memref<128xi32, #tpu.memory_space<vmem>>
      %dma_wait3A_405 = arith.constant 0 : i32
      %dma_wait3A_406 = arith.constant 0 : i32
      %dma_wait3A_407 = tpu.memref_slice %arg2[%dma_wait3A_405, %dma_wait3A_406] : memref<10000x128xf32, #tpu.memory_space<hbm>> -> memref<10000x128xf32, #tpu.memory_space<hbm>>
      tpu.wait_indirect_dma semaphore(%arg13 : memref<!tpu.dma_semaphore, #tpu.memory_space<semaphore_mem>>) src(%dma_wait3A_407 : memref<10000x128xf32, #tpu.memory_space<hbm>>) dst(%dma_wait3A_403 : memref<128x128xf32, #tpu.memory_space<vmem>>)
      %add3A_408 = arith.constant 1 : i32
      %add3A_409 = arith.addi %add3A_335, %add3A_408 : i32
      %lt3A = arith.cmpi slt, %add3A_409, %select_n3A : i32
      %convert_element_type3A_410 = arith.extui %lt3A : i1 to i32
      %cond3A_411 = arith.constant 0 : i32
      %cond3A_412 = arith.cmpi ne, %convert_element_type3A_410, %cond3A_411 : i32
      scf.if %cond3A_412 {
        %add3A_419 = arith.constant 1 : i32
        %add3A_420 = arith.addi %add3A_335, %add3A_419 : i32
        %mul3A_421 = arith.constant 128 : i32
        %mul3A_422 = arith.muli %add3A_420, %mul3A_421 : i32
        %dma_start3A = arith.constant 1 : i32
        %dma_start3A_423 = arith.constant 0 : i32
        %dma_start3A_424 = arith.constant 0 : i32
        %dma_start3A_425 = tpu.memref_slice %arg10[%dma_start3A, %dma_start3A_423, %dma_start3A_424] : memref<2x128x128xf32, #tpu.memory_space<vmem>> -> memref<1x128x128xf32, #tpu.memory_space<vmem>>
        %dma_start3A_426 = tpu.memref_squeeze %dma_start3A_425 : memref<1x128x128xf32, #tpu.memory_space<vmem>> -> memref<128x128xf32, #tpu.memory_space<vmem>>
        %dma_start3A_427 = tpu.memref_slice %arg6[%mul3A_422] : memref<4352xi32, #tpu.memory_space<vmem>> -> memref<128xi32, #tpu.memory_space<vmem>>
        %dma_start3A_428 = arith.constant 0 : i32
        %dma_start3A_429 = arith.constant 0 : i32
        %dma_start3A_430 = tpu.memref_slice %arg2[%dma_start3A_428, %dma_start3A_429] : memref<10000x128xf32, #tpu.memory_space<hbm>> -> memref<10000x128xf32, #tpu.memory_space<hbm>>
        tpu.enqueue_indirect_dma source(%dma_start3A_430 : memref<10000x128xf32, #tpu.memory_space<hbm>>) target(%dma_start3A_426 : memref<128x128xf32, #tpu.memory_space<vmem>>) offsets(%dma_start3A_427 : memref<128xi32, #tpu.memory_space<vmem>>) semaphore(%arg14 : memref<!tpu.dma_semaphore, #tpu.memory_space<semaphore_mem>>)
      } else {
      }
      %run_scoped3A = arith.constant 0 : i32
      "tpu.region"() ({
        %run_scoped3A_419 = tpu.sem_alloc : memref<!tpu.dma_semaphore, #tpu.memory_space<semaphore_mem>>
        %dma_start3A = arith.constant 0 : i32
        %dma_start3A_420 = arith.constant 0 : i32
        %dma_start3A_421 = tpu.memref_slice %arg10[%run_scoped3A, %dma_start3A, %dma_start3A_420] : memref<2x128x128xf32, #tpu.memory_space<vmem>> -> memref<1x128x128xf32, #tpu.memory_space<vmem>>
        %dma_start3A_422 = tpu.memref_squeeze %dma_start3A_421 : memref<1x128x128xf32, #tpu.memory_space<vmem>> -> memref<128x128xf32, #tpu.memory_space<vmem>>
        %dma_start3A_423 = arith.constant 0 : i32
        %dma_start3A_424 = arith.constant 0 : i32
        %dma_start3A_425 = tpu.memref_slice %arg15[%dma_start3A_423, %dma_start3A_424] : memref<5128x128xf32, #tpu.memory_space<vmem_shared>> -> memref<5128x128xf32, #tpu.memory_space<vmem_shared>>
        tpu.enqueue_indirect_dma source(%dma_start3A_422 : memref<128x128xf32, #tpu.memory_space<vmem>>) target(%dma_start3A_425 : memref<5128x128xf32, #tpu.memory_space<vmem_shared>>) offsets(%arg11 : memref<128xi32, #tpu.memory_space<vmem>>) semaphore(%run_scoped3A_419 : memref<!tpu.dma_semaphore, #tpu.memory_space<semaphore_mem>>) {add = true}
        %dma_wait3A_426 = arith.constant 0 : i32
        %dma_wait3A_427 = arith.constant 0 : i32
        %dma_wait3A_428 = tpu.memref_slice %arg10[%run_scoped3A, %dma_wait3A_426, %dma_wait3A_427] : memref<2x128x128xf32, #tpu.memory_space<vmem>> -> memref<1x128x128xf32, #tpu.memory_space<vmem>>
        %dma_wait3A_429 = tpu.memref_squeeze %dma_wait3A_428 : memref<1x128x128xf32, #tpu.memory_space<vmem>> -> memref<128x128xf32, #tpu.memory_space<vmem>>
        %dma_wait3A_430 = arith.constant 0 : i32
        %dma_wait3A_431 = arith.constant 0 : i32
        %dma_wait3A_432 = tpu.memref_slice %arg15[%dma_wait3A_430, %dma_wait3A_431] : memref<5128x128xf32, #tpu.memory_space<vmem_shared>> -> memref<5128x128xf32, #tpu.memory_space<vmem_shared>>
        tpu.wait_indirect_dma semaphore(%run_scoped3A_419 : memref<!tpu.dma_semaphore, #tpu.memory_space<semaphore_mem>>) src(%dma_wait3A_429 : memref<128x128xf32, #tpu.memory_space<vmem>>) dst(%dma_wait3A_432 : memref<5128x128xf32, #tpu.memory_space<vmem_shared>>)
        tpu.yield
      }) : () -> ()
      %add3A_413 = arith.constant 1 : i32
      %add3A_414 = arith.addi %add3A_335, %add3A_413 : i32
      %lt3A_415 = arith.cmpi slt, %add3A_414, %select_n3A : i32
      %convert_element_type3A_416 = arith.extui %lt3A_415 : i1 to i32
      %cond3A_417 = arith.constant 0 : i32
      %cond3A_418 = arith.cmpi ne, %convert_element_type3A_416, %cond3A_417 : i32
      scf.if %cond3A_418 {
        %add3A_419 = arith.constant 1 : i32
        %add3A_420 = arith.addi %add3A_335, %add3A_419 : i32
        %mul3A_421 = arith.constant 128 : i32
        %mul3A_422 = arith.muli %add3A_420, %mul3A_421 : i32
        %add3A_423 = arith.constant 0 : i32
        %add3A_424 = arith.addi %mul3A_422, %add3A_423 : i32
        %get3A_425 = arith.index_cast %add3A_424 : i32 to index
        %get3A_426 = tpu.vector_load %arg7[%get3A_425] {strides = array<i32>} : memref<4352xi32, #tpu.memory_space<vmem>>, vector<16xi32>,
        %swap3A_427 = arith.constant 0 : index
        %swap3A_428 = tpu.vector_load %arg11[%swap3A_427] {strides = array<i32>} : memref<128xi32, #tpu.memory_space<vmem>>, vector<16xi32>,
        tpu.vector_store %arg11[%swap3A_427], %get3A_426 {strides = array<i32>} : memref<128xi32, #tpu.memory_space<vmem>>, vector<16xi32>,
        %mul3A_429 = arith.constant 128 : i32
        %mul3A_430 = arith.muli %add3A_420, %mul3A_429 : i32
        %add3A_431 = arith.constant 16 : i32
        %add3A_432 = arith.addi %mul3A_430, %add3A_431 : i32
        %get3A_433 = arith.index_cast %add3A_432 : i32 to index
        %get3A_434 = tpu.vector_load %arg7[%get3A_433] {strides = array<i32>} : memref<4352xi32, #tpu.memory_space<vmem>>, vector<16xi32>,
        %swap3A_435 = arith.constant 16 : index
        %swap3A_436 = tpu.vector_load %arg11[%swap3A_435] {strides = array<i32>} : memref<128xi32, #tpu.memory_space<vmem>>, vector<16xi32>,
        tpu.vector_store %arg11[%swap3A_435], %get3A_434 {strides = array<i32>} : memref<128xi32, #tpu.memory_space<vmem>>, vector<16xi32>,
        %mul3A_437 = arith.constant 128 : i32
        %mul3A_438 = arith.muli %add3A_420, %mul3A_437 : i32
        %add3A_439 = arith.constant 32 : i32
        %add3A_440 = arith.addi %mul3A_438, %add3A_439 : i32
        %get3A_441 = arith.index_cast %add3A_440 : i32 to index
        %get3A_442 = tpu.vector_load %arg7[%get3A_441] {strides = array<i32>} : memref<4352xi32, #tpu.memory_space<vmem>>, vector<16xi32>,
        %swap3A_443 = arith.constant 32 : index
        %swap3A_444 = tpu.vector_load %arg11[%swap3A_443] {strides = array<i32>} : memref<128xi32, #tpu.memory_space<vmem>>, vector<16xi32>,
        tpu.vector_store %arg11[%swap3A_443], %get3A_442 {strides = array<i32>} : memref<128xi32, #tpu.memory_space<vmem>>, vector<16xi32>,
        %mul3A_445 = arith.constant 128 : i32
        %mul3A_446 = arith.muli %add3A_420, %mul3A_445 : i32
        %add3A_447 = arith.constant 48 : i32
        %add3A_448 = arith.addi %mul3A_446, %add3A_447 : i32
        %get3A_449 = arith.index_cast %add3A_448 : i32 to index
        %get3A_450 = tpu.vector_load %arg7[%get3A_449] {strides = array<i32>} : memref<4352xi32, #tpu.memory_space<vmem>>, vector<16xi32>,
        %swap3A_451 = arith.constant 48 : index
        %swap3A_452 = tpu.vector_load %arg11[%swap3A_451] {strides = array<i32>} : memref<128xi32, #tpu.memory_space<vmem>>, vector<16xi32>,
        tpu.vector_store %arg11[%swap3A_451], %get3A_450 {strides = array<i32>} : memref<128xi32, #tpu.memory_space<vmem>>, vector<16xi32>,
        %mul3A_453 = arith.constant 128 : i32
        %mul3A_454 = arith.muli %add3A_420, %mul3A_453 : i32
        %add3A_455 = arith.constant 64 : i32
        %add3A_456 = arith.addi %mul3A_454, %add3A_455 : i32
        %get3A_457 = arith.index_cast %add3A_456 : i32 to index
        %get3A_458 = tpu.vector_load %arg7[%get3A_457] {strides = array<i32>} : memref<4352xi32, #tpu.memory_space<vmem>>, vector<16xi32>,
        %swap3A_459 = arith.constant 64 : index
        %swap3A_460 = tpu.vector_load %arg11[%swap3A_459] {strides = array<i32>} : memref<128xi32, #tpu.memory_space<vmem>>, vector<16xi32>,
        tpu.vector_store %arg11[%swap3A_459], %get3A_458 {strides = array<i32>} : memref<128xi32, #tpu.memory_space<vmem>>, vector<16xi32>,
        %mul3A_461 = arith.constant 128 : i32
        %mul3A_462 = arith.muli %add3A_420, %mul3A_461 : i32
        %add3A_463 = arith.constant 80 : i32
        %add3A_464 = arith.addi %mul3A_462, %add3A_463 : i32
        %get3A_465 = arith.index_cast %add3A_464 : i32 to index
        %get3A_466 = tpu.vector_load %arg7[%get3A_465] {strides = array<i32>} : memref<4352xi32, #tpu.memory_space<vmem>>, vector<16xi32>,
        %swap3A_467 = arith.constant 80 : index
        %swap3A_468 = tpu.vector_load %arg11[%swap3A_467] {strides = array<i32>} : memref<128xi32, #tpu.memory_space<vmem>>, vector<16xi32>,
        tpu.vector_store %arg11[%swap3A_467], %get3A_466 {strides = array<i32>} : memref<128xi32, #tpu.memory_space<vmem>>, vector<16xi32>,
        %mul3A_469 = arith.constant 128 : i32
        %mul3A_470 = arith.muli %add3A_420, %mul3A_469 : i32
        %add3A_471 = arith.constant 96 : i32
        %add3A_472 = arith.addi %mul3A_470, %add3A_471 : i32
        %get3A_473 = arith.index_cast %add3A_472 : i32 to index
        %get3A_474 = tpu.vector_load %arg7[%get3A_473] {strides = array<i32>} : memref<4352xi32, #tpu.memory_space<vmem>>, vector<16xi32>,
        %swap3A_475 = arith.constant 96 : index
        %swap3A_476 = tpu.vector_load %arg11[%swap3A_475] {strides = array<i32>} : memref<128xi32, #tpu.memory_space<vmem>>, vector<16xi32>,
        tpu.vector_store %arg11[%swap3A_475], %get3A_474 {strides = array<i32>} : memref<128xi32, #tpu.memory_space<vmem>>, vector<16xi32>,
        %mul3A_477 = arith.constant 128 : i32
        %mul3A_478 = arith.muli %add3A_420, %mul3A_477 : i32
        %add3A_479 = arith.constant 112 : i32
        %add3A_480 = arith.addi %mul3A_478, %add3A_479 : i32
        %get3A_481 = arith.index_cast %add3A_480 : i32 to index
        %get3A_482 = tpu.vector_load %arg7[%get3A_481] {strides = array<i32>} : memref<4352xi32, #tpu.memory_space<vmem>>, vector<16xi32>,
        %swap3A_483 = arith.constant 112 : index
        %swap3A_484 = tpu.vector_load %arg11[%swap3A_483] {strides = array<i32>} : memref<128xi32, #tpu.memory_space<vmem>>, vector<16xi32>,
        tpu.vector_store %arg11[%swap3A_483], %get3A_482 {strides = array<i32>} : memref<128xi32, #tpu.memory_space<vmem>>, vector<16xi32>,
        %mul3A_485 = arith.constant 128 : i32
        %mul3A_486 = arith.muli %add3A_420, %mul3A_485 : i32
        %dma_wait3A_487 = arith.constant 1 : i32
        %dma_wait3A_488 = arith.constant 0 : i32
        %dma_wait3A_489 = arith.constant 0 : i32
        %dma_wait3A_490 = tpu.memref_slice %arg10[%dma_wait3A_487, %dma_wait3A_488, %dma_wait3A_489] : memref<2x128x128xf32, #tpu.memory_space<vmem>> -> memref<1x128x128xf32, #tpu.memory_space<vmem>>
        %dma_wait3A_491 = tpu.memref_squeeze %dma_wait3A_490 : memref<1x128x128xf32, #tpu.memory_space<vmem>> -> memref<128x128xf32, #tpu.memory_space<vmem>>
        %dma_wait3A_492 = tpu.memref_slice %arg6[%mul3A_486] : memref<4352xi32, #tpu.memory_space<vmem>> -> memref<128xi32, #tpu.memory_space<vmem>>
        %dma_wait3A_493 = arith.constant 0 : i32
        %dma_wait3A_494 = arith.constant 0 : i32
        %dma_wait3A_495 = tpu.memref_slice %arg2[%dma_wait3A_493, %dma_wait3A_494] : memref<10000x128xf32, #tpu.memory_space<hbm>> -> memref<10000x128xf32, #tpu.memory_space<hbm>>
        tpu.wait_indirect_dma semaphore(%arg14 : memref<!tpu.dma_semaphore, #tpu.memory_space<semaphore_mem>>) src(%dma_wait3A_495 : memref<10000x128xf32, #tpu.memory_space<hbm>>) dst(%dma_wait3A_491 : memref<128x128xf32, #tpu.memory_space<vmem>>)
        %add3A_496 = arith.constant 1 : i32
        %add3A_497 = arith.addi %add3A_420, %add3A_496 : i32
        %lt3A_498 = arith.cmpi slt, %add3A_497, %select_n3A : i32
        %convert_element_type3A_499 = arith.extui %lt3A_498 : i1 to i32
        %cond3A_500 = arith.constant 0 : i32
        %cond3A_501 = arith.cmpi ne, %convert_element_type3A_499, %cond3A_500 : i32
        scf.if %cond3A_501 {
          %add3A_503 = arith.constant 1 : i32
          %add3A_504 = arith.addi %add3A_420, %add3A_503 : i32
          %mul3A_505 = arith.constant 128 : i32
          %mul3A_506 = arith.muli %add3A_504, %mul3A_505 : i32
          %dma_start3A = arith.constant 0 : i32
          %dma_start3A_507 = arith.constant 0 : i32
          %dma_start3A_508 = arith.constant 0 : i32
          %dma_start3A_509 = tpu.memref_slice %arg10[%dma_start3A, %dma_start3A_507, %dma_start3A_508] : memref<2x128x128xf32, #tpu.memory_space<vmem>> -> memref<1x128x128xf32, #tpu.memory_space<vmem>>
          %dma_start3A_510 = tpu.memref_squeeze %dma_start3A_509 : memref<1x128x128xf32, #tpu.memory_space<vmem>> -> memref<128x128xf32, #tpu.memory_space<vmem>>
          %dma_start3A_511 = tpu.memref_slice %arg6[%mul3A_506] : memref<4352xi32, #tpu.memory_space<vmem>> -> memref<128xi32, #tpu.memory_space<vmem>>
          %dma_start3A_512 = arith.constant 0 : i32
          %dma_start3A_513 = arith.constant 0 : i32
          %dma_start3A_514 = tpu.memref_slice %arg2[%dma_start3A_512, %dma_start3A_513] : memref<10000x128xf32, #tpu.memory_space<hbm>> -> memref<10000x128xf32, #tpu.memory_space<hbm>>
          tpu.enqueue_indirect_dma source(%dma_start3A_514 : memref<10000x128xf32, #tpu.memory_space<hbm>>) target(%dma_start3A_510 : memref<128x128xf32, #tpu.memory_space<vmem>>) offsets(%dma_start3A_511 : memref<128xi32, #tpu.memory_space<vmem>>) semaphore(%arg13 : memref<!tpu.dma_semaphore, #tpu.memory_space<semaphore_mem>>)
        } else {
        }
        %run_scoped3A_502 = arith.constant 1 : i32
        "tpu.region"() ({
          %run_scoped3A_503 = tpu.sem_alloc : memref<!tpu.dma_semaphore, #tpu.memory_space<semaphore_mem>>
          %dma_start3A = arith.constant 0 : i32
          %dma_start3A_504 = arith.constant 0 : i32
          %dma_start3A_505 = tpu.memref_slice %arg10[%run_scoped3A_502, %dma_start3A, %dma_start3A_504] : memref<2x128x128xf32, #tpu.memory_space<vmem>> -> memref<1x128x128xf32, #tpu.memory_space<vmem>>
          %dma_start3A_506 = tpu.memref_squeeze %dma_start3A_505 : memref<1x128x128xf32, #tpu.memory_space<vmem>> -> memref<128x128xf32, #tpu.memory_space<vmem>>
          %dma_start3A_507 = arith.constant 0 : i32
          %dma_start3A_508 = arith.constant 0 : i32
          %dma_start3A_509 = tpu.memref_slice %arg15[%dma_start3A_507, %dma_start3A_508] : memref<5128x128xf32, #tpu.memory_space<vmem_shared>> -> memref<5128x128xf32, #tpu.memory_space<vmem_shared>>
          tpu.enqueue_indirect_dma source(%dma_start3A_506 : memref<128x128xf32, #tpu.memory_space<vmem>>) target(%dma_start3A_509 : memref<5128x128xf32, #tpu.memory_space<vmem_shared>>) offsets(%arg11 : memref<128xi32, #tpu.memory_space<vmem>>) semaphore(%run_scoped3A_503 : memref<!tpu.dma_semaphore, #tpu.memory_space<semaphore_mem>>) {add = true}
          %dma_wait3A_510 = arith.constant 0 : i32
          %dma_wait3A_511 = arith.constant 0 : i32
          %dma_wait3A_512 = tpu.memref_slice %arg10[%run_scoped3A_502, %dma_wait3A_510, %dma_wait3A_511] : memref<2x128x128xf32, #tpu.memory_space<vmem>> -> memref<1x128x128xf32, #tpu.memory_space<vmem>>
          %dma_wait3A_513 = tpu.memref_squeeze %dma_wait3A_512 : memref<1x128x128xf32, #tpu.memory_space<vmem>> -> memref<128x128xf32, #tpu.memory_space<vmem>>
          %dma_wait3A_514 = arith.constant 0 : i32
          %dma_wait3A_515 = arith.constant 0 : i32
          %dma_wait3A_516 = tpu.memref_slice %arg15[%dma_wait3A_514, %dma_wait3A_515] : memref<5128x128xf32, #tpu.memory_space<vmem_shared>> -> memref<5128x128xf32, #tpu.memory_space<vmem_shared>>
          tpu.wait_indirect_dma semaphore(%run_scoped3A_503 : memref<!tpu.dma_semaphore, #tpu.memory_space<semaphore_mem>>) src(%dma_wait3A_513 : memref<128x128xf32, #tpu.memory_space<vmem>>) dst(%dma_wait3A_516 : memref<5128x128xf32, #tpu.memory_space<vmem_shared>>)
          tpu.yield
        }) : () -> ()
      } else {
      }
    }
    %add3A_66 = arith.constant 4000 : i32
    %add3A_67 = arith.addi %mul3A_0, %add3A_66 : i32
    "tpu.region"() ({
      %run_scoped3A = tpu.sem_alloc : memref<!tpu.dma_semaphore, #tpu.memory_space<semaphore_mem>>
      %dma_start3A = tpu.memref_slice %arg3[%add3A_67] : memref<320000xi32, #tpu.memory_space<hbm>> -> memref<4000xi32, #tpu.memory_space<hbm>>
      %dma_start3A_333 = tpu.memref_slice %arg3[%add3A_67] : memref<320000xi32, #tpu.memory_space<hbm>> -> memref<4000xi32, #tpu.memory_space<hbm>>
      tpu.enqueue_dma source(%dma_start3A_333 : memref<4000xi32, #tpu.memory_space<hbm>>) target(%arg8 : memref<4000xi32, #tpu.memory_space<vmem>>) target_semaphore(%run_scoped3A : memref<!tpu.dma_semaphore, #tpu.memory_space<semaphore_mem>>)
      %dma_wait3A = tpu.memref_slice %arg3[%add3A_67] : memref<320000xi32, #tpu.memory_space<hbm>> -> memref<4000xi32, #tpu.memory_space<hbm>>
      %dma_wait3A_334 = tpu.memref_slice %arg3[%add3A_67] : memref<320000xi32, #tpu.memory_space<hbm>> -> memref<4000xi32, #tpu.memory_space<hbm>>
      tpu.wait_dma2 semaphore(%run_scoped3A : memref<!tpu.dma_semaphore, #tpu.memory_space<semaphore_mem>>) src(%dma_wait3A_334 : memref<4000xi32, #tpu.memory_space<hbm>>) dst(%arg8 : memref<4000xi32, #tpu.memory_space<vmem>>)
      tpu.yield
    }) : () -> ()
    "tpu.region"() ({
      %run_scoped3A = tpu.sem_alloc : memref<!tpu.dma_semaphore, #tpu.memory_space<semaphore_mem>>
      %dma_start3A = tpu.memref_slice %arg4[%add3A_67] : memref<320000xi32, #tpu.memory_space<hbm>> -> memref<4000xi32, #tpu.memory_space<hbm>>
      %dma_start3A_333 = tpu.memref_slice %arg4[%add3A_67] : memref<320000xi32, #tpu.memory_space<hbm>> -> memref<4000xi32, #tpu.memory_space<hbm>>
      tpu.enqueue_dma source(%dma_start3A_333 : memref<4000xi32, #tpu.memory_space<hbm>>) target(%arg9 : memref<4000xi32, #tpu.memory_space<vmem>>) target_semaphore(%run_scoped3A : memref<!tpu.dma_semaphore, #tpu.memory_space<semaphore_mem>>)
      %dma_wait3A = tpu.memref_slice %arg4[%add3A_67] : memref<320000xi32, #tpu.memory_space<hbm>> -> memref<4000xi32, #tpu.memory_space<hbm>>
      %dma_wait3A_334 = tpu.memref_slice %arg4[%add3A_67] : memref<320000xi32, #tpu.memory_space<hbm>> -> memref<4000xi32, #tpu.memory_space<hbm>>
      tpu.wait_dma2 semaphore(%run_scoped3A : memref<!tpu.dma_semaphore, #tpu.memory_space<semaphore_mem>>) src(%dma_wait3A_334 : memref<4000xi32, #tpu.memory_space<hbm>>) dst(%arg9 : memref<4000xi32, #tpu.memory_space<vmem>>)
      tpu.yield
    }) : () -> ()
    %scan3A_68 = arith.constant 0 : i32
    %scan3A_69 = arith.constant 0 : i32
    %scan3A_70 = arith.constant 250 : i32
    %scan3A_71 = arith.addi %scan3A_69, %scan3A_70 : i32
    %scan3A_72 = arith.constant 1 : i32
    %scan3A_73 = scf.for %scan3A_333 = %scan3A_69 to %scan3A_71 step %scan3A_72 iter_args(%scan3A_334 = %scan3A_68) -> (i32)  : i32 {
      %mul3A_335 = arith.constant 16 : i32
      %mul3A_336 = arith.muli %scan3A_333, %mul3A_335 : i32
      %add3A_337 = arith.constant 0 : i32
      %add3A_338 = arith.addi %add3A_337, %mul3A_336 : i32
      %get3A = arith.index_cast %add3A_338 : i32 to index
      %get3A_339 = tpu.vector_load %arg8[%get3A] {strides = array<i32>} : memref<4000xi32, #tpu.memory_space<vmem>>, vector<16xi32>,
      %get3A_340 = arith.index_cast %add3A_338 : i32 to index
      %get3A_341 = tpu.vector_load %arg9[%get3A_340] {strides = array<i32>} : memref<4000xi32, #tpu.memory_space<vmem>>, vector<16xi32>,
      %sub3A_342 = vector.broadcast %mul3A_4 : i32 to vector<16xi32>
      %sub3A_343 = arith.subi %get3A_341, %sub3A_342 : vector<16xi32>
      %ge3A = arith.constant 0 : i32
      %ge3A_344 = vector.broadcast %ge3A : i32 to vector<16xi32>
      %ge3A_345 = arith.cmpi sge, %sub3A_343, %ge3A_344 : vector<16xi32>
      %lt3A = arith.constant 5120 : i32
      %lt3A_346 = vector.broadcast %lt3A : i32 to vector<16xi32>
      %lt3A_347 = arith.cmpi slt, %sub3A_343, %lt3A_346 : vector<16xi32>
      %and3A_348 = arith.andi %ge3A_345, %lt3A_347 : vector<16xi1>
      %jit3A_349 = arith.constant 1 : i32
      %jit3A_350 = arith.constant 0 : i32
      %broadcast_in_dim3A = vector.broadcast %jit3A_349 : i32 to vector<16xi32>
      %broadcast_in_dim3A_351 = vector.broadcast %jit3A_350 : i32 to vector<16xi32>
      %select_n3A_352 = arith.select %and3A_348, %broadcast_in_dim3A, %broadcast_in_dim3A_351 : vector<16xi1>, vector<16xi32>
      %broadcast_in_dim3A_353 = arith.constant true
      %broadcast_in_dim3A_354 = vector.broadcast %broadcast_in_dim3A_353 : i1 to vector<16xi1>
      %masked_cumsum3A = tpu.scan <sum>, %select_n3A_352 masked %broadcast_in_dim3A_354 : vector<16xi32>, vector<16xi1> -> vector<16xi32>
      %add3A_355 = vector.broadcast %scan3A_334 : i32 to vector<16xi32>
      %add3A_356 = arith.addi %add3A_355, %masked_cumsum3A : vector<16xi32>
      %sub3A_357 = arith.constant 1 : i32
      %sub3A_358 = vector.broadcast %sub3A_357 : i32 to vector<16xi32>
      %sub3A_359 = arith.subi %add3A_356, %sub3A_358 : vector<16xi32>
      tpu.vector_store_idx %arg6[%sub3A_359], %get3A_339 masked %and3A_348 : memref<4352xi32, #tpu.memory_space<vmem>>[vector<16xi32>], vector<16xi32>, vector<16xi1>
      tpu.vector_store_idx %arg7[%sub3A_359], %sub3A_343 masked %and3A_348 : memref<4352xi32, #tpu.memory_space<vmem>>[vector<16xi32>], vector<16xi32>, vector<16xi1>
      %reduce_max3A = arith.constant true
      %reduce_max3A_360 = vector.broadcast %reduce_max3A : i1 to vector<16xi1>
      %reduce_max3A_361 = arith.constant -2147483648 : i32
      %reduce_max3A_362 = vector.broadcast %reduce_max3A_361 : i32 to vector<16xi32>
      %reduce_max3A_363 = arith.xori %masked_cumsum3A, %reduce_max3A_362 : vector<16xi32>
      %reduce_max3A_364 = tpu.scan <max>, %reduce_max3A_363 masked %reduce_max3A_360 : vector<16xi32>, vector<16xi1> -> vector<16xi32>
      %reduce_max3A_365 = arith.xori %reduce_max3A_364, %reduce_max3A_362 : vector<16xi32>
      %reduce_max3A_366 = vector.extract %reduce_max3A_365[15] : i32 from vector<16xi32>
      %add3A_367 = arith.addi %scan3A_334, %reduce_max3A_366 : i32
      scf.yield %add3A_367 : i32
    }
    %scan3A_74 = arith.constant 250 : i32
    %scan3A_75 = arith.constant 0 : i32
    %scan3A_76 = arith.constant 16 : i32
    %scan3A_77 = arith.addi %scan3A_75, %scan3A_76 : i32
    %scan3A_78 = arith.constant 1 : i32
    scf.for %scan3A_333 = %scan3A_75 to %scan3A_77 step %scan3A_78  : i32 {
      %mul3A_334 = arith.constant 16 : i32
      %mul3A_335 = arith.muli %scan3A_333, %mul3A_334 : i32
      %add3A_336 = arith.constant 0 : i32
      %add3A_337 = arith.addi %add3A_336, %mul3A_335 : i32
      %add3A_338 = arith.addi %scan3A_73, %add3A_337 : i32
      %iota3A = tpu.iota {dimensions = array<i32: 0>} : vector<16xi32>
      %add3A_339 = vector.broadcast %add3A_338 : i32 to vector<16xi32>
      %add3A_340 = arith.addi %add3A_339, %iota3A : vector<16xi32>
      %broadcast_in_dim3A = arith.constant 0 : i32
      %broadcast_in_dim3A_341 = vector.broadcast %broadcast_in_dim3A : i32 to vector<16xi32>
      tpu.vector_store_idx %arg6[%add3A_340], %broadcast_in_dim3A_341 : memref<4352xi32, #tpu.memory_space<vmem>>[vector<16xi32>], vector<16xi32>,
      %broadcast_in_dim3A_342 = arith.constant 5120 : i32
      %broadcast_in_dim3A_343 = vector.broadcast %broadcast_in_dim3A_342 : i32 to vector<16xi32>
      tpu.vector_store_idx %arg7[%add3A_340], %broadcast_in_dim3A_343 : memref<4352xi32, #tpu.memory_space<vmem>>[vector<16xi32>], vector<16xi32>,
    }
    %scan3A_79 = arith.constant 16 : i32
    %add3A_80 = arith.constant 127 : i32
    %add3A_81 = arith.addi %scan3A_73, %add3A_80 : i32
    %jit3A_82 = arith.constant 128 : i32
    %div3A_83 = arith.divsi %add3A_81, %jit3A_82 : i32
    %sign3A_84 = arith.constant 0 : i32
    %sign3A_85 = arith.cmpi sgt, %add3A_81, %sign3A_84 : i32
    %sign3A_86 = arith.extui %sign3A_85 : i1 to i32
    %sign3A_87 = arith.constant 0 : i32
    %sign3A_88 = arith.cmpi slt, %add3A_81, %sign3A_87 : i32
    %sign3A_89 = arith.extui %sign3A_88 : i1 to i32
    %sign3A_90 = arith.subi %sign3A_86, %sign3A_89 : i32
    %sign3A_91 = arith.constant 0 : i32
    %sign3A_92 = arith.cmpi sgt, %jit3A_82, %sign3A_91 : i32
    %sign3A_93 = arith.extui %sign3A_92 : i1 to i32
    %sign3A_94 = arith.constant 0 : i32
    %sign3A_95 = arith.cmpi slt, %jit3A_82, %sign3A_94 : i32
    %sign3A_96 = arith.extui %sign3A_95 : i1 to i32
    %sign3A_97 = arith.subi %sign3A_93, %sign3A_96 : i32
    %ne3A_98 = arith.cmpi ne, %sign3A_90, %sign3A_97 : i32
    %rem3A_99 = arith.remsi %add3A_81, %jit3A_82 : i32
    %ne3A_100 = arith.constant 0 : i32
    %ne3A_101 = arith.cmpi ne, %rem3A_99, %ne3A_100 : i32
    %and3A_102 = arith.andi %ne3A_98, %ne3A_101 : i1
    %sub3A_103 = arith.constant 1 : i32
    %sub3A_104 = arith.subi %div3A_83, %sub3A_103 : i32
    %select_n3A_105 = arith.select %and3A_102, %sub3A_104, %div3A_83 : i32
    %gt3A_106 = arith.constant 0 : i32
    %gt3A_107 = arith.cmpi sgt, %select_n3A_105, %gt3A_106 : i32
    %convert_element_type3A_108 = arith.extui %gt3A_107 : i1 to i32
    %cond3A_109 = arith.constant 0 : i32
    %cond3A_110 = arith.cmpi ne, %convert_element_type3A_108, %cond3A_109 : i32
    scf.if %cond3A_110 {
      %dma_start3A = arith.constant 0 : i32
      %dma_start3A_333 = arith.constant 0 : i32
      %dma_start3A_334 = arith.constant 0 : i32
      %dma_start3A_335 = tpu.memref_slice %arg10[%dma_start3A, %dma_start3A_333, %dma_start3A_334] : memref<2x128x128xf32, #tpu.memory_space<vmem>> -> memref<1x128x128xf32, #tpu.memory_space<vmem>>
      %dma_start3A_336 = tpu.memref_squeeze %dma_start3A_335 : memref<1x128x128xf32, #tpu.memory_space<vmem>> -> memref<128x128xf32, #tpu.memory_space<vmem>>
      %dma_start3A_337 = arith.constant 0 : i32
      %dma_start3A_338 = tpu.memref_slice %arg6[%dma_start3A_337] : memref<4352xi32, #tpu.memory_space<vmem>> -> memref<128xi32, #tpu.memory_space<vmem>>
      %dma_start3A_339 = arith.constant 0 : i32
      %dma_start3A_340 = arith.constant 0 : i32
      %dma_start3A_341 = tpu.memref_slice %arg2[%dma_start3A_339, %dma_start3A_340] : memref<10000x128xf32, #tpu.memory_space<hbm>> -> memref<10000x128xf32, #tpu.memory_space<hbm>>
      tpu.enqueue_indirect_dma source(%dma_start3A_341 : memref<10000x128xf32, #tpu.memory_space<hbm>>) target(%dma_start3A_336 : memref<128x128xf32, #tpu.memory_space<vmem>>) offsets(%dma_start3A_338 : memref<128xi32, #tpu.memory_space<vmem>>) semaphore(%arg13 : memref<!tpu.dma_semaphore, #tpu.memory_space<semaphore_mem>>)
    } else {
    }
    %sub3A_111 = arith.constant 0 : i32
    %sub3A_112 = arith.subi %select_n3A_105, %sub3A_111 : i32
    %sub3A_113 = arith.constant 2 : i32
    %sub3A_114 = arith.constant 1 : i32
    %sub3A_115 = arith.subi %sub3A_113, %sub3A_114 : i32
    %add3A_116 = arith.addi %sub3A_112, %sub3A_115 : i32
    %div3A_117 = arith.constant 2 : i32
    %div3A_118 = arith.divsi %add3A_116, %div3A_117 : i32
    %while3A_119 = arith.constant 2 : i32
    %while3A_120 = arith.constant 0 : i32
    %while3A_121 = arith.constant 0 : i32
    %while3A_122 = arith.subi %div3A_118, %while3A_121 : i32
    %while3A_123 = arith.addi %while3A_121, %while3A_122 : i32
    %while3A_124 = arith.constant 1 : i32
    %while3A_125 = arith.divsi %while3A_122, %while3A_124 : i32
    %while3A_126 = arith.muli %while3A_125, %while3A_124 : i32
    %while3A_127 = arith.addi %while3A_121, %while3A_126 : i32
    %while3A_128 = arith.constant 1 : i32
    scf.for %while3A_333 = %while3A_121 to %while3A_127 step %while3A_128  : i32 {
      %mul3A_334 = arith.muli %while3A_333, %while3A_119 : i32
      %add3A_335 = arith.addi %while3A_120, %mul3A_334 : i32
      %mul3A_336 = arith.constant 128 : i32
      %mul3A_337 = arith.muli %add3A_335, %mul3A_336 : i32
      %add3A_338 = arith.constant 0 : i32
      %add3A_339 = arith.addi %mul3A_337, %add3A_338 : i32
      %get3A = arith.index_cast %add3A_339 : i32 to index
      %get3A_340 = tpu.vector_load %arg7[%get3A] {strides = array<i32>} : memref<4352xi32, #tpu.memory_space<vmem>>, vector<16xi32>,
      %swap3A = arith.constant 0 : index
      %swap3A_341 = tpu.vector_load %arg11[%swap3A] {strides = array<i32>} : memref<128xi32, #tpu.memory_space<vmem>>, vector<16xi32>,
      tpu.vector_store %arg11[%swap3A], %get3A_340 {strides = array<i32>} : memref<128xi32, #tpu.memory_space<vmem>>, vector<16xi32>,
      %mul3A_342 = arith.constant 128 : i32
      %mul3A_343 = arith.muli %add3A_335, %mul3A_342 : i32
      %add3A_344 = arith.constant 16 : i32
      %add3A_345 = arith.addi %mul3A_343, %add3A_344 : i32
      %get3A_346 = arith.index_cast %add3A_345 : i32 to index
      %get3A_347 = tpu.vector_load %arg7[%get3A_346] {strides = array<i32>} : memref<4352xi32, #tpu.memory_space<vmem>>, vector<16xi32>,
      %swap3A_348 = arith.constant 16 : index
      %swap3A_349 = tpu.vector_load %arg11[%swap3A_348] {strides = array<i32>} : memref<128xi32, #tpu.memory_space<vmem>>, vector<16xi32>,
      tpu.vector_store %arg11[%swap3A_348], %get3A_347 {strides = array<i32>} : memref<128xi32, #tpu.memory_space<vmem>>, vector<16xi32>,
      %mul3A_350 = arith.constant 128 : i32
      %mul3A_351 = arith.muli %add3A_335, %mul3A_350 : i32
      %add3A_352 = arith.constant 32 : i32
      %add3A_353 = arith.addi %mul3A_351, %add3A_352 : i32
      %get3A_354 = arith.index_cast %add3A_353 : i32 to index
      %get3A_355 = tpu.vector_load %arg7[%get3A_354] {strides = array<i32>} : memref<4352xi32, #tpu.memory_space<vmem>>, vector<16xi32>,
      %swap3A_356 = arith.constant 32 : index
      %swap3A_357 = tpu.vector_load %arg11[%swap3A_356] {strides = array<i32>} : memref<128xi32, #tpu.memory_space<vmem>>, vector<16xi32>,
      tpu.vector_store %arg11[%swap3A_356], %get3A_355 {strides = array<i32>} : memref<128xi32, #tpu.memory_space<vmem>>, vector<16xi32>,
      %mul3A_358 = arith.constant 128 : i32
      %mul3A_359 = arith.muli %add3A_335, %mul3A_358 : i32
      %add3A_360 = arith.constant 48 : i32
      %add3A_361 = arith.addi %mul3A_359, %add3A_360 : i32
      %get3A_362 = arith.index_cast %add3A_361 : i32 to index
      %get3A_363 = tpu.vector_load %arg7[%get3A_362] {strides = array<i32>} : memref<4352xi32, #tpu.memory_space<vmem>>, vector<16xi32>,
      %swap3A_364 = arith.constant 48 : index
      %swap3A_365 = tpu.vector_load %arg11[%swap3A_364] {strides = array<i32>} : memref<128xi32, #tpu.memory_space<vmem>>, vector<16xi32>,
      tpu.vector_store %arg11[%swap3A_364], %get3A_363 {strides = array<i32>} : memref<128xi32, #tpu.memory_space<vmem>>, vector<16xi32>,
      %mul3A_366 = arith.constant 128 : i32
      %mul3A_367 = arith.muli %add3A_335, %mul3A_366 : i32
      %add3A_368 = arith.constant 64 : i32
      %add3A_369 = arith.addi %mul3A_367, %add3A_368 : i32
      %get3A_370 = arith.index_cast %add3A_369 : i32 to index
      %get3A_371 = tpu.vector_load %arg7[%get3A_370] {strides = array<i32>} : memref<4352xi32, #tpu.memory_space<vmem>>, vector<16xi32>,
      %swap3A_372 = arith.constant 64 : index
      %swap3A_373 = tpu.vector_load %arg11[%swap3A_372] {strides = array<i32>} : memref<128xi32, #tpu.memory_space<vmem>>, vector<16xi32>,
      tpu.vector_store %arg11[%swap3A_372], %get3A_371 {strides = array<i32>} : memref<128xi32, #tpu.memory_space<vmem>>, vector<16xi32>,
      %mul3A_374 = arith.constant 128 : i32
      %mul3A_375 = arith.muli %add3A_335, %mul3A_374 : i32
      %add3A_376 = arith.constant 80 : i32
      %add3A_377 = arith.addi %mul3A_375, %add3A_376 : i32
      %get3A_378 = arith.index_cast %add3A_377 : i32 to index
      %get3A_379 = tpu.vector_load %arg7[%get3A_378] {strides = array<i32>} : memref<4352xi32, #tpu.memory_space<vmem>>, vector<16xi32>,
      %swap3A_380 = arith.constant 80 : index
      %swap3A_381 = tpu.vector_load %arg11[%swap3A_380] {strides = array<i32>} : memref<128xi32, #tpu.memory_space<vmem>>, vector<16xi32>,
      tpu.vector_store %arg11[%swap3A_380], %get3A_379 {strides = array<i32>} : memref<128xi32, #tpu.memory_space<vmem>>, vector<16xi32>,
      %mul3A_382 = arith.constant 128 : i32
      %mul3A_383 = arith.muli %add3A_335, %mul3A_382 : i32
      %add3A_384 = arith.constant 96 : i32
      %add3A_385 = arith.addi %mul3A_383, %add3A_384 : i32
      %get3A_386 = arith.index_cast %add3A_385 : i32 to index
      %get3A_387 = tpu.vector_load %arg7[%get3A_386] {strides = array<i32>} : memref<4352xi32, #tpu.memory_space<vmem>>, vector<16xi32>,
      %swap3A_388 = arith.constant 96 : index
      %swap3A_389 = tpu.vector_load %arg11[%swap3A_388] {strides = array<i32>} : memref<128xi32, #tpu.memory_space<vmem>>, vector<16xi32>,
      tpu.vector_store %arg11[%swap3A_388], %get3A_387 {strides = array<i32>} : memref<128xi32, #tpu.memory_space<vmem>>, vector<16xi32>,
      %mul3A_390 = arith.constant 128 : i32
      %mul3A_391 = arith.muli %add3A_335, %mul3A_390 : i32
      %add3A_392 = arith.constant 112 : i32
      %add3A_393 = arith.addi %mul3A_391, %add3A_392 : i32
      %get3A_394 = arith.index_cast %add3A_393 : i32 to index
      %get3A_395 = tpu.vector_load %arg7[%get3A_394] {strides = array<i32>} : memref<4352xi32, #tpu.memory_space<vmem>>, vector<16xi32>,
      %swap3A_396 = arith.constant 112 : index
      %swap3A_397 = tpu.vector_load %arg11[%swap3A_396] {strides = array<i32>} : memref<128xi32, #tpu.memory_space<vmem>>, vector<16xi32>,
      tpu.vector_store %arg11[%swap3A_396], %get3A_395 {strides = array<i32>} : memref<128xi32, #tpu.memory_space<vmem>>, vector<16xi32>,
      %mul3A_398 = arith.constant 128 : i32
      %mul3A_399 = arith.muli %add3A_335, %mul3A_398 : i32
      %dma_wait3A = arith.constant 0 : i32
      %dma_wait3A_400 = arith.constant 0 : i32
      %dma_wait3A_401 = arith.constant 0 : i32
      %dma_wait3A_402 = tpu.memref_slice %arg10[%dma_wait3A, %dma_wait3A_400, %dma_wait3A_401] : memref<2x128x128xf32, #tpu.memory_space<vmem>> -> memref<1x128x128xf32, #tpu.memory_space<vmem>>
      %dma_wait3A_403 = tpu.memref_squeeze %dma_wait3A_402 : memref<1x128x128xf32, #tpu.memory_space<vmem>> -> memref<128x128xf32, #tpu.memory_space<vmem>>
      %dma_wait3A_404 = tpu.memref_slice %arg6[%mul3A_399] : memref<4352xi32, #tpu.memory_space<vmem>> -> memref<128xi32, #tpu.memory_space<vmem>>
      %dma_wait3A_405 = arith.constant 0 : i32
      %dma_wait3A_406 = arith.constant 0 : i32
      %dma_wait3A_407 = tpu.memref_slice %arg2[%dma_wait3A_405, %dma_wait3A_406] : memref<10000x128xf32, #tpu.memory_space<hbm>> -> memref<10000x128xf32, #tpu.memory_space<hbm>>
      tpu.wait_indirect_dma semaphore(%arg13 : memref<!tpu.dma_semaphore, #tpu.memory_space<semaphore_mem>>) src(%dma_wait3A_407 : memref<10000x128xf32, #tpu.memory_space<hbm>>) dst(%dma_wait3A_403 : memref<128x128xf32, #tpu.memory_space<vmem>>)
      %add3A_408 = arith.constant 1 : i32
      %add3A_409 = arith.addi %add3A_335, %add3A_408 : i32
      %lt3A = arith.cmpi slt, %add3A_409, %select_n3A_105 : i32
      %convert_element_type3A_410 = arith.extui %lt3A : i1 to i32
      %cond3A_411 = arith.constant 0 : i32
      %cond3A_412 = arith.cmpi ne, %convert_element_type3A_410, %cond3A_411 : i32
      scf.if %cond3A_412 {
        %add3A_419 = arith.constant 1 : i32
        %add3A_420 = arith.addi %add3A_335, %add3A_419 : i32
        %mul3A_421 = arith.constant 128 : i32
        %mul3A_422 = arith.muli %add3A_420, %mul3A_421 : i32
        %dma_start3A = arith.constant 1 : i32
        %dma_start3A_423 = arith.constant 0 : i32
        %dma_start3A_424 = arith.constant 0 : i32
        %dma_start3A_425 = tpu.memref_slice %arg10[%dma_start3A, %dma_start3A_423, %dma_start3A_424] : memref<2x128x128xf32, #tpu.memory_space<vmem>> -> memref<1x128x128xf32, #tpu.memory_space<vmem>>
        %dma_start3A_426 = tpu.memref_squeeze %dma_start3A_425 : memref<1x128x128xf32, #tpu.memory_space<vmem>> -> memref<128x128xf32, #tpu.memory_space<vmem>>
        %dma_start3A_427 = tpu.memref_slice %arg6[%mul3A_422] : memref<4352xi32, #tpu.memory_space<vmem>> -> memref<128xi32, #tpu.memory_space<vmem>>
        %dma_start3A_428 = arith.constant 0 : i32
        %dma_start3A_429 = arith.constant 0 : i32
        %dma_start3A_430 = tpu.memref_slice %arg2[%dma_start3A_428, %dma_start3A_429] : memref<10000x128xf32, #tpu.memory_space<hbm>> -> memref<10000x128xf32, #tpu.memory_space<hbm>>
        tpu.enqueue_indirect_dma source(%dma_start3A_430 : memref<10000x128xf32, #tpu.memory_space<hbm>>) target(%dma_start3A_426 : memref<128x128xf32, #tpu.memory_space<vmem>>) offsets(%dma_start3A_427 : memref<128xi32, #tpu.memory_space<vmem>>) semaphore(%arg14 : memref<!tpu.dma_semaphore, #tpu.memory_space<semaphore_mem>>)
      } else {
      }
      %run_scoped3A = arith.constant 0 : i32
      "tpu.region"() ({
        %run_scoped3A_419 = tpu.sem_alloc : memref<!tpu.dma_semaphore, #tpu.memory_space<semaphore_mem>>
        %dma_start3A = arith.constant 0 : i32
        %dma_start3A_420 = arith.constant 0 : i32
        %dma_start3A_421 = tpu.memref_slice %arg10[%run_scoped3A, %dma_start3A, %dma_start3A_420] : memref<2x128x128xf32, #tpu.memory_space<vmem>> -> memref<1x128x128xf32, #tpu.memory_space<vmem>>
        %dma_start3A_422 = tpu.memref_squeeze %dma_start3A_421 : memref<1x128x128xf32, #tpu.memory_space<vmem>> -> memref<128x128xf32, #tpu.memory_space<vmem>>
        %dma_start3A_423 = arith.constant 0 : i32
        %dma_start3A_424 = arith.constant 0 : i32
        %dma_start3A_425 = tpu.memref_slice %arg15[%dma_start3A_423, %dma_start3A_424] : memref<5128x128xf32, #tpu.memory_space<vmem_shared>> -> memref<5128x128xf32, #tpu.memory_space<vmem_shared>>
        tpu.enqueue_indirect_dma source(%dma_start3A_422 : memref<128x128xf32, #tpu.memory_space<vmem>>) target(%dma_start3A_425 : memref<5128x128xf32, #tpu.memory_space<vmem_shared>>) offsets(%arg11 : memref<128xi32, #tpu.memory_space<vmem>>) semaphore(%run_scoped3A_419 : memref<!tpu.dma_semaphore, #tpu.memory_space<semaphore_mem>>) {add = true}
        %dma_wait3A_426 = arith.constant 0 : i32
        %dma_wait3A_427 = arith.constant 0 : i32
        %dma_wait3A_428 = tpu.memref_slice %arg10[%run_scoped3A, %dma_wait3A_426, %dma_wait3A_427] : memref<2x128x128xf32, #tpu.memory_space<vmem>> -> memref<1x128x128xf32, #tpu.memory_space<vmem>>
        %dma_wait3A_429 = tpu.memref_squeeze %dma_wait3A_428 : memref<1x128x128xf32, #tpu.memory_space<vmem>> -> memref<128x128xf32, #tpu.memory_space<vmem>>
        %dma_wait3A_430 = arith.constant 0 : i32
        %dma_wait3A_431 = arith.constant 0 : i32
        %dma_wait3A_432 = tpu.memref_slice %arg15[%dma_wait3A_430, %dma_wait3A_431] : memref<5128x128xf32, #tpu.memory_space<vmem_shared>> -> memref<5128x128xf32, #tpu.memory_space<vmem_shared>>
        tpu.wait_indirect_dma semaphore(%run_scoped3A_419 : memref<!tpu.dma_semaphore, #tpu.memory_space<semaphore_mem>>) src(%dma_wait3A_429 : memref<128x128xf32, #tpu.memory_space<vmem>>) dst(%dma_wait3A_432 : memref<5128x128xf32, #tpu.memory_space<vmem_shared>>)
        tpu.yield
      }) : () -> ()
      %add3A_413 = arith.constant 1 : i32
      %add3A_414 = arith.addi %add3A_335, %add3A_413 : i32
      %lt3A_415 = arith.cmpi slt, %add3A_414, %select_n3A_105 : i32
      %convert_element_type3A_416 = arith.extui %lt3A_415 : i1 to i32
      %cond3A_417 = arith.constant 0 : i32
      %cond3A_418 = arith.cmpi ne, %convert_element_type3A_416, %cond3A_417 : i32
      scf.if %cond3A_418 {
        %add3A_419 = arith.constant 1 : i32
        %add3A_420 = arith.addi %add3A_335, %add3A_419 : i32
        %mul3A_421 = arith.constant 128 : i32
        %mul3A_422 = arith.muli %add3A_420, %mul3A_421 : i32
        %add3A_423 = arith.constant 0 : i32
        %add3A_424 = arith.addi %mul3A_422, %add3A_423 : i32
        %get3A_425 = arith.index_cast %add3A_424 : i32 to index
        %get3A_426 = tpu.vector_load %arg7[%get3A_425] {strides = array<i32>} : memref<4352xi32, #tpu.memory_space<vmem>>, vector<16xi32>,
        %swap3A_427 = arith.constant 0 : index
        %swap3A_428 = tpu.vector_load %arg11[%swap3A_427] {strides = array<i32>} : memref<128xi32, #tpu.memory_space<vmem>>, vector<16xi32>,
        tpu.vector_store %arg11[%swap3A_427], %get3A_426 {strides = array<i32>} : memref<128xi32, #tpu.memory_space<vmem>>, vector<16xi32>,
        %mul3A_429 = arith.constant 128 : i32
        %mul3A_430 = arith.muli %add3A_420, %mul3A_429 : i32
        %add3A_431 = arith.constant 16 : i32
        %add3A_432 = arith.addi %mul3A_430, %add3A_431 : i32
        %get3A_433 = arith.index_cast %add3A_432 : i32 to index
        %get3A_434 = tpu.vector_load %arg7[%get3A_433] {strides = array<i32>} : memref<4352xi32, #tpu.memory_space<vmem>>, vector<16xi32>,
        %swap3A_435 = arith.constant 16 : index
        %swap3A_436 = tpu.vector_load %arg11[%swap3A_435] {strides = array<i32>} : memref<128xi32, #tpu.memory_space<vmem>>, vector<16xi32>,
        tpu.vector_store %arg11[%swap3A_435], %get3A_434 {strides = array<i32>} : memref<128xi32, #tpu.memory_space<vmem>>, vector<16xi32>,
        %mul3A_437 = arith.constant 128 : i32
        %mul3A_438 = arith.muli %add3A_420, %mul3A_437 : i32
        %add3A_439 = arith.constant 32 : i32
        %add3A_440 = arith.addi %mul3A_438, %add3A_439 : i32
        %get3A_441 = arith.index_cast %add3A_440 : i32 to index
        %get3A_442 = tpu.vector_load %arg7[%get3A_441] {strides = array<i32>} : memref<4352xi32, #tpu.memory_space<vmem>>, vector<16xi32>,
        %swap3A_443 = arith.constant 32 : index
        %swap3A_444 = tpu.vector_load %arg11[%swap3A_443] {strides = array<i32>} : memref<128xi32, #tpu.memory_space<vmem>>, vector<16xi32>,
        tpu.vector_store %arg11[%swap3A_443], %get3A_442 {strides = array<i32>} : memref<128xi32, #tpu.memory_space<vmem>>, vector<16xi32>,
        %mul3A_445 = arith.constant 128 : i32
        %mul3A_446 = arith.muli %add3A_420, %mul3A_445 : i32
        %add3A_447 = arith.constant 48 : i32
        %add3A_448 = arith.addi %mul3A_446, %add3A_447 : i32
        %get3A_449 = arith.index_cast %add3A_448 : i32 to index
        %get3A_450 = tpu.vector_load %arg7[%get3A_449] {strides = array<i32>} : memref<4352xi32, #tpu.memory_space<vmem>>, vector<16xi32>,
        %swap3A_451 = arith.constant 48 : index
        %swap3A_452 = tpu.vector_load %arg11[%swap3A_451] {strides = array<i32>} : memref<128xi32, #tpu.memory_space<vmem>>, vector<16xi32>,
        tpu.vector_store %arg11[%swap3A_451], %get3A_450 {strides = array<i32>} : memref<128xi32, #tpu.memory_space<vmem>>, vector<16xi32>,
        %mul3A_453 = arith.constant 128 : i32
        %mul3A_454 = arith.muli %add3A_420, %mul3A_453 : i32
        %add3A_455 = arith.constant 64 : i32
        %add3A_456 = arith.addi %mul3A_454, %add3A_455 : i32
        %get3A_457 = arith.index_cast %add3A_456 : i32 to index
        %get3A_458 = tpu.vector_load %arg7[%get3A_457] {strides = array<i32>} : memref<4352xi32, #tpu.memory_space<vmem>>, vector<16xi32>,
        %swap3A_459 = arith.constant 64 : index
        %swap3A_460 = tpu.vector_load %arg11[%swap3A_459] {strides = array<i32>} : memref<128xi32, #tpu.memory_space<vmem>>, vector<16xi32>,
        tpu.vector_store %arg11[%swap3A_459], %get3A_458 {strides = array<i32>} : memref<128xi32, #tpu.memory_space<vmem>>, vector<16xi32>,
        %mul3A_461 = arith.constant 128 : i32
        %mul3A_462 = arith.muli %add3A_420, %mul3A_461 : i32
        %add3A_463 = arith.constant 80 : i32
        %add3A_464 = arith.addi %mul3A_462, %add3A_463 : i32
        %get3A_465 = arith.index_cast %add3A_464 : i32 to index
        %get3A_466 = tpu.vector_load %arg7[%get3A_465] {strides = array<i32>} : memref<4352xi32, #tpu.memory_space<vmem>>, vector<16xi32>,
        %swap3A_467 = arith.constant 80 : index
        %swap3A_468 = tpu.vector_load %arg11[%swap3A_467] {strides = array<i32>} : memref<128xi32, #tpu.memory_space<vmem>>, vector<16xi32>,
        tpu.vector_store %arg11[%swap3A_467], %get3A_466 {strides = array<i32>} : memref<128xi32, #tpu.memory_space<vmem>>, vector<16xi32>,
        %mul3A_469 = arith.constant 128 : i32
        %mul3A_470 = arith.muli %add3A_420, %mul3A_469 : i32
        %add3A_471 = arith.constant 96 : i32
        %add3A_472 = arith.addi %mul3A_470, %add3A_471 : i32
        %get3A_473 = arith.index_cast %add3A_472 : i32 to index
        %get3A_474 = tpu.vector_load %arg7[%get3A_473] {strides = array<i32>} : memref<4352xi32, #tpu.memory_space<vmem>>, vector<16xi32>,
        %swap3A_475 = arith.constant 96 : index
        %swap3A_476 = tpu.vector_load %arg11[%swap3A_475] {strides = array<i32>} : memref<128xi32, #tpu.memory_space<vmem>>, vector<16xi32>,
        tpu.vector_store %arg11[%swap3A_475], %get3A_474 {strides = array<i32>} : memref<128xi32, #tpu.memory_space<vmem>>, vector<16xi32>,
        %mul3A_477 = arith.constant 128 : i32
        %mul3A_478 = arith.muli %add3A_420, %mul3A_477 : i32
        %add3A_479 = arith.constant 112 : i32
        %add3A_480 = arith.addi %mul3A_478, %add3A_479 : i32
        %get3A_481 = arith.index_cast %add3A_480 : i32 to index
        %get3A_482 = tpu.vector_load %arg7[%get3A_481] {strides = array<i32>} : memref<4352xi32, #tpu.memory_space<vmem>>, vector<16xi32>,
        %swap3A_483 = arith.constant 112 : index
        %swap3A_484 = tpu.vector_load %arg11[%swap3A_483] {strides = array<i32>} : memref<128xi32, #tpu.memory_space<vmem>>, vector<16xi32>,
        tpu.vector_store %arg11[%swap3A_483], %get3A_482 {strides = array<i32>} : memref<128xi32, #tpu.memory_space<vmem>>, vector<16xi32>,
        %mul3A_485 = arith.constant 128 : i32
        %mul3A_486 = arith.muli %add3A_420, %mul3A_485 : i32
        %dma_wait3A_487 = arith.constant 1 : i32
        %dma_wait3A_488 = arith.constant 0 : i32
        %dma_wait3A_489 = arith.constant 0 : i32
        %dma_wait3A_490 = tpu.memref_slice %arg10[%dma_wait3A_487, %dma_wait3A_488, %dma_wait3A_489] : memref<2x128x128xf32, #tpu.memory_space<vmem>> -> memref<1x128x128xf32, #tpu.memory_space<vmem>>
        %dma_wait3A_491 = tpu.memref_squeeze %dma_wait3A_490 : memref<1x128x128xf32, #tpu.memory_space<vmem>> -> memref<128x128xf32, #tpu.memory_space<vmem>>
        %dma_wait3A_492 = tpu.memref_slice %arg6[%mul3A_486] : memref<4352xi32, #tpu.memory_space<vmem>> -> memref<128xi32, #tpu.memory_space<vmem>>
        %dma_wait3A_493 = arith.constant 0 : i32
        %dma_wait3A_494 = arith.constant 0 : i32
        %dma_wait3A_495 = tpu.memref_slice %arg2[%dma_wait3A_493, %dma_wait3A_494] : memref<10000x128xf32, #tpu.memory_space<hbm>> -> memref<10000x128xf32, #tpu.memory_space<hbm>>
        tpu.wait_indirect_dma semaphore(%arg14 : memref<!tpu.dma_semaphore, #tpu.memory_space<semaphore_mem>>) src(%dma_wait3A_495 : memref<10000x128xf32, #tpu.memory_space<hbm>>) dst(%dma_wait3A_491 : memref<128x128xf32, #tpu.memory_space<vmem>>)
        %add3A_496 = arith.constant 1 : i32
        %add3A_497 = arith.addi %add3A_420, %add3A_496 : i32
        %lt3A_498 = arith.cmpi slt, %add3A_497, %select_n3A_105 : i32
        %convert_element_type3A_499 = arith.extui %lt3A_498 : i1 to i32
        %cond3A_500 = arith.constant 0 : i32
        %cond3A_501 = arith.cmpi ne, %convert_element_type3A_499, %cond3A_500 : i32
        scf.if %cond3A_501 {
          %add3A_503 = arith.constant 1 : i32
          %add3A_504 = arith.addi %add3A_420, %add3A_503 : i32
          %mul3A_505 = arith.constant 128 : i32
          %mul3A_506 = arith.muli %add3A_504, %mul3A_505 : i32
          %dma_start3A = arith.constant 0 : i32
          %dma_start3A_507 = arith.constant 0 : i32
          %dma_start3A_508 = arith.constant 0 : i32
          %dma_start3A_509 = tpu.memref_slice %arg10[%dma_start3A, %dma_start3A_507, %dma_start3A_508] : memref<2x128x128xf32, #tpu.memory_space<vmem>> -> memref<1x128x128xf32, #tpu.memory_space<vmem>>
          %dma_start3A_510 = tpu.memref_squeeze %dma_start3A_509 : memref<1x128x128xf32, #tpu.memory_space<vmem>> -> memref<128x128xf32, #tpu.memory_space<vmem>>
          %dma_start3A_511 = tpu.memref_slice %arg6[%mul3A_506] : memref<4352xi32, #tpu.memory_space<vmem>> -> memref<128xi32, #tpu.memory_space<vmem>>
          %dma_start3A_512 = arith.constant 0 : i32
          %dma_start3A_513 = arith.constant 0 : i32
          %dma_start3A_514 = tpu.memref_slice %arg2[%dma_start3A_512, %dma_start3A_513] : memref<10000x128xf32, #tpu.memory_space<hbm>> -> memref<10000x128xf32, #tpu.memory_space<hbm>>
          tpu.enqueue_indirect_dma source(%dma_start3A_514 : memref<10000x128xf32, #tpu.memory_space<hbm>>) target(%dma_start3A_510 : memref<128x128xf32, #tpu.memory_space<vmem>>) offsets(%dma_start3A_511 : memref<128xi32, #tpu.memory_space<vmem>>) semaphore(%arg13 : memref<!tpu.dma_semaphore, #tpu.memory_space<semaphore_mem>>)
        } else {
        }
        %run_scoped3A_502 = arith.constant 1 : i32
        "tpu.region"() ({
          %run_scoped3A_503 = tpu.sem_alloc : memref<!tpu.dma_semaphore, #tpu.memory_space<semaphore_mem>>
          %dma_start3A = arith.constant 0 : i32
          %dma_start3A_504 = arith.constant 0 : i32
          %dma_start3A_505 = tpu.memref_slice %arg10[%run_scoped3A_502, %dma_start3A, %dma_start3A_504] : memref<2x128x128xf32, #tpu.memory_space<vmem>> -> memref<1x128x128xf32, #tpu.memory_space<vmem>>
          %dma_start3A_506 = tpu.memref_squeeze %dma_start3A_505 : memref<1x128x128xf32, #tpu.memory_space<vmem>> -> memref<128x128xf32, #tpu.memory_space<vmem>>
          %dma_start3A_507 = arith.constant 0 : i32
          %dma_start3A_508 = arith.constant 0 : i32
          %dma_start3A_509 = tpu.memref_slice %arg15[%dma_start3A_507, %dma_start3A_508] : memref<5128x128xf32, #tpu.memory_space<vmem_shared>> -> memref<5128x128xf32, #tpu.memory_space<vmem_shared>>
          tpu.enqueue_indirect_dma source(%dma_start3A_506 : memref<128x128xf32, #tpu.memory_space<vmem>>) target(%dma_start3A_509 : memref<5128x128xf32, #tpu.memory_space<vmem_shared>>) offsets(%arg11 : memref<128xi32, #tpu.memory_space<vmem>>) semaphore(%run_scoped3A_503 : memref<!tpu.dma_semaphore, #tpu.memory_space<semaphore_mem>>) {add = true}
          %dma_wait3A_510 = arith.constant 0 : i32
          %dma_wait3A_511 = arith.constant 0 : i32
          %dma_wait3A_512 = tpu.memref_slice %arg10[%run_scoped3A_502, %dma_wait3A_510, %dma_wait3A_511] : memref<2x128x128xf32, #tpu.memory_space<vmem>> -> memref<1x128x128xf32, #tpu.memory_space<vmem>>
          %dma_wait3A_513 = tpu.memref_squeeze %dma_wait3A_512 : memref<1x128x128xf32, #tpu.memory_space<vmem>> -> memref<128x128xf32, #tpu.memory_space<vmem>>
          %dma_wait3A_514 = arith.constant 0 : i32
          %dma_wait3A_515 = arith.constant 0 : i32
          %dma_wait3A_516 = tpu.memref_slice %arg15[%dma_wait3A_514, %dma_wait3A_515] : memref<5128x128xf32, #tpu.memory_space<vmem_shared>> -> memref<5128x128xf32, #tpu.memory_space<vmem_shared>>
          tpu.wait_indirect_dma semaphore(%run_scoped3A_503 : memref<!tpu.dma_semaphore, #tpu.memory_space<semaphore_mem>>) src(%dma_wait3A_513 : memref<128x128xf32, #tpu.memory_space<vmem>>) dst(%dma_wait3A_516 : memref<5128x128xf32, #tpu.memory_space<vmem_shared>>)
          tpu.yield
        }) : () -> ()
      } else {
      }
    }
    %while3A_129 = arith.constant 1 : i32
    scf.for %while3A_333 = %while3A_127 to %while3A_123 step %while3A_129  : i32 {
      %mul3A_334 = arith.muli %while3A_333, %while3A_119 : i32
      %add3A_335 = arith.addi %while3A_120, %mul3A_334 : i32
      %mul3A_336 = arith.constant 128 : i32
      %mul3A_337 = arith.muli %add3A_335, %mul3A_336 : i32
      %add3A_338 = arith.constant 0 : i32
      %add3A_339 = arith.addi %mul3A_337, %add3A_338 : i32
      %get3A = arith.index_cast %add3A_339 : i32 to index
      %get3A_340 = tpu.vector_load %arg7[%get3A] {strides = array<i32>} : memref<4352xi32, #tpu.memory_space<vmem>>, vector<16xi32>,
      %swap3A = arith.constant 0 : index
      %swap3A_341 = tpu.vector_load %arg11[%swap3A] {strides = array<i32>} : memref<128xi32, #tpu.memory_space<vmem>>, vector<16xi32>,
      tpu.vector_store %arg11[%swap3A], %get3A_340 {strides = array<i32>} : memref<128xi32, #tpu.memory_space<vmem>>, vector<16xi32>,
      %mul3A_342 = arith.constant 128 : i32
      %mul3A_343 = arith.muli %add3A_335, %mul3A_342 : i32
      %add3A_344 = arith.constant 16 : i32
      %add3A_345 = arith.addi %mul3A_343, %add3A_344 : i32
      %get3A_346 = arith.index_cast %add3A_345 : i32 to index
      %get3A_347 = tpu.vector_load %arg7[%get3A_346] {strides = array<i32>} : memref<4352xi32, #tpu.memory_space<vmem>>, vector<16xi32>,
      %swap3A_348 = arith.constant 16 : index
      %swap3A_349 = tpu.vector_load %arg11[%swap3A_348] {strides = array<i32>} : memref<128xi32, #tpu.memory_space<vmem>>, vector<16xi32>,
      tpu.vector_store %arg11[%swap3A_348], %get3A_347 {strides = array<i32>} : memref<128xi32, #tpu.memory_space<vmem>>, vector<16xi32>,
      %mul3A_350 = arith.constant 128 : i32
      %mul3A_351 = arith.muli %add3A_335, %mul3A_350 : i32
      %add3A_352 = arith.constant 32 : i32
      %add3A_353 = arith.addi %mul3A_351, %add3A_352 : i32
      %get3A_354 = arith.index_cast %add3A_353 : i32 to index
      %get3A_355 = tpu.vector_load %arg7[%get3A_354] {strides = array<i32>} : memref<4352xi32, #tpu.memory_space<vmem>>, vector<16xi32>,
      %swap3A_356 = arith.constant 32 : index
      %swap3A_357 = tpu.vector_load %arg11[%swap3A_356] {strides = array<i32>} : memref<128xi32, #tpu.memory_space<vmem>>, vector<16xi32>,
      tpu.vector_store %arg11[%swap3A_356], %get3A_355 {strides = array<i32>} : memref<128xi32, #tpu.memory_space<vmem>>, vector<16xi32>,
      %mul3A_358 = arith.constant 128 : i32
      %mul3A_359 = arith.muli %add3A_335, %mul3A_358 : i32
      %add3A_360 = arith.constant 48 : i32
      %add3A_361 = arith.addi %mul3A_359, %add3A_360 : i32
      %get3A_362 = arith.index_cast %add3A_361 : i32 to index
      %get3A_363 = tpu.vector_load %arg7[%get3A_362] {strides = array<i32>} : memref<4352xi32, #tpu.memory_space<vmem>>, vector<16xi32>,
      %swap3A_364 = arith.constant 48 : index
      %swap3A_365 = tpu.vector_load %arg11[%swap3A_364] {strides = array<i32>} : memref<128xi32, #tpu.memory_space<vmem>>, vector<16xi32>,
      tpu.vector_store %arg11[%swap3A_364], %get3A_363 {strides = array<i32>} : memref<128xi32, #tpu.memory_space<vmem>>, vector<16xi32>,
      %mul3A_366 = arith.constant 128 : i32
      %mul3A_367 = arith.muli %add3A_335, %mul3A_366 : i32
      %add3A_368 = arith.constant 64 : i32
      %add3A_369 = arith.addi %mul3A_367, %add3A_368 : i32
      %get3A_370 = arith.index_cast %add3A_369 : i32 to index
      %get3A_371 = tpu.vector_load %arg7[%get3A_370] {strides = array<i32>} : memref<4352xi32, #tpu.memory_space<vmem>>, vector<16xi32>,
      %swap3A_372 = arith.constant 64 : index
      %swap3A_373 = tpu.vector_load %arg11[%swap3A_372] {strides = array<i32>} : memref<128xi32, #tpu.memory_space<vmem>>, vector<16xi32>,
      tpu.vector_store %arg11[%swap3A_372], %get3A_371 {strides = array<i32>} : memref<128xi32, #tpu.memory_space<vmem>>, vector<16xi32>,
      %mul3A_374 = arith.constant 128 : i32
      %mul3A_375 = arith.muli %add3A_335, %mul3A_374 : i32
      %add3A_376 = arith.constant 80 : i32
      %add3A_377 = arith.addi %mul3A_375, %add3A_376 : i32
      %get3A_378 = arith.index_cast %add3A_377 : i32 to index
      %get3A_379 = tpu.vector_load %arg7[%get3A_378] {strides = array<i32>} : memref<4352xi32, #tpu.memory_space<vmem>>, vector<16xi32>,
      %swap3A_380 = arith.constant 80 : index
      %swap3A_381 = tpu.vector_load %arg11[%swap3A_380] {strides = array<i32>} : memref<128xi32, #tpu.memory_space<vmem>>, vector<16xi32>,
      tpu.vector_store %arg11[%swap3A_380], %get3A_379 {strides = array<i32>} : memref<128xi32, #tpu.memory_space<vmem>>, vector<16xi32>,
      %mul3A_382 = arith.constant 128 : i32
      %mul3A_383 = arith.muli %add3A_335, %mul3A_382 : i32
      %add3A_384 = arith.constant 96 : i32
      %add3A_385 = arith.addi %mul3A_383, %add3A_384 : i32
      %get3A_386 = arith.index_cast %add3A_385 : i32 to index
      %get3A_387 = tpu.vector_load %arg7[%get3A_386] {strides = array<i32>} : memref<4352xi32, #tpu.memory_space<vmem>>, vector<16xi32>,
      %swap3A_388 = arith.constant 96 : index
      %swap3A_389 = tpu.vector_load %arg11[%swap3A_388] {strides = array<i32>} : memref<128xi32, #tpu.memory_space<vmem>>, vector<16xi32>,
      tpu.vector_store %arg11[%swap3A_388], %get3A_387 {strides = array<i32>} : memref<128xi32, #tpu.memory_space<vmem>>, vector<16xi32>,
      %mul3A_390 = arith.constant 128 : i32
      %mul3A_391 = arith.muli %add3A_335, %mul3A_390 : i32
      %add3A_392 = arith.constant 112 : i32
      %add3A_393 = arith.addi %mul3A_391, %add3A_392 : i32
      %get3A_394 = arith.index_cast %add3A_393 : i32 to index
      %get3A_395 = tpu.vector_load %arg7[%get3A_394] {strides = array<i32>} : memref<4352xi32, #tpu.memory_space<vmem>>, vector<16xi32>,
      %swap3A_396 = arith.constant 112 : index
      %swap3A_397 = tpu.vector_load %arg11[%swap3A_396] {strides = array<i32>} : memref<128xi32, #tpu.memory_space<vmem>>, vector<16xi32>,
      tpu.vector_store %arg11[%swap3A_396], %get3A_395 {strides = array<i32>} : memref<128xi32, #tpu.memory_space<vmem>>, vector<16xi32>,
      %mul3A_398 = arith.constant 128 : i32
      %mul3A_399 = arith.muli %add3A_335, %mul3A_398 : i32
      %dma_wait3A = arith.constant 0 : i32
      %dma_wait3A_400 = arith.constant 0 : i32
      %dma_wait3A_401 = arith.constant 0 : i32
      %dma_wait3A_402 = tpu.memref_slice %arg10[%dma_wait3A, %dma_wait3A_400, %dma_wait3A_401] : memref<2x128x128xf32, #tpu.memory_space<vmem>> -> memref<1x128x128xf32, #tpu.memory_space<vmem>>
      %dma_wait3A_403 = tpu.memref_squeeze %dma_wait3A_402 : memref<1x128x128xf32, #tpu.memory_space<vmem>> -> memref<128x128xf32, #tpu.memory_space<vmem>>
      %dma_wait3A_404 = tpu.memref_slice %arg6[%mul3A_399] : memref<4352xi32, #tpu.memory_space<vmem>> -> memref<128xi32, #tpu.memory_space<vmem>>
      %dma_wait3A_405 = arith.constant 0 : i32
      %dma_wait3A_406 = arith.constant 0 : i32
      %dma_wait3A_407 = tpu.memref_slice %arg2[%dma_wait3A_405, %dma_wait3A_406] : memref<10000x128xf32, #tpu.memory_space<hbm>> -> memref<10000x128xf32, #tpu.memory_space<hbm>>
      tpu.wait_indirect_dma semaphore(%arg13 : memref<!tpu.dma_semaphore, #tpu.memory_space<semaphore_mem>>) src(%dma_wait3A_407 : memref<10000x128xf32, #tpu.memory_space<hbm>>) dst(%dma_wait3A_403 : memref<128x128xf32, #tpu.memory_space<vmem>>)
      %add3A_408 = arith.constant 1 : i32
      %add3A_409 = arith.addi %add3A_335, %add3A_408 : i32
      %lt3A = arith.cmpi slt, %add3A_409, %select_n3A_105 : i32
      %convert_element_type3A_410 = arith.extui %lt3A : i1 to i32
      %cond3A_411 = arith.constant 0 : i32
      %cond3A_412 = arith.cmpi ne, %convert_element_type3A_410, %cond3A_411 : i32
      scf.if %cond3A_412 {
        %add3A_419 = arith.constant 1 : i32
        %add3A_420 = arith.addi %add3A_335, %add3A_419 : i32
        %mul3A_421 = arith.constant 128 : i32
        %mul3A_422 = arith.muli %add3A_420, %mul3A_421 : i32
        %dma_start3A = arith.constant 1 : i32
        %dma_start3A_423 = arith.constant 0 : i32
        %dma_start3A_424 = arith.constant 0 : i32
        %dma_start3A_425 = tpu.memref_slice %arg10[%dma_start3A, %dma_start3A_423, %dma_start3A_424] : memref<2x128x128xf32, #tpu.memory_space<vmem>> -> memref<1x128x128xf32, #tpu.memory_space<vmem>>
        %dma_start3A_426 = tpu.memref_squeeze %dma_start3A_425 : memref<1x128x128xf32, #tpu.memory_space<vmem>> -> memref<128x128xf32, #tpu.memory_space<vmem>>
        %dma_start3A_427 = tpu.memref_slice %arg6[%mul3A_422] : memref<4352xi32, #tpu.memory_space<vmem>> -> memref<128xi32, #tpu.memory_space<vmem>>
        %dma_start3A_428 = arith.constant 0 : i32
        %dma_start3A_429 = arith.constant 0 : i32
        %dma_start3A_430 = tpu.memref_slice %arg2[%dma_start3A_428, %dma_start3A_429] : memref<10000x128xf32, #tpu.memory_space<hbm>> -> memref<10000x128xf32, #tpu.memory_space<hbm>>
        tpu.enqueue_indirect_dma source(%dma_start3A_430 : memref<10000x128xf32, #tpu.memory_space<hbm>>) target(%dma_start3A_426 : memref<128x128xf32, #tpu.memory_space<vmem>>) offsets(%dma_start3A_427 : memref<128xi32, #tpu.memory_space<vmem>>) semaphore(%arg14 : memref<!tpu.dma_semaphore, #tpu.memory_space<semaphore_mem>>)
      } else {
      }
      %run_scoped3A = arith.constant 0 : i32
      "tpu.region"() ({
        %run_scoped3A_419 = tpu.sem_alloc : memref<!tpu.dma_semaphore, #tpu.memory_space<semaphore_mem>>
        %dma_start3A = arith.constant 0 : i32
        %dma_start3A_420 = arith.constant 0 : i32
        %dma_start3A_421 = tpu.memref_slice %arg10[%run_scoped3A, %dma_start3A, %dma_start3A_420] : memref<2x128x128xf32, #tpu.memory_space<vmem>> -> memref<1x128x128xf32, #tpu.memory_space<vmem>>
        %dma_start3A_422 = tpu.memref_squeeze %dma_start3A_421 : memref<1x128x128xf32, #tpu.memory_space<vmem>> -> memref<128x128xf32, #tpu.memory_space<vmem>>
        %dma_start3A_423 = arith.constant 0 : i32
        %dma_start3A_424 = arith.constant 0 : i32
        %dma_start3A_425 = tpu.memref_slice %arg15[%dma_start3A_423, %dma_start3A_424] : memref<5128x128xf32, #tpu.memory_space<vmem_shared>> -> memref<5128x128xf32, #tpu.memory_space<vmem_shared>>
        tpu.enqueue_indirect_dma source(%dma_start3A_422 : memref<128x128xf32, #tpu.memory_space<vmem>>) target(%dma_start3A_425 : memref<5128x128xf32, #tpu.memory_space<vmem_shared>>) offsets(%arg11 : memref<128xi32, #tpu.memory_space<vmem>>) semaphore(%run_scoped3A_419 : memref<!tpu.dma_semaphore, #tpu.memory_space<semaphore_mem>>) {add = true}
        %dma_wait3A_426 = arith.constant 0 : i32
        %dma_wait3A_427 = arith.constant 0 : i32
        %dma_wait3A_428 = tpu.memref_slice %arg10[%run_scoped3A, %dma_wait3A_426, %dma_wait3A_427] : memref<2x128x128xf32, #tpu.memory_space<vmem>> -> memref<1x128x128xf32, #tpu.memory_space<vmem>>
        %dma_wait3A_429 = tpu.memref_squeeze %dma_wait3A_428 : memref<1x128x128xf32, #tpu.memory_space<vmem>> -> memref<128x128xf32, #tpu.memory_space<vmem>>
        %dma_wait3A_430 = arith.constant 0 : i32
        %dma_wait3A_431 = arith.constant 0 : i32
        %dma_wait3A_432 = tpu.memref_slice %arg15[%dma_wait3A_430, %dma_wait3A_431] : memref<5128x128xf32, #tpu.memory_space<vmem_shared>> -> memref<5128x128xf32, #tpu.memory_space<vmem_shared>>
        tpu.wait_indirect_dma semaphore(%run_scoped3A_419 : memref<!tpu.dma_semaphore, #tpu.memory_space<semaphore_mem>>) src(%dma_wait3A_429 : memref<128x128xf32, #tpu.memory_space<vmem>>) dst(%dma_wait3A_432 : memref<5128x128xf32, #tpu.memory_space<vmem_shared>>)
        tpu.yield
      }) : () -> ()
      %add3A_413 = arith.constant 1 : i32
      %add3A_414 = arith.addi %add3A_335, %add3A_413 : i32
      %lt3A_415 = arith.cmpi slt, %add3A_414, %select_n3A_105 : i32
      %convert_element_type3A_416 = arith.extui %lt3A_415 : i1 to i32
      %cond3A_417 = arith.constant 0 : i32
      %cond3A_418 = arith.cmpi ne, %convert_element_type3A_416, %cond3A_417 : i32
      scf.if %cond3A_418 {
        %add3A_419 = arith.constant 1 : i32
        %add3A_420 = arith.addi %add3A_335, %add3A_419 : i32
        %mul3A_421 = arith.constant 128 : i32
        %mul3A_422 = arith.muli %add3A_420, %mul3A_421 : i32
        %add3A_423 = arith.constant 0 : i32
        %add3A_424 = arith.addi %mul3A_422, %add3A_423 : i32
        %get3A_425 = arith.index_cast %add3A_424 : i32 to index
        %get3A_426 = tpu.vector_load %arg7[%get3A_425] {strides = array<i32>} : memref<4352xi32, #tpu.memory_space<vmem>>, vector<16xi32>,
        %swap3A_427 = arith.constant 0 : index
        %swap3A_428 = tpu.vector_load %arg11[%swap3A_427] {strides = array<i32>} : memref<128xi32, #tpu.memory_space<vmem>>, vector<16xi32>,
        tpu.vector_store %arg11[%swap3A_427], %get3A_426 {strides = array<i32>} : memref<128xi32, #tpu.memory_space<vmem>>, vector<16xi32>,
        %mul3A_429 = arith.constant 128 : i32
        %mul3A_430 = arith.muli %add3A_420, %mul3A_429 : i32
        %add3A_431 = arith.constant 16 : i32
        %add3A_432 = arith.addi %mul3A_430, %add3A_431 : i32
        %get3A_433 = arith.index_cast %add3A_432 : i32 to index
        %get3A_434 = tpu.vector_load %arg7[%get3A_433] {strides = array<i32>} : memref<4352xi32, #tpu.memory_space<vmem>>, vector<16xi32>,
        %swap3A_435 = arith.constant 16 : index
        %swap3A_436 = tpu.vector_load %arg11[%swap3A_435] {strides = array<i32>} : memref<128xi32, #tpu.memory_space<vmem>>, vector<16xi32>,
        tpu.vector_store %arg11[%swap3A_435], %get3A_434 {strides = array<i32>} : memref<128xi32, #tpu.memory_space<vmem>>, vector<16xi32>,
        %mul3A_437 = arith.constant 128 : i32
        %mul3A_438 = arith.muli %add3A_420, %mul3A_437 : i32
        %add3A_439 = arith.constant 32 : i32
        %add3A_440 = arith.addi %mul3A_438, %add3A_439 : i32
        %get3A_441 = arith.index_cast %add3A_440 : i32 to index
        %get3A_442 = tpu.vector_load %arg7[%get3A_441] {strides = array<i32>} : memref<4352xi32, #tpu.memory_space<vmem>>, vector<16xi32>,
        %swap3A_443 = arith.constant 32 : index
        %swap3A_444 = tpu.vector_load %arg11[%swap3A_443] {strides = array<i32>} : memref<128xi32, #tpu.memory_space<vmem>>, vector<16xi32>,
        tpu.vector_store %arg11[%swap3A_443], %get3A_442 {strides = array<i32>} : memref<128xi32, #tpu.memory_space<vmem>>, vector<16xi32>,
        %mul3A_445 = arith.constant 128 : i32
        %mul3A_446 = arith.muli %add3A_420, %mul3A_445 : i32
        %add3A_447 = arith.constant 48 : i32
        %add3A_448 = arith.addi %mul3A_446, %add3A_447 : i32
        %get3A_449 = arith.index_cast %add3A_448 : i32 to index
        %get3A_450 = tpu.vector_load %arg7[%get3A_449] {strides = array<i32>} : memref<4352xi32, #tpu.memory_space<vmem>>, vector<16xi32>,
        %swap3A_451 = arith.constant 48 : index
        %swap3A_452 = tpu.vector_load %arg11[%swap3A_451] {strides = array<i32>} : memref<128xi32, #tpu.memory_space<vmem>>, vector<16xi32>,
        tpu.vector_store %arg11[%swap3A_451], %get3A_450 {strides = array<i32>} : memref<128xi32, #tpu.memory_space<vmem>>, vector<16xi32>,
        %mul3A_453 = arith.constant 128 : i32
        %mul3A_454 = arith.muli %add3A_420, %mul3A_453 : i32
        %add3A_455 = arith.constant 64 : i32
        %add3A_456 = arith.addi %mul3A_454, %add3A_455 : i32
        %get3A_457 = arith.index_cast %add3A_456 : i32 to index
        %get3A_458 = tpu.vector_load %arg7[%get3A_457] {strides = array<i32>} : memref<4352xi32, #tpu.memory_space<vmem>>, vector<16xi32>,
        %swap3A_459 = arith.constant 64 : index
        %swap3A_460 = tpu.vector_load %arg11[%swap3A_459] {strides = array<i32>} : memref<128xi32, #tpu.memory_space<vmem>>, vector<16xi32>,
        tpu.vector_store %arg11[%swap3A_459], %get3A_458 {strides = array<i32>} : memref<128xi32, #tpu.memory_space<vmem>>, vector<16xi32>,
        %mul3A_461 = arith.constant 128 : i32
        %mul3A_462 = arith.muli %add3A_420, %mul3A_461 : i32
        %add3A_463 = arith.constant 80 : i32
        %add3A_464 = arith.addi %mul3A_462, %add3A_463 : i32
        %get3A_465 = arith.index_cast %add3A_464 : i32 to index
        %get3A_466 = tpu.vector_load %arg7[%get3A_465] {strides = array<i32>} : memref<4352xi32, #tpu.memory_space<vmem>>, vector<16xi32>,
        %swap3A_467 = arith.constant 80 : index
        %swap3A_468 = tpu.vector_load %arg11[%swap3A_467] {strides = array<i32>} : memref<128xi32, #tpu.memory_space<vmem>>, vector<16xi32>,
        tpu.vector_store %arg11[%swap3A_467], %get3A_466 {strides = array<i32>} : memref<128xi32, #tpu.memory_space<vmem>>, vector<16xi32>,
        %mul3A_469 = arith.constant 128 : i32
        %mul3A_470 = arith.muli %add3A_420, %mul3A_469 : i32
        %add3A_471 = arith.constant 96 : i32
        %add3A_472 = arith.addi %mul3A_470, %add3A_471 : i32
        %get3A_473 = arith.index_cast %add3A_472 : i32 to index
        %get3A_474 = tpu.vector_load %arg7[%get3A_473] {strides = array<i32>} : memref<4352xi32, #tpu.memory_space<vmem>>, vector<16xi32>,
        %swap3A_475 = arith.constant 96 : index
        %swap3A_476 = tpu.vector_load %arg11[%swap3A_475] {strides = array<i32>} : memref<128xi32, #tpu.memory_space<vmem>>, vector<16xi32>,
        tpu.vector_store %arg11[%swap3A_475], %get3A_474 {strides = array<i32>} : memref<128xi32, #tpu.memory_space<vmem>>, vector<16xi32>,
        %mul3A_477 = arith.constant 128 : i32
        %mul3A_478 = arith.muli %add3A_420, %mul3A_477 : i32
        %add3A_479 = arith.constant 112 : i32
        %add3A_480 = arith.addi %mul3A_478, %add3A_479 : i32
        %get3A_481 = arith.index_cast %add3A_480 : i32 to index
        %get3A_482 = tpu.vector_load %arg7[%get3A_481] {strides = array<i32>} : memref<4352xi32, #tpu.memory_space<vmem>>, vector<16xi32>,
        %swap3A_483 = arith.constant 112 : index
        %swap3A_484 = tpu.vector_load %arg11[%swap3A_483] {strides = array<i32>} : memref<128xi32, #tpu.memory_space<vmem>>, vector<16xi32>,
        tpu.vector_store %arg11[%swap3A_483], %get3A_482 {strides = array<i32>} : memref<128xi32, #tpu.memory_space<vmem>>, vector<16xi32>,
        %mul3A_485 = arith.constant 128 : i32
        %mul3A_486 = arith.muli %add3A_420, %mul3A_485 : i32
        %dma_wait3A_487 = arith.constant 1 : i32
        %dma_wait3A_488 = arith.constant 0 : i32
        %dma_wait3A_489 = arith.constant 0 : i32
        %dma_wait3A_490 = tpu.memref_slice %arg10[%dma_wait3A_487, %dma_wait3A_488, %dma_wait3A_489] : memref<2x128x128xf32, #tpu.memory_space<vmem>> -> memref<1x128x128xf32, #tpu.memory_space<vmem>>
        %dma_wait3A_491 = tpu.memref_squeeze %dma_wait3A_490 : memref<1x128x128xf32, #tpu.memory_space<vmem>> -> memref<128x128xf32, #tpu.memory_space<vmem>>
        %dma_wait3A_492 = tpu.memref_slice %arg6[%mul3A_486] : memref<4352xi32, #tpu.memory_space<vmem>> -> memref<128xi32, #tpu.memory_space<vmem>>
        %dma_wait3A_493 = arith.constant 0 : i32
        %dma_wait3A_494 = arith.constant 0 : i32
        %dma_wait3A_495 = tpu.memref_slice %arg2[%dma_wait3A_493, %dma_wait3A_494] : memref<10000x128xf32, #tpu.memory_space<hbm>> -> memref<10000x128xf32, #tpu.memory_space<hbm>>
        tpu.wait_indirect_dma semaphore(%arg14 : memref<!tpu.dma_semaphore, #tpu.memory_space<semaphore_mem>>) src(%dma_wait3A_495 : memref<10000x128xf32, #tpu.memory_space<hbm>>) dst(%dma_wait3A_491 : memref<128x128xf32, #tpu.memory_space<vmem>>)
        %add3A_496 = arith.constant 1 : i32
        %add3A_497 = arith.addi %add3A_420, %add3A_496 : i32
        %lt3A_498 = arith.cmpi slt, %add3A_497, %select_n3A_105 : i32
        %convert_element_type3A_499 = arith.extui %lt3A_498 : i1 to i32
        %cond3A_500 = arith.constant 0 : i32
        %cond3A_501 = arith.cmpi ne, %convert_element_type3A_499, %cond3A_500 : i32
        scf.if %cond3A_501 {
          %add3A_503 = arith.constant 1 : i32
          %add3A_504 = arith.addi %add3A_420, %add3A_503 : i32
          %mul3A_505 = arith.constant 128 : i32
          %mul3A_506 = arith.muli %add3A_504, %mul3A_505 : i32
          %dma_start3A = arith.constant 0 : i32
          %dma_start3A_507 = arith.constant 0 : i32
          %dma_start3A_508 = arith.constant 0 : i32
          %dma_start3A_509 = tpu.memref_slice %arg10[%dma_start3A, %dma_start3A_507, %dma_start3A_508] : memref<2x128x128xf32, #tpu.memory_space<vmem>> -> memref<1x128x128xf32, #tpu.memory_space<vmem>>
          %dma_start3A_510 = tpu.memref_squeeze %dma_start3A_509 : memref<1x128x128xf32, #tpu.memory_space<vmem>> -> memref<128x128xf32, #tpu.memory_space<vmem>>
          %dma_start3A_511 = tpu.memref_slice %arg6[%mul3A_506] : memref<4352xi32, #tpu.memory_space<vmem>> -> memref<128xi32, #tpu.memory_space<vmem>>
          %dma_start3A_512 = arith.constant 0 : i32
          %dma_start3A_513 = arith.constant 0 : i32
          %dma_start3A_514 = tpu.memref_slice %arg2[%dma_start3A_512, %dma_start3A_513] : memref<10000x128xf32, #tpu.memory_space<hbm>> -> memref<10000x128xf32, #tpu.memory_space<hbm>>
          tpu.enqueue_indirect_dma source(%dma_start3A_514 : memref<10000x128xf32, #tpu.memory_space<hbm>>) target(%dma_start3A_510 : memref<128x128xf32, #tpu.memory_space<vmem>>) offsets(%dma_start3A_511 : memref<128xi32, #tpu.memory_space<vmem>>) semaphore(%arg13 : memref<!tpu.dma_semaphore, #tpu.memory_space<semaphore_mem>>)
        } else {
        }
        %run_scoped3A_502 = arith.constant 1 : i32
        "tpu.region"() ({
          %run_scoped3A_503 = tpu.sem_alloc : memref<!tpu.dma_semaphore, #tpu.memory_space<semaphore_mem>>
          %dma_start3A = arith.constant 0 : i32
          %dma_start3A_504 = arith.constant 0 : i32
          %dma_start3A_505 = tpu.memref_slice %arg10[%run_scoped3A_502, %dma_start3A, %dma_start3A_504] : memref<2x128x128xf32, #tpu.memory_space<vmem>> -> memref<1x128x128xf32, #tpu.memory_space<vmem>>
          %dma_start3A_506 = tpu.memref_squeeze %dma_start3A_505 : memref<1x128x128xf32, #tpu.memory_space<vmem>> -> memref<128x128xf32, #tpu.memory_space<vmem>>
          %dma_start3A_507 = arith.constant 0 : i32
          %dma_start3A_508 = arith.constant 0 : i32
          %dma_start3A_509 = tpu.memref_slice %arg15[%dma_start3A_507, %dma_start3A_508] : memref<5128x128xf32, #tpu.memory_space<vmem_shared>> -> memref<5128x128xf32, #tpu.memory_space<vmem_shared>>
          tpu.enqueue_indirect_dma source(%dma_start3A_506 : memref<128x128xf32, #tpu.memory_space<vmem>>) target(%dma_start3A_509 : memref<5128x128xf32, #tpu.memory_space<vmem_shared>>) offsets(%arg11 : memref<128xi32, #tpu.memory_space<vmem>>) semaphore(%run_scoped3A_503 : memref<!tpu.dma_semaphore, #tpu.memory_space<semaphore_mem>>) {add = true}
          %dma_wait3A_510 = arith.constant 0 : i32
          %dma_wait3A_511 = arith.constant 0 : i32
          %dma_wait3A_512 = tpu.memref_slice %arg10[%run_scoped3A_502, %dma_wait3A_510, %dma_wait3A_511] : memref<2x128x128xf32, #tpu.memory_space<vmem>> -> memref<1x128x128xf32, #tpu.memory_space<vmem>>
          %dma_wait3A_513 = tpu.memref_squeeze %dma_wait3A_512 : memref<1x128x128xf32, #tpu.memory_space<vmem>> -> memref<128x128xf32, #tpu.memory_space<vmem>>
          %dma_wait3A_514 = arith.constant 0 : i32
          %dma_wait3A_515 = arith.constant 0 : i32
          %dma_wait3A_516 = tpu.memref_slice %arg15[%dma_wait3A_514, %dma_wait3A_515] : memref<5128x128xf32, #tpu.memory_space<vmem_shared>> -> memref<5128x128xf32, #tpu.memory_space<vmem_shared>>
          tpu.wait_indirect_dma semaphore(%run_scoped3A_503 : memref<!tpu.dma_semaphore, #tpu.memory_space<semaphore_mem>>) src(%dma_wait3A_513 : memref<128x128xf32, #tpu.memory_space<vmem>>) dst(%dma_wait3A_516 : memref<5128x128xf32, #tpu.memory_space<vmem_shared>>)
          tpu.yield
        }) : () -> ()
      } else {
      }
    }
    %add3A_130 = arith.constant 8000 : i32
    %add3A_131 = arith.addi %mul3A_0, %add3A_130 : i32
    "tpu.region"() ({
      %run_scoped3A = tpu.sem_alloc : memref<!tpu.dma_semaphore, #tpu.memory_space<semaphore_mem>>
      %dma_start3A = tpu.memref_slice %arg3[%add3A_131] : memref<320000xi32, #tpu.memory_space<hbm>> -> memref<4000xi32, #tpu.memory_space<hbm>>
      %dma_start3A_333 = tpu.memref_slice %arg3[%add3A_131] : memref<320000xi32, #tpu.memory_space<hbm>> -> memref<4000xi32, #tpu.memory_space<hbm>>
      tpu.enqueue_dma source(%dma_start3A_333 : memref<4000xi32, #tpu.memory_space<hbm>>) target(%arg8 : memref<4000xi32, #tpu.memory_space<vmem>>) target_semaphore(%run_scoped3A : memref<!tpu.dma_semaphore, #tpu.memory_space<semaphore_mem>>)
      %dma_wait3A = tpu.memref_slice %arg3[%add3A_131] : memref<320000xi32, #tpu.memory_space<hbm>> -> memref<4000xi32, #tpu.memory_space<hbm>>
      %dma_wait3A_334 = tpu.memref_slice %arg3[%add3A_131] : memref<320000xi32, #tpu.memory_space<hbm>> -> memref<4000xi32, #tpu.memory_space<hbm>>
      tpu.wait_dma2 semaphore(%run_scoped3A : memref<!tpu.dma_semaphore, #tpu.memory_space<semaphore_mem>>) src(%dma_wait3A_334 : memref<4000xi32, #tpu.memory_space<hbm>>) dst(%arg8 : memref<4000xi32, #tpu.memory_space<vmem>>)
      tpu.yield
    }) : () -> ()
    "tpu.region"() ({
      %run_scoped3A = tpu.sem_alloc : memref<!tpu.dma_semaphore, #tpu.memory_space<semaphore_mem>>
      %dma_start3A = tpu.memref_slice %arg4[%add3A_131] : memref<320000xi32, #tpu.memory_space<hbm>> -> memref<4000xi32, #tpu.memory_space<hbm>>
      %dma_start3A_333 = tpu.memref_slice %arg4[%add3A_131] : memref<320000xi32, #tpu.memory_space<hbm>> -> memref<4000xi32, #tpu.memory_space<hbm>>
      tpu.enqueue_dma source(%dma_start3A_333 : memref<4000xi32, #tpu.memory_space<hbm>>) target(%arg9 : memref<4000xi32, #tpu.memory_space<vmem>>) target_semaphore(%run_scoped3A : memref<!tpu.dma_semaphore, #tpu.memory_space<semaphore_mem>>)
      %dma_wait3A = tpu.memref_slice %arg4[%add3A_131] : memref<320000xi32, #tpu.memory_space<hbm>> -> memref<4000xi32, #tpu.memory_space<hbm>>
      %dma_wait3A_334 = tpu.memref_slice %arg4[%add3A_131] : memref<320000xi32, #tpu.memory_space<hbm>> -> memref<4000xi32, #tpu.memory_space<hbm>>
      tpu.wait_dma2 semaphore(%run_scoped3A : memref<!tpu.dma_semaphore, #tpu.memory_space<semaphore_mem>>) src(%dma_wait3A_334 : memref<4000xi32, #tpu.memory_space<hbm>>) dst(%arg9 : memref<4000xi32, #tpu.memory_space<vmem>>)
      tpu.yield
    }) : () -> ()
    %scan3A_132 = arith.constant 0 : i32
    %scan3A_133 = arith.constant 0 : i32
    %scan3A_134 = arith.constant 250 : i32
    %scan3A_135 = arith.addi %scan3A_133, %scan3A_134 : i32
    %scan3A_136 = arith.constant 1 : i32
    %scan3A_137 = scf.for %scan3A_333 = %scan3A_133 to %scan3A_135 step %scan3A_136 iter_args(%scan3A_334 = %scan3A_132) -> (i32)  : i32 {
      %mul3A_335 = arith.constant 16 : i32
      %mul3A_336 = arith.muli %scan3A_333, %mul3A_335 : i32
      %add3A_337 = arith.constant 0 : i32
      %add3A_338 = arith.addi %add3A_337, %mul3A_336 : i32
      %get3A = arith.index_cast %add3A_338 : i32 to index
      %get3A_339 = tpu.vector_load %arg8[%get3A] {strides = array<i32>} : memref<4000xi32, #tpu.memory_space<vmem>>, vector<16xi32>,
      %get3A_340 = arith.index_cast %add3A_338 : i32 to index
      %get3A_341 = tpu.vector_load %arg9[%get3A_340] {strides = array<i32>} : memref<4000xi32, #tpu.memory_space<vmem>>, vector<16xi32>,
      %sub3A_342 = vector.broadcast %mul3A_4 : i32 to vector<16xi32>
      %sub3A_343 = arith.subi %get3A_341, %sub3A_342 : vector<16xi32>
      %ge3A = arith.constant 0 : i32
      %ge3A_344 = vector.broadcast %ge3A : i32 to vector<16xi32>
      %ge3A_345 = arith.cmpi sge, %sub3A_343, %ge3A_344 : vector<16xi32>
      %lt3A = arith.constant 5120 : i32
      %lt3A_346 = vector.broadcast %lt3A : i32 to vector<16xi32>
      %lt3A_347 = arith.cmpi slt, %sub3A_343, %lt3A_346 : vector<16xi32>
      %and3A_348 = arith.andi %ge3A_345, %lt3A_347 : vector<16xi1>
      %jit3A_349 = arith.constant 1 : i32
      %jit3A_350 = arith.constant 0 : i32
      %broadcast_in_dim3A = vector.broadcast %jit3A_349 : i32 to vector<16xi32>
      %broadcast_in_dim3A_351 = vector.broadcast %jit3A_350 : i32 to vector<16xi32>
      %select_n3A_352 = arith.select %and3A_348, %broadcast_in_dim3A, %broadcast_in_dim3A_351 : vector<16xi1>, vector<16xi32>
      %broadcast_in_dim3A_353 = arith.constant true
      %broadcast_in_dim3A_354 = vector.broadcast %broadcast_in_dim3A_353 : i1 to vector<16xi1>
      %masked_cumsum3A = tpu.scan <sum>, %select_n3A_352 masked %broadcast_in_dim3A_354 : vector<16xi32>, vector<16xi1> -> vector<16xi32>
      %add3A_355 = vector.broadcast %scan3A_334 : i32 to vector<16xi32>
      %add3A_356 = arith.addi %add3A_355, %masked_cumsum3A : vector<16xi32>
      %sub3A_357 = arith.constant 1 : i32
      %sub3A_358 = vector.broadcast %sub3A_357 : i32 to vector<16xi32>
      %sub3A_359 = arith.subi %add3A_356, %sub3A_358 : vector<16xi32>
      tpu.vector_store_idx %arg6[%sub3A_359], %get3A_339 masked %and3A_348 : memref<4352xi32, #tpu.memory_space<vmem>>[vector<16xi32>], vector<16xi32>, vector<16xi1>
      tpu.vector_store_idx %arg7[%sub3A_359], %sub3A_343 masked %and3A_348 : memref<4352xi32, #tpu.memory_space<vmem>>[vector<16xi32>], vector<16xi32>, vector<16xi1>
      %reduce_max3A = arith.constant true
      %reduce_max3A_360 = vector.broadcast %reduce_max3A : i1 to vector<16xi1>
      %reduce_max3A_361 = arith.constant -2147483648 : i32
      %reduce_max3A_362 = vector.broadcast %reduce_max3A_361 : i32 to vector<16xi32>
      %reduce_max3A_363 = arith.xori %masked_cumsum3A, %reduce_max3A_362 : vector<16xi32>
      %reduce_max3A_364 = tpu.scan <max>, %reduce_max3A_363 masked %reduce_max3A_360 : vector<16xi32>, vector<16xi1> -> vector<16xi32>
      %reduce_max3A_365 = arith.xori %reduce_max3A_364, %reduce_max3A_362 : vector<16xi32>
      %reduce_max3A_366 = vector.extract %reduce_max3A_365[15] : i32 from vector<16xi32>
      %add3A_367 = arith.addi %scan3A_334, %reduce_max3A_366 : i32
      scf.yield %add3A_367 : i32
    }
    %scan3A_138 = arith.constant 250 : i32
    %scan3A_139 = arith.constant 0 : i32
    %scan3A_140 = arith.constant 16 : i32
    %scan3A_141 = arith.addi %scan3A_139, %scan3A_140 : i32
    %scan3A_142 = arith.constant 1 : i32
    scf.for %scan3A_333 = %scan3A_139 to %scan3A_141 step %scan3A_142  : i32 {
      %mul3A_334 = arith.constant 16 : i32
      %mul3A_335 = arith.muli %scan3A_333, %mul3A_334 : i32
      %add3A_336 = arith.constant 0 : i32
      %add3A_337 = arith.addi %add3A_336, %mul3A_335 : i32
      %add3A_338 = arith.addi %scan3A_137, %add3A_337 : i32
      %iota3A = tpu.iota {dimensions = array<i32: 0>} : vector<16xi32>
      %add3A_339 = vector.broadcast %add3A_338 : i32 to vector<16xi32>
      %add3A_340 = arith.addi %add3A_339, %iota3A : vector<16xi32>
      %broadcast_in_dim3A = arith.constant 0 : i32
      %broadcast_in_dim3A_341 = vector.broadcast %broadcast_in_dim3A : i32 to vector<16xi32>
      tpu.vector_store_idx %arg6[%add3A_340], %broadcast_in_dim3A_341 : memref<4352xi32, #tpu.memory_space<vmem>>[vector<16xi32>], vector<16xi32>,
      %broadcast_in_dim3A_342 = arith.constant 5120 : i32
      %broadcast_in_dim3A_343 = vector.broadcast %broadcast_in_dim3A_342 : i32 to vector<16xi32>
      tpu.vector_store_idx %arg7[%add3A_340], %broadcast_in_dim3A_343 : memref<4352xi32, #tpu.memory_space<vmem>>[vector<16xi32>], vector<16xi32>,
    }
    %scan3A_143 = arith.constant 16 : i32
    %add3A_144 = arith.constant 127 : i32
    %add3A_145 = arith.addi %scan3A_137, %add3A_144 : i32
    %jit3A_146 = arith.constant 128 : i32
    %div3A_147 = arith.divsi %add3A_145, %jit3A_146 : i32
    %sign3A_148 = arith.constant 0 : i32
    %sign3A_149 = arith.cmpi sgt, %add3A_145, %sign3A_148 : i32
    %sign3A_150 = arith.extui %sign3A_149 : i1 to i32
    %sign3A_151 = arith.constant 0 : i32
    %sign3A_152 = arith.cmpi slt, %add3A_145, %sign3A_151 : i32
    %sign3A_153 = arith.extui %sign3A_152 : i1 to i32
    %sign3A_154 = arith.subi %sign3A_150, %sign3A_153 : i32
    %sign3A_155 = arith.constant 0 : i32
    %sign3A_156 = arith.cmpi sgt, %jit3A_146, %sign3A_155 : i32
    %sign3A_157 = arith.extui %sign3A_156 : i1 to i32
    %sign3A_158 = arith.constant 0 : i32
    %sign3A_159 = arith.cmpi slt, %jit3A_146, %sign3A_158 : i32
    %sign3A_160 = arith.extui %sign3A_159 : i1 to i32
    %sign3A_161 = arith.subi %sign3A_157, %sign3A_160 : i32
    %ne3A_162 = arith.cmpi ne, %sign3A_154, %sign3A_161 : i32
    %rem3A_163 = arith.remsi %add3A_145, %jit3A_146 : i32
    %ne3A_164 = arith.constant 0 : i32
    %ne3A_165 = arith.cmpi ne, %rem3A_163, %ne3A_164 : i32
    %and3A_166 = arith.andi %ne3A_162, %ne3A_165 : i1
    %sub3A_167 = arith.constant 1 : i32
    %sub3A_168 = arith.subi %div3A_147, %sub3A_167 : i32
    %select_n3A_169 = arith.select %and3A_166, %sub3A_168, %div3A_147 : i32
    %gt3A_170 = arith.constant 0 : i32
    %gt3A_171 = arith.cmpi sgt, %select_n3A_169, %gt3A_170 : i32
    %convert_element_type3A_172 = arith.extui %gt3A_171 : i1 to i32
    %cond3A_173 = arith.constant 0 : i32
    %cond3A_174 = arith.cmpi ne, %convert_element_type3A_172, %cond3A_173 : i32
    scf.if %cond3A_174 {
      %dma_start3A = arith.constant 0 : i32
      %dma_start3A_333 = arith.constant 0 : i32
      %dma_start3A_334 = arith.constant 0 : i32
      %dma_start3A_335 = tpu.memref_slice %arg10[%dma_start3A, %dma_start3A_333, %dma_start3A_334] : memref<2x128x128xf32, #tpu.memory_space<vmem>> -> memref<1x128x128xf32, #tpu.memory_space<vmem>>
      %dma_start3A_336 = tpu.memref_squeeze %dma_start3A_335 : memref<1x128x128xf32, #tpu.memory_space<vmem>> -> memref<128x128xf32, #tpu.memory_space<vmem>>
      %dma_start3A_337 = arith.constant 0 : i32
      %dma_start3A_338 = tpu.memref_slice %arg6[%dma_start3A_337] : memref<4352xi32, #tpu.memory_space<vmem>> -> memref<128xi32, #tpu.memory_space<vmem>>
      %dma_start3A_339 = arith.constant 0 : i32
      %dma_start3A_340 = arith.constant 0 : i32
      %dma_start3A_341 = tpu.memref_slice %arg2[%dma_start3A_339, %dma_start3A_340] : memref<10000x128xf32, #tpu.memory_space<hbm>> -> memref<10000x128xf32, #tpu.memory_space<hbm>>
      tpu.enqueue_indirect_dma source(%dma_start3A_341 : memref<10000x128xf32, #tpu.memory_space<hbm>>) target(%dma_start3A_336 : memref<128x128xf32, #tpu.memory_space<vmem>>) offsets(%dma_start3A_338 : memref<128xi32, #tpu.memory_space<vmem>>) semaphore(%arg13 : memref<!tpu.dma_semaphore, #tpu.memory_space<semaphore_mem>>)
    } else {
    }
    %sub3A_175 = arith.constant 0 : i32
    %sub3A_176 = arith.subi %select_n3A_169, %sub3A_175 : i32
    %sub3A_177 = arith.constant 2 : i32
    %sub3A_178 = arith.constant 1 : i32
    %sub3A_179 = arith.subi %sub3A_177, %sub3A_178 : i32
    %add3A_180 = arith.addi %sub3A_176, %sub3A_179 : i32
    %div3A_181 = arith.constant 2 : i32
    %div3A_182 = arith.divsi %add3A_180, %div3A_181 : i32
    %while3A_183 = arith.constant 2 : i32
    %while3A_184 = arith.constant 0 : i32
    %while3A_185 = arith.constant 0 : i32
    %while3A_186 = arith.subi %div3A_182, %while3A_185 : i32
    %while3A_187 = arith.addi %while3A_185, %while3A_186 : i32
    %while3A_188 = arith.constant 1 : i32
    %while3A_189 = arith.divsi %while3A_186, %while3A_188 : i32
    %while3A_190 = arith.muli %while3A_189, %while3A_188 : i32
    %while3A_191 = arith.addi %while3A_185, %while3A_190 : i32
    %while3A_192 = arith.constant 1 : i32
    scf.for %while3A_333 = %while3A_185 to %while3A_191 step %while3A_192  : i32 {
      %mul3A_334 = arith.muli %while3A_333, %while3A_183 : i32
      %add3A_335 = arith.addi %while3A_184, %mul3A_334 : i32
      %mul3A_336 = arith.constant 128 : i32
      %mul3A_337 = arith.muli %add3A_335, %mul3A_336 : i32
      %add3A_338 = arith.constant 0 : i32
      %add3A_339 = arith.addi %mul3A_337, %add3A_338 : i32
      %get3A = arith.index_cast %add3A_339 : i32 to index
      %get3A_340 = tpu.vector_load %arg7[%get3A] {strides = array<i32>} : memref<4352xi32, #tpu.memory_space<vmem>>, vector<16xi32>,
      %swap3A = arith.constant 0 : index
      %swap3A_341 = tpu.vector_load %arg11[%swap3A] {strides = array<i32>} : memref<128xi32, #tpu.memory_space<vmem>>, vector<16xi32>,
      tpu.vector_store %arg11[%swap3A], %get3A_340 {strides = array<i32>} : memref<128xi32, #tpu.memory_space<vmem>>, vector<16xi32>,
      %mul3A_342 = arith.constant 128 : i32
      %mul3A_343 = arith.muli %add3A_335, %mul3A_342 : i32
      %add3A_344 = arith.constant 16 : i32
      %add3A_345 = arith.addi %mul3A_343, %add3A_344 : i32
      %get3A_346 = arith.index_cast %add3A_345 : i32 to index
      %get3A_347 = tpu.vector_load %arg7[%get3A_346] {strides = array<i32>} : memref<4352xi32, #tpu.memory_space<vmem>>, vector<16xi32>,
      %swap3A_348 = arith.constant 16 : index
      %swap3A_349 = tpu.vector_load %arg11[%swap3A_348] {strides = array<i32>} : memref<128xi32, #tpu.memory_space<vmem>>, vector<16xi32>,
      tpu.vector_store %arg11[%swap3A_348], %get3A_347 {strides = array<i32>} : memref<128xi32, #tpu.memory_space<vmem>>, vector<16xi32>,
      %mul3A_350 = arith.constant 128 : i32
      %mul3A_351 = arith.muli %add3A_335, %mul3A_350 : i32
      %add3A_352 = arith.constant 32 : i32
      %add3A_353 = arith.addi %mul3A_351, %add3A_352 : i32
      %get3A_354 = arith.index_cast %add3A_353 : i32 to index
      %get3A_355 = tpu.vector_load %arg7[%get3A_354] {strides = array<i32>} : memref<4352xi32, #tpu.memory_space<vmem>>, vector<16xi32>,
      %swap3A_356 = arith.constant 32 : index
      %swap3A_357 = tpu.vector_load %arg11[%swap3A_356] {strides = array<i32>} : memref<128xi32, #tpu.memory_space<vmem>>, vector<16xi32>,
      tpu.vector_store %arg11[%swap3A_356], %get3A_355 {strides = array<i32>} : memref<128xi32, #tpu.memory_space<vmem>>, vector<16xi32>,
      %mul3A_358 = arith.constant 128 : i32
      %mul3A_359 = arith.muli %add3A_335, %mul3A_358 : i32
      %add3A_360 = arith.constant 48 : i32
      %add3A_361 = arith.addi %mul3A_359, %add3A_360 : i32
      %get3A_362 = arith.index_cast %add3A_361 : i32 to index
      %get3A_363 = tpu.vector_load %arg7[%get3A_362] {strides = array<i32>} : memref<4352xi32, #tpu.memory_space<vmem>>, vector<16xi32>,
      %swap3A_364 = arith.constant 48 : index
      %swap3A_365 = tpu.vector_load %arg11[%swap3A_364] {strides = array<i32>} : memref<128xi32, #tpu.memory_space<vmem>>, vector<16xi32>,
      tpu.vector_store %arg11[%swap3A_364], %get3A_363 {strides = array<i32>} : memref<128xi32, #tpu.memory_space<vmem>>, vector<16xi32>,
      %mul3A_366 = arith.constant 128 : i32
      %mul3A_367 = arith.muli %add3A_335, %mul3A_366 : i32
      %add3A_368 = arith.constant 64 : i32
      %add3A_369 = arith.addi %mul3A_367, %add3A_368 : i32
      %get3A_370 = arith.index_cast %add3A_369 : i32 to index
      %get3A_371 = tpu.vector_load %arg7[%get3A_370] {strides = array<i32>} : memref<4352xi32, #tpu.memory_space<vmem>>, vector<16xi32>,
      %swap3A_372 = arith.constant 64 : index
      %swap3A_373 = tpu.vector_load %arg11[%swap3A_372] {strides = array<i32>} : memref<128xi32, #tpu.memory_space<vmem>>, vector<16xi32>,
      tpu.vector_store %arg11[%swap3A_372], %get3A_371 {strides = array<i32>} : memref<128xi32, #tpu.memory_space<vmem>>, vector<16xi32>,
      %mul3A_374 = arith.constant 128 : i32
      %mul3A_375 = arith.muli %add3A_335, %mul3A_374 : i32
      %add3A_376 = arith.constant 80 : i32
      %add3A_377 = arith.addi %mul3A_375, %add3A_376 : i32
      %get3A_378 = arith.index_cast %add3A_377 : i32 to index
      %get3A_379 = tpu.vector_load %arg7[%get3A_378] {strides = array<i32>} : memref<4352xi32, #tpu.memory_space<vmem>>, vector<16xi32>,
      %swap3A_380 = arith.constant 80 : index
      %swap3A_381 = tpu.vector_load %arg11[%swap3A_380] {strides = array<i32>} : memref<128xi32, #tpu.memory_space<vmem>>, vector<16xi32>,
      tpu.vector_store %arg11[%swap3A_380], %get3A_379 {strides = array<i32>} : memref<128xi32, #tpu.memory_space<vmem>>, vector<16xi32>,
      %mul3A_382 = arith.constant 128 : i32
      %mul3A_383 = arith.muli %add3A_335, %mul3A_382 : i32
      %add3A_384 = arith.constant 96 : i32
      %add3A_385 = arith.addi %mul3A_383, %add3A_384 : i32
      %get3A_386 = arith.index_cast %add3A_385 : i32 to index
      %get3A_387 = tpu.vector_load %arg7[%get3A_386] {strides = array<i32>} : memref<4352xi32, #tpu.memory_space<vmem>>, vector<16xi32>,
      %swap3A_388 = arith.constant 96 : index
      %swap3A_389 = tpu.vector_load %arg11[%swap3A_388] {strides = array<i32>} : memref<128xi32, #tpu.memory_space<vmem>>, vector<16xi32>,
      tpu.vector_store %arg11[%swap3A_388], %get3A_387 {strides = array<i32>} : memref<128xi32, #tpu.memory_space<vmem>>, vector<16xi32>,
      %mul3A_390 = arith.constant 128 : i32
      %mul3A_391 = arith.muli %add3A_335, %mul3A_390 : i32
      %add3A_392 = arith.constant 112 : i32
      %add3A_393 = arith.addi %mul3A_391, %add3A_392 : i32
      %get3A_394 = arith.index_cast %add3A_393 : i32 to index
      %get3A_395 = tpu.vector_load %arg7[%get3A_394] {strides = array<i32>} : memref<4352xi32, #tpu.memory_space<vmem>>, vector<16xi32>,
      %swap3A_396 = arith.constant 112 : index
      %swap3A_397 = tpu.vector_load %arg11[%swap3A_396] {strides = array<i32>} : memref<128xi32, #tpu.memory_space<vmem>>, vector<16xi32>,
      tpu.vector_store %arg11[%swap3A_396], %get3A_395 {strides = array<i32>} : memref<128xi32, #tpu.memory_space<vmem>>, vector<16xi32>,
      %mul3A_398 = arith.constant 128 : i32
      %mul3A_399 = arith.muli %add3A_335, %mul3A_398 : i32
      %dma_wait3A = arith.constant 0 : i32
      %dma_wait3A_400 = arith.constant 0 : i32
      %dma_wait3A_401 = arith.constant 0 : i32
      %dma_wait3A_402 = tpu.memref_slice %arg10[%dma_wait3A, %dma_wait3A_400, %dma_wait3A_401] : memref<2x128x128xf32, #tpu.memory_space<vmem>> -> memref<1x128x128xf32, #tpu.memory_space<vmem>>
      %dma_wait3A_403 = tpu.memref_squeeze %dma_wait3A_402 : memref<1x128x128xf32, #tpu.memory_space<vmem>> -> memref<128x128xf32, #tpu.memory_space<vmem>>
      %dma_wait3A_404 = tpu.memref_slice %arg6[%mul3A_399] : memref<4352xi32, #tpu.memory_space<vmem>> -> memref<128xi32, #tpu.memory_space<vmem>>
      %dma_wait3A_405 = arith.constant 0 : i32
      %dma_wait3A_406 = arith.constant 0 : i32
      %dma_wait3A_407 = tpu.memref_slice %arg2[%dma_wait3A_405, %dma_wait3A_406] : memref<10000x128xf32, #tpu.memory_space<hbm>> -> memref<10000x128xf32, #tpu.memory_space<hbm>>
      tpu.wait_indirect_dma semaphore(%arg13 : memref<!tpu.dma_semaphore, #tpu.memory_space<semaphore_mem>>) src(%dma_wait3A_407 : memref<10000x128xf32, #tpu.memory_space<hbm>>) dst(%dma_wait3A_403 : memref<128x128xf32, #tpu.memory_space<vmem>>)
      %add3A_408 = arith.constant 1 : i32
      %add3A_409 = arith.addi %add3A_335, %add3A_408 : i32
      %lt3A = arith.cmpi slt, %add3A_409, %select_n3A_169 : i32
      %convert_element_type3A_410 = arith.extui %lt3A : i1 to i32
      %cond3A_411 = arith.constant 0 : i32
      %cond3A_412 = arith.cmpi ne, %convert_element_type3A_410, %cond3A_411 : i32
      scf.if %cond3A_412 {
        %add3A_419 = arith.constant 1 : i32
        %add3A_420 = arith.addi %add3A_335, %add3A_419 : i32
        %mul3A_421 = arith.constant 128 : i32
        %mul3A_422 = arith.muli %add3A_420, %mul3A_421 : i32
        %dma_start3A = arith.constant 1 : i32
        %dma_start3A_423 = arith.constant 0 : i32
        %dma_start3A_424 = arith.constant 0 : i32
        %dma_start3A_425 = tpu.memref_slice %arg10[%dma_start3A, %dma_start3A_423, %dma_start3A_424] : memref<2x128x128xf32, #tpu.memory_space<vmem>> -> memref<1x128x128xf32, #tpu.memory_space<vmem>>
        %dma_start3A_426 = tpu.memref_squeeze %dma_start3A_425 : memref<1x128x128xf32, #tpu.memory_space<vmem>> -> memref<128x128xf32, #tpu.memory_space<vmem>>
        %dma_start3A_427 = tpu.memref_slice %arg6[%mul3A_422] : memref<4352xi32, #tpu.memory_space<vmem>> -> memref<128xi32, #tpu.memory_space<vmem>>
        %dma_start3A_428 = arith.constant 0 : i32
        %dma_start3A_429 = arith.constant 0 : i32
        %dma_start3A_430 = tpu.memref_slice %arg2[%dma_start3A_428, %dma_start3A_429] : memref<10000x128xf32, #tpu.memory_space<hbm>> -> memref<10000x128xf32, #tpu.memory_space<hbm>>
        tpu.enqueue_indirect_dma source(%dma_start3A_430 : memref<10000x128xf32, #tpu.memory_space<hbm>>) target(%dma_start3A_426 : memref<128x128xf32, #tpu.memory_space<vmem>>) offsets(%dma_start3A_427 : memref<128xi32, #tpu.memory_space<vmem>>) semaphore(%arg14 : memref<!tpu.dma_semaphore, #tpu.memory_space<semaphore_mem>>)
      } else {
      }
      %run_scoped3A = arith.constant 0 : i32
      "tpu.region"() ({
        %run_scoped3A_419 = tpu.sem_alloc : memref<!tpu.dma_semaphore, #tpu.memory_space<semaphore_mem>>
        %dma_start3A = arith.constant 0 : i32
        %dma_start3A_420 = arith.constant 0 : i32
        %dma_start3A_421 = tpu.memref_slice %arg10[%run_scoped3A, %dma_start3A, %dma_start3A_420] : memref<2x128x128xf32, #tpu.memory_space<vmem>> -> memref<1x128x128xf32, #tpu.memory_space<vmem>>
        %dma_start3A_422 = tpu.memref_squeeze %dma_start3A_421 : memref<1x128x128xf32, #tpu.memory_space<vmem>> -> memref<128x128xf32, #tpu.memory_space<vmem>>
        %dma_start3A_423 = arith.constant 0 : i32
        %dma_start3A_424 = arith.constant 0 : i32
        %dma_start3A_425 = tpu.memref_slice %arg15[%dma_start3A_423, %dma_start3A_424] : memref<5128x128xf32, #tpu.memory_space<vmem_shared>> -> memref<5128x128xf32, #tpu.memory_space<vmem_shared>>
        tpu.enqueue_indirect_dma source(%dma_start3A_422 : memref<128x128xf32, #tpu.memory_space<vmem>>) target(%dma_start3A_425 : memref<5128x128xf32, #tpu.memory_space<vmem_shared>>) offsets(%arg11 : memref<128xi32, #tpu.memory_space<vmem>>) semaphore(%run_scoped3A_419 : memref<!tpu.dma_semaphore, #tpu.memory_space<semaphore_mem>>) {add = true}
        %dma_wait3A_426 = arith.constant 0 : i32
        %dma_wait3A_427 = arith.constant 0 : i32
        %dma_wait3A_428 = tpu.memref_slice %arg10[%run_scoped3A, %dma_wait3A_426, %dma_wait3A_427] : memref<2x128x128xf32, #tpu.memory_space<vmem>> -> memref<1x128x128xf32, #tpu.memory_space<vmem>>
        %dma_wait3A_429 = tpu.memref_squeeze %dma_wait3A_428 : memref<1x128x128xf32, #tpu.memory_space<vmem>> -> memref<128x128xf32, #tpu.memory_space<vmem>>
        %dma_wait3A_430 = arith.constant 0 : i32
        %dma_wait3A_431 = arith.constant 0 : i32
        %dma_wait3A_432 = tpu.memref_slice %arg15[%dma_wait3A_430, %dma_wait3A_431] : memref<5128x128xf32, #tpu.memory_space<vmem_shared>> -> memref<5128x128xf32, #tpu.memory_space<vmem_shared>>
        tpu.wait_indirect_dma semaphore(%run_scoped3A_419 : memref<!tpu.dma_semaphore, #tpu.memory_space<semaphore_mem>>) src(%dma_wait3A_429 : memref<128x128xf32, #tpu.memory_space<vmem>>) dst(%dma_wait3A_432 : memref<5128x128xf32, #tpu.memory_space<vmem_shared>>)
        tpu.yield
      }) : () -> ()
      %add3A_413 = arith.constant 1 : i32
      %add3A_414 = arith.addi %add3A_335, %add3A_413 : i32
      %lt3A_415 = arith.cmpi slt, %add3A_414, %select_n3A_169 : i32
      %convert_element_type3A_416 = arith.extui %lt3A_415 : i1 to i32
      %cond3A_417 = arith.constant 0 : i32
      %cond3A_418 = arith.cmpi ne, %convert_element_type3A_416, %cond3A_417 : i32
      scf.if %cond3A_418 {
        %add3A_419 = arith.constant 1 : i32
        %add3A_420 = arith.addi %add3A_335, %add3A_419 : i32
        %mul3A_421 = arith.constant 128 : i32
        %mul3A_422 = arith.muli %add3A_420, %mul3A_421 : i32
        %add3A_423 = arith.constant 0 : i32
        %add3A_424 = arith.addi %mul3A_422, %add3A_423 : i32
        %get3A_425 = arith.index_cast %add3A_424 : i32 to index
        %get3A_426 = tpu.vector_load %arg7[%get3A_425] {strides = array<i32>} : memref<4352xi32, #tpu.memory_space<vmem>>, vector<16xi32>,
        %swap3A_427 = arith.constant 0 : index
        %swap3A_428 = tpu.vector_load %arg11[%swap3A_427] {strides = array<i32>} : memref<128xi32, #tpu.memory_space<vmem>>, vector<16xi32>,
        tpu.vector_store %arg11[%swap3A_427], %get3A_426 {strides = array<i32>} : memref<128xi32, #tpu.memory_space<vmem>>, vector<16xi32>,
        %mul3A_429 = arith.constant 128 : i32
        %mul3A_430 = arith.muli %add3A_420, %mul3A_429 : i32
        %add3A_431 = arith.constant 16 : i32
        %add3A_432 = arith.addi %mul3A_430, %add3A_431 : i32
        %get3A_433 = arith.index_cast %add3A_432 : i32 to index
        %get3A_434 = tpu.vector_load %arg7[%get3A_433] {strides = array<i32>} : memref<4352xi32, #tpu.memory_space<vmem>>, vector<16xi32>,
        %swap3A_435 = arith.constant 16 : index
        %swap3A_436 = tpu.vector_load %arg11[%swap3A_435] {strides = array<i32>} : memref<128xi32, #tpu.memory_space<vmem>>, vector<16xi32>,
        tpu.vector_store %arg11[%swap3A_435], %get3A_434 {strides = array<i32>} : memref<128xi32, #tpu.memory_space<vmem>>, vector<16xi32>,
        %mul3A_437 = arith.constant 128 : i32
        %mul3A_438 = arith.muli %add3A_420, %mul3A_437 : i32
        %add3A_439 = arith.constant 32 : i32
        %add3A_440 = arith.addi %mul3A_438, %add3A_439 : i32
        %get3A_441 = arith.index_cast %add3A_440 : i32 to index
        %get3A_442 = tpu.vector_load %arg7[%get3A_441] {strides = array<i32>} : memref<4352xi32, #tpu.memory_space<vmem>>, vector<16xi32>,
        %swap3A_443 = arith.constant 32 : index
        %swap3A_444 = tpu.vector_load %arg11[%swap3A_443] {strides = array<i32>} : memref<128xi32, #tpu.memory_space<vmem>>, vector<16xi32>,
        tpu.vector_store %arg11[%swap3A_443], %get3A_442 {strides = array<i32>} : memref<128xi32, #tpu.memory_space<vmem>>, vector<16xi32>,
        %mul3A_445 = arith.constant 128 : i32
        %mul3A_446 = arith.muli %add3A_420, %mul3A_445 : i32
        %add3A_447 = arith.constant 48 : i32
        %add3A_448 = arith.addi %mul3A_446, %add3A_447 : i32
        %get3A_449 = arith.index_cast %add3A_448 : i32 to index
        %get3A_450 = tpu.vector_load %arg7[%get3A_449] {strides = array<i32>} : memref<4352xi32, #tpu.memory_space<vmem>>, vector<16xi32>,
        %swap3A_451 = arith.constant 48 : index
        %swap3A_452 = tpu.vector_load %arg11[%swap3A_451] {strides = array<i32>} : memref<128xi32, #tpu.memory_space<vmem>>, vector<16xi32>,
        tpu.vector_store %arg11[%swap3A_451], %get3A_450 {strides = array<i32>} : memref<128xi32, #tpu.memory_space<vmem>>, vector<16xi32>,
        %mul3A_453 = arith.constant 128 : i32
        %mul3A_454 = arith.muli %add3A_420, %mul3A_453 : i32
        %add3A_455 = arith.constant 64 : i32
        %add3A_456 = arith.addi %mul3A_454, %add3A_455 : i32
        %get3A_457 = arith.index_cast %add3A_456 : i32 to index
        %get3A_458 = tpu.vector_load %arg7[%get3A_457] {strides = array<i32>} : memref<4352xi32, #tpu.memory_space<vmem>>, vector<16xi32>,
        %swap3A_459 = arith.constant 64 : index
        %swap3A_460 = tpu.vector_load %arg11[%swap3A_459] {strides = array<i32>} : memref<128xi32, #tpu.memory_space<vmem>>, vector<16xi32>,
        tpu.vector_store %arg11[%swap3A_459], %get3A_458 {strides = array<i32>} : memref<128xi32, #tpu.memory_space<vmem>>, vector<16xi32>,
        %mul3A_461 = arith.constant 128 : i32
        %mul3A_462 = arith.muli %add3A_420, %mul3A_461 : i32
        %add3A_463 = arith.constant 80 : i32
        %add3A_464 = arith.addi %mul3A_462, %add3A_463 : i32
        %get3A_465 = arith.index_cast %add3A_464 : i32 to index
        %get3A_466 = tpu.vector_load %arg7[%get3A_465] {strides = array<i32>} : memref<4352xi32, #tpu.memory_space<vmem>>, vector<16xi32>,
        %swap3A_467 = arith.constant 80 : index
        %swap3A_468 = tpu.vector_load %arg11[%swap3A_467] {strides = array<i32>} : memref<128xi32, #tpu.memory_space<vmem>>, vector<16xi32>,
        tpu.vector_store %arg11[%swap3A_467], %get3A_466 {strides = array<i32>} : memref<128xi32, #tpu.memory_space<vmem>>, vector<16xi32>,
        %mul3A_469 = arith.constant 128 : i32
        %mul3A_470 = arith.muli %add3A_420, %mul3A_469 : i32
        %add3A_471 = arith.constant 96 : i32
        %add3A_472 = arith.addi %mul3A_470, %add3A_471 : i32
        %get3A_473 = arith.index_cast %add3A_472 : i32 to index
        %get3A_474 = tpu.vector_load %arg7[%get3A_473] {strides = array<i32>} : memref<4352xi32, #tpu.memory_space<vmem>>, vector<16xi32>,
        %swap3A_475 = arith.constant 96 : index
        %swap3A_476 = tpu.vector_load %arg11[%swap3A_475] {strides = array<i32>} : memref<128xi32, #tpu.memory_space<vmem>>, vector<16xi32>,
        tpu.vector_store %arg11[%swap3A_475], %get3A_474 {strides = array<i32>} : memref<128xi32, #tpu.memory_space<vmem>>, vector<16xi32>,
        %mul3A_477 = arith.constant 128 : i32
        %mul3A_478 = arith.muli %add3A_420, %mul3A_477 : i32
        %add3A_479 = arith.constant 112 : i32
        %add3A_480 = arith.addi %mul3A_478, %add3A_479 : i32
        %get3A_481 = arith.index_cast %add3A_480 : i32 to index
        %get3A_482 = tpu.vector_load %arg7[%get3A_481] {strides = array<i32>} : memref<4352xi32, #tpu.memory_space<vmem>>, vector<16xi32>,
        %swap3A_483 = arith.constant 112 : index
        %swap3A_484 = tpu.vector_load %arg11[%swap3A_483] {strides = array<i32>} : memref<128xi32, #tpu.memory_space<vmem>>, vector<16xi32>,
        tpu.vector_store %arg11[%swap3A_483], %get3A_482 {strides = array<i32>} : memref<128xi32, #tpu.memory_space<vmem>>, vector<16xi32>,
        %mul3A_485 = arith.constant 128 : i32
        %mul3A_486 = arith.muli %add3A_420, %mul3A_485 : i32
        %dma_wait3A_487 = arith.constant 1 : i32
        %dma_wait3A_488 = arith.constant 0 : i32
        %dma_wait3A_489 = arith.constant 0 : i32
        %dma_wait3A_490 = tpu.memref_slice %arg10[%dma_wait3A_487, %dma_wait3A_488, %dma_wait3A_489] : memref<2x128x128xf32, #tpu.memory_space<vmem>> -> memref<1x128x128xf32, #tpu.memory_space<vmem>>
        %dma_wait3A_491 = tpu.memref_squeeze %dma_wait3A_490 : memref<1x128x128xf32, #tpu.memory_space<vmem>> -> memref<128x128xf32, #tpu.memory_space<vmem>>
        %dma_wait3A_492 = tpu.memref_slice %arg6[%mul3A_486] : memref<4352xi32, #tpu.memory_space<vmem>> -> memref<128xi32, #tpu.memory_space<vmem>>
        %dma_wait3A_493 = arith.constant 0 : i32
        %dma_wait3A_494 = arith.constant 0 : i32
        %dma_wait3A_495 = tpu.memref_slice %arg2[%dma_wait3A_493, %dma_wait3A_494] : memref<10000x128xf32, #tpu.memory_space<hbm>> -> memref<10000x128xf32, #tpu.memory_space<hbm>>
        tpu.wait_indirect_dma semaphore(%arg14 : memref<!tpu.dma_semaphore, #tpu.memory_space<semaphore_mem>>) src(%dma_wait3A_495 : memref<10000x128xf32, #tpu.memory_space<hbm>>) dst(%dma_wait3A_491 : memref<128x128xf32, #tpu.memory_space<vmem>>)
        %add3A_496 = arith.constant 1 : i32
        %add3A_497 = arith.addi %add3A_420, %add3A_496 : i32
        %lt3A_498 = arith.cmpi slt, %add3A_497, %select_n3A_169 : i32
        %convert_element_type3A_499 = arith.extui %lt3A_498 : i1 to i32
        %cond3A_500 = arith.constant 0 : i32
        %cond3A_501 = arith.cmpi ne, %convert_element_type3A_499, %cond3A_500 : i32
        scf.if %cond3A_501 {
          %add3A_503 = arith.constant 1 : i32
          %add3A_504 = arith.addi %add3A_420, %add3A_503 : i32
          %mul3A_505 = arith.constant 128 : i32
          %mul3A_506 = arith.muli %add3A_504, %mul3A_505 : i32
          %dma_start3A = arith.constant 0 : i32
          %dma_start3A_507 = arith.constant 0 : i32
          %dma_start3A_508 = arith.constant 0 : i32
          %dma_start3A_509 = tpu.memref_slice %arg10[%dma_start3A, %dma_start3A_507, %dma_start3A_508] : memref<2x128x128xf32, #tpu.memory_space<vmem>> -> memref<1x128x128xf32, #tpu.memory_space<vmem>>
          %dma_start3A_510 = tpu.memref_squeeze %dma_start3A_509 : memref<1x128x128xf32, #tpu.memory_space<vmem>> -> memref<128x128xf32, #tpu.memory_space<vmem>>
          %dma_start3A_511 = tpu.memref_slice %arg6[%mul3A_506] : memref<4352xi32, #tpu.memory_space<vmem>> -> memref<128xi32, #tpu.memory_space<vmem>>
          %dma_start3A_512 = arith.constant 0 : i32
          %dma_start3A_513 = arith.constant 0 : i32
          %dma_start3A_514 = tpu.memref_slice %arg2[%dma_start3A_512, %dma_start3A_513] : memref<10000x128xf32, #tpu.memory_space<hbm>> -> memref<10000x128xf32, #tpu.memory_space<hbm>>
          tpu.enqueue_indirect_dma source(%dma_start3A_514 : memref<10000x128xf32, #tpu.memory_space<hbm>>) target(%dma_start3A_510 : memref<128x128xf32, #tpu.memory_space<vmem>>) offsets(%dma_start3A_511 : memref<128xi32, #tpu.memory_space<vmem>>) semaphore(%arg13 : memref<!tpu.dma_semaphore, #tpu.memory_space<semaphore_mem>>)
        } else {
        }
        %run_scoped3A_502 = arith.constant 1 : i32
        "tpu.region"() ({
          %run_scoped3A_503 = tpu.sem_alloc : memref<!tpu.dma_semaphore, #tpu.memory_space<semaphore_mem>>
          %dma_start3A = arith.constant 0 : i32
          %dma_start3A_504 = arith.constant 0 : i32
          %dma_start3A_505 = tpu.memref_slice %arg10[%run_scoped3A_502, %dma_start3A, %dma_start3A_504] : memref<2x128x128xf32, #tpu.memory_space<vmem>> -> memref<1x128x128xf32, #tpu.memory_space<vmem>>
          %dma_start3A_506 = tpu.memref_squeeze %dma_start3A_505 : memref<1x128x128xf32, #tpu.memory_space<vmem>> -> memref<128x128xf32, #tpu.memory_space<vmem>>
          %dma_start3A_507 = arith.constant 0 : i32
          %dma_start3A_508 = arith.constant 0 : i32
          %dma_start3A_509 = tpu.memref_slice %arg15[%dma_start3A_507, %dma_start3A_508] : memref<5128x128xf32, #tpu.memory_space<vmem_shared>> -> memref<5128x128xf32, #tpu.memory_space<vmem_shared>>
          tpu.enqueue_indirect_dma source(%dma_start3A_506 : memref<128x128xf32, #tpu.memory_space<vmem>>) target(%dma_start3A_509 : memref<5128x128xf32, #tpu.memory_space<vmem_shared>>) offsets(%arg11 : memref<128xi32, #tpu.memory_space<vmem>>) semaphore(%run_scoped3A_503 : memref<!tpu.dma_semaphore, #tpu.memory_space<semaphore_mem>>) {add = true}
          %dma_wait3A_510 = arith.constant 0 : i32
          %dma_wait3A_511 = arith.constant 0 : i32
          %dma_wait3A_512 = tpu.memref_slice %arg10[%run_scoped3A_502, %dma_wait3A_510, %dma_wait3A_511] : memref<2x128x128xf32, #tpu.memory_space<vmem>> -> memref<1x128x128xf32, #tpu.memory_space<vmem>>
          %dma_wait3A_513 = tpu.memref_squeeze %dma_wait3A_512 : memref<1x128x128xf32, #tpu.memory_space<vmem>> -> memref<128x128xf32, #tpu.memory_space<vmem>>
          %dma_wait3A_514 = arith.constant 0 : i32
          %dma_wait3A_515 = arith.constant 0 : i32
          %dma_wait3A_516 = tpu.memref_slice %arg15[%dma_wait3A_514, %dma_wait3A_515] : memref<5128x128xf32, #tpu.memory_space<vmem_shared>> -> memref<5128x128xf32, #tpu.memory_space<vmem_shared>>
          tpu.wait_indirect_dma semaphore(%run_scoped3A_503 : memref<!tpu.dma_semaphore, #tpu.memory_space<semaphore_mem>>) src(%dma_wait3A_513 : memref<128x128xf32, #tpu.memory_space<vmem>>) dst(%dma_wait3A_516 : memref<5128x128xf32, #tpu.memory_space<vmem_shared>>)
          tpu.yield
        }) : () -> ()
      } else {
      }
    }
    %while3A_193 = arith.constant 1 : i32
    scf.for %while3A_333 = %while3A_191 to %while3A_187 step %while3A_193  : i32 {
      %mul3A_334 = arith.muli %while3A_333, %while3A_183 : i32
      %add3A_335 = arith.addi %while3A_184, %mul3A_334 : i32
      %mul3A_336 = arith.constant 128 : i32
      %mul3A_337 = arith.muli %add3A_335, %mul3A_336 : i32
      %add3A_338 = arith.constant 0 : i32
      %add3A_339 = arith.addi %mul3A_337, %add3A_338 : i32
      %get3A = arith.index_cast %add3A_339 : i32 to index
      %get3A_340 = tpu.vector_load %arg7[%get3A] {strides = array<i32>} : memref<4352xi32, #tpu.memory_space<vmem>>, vector<16xi32>,
      %swap3A = arith.constant 0 : index
      %swap3A_341 = tpu.vector_load %arg11[%swap3A] {strides = array<i32>} : memref<128xi32, #tpu.memory_space<vmem>>, vector<16xi32>,
      tpu.vector_store %arg11[%swap3A], %get3A_340 {strides = array<i32>} : memref<128xi32, #tpu.memory_space<vmem>>, vector<16xi32>,
      %mul3A_342 = arith.constant 128 : i32
      %mul3A_343 = arith.muli %add3A_335, %mul3A_342 : i32
      %add3A_344 = arith.constant 16 : i32
      %add3A_345 = arith.addi %mul3A_343, %add3A_344 : i32
      %get3A_346 = arith.index_cast %add3A_345 : i32 to index
      %get3A_347 = tpu.vector_load %arg7[%get3A_346] {strides = array<i32>} : memref<4352xi32, #tpu.memory_space<vmem>>, vector<16xi32>,
      %swap3A_348 = arith.constant 16 : index
      %swap3A_349 = tpu.vector_load %arg11[%swap3A_348] {strides = array<i32>} : memref<128xi32, #tpu.memory_space<vmem>>, vector<16xi32>,
      tpu.vector_store %arg11[%swap3A_348], %get3A_347 {strides = array<i32>} : memref<128xi32, #tpu.memory_space<vmem>>, vector<16xi32>,
      %mul3A_350 = arith.constant 128 : i32
      %mul3A_351 = arith.muli %add3A_335, %mul3A_350 : i32
      %add3A_352 = arith.constant 32 : i32
      %add3A_353 = arith.addi %mul3A_351, %add3A_352 : i32
      %get3A_354 = arith.index_cast %add3A_353 : i32 to index
      %get3A_355 = tpu.vector_load %arg7[%get3A_354] {strides = array<i32>} : memref<4352xi32, #tpu.memory_space<vmem>>, vector<16xi32>,
      %swap3A_356 = arith.constant 32 : index
      %swap3A_357 = tpu.vector_load %arg11[%swap3A_356] {strides = array<i32>} : memref<128xi32, #tpu.memory_space<vmem>>, vector<16xi32>,
      tpu.vector_store %arg11[%swap3A_356], %get3A_355 {strides = array<i32>} : memref<128xi32, #tpu.memory_space<vmem>>, vector<16xi32>,
      %mul3A_358 = arith.constant 128 : i32
      %mul3A_359 = arith.muli %add3A_335, %mul3A_358 : i32
      %add3A_360 = arith.constant 48 : i32
      %add3A_361 = arith.addi %mul3A_359, %add3A_360 : i32
      %get3A_362 = arith.index_cast %add3A_361 : i32 to index
      %get3A_363 = tpu.vector_load %arg7[%get3A_362] {strides = array<i32>} : memref<4352xi32, #tpu.memory_space<vmem>>, vector<16xi32>,
      %swap3A_364 = arith.constant 48 : index
      %swap3A_365 = tpu.vector_load %arg11[%swap3A_364] {strides = array<i32>} : memref<128xi32, #tpu.memory_space<vmem>>, vector<16xi32>,
      tpu.vector_store %arg11[%swap3A_364], %get3A_363 {strides = array<i32>} : memref<128xi32, #tpu.memory_space<vmem>>, vector<16xi32>,
      %mul3A_366 = arith.constant 128 : i32
      %mul3A_367 = arith.muli %add3A_335, %mul3A_366 : i32
      %add3A_368 = arith.constant 64 : i32
      %add3A_369 = arith.addi %mul3A_367, %add3A_368 : i32
      %get3A_370 = arith.index_cast %add3A_369 : i32 to index
      %get3A_371 = tpu.vector_load %arg7[%get3A_370] {strides = array<i32>} : memref<4352xi32, #tpu.memory_space<vmem>>, vector<16xi32>,
      %swap3A_372 = arith.constant 64 : index
      %swap3A_373 = tpu.vector_load %arg11[%swap3A_372] {strides = array<i32>} : memref<128xi32, #tpu.memory_space<vmem>>, vector<16xi32>,
      tpu.vector_store %arg11[%swap3A_372], %get3A_371 {strides = array<i32>} : memref<128xi32, #tpu.memory_space<vmem>>, vector<16xi32>,
      %mul3A_374 = arith.constant 128 : i32
      %mul3A_375 = arith.muli %add3A_335, %mul3A_374 : i32
      %add3A_376 = arith.constant 80 : i32
      %add3A_377 = arith.addi %mul3A_375, %add3A_376 : i32
      %get3A_378 = arith.index_cast %add3A_377 : i32 to index
      %get3A_379 = tpu.vector_load %arg7[%get3A_378] {strides = array<i32>} : memref<4352xi32, #tpu.memory_space<vmem>>, vector<16xi32>,
      %swap3A_380 = arith.constant 80 : index
      %swap3A_381 = tpu.vector_load %arg11[%swap3A_380] {strides = array<i32>} : memref<128xi32, #tpu.memory_space<vmem>>, vector<16xi32>,
      tpu.vector_store %arg11[%swap3A_380], %get3A_379 {strides = array<i32>} : memref<128xi32, #tpu.memory_space<vmem>>, vector<16xi32>,
      %mul3A_382 = arith.constant 128 : i32
      %mul3A_383 = arith.muli %add3A_335, %mul3A_382 : i32
      %add3A_384 = arith.constant 96 : i32
      %add3A_385 = arith.addi %mul3A_383, %add3A_384 : i32
      %get3A_386 = arith.index_cast %add3A_385 : i32 to index
      %get3A_387 = tpu.vector_load %arg7[%get3A_386] {strides = array<i32>} : memref<4352xi32, #tpu.memory_space<vmem>>, vector<16xi32>,
      %swap3A_388 = arith.constant 96 : index
      %swap3A_389 = tpu.vector_load %arg11[%swap3A_388] {strides = array<i32>} : memref<128xi32, #tpu.memory_space<vmem>>, vector<16xi32>,
      tpu.vector_store %arg11[%swap3A_388], %get3A_387 {strides = array<i32>} : memref<128xi32, #tpu.memory_space<vmem>>, vector<16xi32>,
      %mul3A_390 = arith.constant 128 : i32
      %mul3A_391 = arith.muli %add3A_335, %mul3A_390 : i32
      %add3A_392 = arith.constant 112 : i32
      %add3A_393 = arith.addi %mul3A_391, %add3A_392 : i32
      %get3A_394 = arith.index_cast %add3A_393 : i32 to index
      %get3A_395 = tpu.vector_load %arg7[%get3A_394] {strides = array<i32>} : memref<4352xi32, #tpu.memory_space<vmem>>, vector<16xi32>,
      %swap3A_396 = arith.constant 112 : index
      %swap3A_397 = tpu.vector_load %arg11[%swap3A_396] {strides = array<i32>} : memref<128xi32, #tpu.memory_space<vmem>>, vector<16xi32>,
      tpu.vector_store %arg11[%swap3A_396], %get3A_395 {strides = array<i32>} : memref<128xi32, #tpu.memory_space<vmem>>, vector<16xi32>,
      %mul3A_398 = arith.constant 128 : i32
      %mul3A_399 = arith.muli %add3A_335, %mul3A_398 : i32
      %dma_wait3A = arith.constant 0 : i32
      %dma_wait3A_400 = arith.constant 0 : i32
      %dma_wait3A_401 = arith.constant 0 : i32
      %dma_wait3A_402 = tpu.memref_slice %arg10[%dma_wait3A, %dma_wait3A_400, %dma_wait3A_401] : memref<2x128x128xf32, #tpu.memory_space<vmem>> -> memref<1x128x128xf32, #tpu.memory_space<vmem>>
      %dma_wait3A_403 = tpu.memref_squeeze %dma_wait3A_402 : memref<1x128x128xf32, #tpu.memory_space<vmem>> -> memref<128x128xf32, #tpu.memory_space<vmem>>
      %dma_wait3A_404 = tpu.memref_slice %arg6[%mul3A_399] : memref<4352xi32, #tpu.memory_space<vmem>> -> memref<128xi32, #tpu.memory_space<vmem>>
      %dma_wait3A_405 = arith.constant 0 : i32
      %dma_wait3A_406 = arith.constant 0 : i32
      %dma_wait3A_407 = tpu.memref_slice %arg2[%dma_wait3A_405, %dma_wait3A_406] : memref<10000x128xf32, #tpu.memory_space<hbm>> -> memref<10000x128xf32, #tpu.memory_space<hbm>>
      tpu.wait_indirect_dma semaphore(%arg13 : memref<!tpu.dma_semaphore, #tpu.memory_space<semaphore_mem>>) src(%dma_wait3A_407 : memref<10000x128xf32, #tpu.memory_space<hbm>>) dst(%dma_wait3A_403 : memref<128x128xf32, #tpu.memory_space<vmem>>)
      %add3A_408 = arith.constant 1 : i32
      %add3A_409 = arith.addi %add3A_335, %add3A_408 : i32
      %lt3A = arith.cmpi slt, %add3A_409, %select_n3A_169 : i32
      %convert_element_type3A_410 = arith.extui %lt3A : i1 to i32
      %cond3A_411 = arith.constant 0 : i32
      %cond3A_412 = arith.cmpi ne, %convert_element_type3A_410, %cond3A_411 : i32
      scf.if %cond3A_412 {
        %add3A_419 = arith.constant 1 : i32
        %add3A_420 = arith.addi %add3A_335, %add3A_419 : i32
        %mul3A_421 = arith.constant 128 : i32
        %mul3A_422 = arith.muli %add3A_420, %mul3A_421 : i32
        %dma_start3A = arith.constant 1 : i32
        %dma_start3A_423 = arith.constant 0 : i32
        %dma_start3A_424 = arith.constant 0 : i32
        %dma_start3A_425 = tpu.memref_slice %arg10[%dma_start3A, %dma_start3A_423, %dma_start3A_424] : memref<2x128x128xf32, #tpu.memory_space<vmem>> -> memref<1x128x128xf32, #tpu.memory_space<vmem>>
        %dma_start3A_426 = tpu.memref_squeeze %dma_start3A_425 : memref<1x128x128xf32, #tpu.memory_space<vmem>> -> memref<128x128xf32, #tpu.memory_space<vmem>>
        %dma_start3A_427 = tpu.memref_slice %arg6[%mul3A_422] : memref<4352xi32, #tpu.memory_space<vmem>> -> memref<128xi32, #tpu.memory_space<vmem>>
        %dma_start3A_428 = arith.constant 0 : i32
        %dma_start3A_429 = arith.constant 0 : i32
        %dma_start3A_430 = tpu.memref_slice %arg2[%dma_start3A_428, %dma_start3A_429] : memref<10000x128xf32, #tpu.memory_space<hbm>> -> memref<10000x128xf32, #tpu.memory_space<hbm>>
        tpu.enqueue_indirect_dma source(%dma_start3A_430 : memref<10000x128xf32, #tpu.memory_space<hbm>>) target(%dma_start3A_426 : memref<128x128xf32, #tpu.memory_space<vmem>>) offsets(%dma_start3A_427 : memref<128xi32, #tpu.memory_space<vmem>>) semaphore(%arg14 : memref<!tpu.dma_semaphore, #tpu.memory_space<semaphore_mem>>)
      } else {
      }
      %run_scoped3A = arith.constant 0 : i32
      "tpu.region"() ({
        %run_scoped3A_419 = tpu.sem_alloc : memref<!tpu.dma_semaphore, #tpu.memory_space<semaphore_mem>>
        %dma_start3A = arith.constant 0 : i32
        %dma_start3A_420 = arith.constant 0 : i32
        %dma_start3A_421 = tpu.memref_slice %arg10[%run_scoped3A, %dma_start3A, %dma_start3A_420] : memref<2x128x128xf32, #tpu.memory_space<vmem>> -> memref<1x128x128xf32, #tpu.memory_space<vmem>>
        %dma_start3A_422 = tpu.memref_squeeze %dma_start3A_421 : memref<1x128x128xf32, #tpu.memory_space<vmem>> -> memref<128x128xf32, #tpu.memory_space<vmem>>
        %dma_start3A_423 = arith.constant 0 : i32
        %dma_start3A_424 = arith.constant 0 : i32
        %dma_start3A_425 = tpu.memref_slice %arg15[%dma_start3A_423, %dma_start3A_424] : memref<5128x128xf32, #tpu.memory_space<vmem_shared>> -> memref<5128x128xf32, #tpu.memory_space<vmem_shared>>
        tpu.enqueue_indirect_dma source(%dma_start3A_422 : memref<128x128xf32, #tpu.memory_space<vmem>>) target(%dma_start3A_425 : memref<5128x128xf32, #tpu.memory_space<vmem_shared>>) offsets(%arg11 : memref<128xi32, #tpu.memory_space<vmem>>) semaphore(%run_scoped3A_419 : memref<!tpu.dma_semaphore, #tpu.memory_space<semaphore_mem>>) {add = true}
        %dma_wait3A_426 = arith.constant 0 : i32
        %dma_wait3A_427 = arith.constant 0 : i32
        %dma_wait3A_428 = tpu.memref_slice %arg10[%run_scoped3A, %dma_wait3A_426, %dma_wait3A_427] : memref<2x128x128xf32, #tpu.memory_space<vmem>> -> memref<1x128x128xf32, #tpu.memory_space<vmem>>
        %dma_wait3A_429 = tpu.memref_squeeze %dma_wait3A_428 : memref<1x128x128xf32, #tpu.memory_space<vmem>> -> memref<128x128xf32, #tpu.memory_space<vmem>>
        %dma_wait3A_430 = arith.constant 0 : i32
        %dma_wait3A_431 = arith.constant 0 : i32
        %dma_wait3A_432 = tpu.memref_slice %arg15[%dma_wait3A_430, %dma_wait3A_431] : memref<5128x128xf32, #tpu.memory_space<vmem_shared>> -> memref<5128x128xf32, #tpu.memory_space<vmem_shared>>
        tpu.wait_indirect_dma semaphore(%run_scoped3A_419 : memref<!tpu.dma_semaphore, #tpu.memory_space<semaphore_mem>>) src(%dma_wait3A_429 : memref<128x128xf32, #tpu.memory_space<vmem>>) dst(%dma_wait3A_432 : memref<5128x128xf32, #tpu.memory_space<vmem_shared>>)
        tpu.yield
      }) : () -> ()
      %add3A_413 = arith.constant 1 : i32
      %add3A_414 = arith.addi %add3A_335, %add3A_413 : i32
      %lt3A_415 = arith.cmpi slt, %add3A_414, %select_n3A_169 : i32
      %convert_element_type3A_416 = arith.extui %lt3A_415 : i1 to i32
      %cond3A_417 = arith.constant 0 : i32
      %cond3A_418 = arith.cmpi ne, %convert_element_type3A_416, %cond3A_417 : i32
      scf.if %cond3A_418 {
        %add3A_419 = arith.constant 1 : i32
        %add3A_420 = arith.addi %add3A_335, %add3A_419 : i32
        %mul3A_421 = arith.constant 128 : i32
        %mul3A_422 = arith.muli %add3A_420, %mul3A_421 : i32
        %add3A_423 = arith.constant 0 : i32
        %add3A_424 = arith.addi %mul3A_422, %add3A_423 : i32
        %get3A_425 = arith.index_cast %add3A_424 : i32 to index
        %get3A_426 = tpu.vector_load %arg7[%get3A_425] {strides = array<i32>} : memref<4352xi32, #tpu.memory_space<vmem>>, vector<16xi32>,
        %swap3A_427 = arith.constant 0 : index
        %swap3A_428 = tpu.vector_load %arg11[%swap3A_427] {strides = array<i32>} : memref<128xi32, #tpu.memory_space<vmem>>, vector<16xi32>,
        tpu.vector_store %arg11[%swap3A_427], %get3A_426 {strides = array<i32>} : memref<128xi32, #tpu.memory_space<vmem>>, vector<16xi32>,
        %mul3A_429 = arith.constant 128 : i32
        %mul3A_430 = arith.muli %add3A_420, %mul3A_429 : i32
        %add3A_431 = arith.constant 16 : i32
        %add3A_432 = arith.addi %mul3A_430, %add3A_431 : i32
        %get3A_433 = arith.index_cast %add3A_432 : i32 to index
        %get3A_434 = tpu.vector_load %arg7[%get3A_433] {strides = array<i32>} : memref<4352xi32, #tpu.memory_space<vmem>>, vector<16xi32>,
        %swap3A_435 = arith.constant 16 : index
        %swap3A_436 = tpu.vector_load %arg11[%swap3A_435] {strides = array<i32>} : memref<128xi32, #tpu.memory_space<vmem>>, vector<16xi32>,
        tpu.vector_store %arg11[%swap3A_435], %get3A_434 {strides = array<i32>} : memref<128xi32, #tpu.memory_space<vmem>>, vector<16xi32>,
        %mul3A_437 = arith.constant 128 : i32
        %mul3A_438 = arith.muli %add3A_420, %mul3A_437 : i32
        %add3A_439 = arith.constant 32 : i32
        %add3A_440 = arith.addi %mul3A_438, %add3A_439 : i32
        %get3A_441 = arith.index_cast %add3A_440 : i32 to index
        %get3A_442 = tpu.vector_load %arg7[%get3A_441] {strides = array<i32>} : memref<4352xi32, #tpu.memory_space<vmem>>, vector<16xi32>,
        %swap3A_443 = arith.constant 32 : index
        %swap3A_444 = tpu.vector_load %arg11[%swap3A_443] {strides = array<i32>} : memref<128xi32, #tpu.memory_space<vmem>>, vector<16xi32>,
        tpu.vector_store %arg11[%swap3A_443], %get3A_442 {strides = array<i32>} : memref<128xi32, #tpu.memory_space<vmem>>, vector<16xi32>,
        %mul3A_445 = arith.constant 128 : i32
        %mul3A_446 = arith.muli %add3A_420, %mul3A_445 : i32
        %add3A_447 = arith.constant 48 : i32
        %add3A_448 = arith.addi %mul3A_446, %add3A_447 : i32
        %get3A_449 = arith.index_cast %add3A_448 : i32 to index
        %get3A_450 = tpu.vector_load %arg7[%get3A_449] {strides = array<i32>} : memref<4352xi32, #tpu.memory_space<vmem>>, vector<16xi32>,
        %swap3A_451 = arith.constant 48 : index
        %swap3A_452 = tpu.vector_load %arg11[%swap3A_451] {strides = array<i32>} : memref<128xi32, #tpu.memory_space<vmem>>, vector<16xi32>,
        tpu.vector_store %arg11[%swap3A_451], %get3A_450 {strides = array<i32>} : memref<128xi32, #tpu.memory_space<vmem>>, vector<16xi32>,
        %mul3A_453 = arith.constant 128 : i32
        %mul3A_454 = arith.muli %add3A_420, %mul3A_453 : i32
        %add3A_455 = arith.constant 64 : i32
        %add3A_456 = arith.addi %mul3A_454, %add3A_455 : i32
        %get3A_457 = arith.index_cast %add3A_456 : i32 to index
        %get3A_458 = tpu.vector_load %arg7[%get3A_457] {strides = array<i32>} : memref<4352xi32, #tpu.memory_space<vmem>>, vector<16xi32>,
        %swap3A_459 = arith.constant 64 : index
        %swap3A_460 = tpu.vector_load %arg11[%swap3A_459] {strides = array<i32>} : memref<128xi32, #tpu.memory_space<vmem>>, vector<16xi32>,
        tpu.vector_store %arg11[%swap3A_459], %get3A_458 {strides = array<i32>} : memref<128xi32, #tpu.memory_space<vmem>>, vector<16xi32>,
        %mul3A_461 = arith.constant 128 : i32
        %mul3A_462 = arith.muli %add3A_420, %mul3A_461 : i32
        %add3A_463 = arith.constant 80 : i32
        %add3A_464 = arith.addi %mul3A_462, %add3A_463 : i32
        %get3A_465 = arith.index_cast %add3A_464 : i32 to index
        %get3A_466 = tpu.vector_load %arg7[%get3A_465] {strides = array<i32>} : memref<4352xi32, #tpu.memory_space<vmem>>, vector<16xi32>,
        %swap3A_467 = arith.constant 80 : index
        %swap3A_468 = tpu.vector_load %arg11[%swap3A_467] {strides = array<i32>} : memref<128xi32, #tpu.memory_space<vmem>>, vector<16xi32>,
        tpu.vector_store %arg11[%swap3A_467], %get3A_466 {strides = array<i32>} : memref<128xi32, #tpu.memory_space<vmem>>, vector<16xi32>,
        %mul3A_469 = arith.constant 128 : i32
        %mul3A_470 = arith.muli %add3A_420, %mul3A_469 : i32
        %add3A_471 = arith.constant 96 : i32
        %add3A_472 = arith.addi %mul3A_470, %add3A_471 : i32
        %get3A_473 = arith.index_cast %add3A_472 : i32 to index
        %get3A_474 = tpu.vector_load %arg7[%get3A_473] {strides = array<i32>} : memref<4352xi32, #tpu.memory_space<vmem>>, vector<16xi32>,
        %swap3A_475 = arith.constant 96 : index
        %swap3A_476 = tpu.vector_load %arg11[%swap3A_475] {strides = array<i32>} : memref<128xi32, #tpu.memory_space<vmem>>, vector<16xi32>,
        tpu.vector_store %arg11[%swap3A_475], %get3A_474 {strides = array<i32>} : memref<128xi32, #tpu.memory_space<vmem>>, vector<16xi32>,
        %mul3A_477 = arith.constant 128 : i32
        %mul3A_478 = arith.muli %add3A_420, %mul3A_477 : i32
        %add3A_479 = arith.constant 112 : i32
        %add3A_480 = arith.addi %mul3A_478, %add3A_479 : i32
        %get3A_481 = arith.index_cast %add3A_480 : i32 to index
        %get3A_482 = tpu.vector_load %arg7[%get3A_481] {strides = array<i32>} : memref<4352xi32, #tpu.memory_space<vmem>>, vector<16xi32>,
        %swap3A_483 = arith.constant 112 : index
        %swap3A_484 = tpu.vector_load %arg11[%swap3A_483] {strides = array<i32>} : memref<128xi32, #tpu.memory_space<vmem>>, vector<16xi32>,
        tpu.vector_store %arg11[%swap3A_483], %get3A_482 {strides = array<i32>} : memref<128xi32, #tpu.memory_space<vmem>>, vector<16xi32>,
        %mul3A_485 = arith.constant 128 : i32
        %mul3A_486 = arith.muli %add3A_420, %mul3A_485 : i32
        %dma_wait3A_487 = arith.constant 1 : i32
        %dma_wait3A_488 = arith.constant 0 : i32
        %dma_wait3A_489 = arith.constant 0 : i32
        %dma_wait3A_490 = tpu.memref_slice %arg10[%dma_wait3A_487, %dma_wait3A_488, %dma_wait3A_489] : memref<2x128x128xf32, #tpu.memory_space<vmem>> -> memref<1x128x128xf32, #tpu.memory_space<vmem>>
        %dma_wait3A_491 = tpu.memref_squeeze %dma_wait3A_490 : memref<1x128x128xf32, #tpu.memory_space<vmem>> -> memref<128x128xf32, #tpu.memory_space<vmem>>
        %dma_wait3A_492 = tpu.memref_slice %arg6[%mul3A_486] : memref<4352xi32, #tpu.memory_space<vmem>> -> memref<128xi32, #tpu.memory_space<vmem>>
        %dma_wait3A_493 = arith.constant 0 : i32
        %dma_wait3A_494 = arith.constant 0 : i32
        %dma_wait3A_495 = tpu.memref_slice %arg2[%dma_wait3A_493, %dma_wait3A_494] : memref<10000x128xf32, #tpu.memory_space<hbm>> -> memref<10000x128xf32, #tpu.memory_space<hbm>>
        tpu.wait_indirect_dma semaphore(%arg14 : memref<!tpu.dma_semaphore, #tpu.memory_space<semaphore_mem>>) src(%dma_wait3A_495 : memref<10000x128xf32, #tpu.memory_space<hbm>>) dst(%dma_wait3A_491 : memref<128x128xf32, #tpu.memory_space<vmem>>)
        %add3A_496 = arith.constant 1 : i32
        %add3A_497 = arith.addi %add3A_420, %add3A_496 : i32
        %lt3A_498 = arith.cmpi slt, %add3A_497, %select_n3A_169 : i32
        %convert_element_type3A_499 = arith.extui %lt3A_498 : i1 to i32
        %cond3A_500 = arith.constant 0 : i32
        %cond3A_501 = arith.cmpi ne, %convert_element_type3A_499, %cond3A_500 : i32
        scf.if %cond3A_501 {
          %add3A_503 = arith.constant 1 : i32
          %add3A_504 = arith.addi %add3A_420, %add3A_503 : i32
          %mul3A_505 = arith.constant 128 : i32
          %mul3A_506 = arith.muli %add3A_504, %mul3A_505 : i32
          %dma_start3A = arith.constant 0 : i32
          %dma_start3A_507 = arith.constant 0 : i32
          %dma_start3A_508 = arith.constant 0 : i32
          %dma_start3A_509 = tpu.memref_slice %arg10[%dma_start3A, %dma_start3A_507, %dma_start3A_508] : memref<2x128x128xf32, #tpu.memory_space<vmem>> -> memref<1x128x128xf32, #tpu.memory_space<vmem>>
          %dma_start3A_510 = tpu.memref_squeeze %dma_start3A_509 : memref<1x128x128xf32, #tpu.memory_space<vmem>> -> memref<128x128xf32, #tpu.memory_space<vmem>>
          %dma_start3A_511 = tpu.memref_slice %arg6[%mul3A_506] : memref<4352xi32, #tpu.memory_space<vmem>> -> memref<128xi32, #tpu.memory_space<vmem>>
          %dma_start3A_512 = arith.constant 0 : i32
          %dma_start3A_513 = arith.constant 0 : i32
          %dma_start3A_514 = tpu.memref_slice %arg2[%dma_start3A_512, %dma_start3A_513] : memref<10000x128xf32, #tpu.memory_space<hbm>> -> memref<10000x128xf32, #tpu.memory_space<hbm>>
          tpu.enqueue_indirect_dma source(%dma_start3A_514 : memref<10000x128xf32, #tpu.memory_space<hbm>>) target(%dma_start3A_510 : memref<128x128xf32, #tpu.memory_space<vmem>>) offsets(%dma_start3A_511 : memref<128xi32, #tpu.memory_space<vmem>>) semaphore(%arg13 : memref<!tpu.dma_semaphore, #tpu.memory_space<semaphore_mem>>)
        } else {
        }
        %run_scoped3A_502 = arith.constant 1 : i32
        "tpu.region"() ({
          %run_scoped3A_503 = tpu.sem_alloc : memref<!tpu.dma_semaphore, #tpu.memory_space<semaphore_mem>>
          %dma_start3A = arith.constant 0 : i32
          %dma_start3A_504 = arith.constant 0 : i32
          %dma_start3A_505 = tpu.memref_slice %arg10[%run_scoped3A_502, %dma_start3A, %dma_start3A_504] : memref<2x128x128xf32, #tpu.memory_space<vmem>> -> memref<1x128x128xf32, #tpu.memory_space<vmem>>
          %dma_start3A_506 = tpu.memref_squeeze %dma_start3A_505 : memref<1x128x128xf32, #tpu.memory_space<vmem>> -> memref<128x128xf32, #tpu.memory_space<vmem>>
          %dma_start3A_507 = arith.constant 0 : i32
          %dma_start3A_508 = arith.constant 0 : i32
          %dma_start3A_509 = tpu.memref_slice %arg15[%dma_start3A_507, %dma_start3A_508] : memref<5128x128xf32, #tpu.memory_space<vmem_shared>> -> memref<5128x128xf32, #tpu.memory_space<vmem_shared>>
          tpu.enqueue_indirect_dma source(%dma_start3A_506 : memref<128x128xf32, #tpu.memory_space<vmem>>) target(%dma_start3A_509 : memref<5128x128xf32, #tpu.memory_space<vmem_shared>>) offsets(%arg11 : memref<128xi32, #tpu.memory_space<vmem>>) semaphore(%run_scoped3A_503 : memref<!tpu.dma_semaphore, #tpu.memory_space<semaphore_mem>>) {add = true}
          %dma_wait3A_510 = arith.constant 0 : i32
          %dma_wait3A_511 = arith.constant 0 : i32
          %dma_wait3A_512 = tpu.memref_slice %arg10[%run_scoped3A_502, %dma_wait3A_510, %dma_wait3A_511] : memref<2x128x128xf32, #tpu.memory_space<vmem>> -> memref<1x128x128xf32, #tpu.memory_space<vmem>>
          %dma_wait3A_513 = tpu.memref_squeeze %dma_wait3A_512 : memref<1x128x128xf32, #tpu.memory_space<vmem>> -> memref<128x128xf32, #tpu.memory_space<vmem>>
          %dma_wait3A_514 = arith.constant 0 : i32
          %dma_wait3A_515 = arith.constant 0 : i32
          %dma_wait3A_516 = tpu.memref_slice %arg15[%dma_wait3A_514, %dma_wait3A_515] : memref<5128x128xf32, #tpu.memory_space<vmem_shared>> -> memref<5128x128xf32, #tpu.memory_space<vmem_shared>>
          tpu.wait_indirect_dma semaphore(%run_scoped3A_503 : memref<!tpu.dma_semaphore, #tpu.memory_space<semaphore_mem>>) src(%dma_wait3A_513 : memref<128x128xf32, #tpu.memory_space<vmem>>) dst(%dma_wait3A_516 : memref<5128x128xf32, #tpu.memory_space<vmem_shared>>)
          tpu.yield
        }) : () -> ()
      } else {
      }
    }
    %add3A_194 = arith.constant 12000 : i32
    %add3A_195 = arith.addi %mul3A_0, %add3A_194 : i32
    "tpu.region"() ({
      %run_scoped3A = tpu.sem_alloc : memref<!tpu.dma_semaphore, #tpu.memory_space<semaphore_mem>>
      %dma_start3A = tpu.memref_slice %arg3[%add3A_195] : memref<320000xi32, #tpu.memory_space<hbm>> -> memref<4000xi32, #tpu.memory_space<hbm>>
      %dma_start3A_333 = tpu.memref_slice %arg3[%add3A_195] : memref<320000xi32, #tpu.memory_space<hbm>> -> memref<4000xi32, #tpu.memory_space<hbm>>
      tpu.enqueue_dma source(%dma_start3A_333 : memref<4000xi32, #tpu.memory_space<hbm>>) target(%arg8 : memref<4000xi32, #tpu.memory_space<vmem>>) target_semaphore(%run_scoped3A : memref<!tpu.dma_semaphore, #tpu.memory_space<semaphore_mem>>)
      %dma_wait3A = tpu.memref_slice %arg3[%add3A_195] : memref<320000xi32, #tpu.memory_space<hbm>> -> memref<4000xi32, #tpu.memory_space<hbm>>
      %dma_wait3A_334 = tpu.memref_slice %arg3[%add3A_195] : memref<320000xi32, #tpu.memory_space<hbm>> -> memref<4000xi32, #tpu.memory_space<hbm>>
      tpu.wait_dma2 semaphore(%run_scoped3A : memref<!tpu.dma_semaphore, #tpu.memory_space<semaphore_mem>>) src(%dma_wait3A_334 : memref<4000xi32, #tpu.memory_space<hbm>>) dst(%arg8 : memref<4000xi32, #tpu.memory_space<vmem>>)
      tpu.yield
    }) : () -> ()
    "tpu.region"() ({
      %run_scoped3A = tpu.sem_alloc : memref<!tpu.dma_semaphore, #tpu.memory_space<semaphore_mem>>
      %dma_start3A = tpu.memref_slice %arg4[%add3A_195] : memref<320000xi32, #tpu.memory_space<hbm>> -> memref<4000xi32, #tpu.memory_space<hbm>>
      %dma_start3A_333 = tpu.memref_slice %arg4[%add3A_195] : memref<320000xi32, #tpu.memory_space<hbm>> -> memref<4000xi32, #tpu.memory_space<hbm>>
      tpu.enqueue_dma source(%dma_start3A_333 : memref<4000xi32, #tpu.memory_space<hbm>>) target(%arg9 : memref<4000xi32, #tpu.memory_space<vmem>>) target_semaphore(%run_scoped3A : memref<!tpu.dma_semaphore, #tpu.memory_space<semaphore_mem>>)
      %dma_wait3A = tpu.memref_slice %arg4[%add3A_195] : memref<320000xi32, #tpu.memory_space<hbm>> -> memref<4000xi32, #tpu.memory_space<hbm>>
      %dma_wait3A_334 = tpu.memref_slice %arg4[%add3A_195] : memref<320000xi32, #tpu.memory_space<hbm>> -> memref<4000xi32, #tpu.memory_space<hbm>>
      tpu.wait_dma2 semaphore(%run_scoped3A : memref<!tpu.dma_semaphore, #tpu.memory_space<semaphore_mem>>) src(%dma_wait3A_334 : memref<4000xi32, #tpu.memory_space<hbm>>) dst(%arg9 : memref<4000xi32, #tpu.memory_space<vmem>>)
      tpu.yield
    }) : () -> ()
    %scan3A_196 = arith.constant 0 : i32
    %scan3A_197 = arith.constant 0 : i32
    %scan3A_198 = arith.constant 250 : i32
    %scan3A_199 = arith.addi %scan3A_197, %scan3A_198 : i32
    %scan3A_200 = arith.constant 1 : i32
    %scan3A_201 = scf.for %scan3A_333 = %scan3A_197 to %scan3A_199 step %scan3A_200 iter_args(%scan3A_334 = %scan3A_196) -> (i32)  : i32 {
      %mul3A_335 = arith.constant 16 : i32
      %mul3A_336 = arith.muli %scan3A_333, %mul3A_335 : i32
      %add3A_337 = arith.constant 0 : i32
      %add3A_338 = arith.addi %add3A_337, %mul3A_336 : i32
      %get3A = arith.index_cast %add3A_338 : i32 to index
      %get3A_339 = tpu.vector_load %arg8[%get3A] {strides = array<i32>} : memref<4000xi32, #tpu.memory_space<vmem>>, vector<16xi32>,
      %get3A_340 = arith.index_cast %add3A_338 : i32 to index
      %get3A_341 = tpu.vector_load %arg9[%get3A_340] {strides = array<i32>} : memref<4000xi32, #tpu.memory_space<vmem>>, vector<16xi32>,
      %sub3A_342 = vector.broadcast %mul3A_4 : i32 to vector<16xi32>
      %sub3A_343 = arith.subi %get3A_341, %sub3A_342 : vector<16xi32>
      %ge3A = arith.constant 0 : i32
      %ge3A_344 = vector.broadcast %ge3A : i32 to vector<16xi32>
      %ge3A_345 = arith.cmpi sge, %sub3A_343, %ge3A_344 : vector<16xi32>
      %lt3A = arith.constant 5120 : i32
      %lt3A_346 = vector.broadcast %lt3A : i32 to vector<16xi32>
      %lt3A_347 = arith.cmpi slt, %sub3A_343, %lt3A_346 : vector<16xi32>
      %and3A_348 = arith.andi %ge3A_345, %lt3A_347 : vector<16xi1>
      %jit3A_349 = arith.constant 1 : i32
      %jit3A_350 = arith.constant 0 : i32
      %broadcast_in_dim3A = vector.broadcast %jit3A_349 : i32 to vector<16xi32>
      %broadcast_in_dim3A_351 = vector.broadcast %jit3A_350 : i32 to vector<16xi32>
      %select_n3A_352 = arith.select %and3A_348, %broadcast_in_dim3A, %broadcast_in_dim3A_351 : vector<16xi1>, vector<16xi32>
      %broadcast_in_dim3A_353 = arith.constant true
      %broadcast_in_dim3A_354 = vector.broadcast %broadcast_in_dim3A_353 : i1 to vector<16xi1>
      %masked_cumsum3A = tpu.scan <sum>, %select_n3A_352 masked %broadcast_in_dim3A_354 : vector<16xi32>, vector<16xi1> -> vector<16xi32>
      %add3A_355 = vector.broadcast %scan3A_334 : i32 to vector<16xi32>
      %add3A_356 = arith.addi %add3A_355, %masked_cumsum3A : vector<16xi32>
      %sub3A_357 = arith.constant 1 : i32
      %sub3A_358 = vector.broadcast %sub3A_357 : i32 to vector<16xi32>
      %sub3A_359 = arith.subi %add3A_356, %sub3A_358 : vector<16xi32>
      tpu.vector_store_idx %arg6[%sub3A_359], %get3A_339 masked %and3A_348 : memref<4352xi32, #tpu.memory_space<vmem>>[vector<16xi32>], vector<16xi32>, vector<16xi1>
      tpu.vector_store_idx %arg7[%sub3A_359], %sub3A_343 masked %and3A_348 : memref<4352xi32, #tpu.memory_space<vmem>>[vector<16xi32>], vector<16xi32>, vector<16xi1>
      %reduce_max3A = arith.constant true
      %reduce_max3A_360 = vector.broadcast %reduce_max3A : i1 to vector<16xi1>
      %reduce_max3A_361 = arith.constant -2147483648 : i32
      %reduce_max3A_362 = vector.broadcast %reduce_max3A_361 : i32 to vector<16xi32>
      %reduce_max3A_363 = arith.xori %masked_cumsum3A, %reduce_max3A_362 : vector<16xi32>
      %reduce_max3A_364 = tpu.scan <max>, %reduce_max3A_363 masked %reduce_max3A_360 : vector<16xi32>, vector<16xi1> -> vector<16xi32>
      %reduce_max3A_365 = arith.xori %reduce_max3A_364, %reduce_max3A_362 : vector<16xi32>
      %reduce_max3A_366 = vector.extract %reduce_max3A_365[15] : i32 from vector<16xi32>
      %add3A_367 = arith.addi %scan3A_334, %reduce_max3A_366 : i32
      scf.yield %add3A_367 : i32
    }
    %scan3A_202 = arith.constant 250 : i32
    %scan3A_203 = arith.constant 0 : i32
    %scan3A_204 = arith.constant 16 : i32
    %scan3A_205 = arith.addi %scan3A_203, %scan3A_204 : i32
    %scan3A_206 = arith.constant 1 : i32
    scf.for %scan3A_333 = %scan3A_203 to %scan3A_205 step %scan3A_206  : i32 {
      %mul3A_334 = arith.constant 16 : i32
      %mul3A_335 = arith.muli %scan3A_333, %mul3A_334 : i32
      %add3A_336 = arith.constant 0 : i32
      %add3A_337 = arith.addi %add3A_336, %mul3A_335 : i32
      %add3A_338 = arith.addi %scan3A_201, %add3A_337 : i32
      %iota3A = tpu.iota {dimensions = array<i32: 0>} : vector<16xi32>
      %add3A_339 = vector.broadcast %add3A_338 : i32 to vector<16xi32>
      %add3A_340 = arith.addi %add3A_339, %iota3A : vector<16xi32>
      %broadcast_in_dim3A = arith.constant 0 : i32
      %broadcast_in_dim3A_341 = vector.broadcast %broadcast_in_dim3A : i32 to vector<16xi32>
      tpu.vector_store_idx %arg6[%add3A_340], %broadcast_in_dim3A_341 : memref<4352xi32, #tpu.memory_space<vmem>>[vector<16xi32>], vector<16xi32>,
      %broadcast_in_dim3A_342 = arith.constant 5120 : i32
      %broadcast_in_dim3A_343 = vector.broadcast %broadcast_in_dim3A_342 : i32 to vector<16xi32>
      tpu.vector_store_idx %arg7[%add3A_340], %broadcast_in_dim3A_343 : memref<4352xi32, #tpu.memory_space<vmem>>[vector<16xi32>], vector<16xi32>,
    }
    %scan3A_207 = arith.constant 16 : i32
    %add3A_208 = arith.constant 127 : i32
    %add3A_209 = arith.addi %scan3A_201, %add3A_208 : i32
    %jit3A_210 = arith.constant 128 : i32
    %div3A_211 = arith.divsi %add3A_209, %jit3A_210 : i32
    %sign3A_212 = arith.constant 0 : i32
    %sign3A_213 = arith.cmpi sgt, %add3A_209, %sign3A_212 : i32
    %sign3A_214 = arith.extui %sign3A_213 : i1 to i32
    %sign3A_215 = arith.constant 0 : i32
    %sign3A_216 = arith.cmpi slt, %add3A_209, %sign3A_215 : i32
    %sign3A_217 = arith.extui %sign3A_216 : i1 to i32
    %sign3A_218 = arith.subi %sign3A_214, %sign3A_217 : i32
    %sign3A_219 = arith.constant 0 : i32
    %sign3A_220 = arith.cmpi sgt, %jit3A_210, %sign3A_219 : i32
    %sign3A_221 = arith.extui %sign3A_220 : i1 to i32
    %sign3A_222 = arith.constant 0 : i32
    %sign3A_223 = arith.cmpi slt, %jit3A_210, %sign3A_222 : i32
    %sign3A_224 = arith.extui %sign3A_223 : i1 to i32
    %sign3A_225 = arith.subi %sign3A_221, %sign3A_224 : i32
    %ne3A_226 = arith.cmpi ne, %sign3A_218, %sign3A_225 : i32
    %rem3A_227 = arith.remsi %add3A_209, %jit3A_210 : i32
    %ne3A_228 = arith.constant 0 : i32
    %ne3A_229 = arith.cmpi ne, %rem3A_227, %ne3A_228 : i32
    %and3A_230 = arith.andi %ne3A_226, %ne3A_229 : i1
    %sub3A_231 = arith.constant 1 : i32
    %sub3A_232 = arith.subi %div3A_211, %sub3A_231 : i32
    %select_n3A_233 = arith.select %and3A_230, %sub3A_232, %div3A_211 : i32
    %gt3A_234 = arith.constant 0 : i32
    %gt3A_235 = arith.cmpi sgt, %select_n3A_233, %gt3A_234 : i32
    %convert_element_type3A_236 = arith.extui %gt3A_235 : i1 to i32
    %cond3A_237 = arith.constant 0 : i32
    %cond3A_238 = arith.cmpi ne, %convert_element_type3A_236, %cond3A_237 : i32
    scf.if %cond3A_238 {
      %dma_start3A = arith.constant 0 : i32
      %dma_start3A_333 = arith.constant 0 : i32
      %dma_start3A_334 = arith.constant 0 : i32
      %dma_start3A_335 = tpu.memref_slice %arg10[%dma_start3A, %dma_start3A_333, %dma_start3A_334] : memref<2x128x128xf32, #tpu.memory_space<vmem>> -> memref<1x128x128xf32, #tpu.memory_space<vmem>>
      %dma_start3A_336 = tpu.memref_squeeze %dma_start3A_335 : memref<1x128x128xf32, #tpu.memory_space<vmem>> -> memref<128x128xf32, #tpu.memory_space<vmem>>
      %dma_start3A_337 = arith.constant 0 : i32
      %dma_start3A_338 = tpu.memref_slice %arg6[%dma_start3A_337] : memref<4352xi32, #tpu.memory_space<vmem>> -> memref<128xi32, #tpu.memory_space<vmem>>
      %dma_start3A_339 = arith.constant 0 : i32
      %dma_start3A_340 = arith.constant 0 : i32
      %dma_start3A_341 = tpu.memref_slice %arg2[%dma_start3A_339, %dma_start3A_340] : memref<10000x128xf32, #tpu.memory_space<hbm>> -> memref<10000x128xf32, #tpu.memory_space<hbm>>
      tpu.enqueue_indirect_dma source(%dma_start3A_341 : memref<10000x128xf32, #tpu.memory_space<hbm>>) target(%dma_start3A_336 : memref<128x128xf32, #tpu.memory_space<vmem>>) offsets(%dma_start3A_338 : memref<128xi32, #tpu.memory_space<vmem>>) semaphore(%arg13 : memref<!tpu.dma_semaphore, #tpu.memory_space<semaphore_mem>>)
    } else {
    }
    %sub3A_239 = arith.constant 0 : i32
    %sub3A_240 = arith.subi %select_n3A_233, %sub3A_239 : i32
    %sub3A_241 = arith.constant 2 : i32
    %sub3A_242 = arith.constant 1 : i32
    %sub3A_243 = arith.subi %sub3A_241, %sub3A_242 : i32
    %add3A_244 = arith.addi %sub3A_240, %sub3A_243 : i32
    %div3A_245 = arith.constant 2 : i32
    %div3A_246 = arith.divsi %add3A_244, %div3A_245 : i32
    %while3A_247 = arith.constant 2 : i32
    %while3A_248 = arith.constant 0 : i32
    %while3A_249 = arith.constant 0 : i32
    %while3A_250 = arith.subi %div3A_246, %while3A_249 : i32
    %while3A_251 = arith.addi %while3A_249, %while3A_250 : i32
    %while3A_252 = arith.constant 1 : i32
    %while3A_253 = arith.divsi %while3A_250, %while3A_252 : i32
    %while3A_254 = arith.muli %while3A_253, %while3A_252 : i32
    %while3A_255 = arith.addi %while3A_249, %while3A_254 : i32
    %while3A_256 = arith.constant 1 : i32
    scf.for %while3A_333 = %while3A_249 to %while3A_255 step %while3A_256  : i32 {
      %mul3A_334 = arith.muli %while3A_333, %while3A_247 : i32
      %add3A_335 = arith.addi %while3A_248, %mul3A_334 : i32
      %mul3A_336 = arith.constant 128 : i32
      %mul3A_337 = arith.muli %add3A_335, %mul3A_336 : i32
      %add3A_338 = arith.constant 0 : i32
      %add3A_339 = arith.addi %mul3A_337, %add3A_338 : i32
      %get3A = arith.index_cast %add3A_339 : i32 to index
      %get3A_340 = tpu.vector_load %arg7[%get3A] {strides = array<i32>} : memref<4352xi32, #tpu.memory_space<vmem>>, vector<16xi32>,
      %swap3A = arith.constant 0 : index
      %swap3A_341 = tpu.vector_load %arg11[%swap3A] {strides = array<i32>} : memref<128xi32, #tpu.memory_space<vmem>>, vector<16xi32>,
      tpu.vector_store %arg11[%swap3A], %get3A_340 {strides = array<i32>} : memref<128xi32, #tpu.memory_space<vmem>>, vector<16xi32>,
      %mul3A_342 = arith.constant 128 : i32
      %mul3A_343 = arith.muli %add3A_335, %mul3A_342 : i32
      %add3A_344 = arith.constant 16 : i32
      %add3A_345 = arith.addi %mul3A_343, %add3A_344 : i32
      %get3A_346 = arith.index_cast %add3A_345 : i32 to index
      %get3A_347 = tpu.vector_load %arg7[%get3A_346] {strides = array<i32>} : memref<4352xi32, #tpu.memory_space<vmem>>, vector<16xi32>,
      %swap3A_348 = arith.constant 16 : index
      %swap3A_349 = tpu.vector_load %arg11[%swap3A_348] {strides = array<i32>} : memref<128xi32, #tpu.memory_space<vmem>>, vector<16xi32>,
      tpu.vector_store %arg11[%swap3A_348], %get3A_347 {strides = array<i32>} : memref<128xi32, #tpu.memory_space<vmem>>, vector<16xi32>,
      %mul3A_350 = arith.constant 128 : i32
      %mul3A_351 = arith.muli %add3A_335, %mul3A_350 : i32
      %add3A_352 = arith.constant 32 : i32
      %add3A_353 = arith.addi %mul3A_351, %add3A_352 : i32
      %get3A_354 = arith.index_cast %add3A_353 : i32 to index
      %get3A_355 = tpu.vector_load %arg7[%get3A_354] {strides = array<i32>} : memref<4352xi32, #tpu.memory_space<vmem>>, vector<16xi32>,
      %swap3A_356 = arith.constant 32 : index
      %swap3A_357 = tpu.vector_load %arg11[%swap3A_356] {strides = array<i32>} : memref<128xi32, #tpu.memory_space<vmem>>, vector<16xi32>,
      tpu.vector_store %arg11[%swap3A_356], %get3A_355 {strides = array<i32>} : memref<128xi32, #tpu.memory_space<vmem>>, vector<16xi32>,
      %mul3A_358 = arith.constant 128 : i32
      %mul3A_359 = arith.muli %add3A_335, %mul3A_358 : i32
      %add3A_360 = arith.constant 48 : i32
      %add3A_361 = arith.addi %mul3A_359, %add3A_360 : i32
      %get3A_362 = arith.index_cast %add3A_361 : i32 to index
      %get3A_363 = tpu.vector_load %arg7[%get3A_362] {strides = array<i32>} : memref<4352xi32, #tpu.memory_space<vmem>>, vector<16xi32>,
      %swap3A_364 = arith.constant 48 : index
      %swap3A_365 = tpu.vector_load %arg11[%swap3A_364] {strides = array<i32>} : memref<128xi32, #tpu.memory_space<vmem>>, vector<16xi32>,
      tpu.vector_store %arg11[%swap3A_364], %get3A_363 {strides = array<i32>} : memref<128xi32, #tpu.memory_space<vmem>>, vector<16xi32>,
      %mul3A_366 = arith.constant 128 : i32
      %mul3A_367 = arith.muli %add3A_335, %mul3A_366 : i32
      %add3A_368 = arith.constant 64 : i32
      %add3A_369 = arith.addi %mul3A_367, %add3A_368 : i32
      %get3A_370 = arith.index_cast %add3A_369 : i32 to index
      %get3A_371 = tpu.vector_load %arg7[%get3A_370] {strides = array<i32>} : memref<4352xi32, #tpu.memory_space<vmem>>, vector<16xi32>,
      %swap3A_372 = arith.constant 64 : index
      %swap3A_373 = tpu.vector_load %arg11[%swap3A_372] {strides = array<i32>} : memref<128xi32, #tpu.memory_space<vmem>>, vector<16xi32>,
      tpu.vector_store %arg11[%swap3A_372], %get3A_371 {strides = array<i32>} : memref<128xi32, #tpu.memory_space<vmem>>, vector<16xi32>,
      %mul3A_374 = arith.constant 128 : i32
      %mul3A_375 = arith.muli %add3A_335, %mul3A_374 : i32
      %add3A_376 = arith.constant 80 : i32
      %add3A_377 = arith.addi %mul3A_375, %add3A_376 : i32
      %get3A_378 = arith.index_cast %add3A_377 : i32 to index
      %get3A_379 = tpu.vector_load %arg7[%get3A_378] {strides = array<i32>} : memref<4352xi32, #tpu.memory_space<vmem>>, vector<16xi32>,
      %swap3A_380 = arith.constant 80 : index
      %swap3A_381 = tpu.vector_load %arg11[%swap3A_380] {strides = array<i32>} : memref<128xi32, #tpu.memory_space<vmem>>, vector<16xi32>,
      tpu.vector_store %arg11[%swap3A_380], %get3A_379 {strides = array<i32>} : memref<128xi32, #tpu.memory_space<vmem>>, vector<16xi32>,
      %mul3A_382 = arith.constant 128 : i32
      %mul3A_383 = arith.muli %add3A_335, %mul3A_382 : i32
      %add3A_384 = arith.constant 96 : i32
      %add3A_385 = arith.addi %mul3A_383, %add3A_384 : i32
      %get3A_386 = arith.index_cast %add3A_385 : i32 to index
      %get3A_387 = tpu.vector_load %arg7[%get3A_386] {strides = array<i32>} : memref<4352xi32, #tpu.memory_space<vmem>>, vector<16xi32>,
      %swap3A_388 = arith.constant 96 : index
      %swap3A_389 = tpu.vector_load %arg11[%swap3A_388] {strides = array<i32>} : memref<128xi32, #tpu.memory_space<vmem>>, vector<16xi32>,
      tpu.vector_store %arg11[%swap3A_388], %get3A_387 {strides = array<i32>} : memref<128xi32, #tpu.memory_space<vmem>>, vector<16xi32>,
      %mul3A_390 = arith.constant 128 : i32
      %mul3A_391 = arith.muli %add3A_335, %mul3A_390 : i32
      %add3A_392 = arith.constant 112 : i32
      %add3A_393 = arith.addi %mul3A_391, %add3A_392 : i32
      %get3A_394 = arith.index_cast %add3A_393 : i32 to index
      %get3A_395 = tpu.vector_load %arg7[%get3A_394] {strides = array<i32>} : memref<4352xi32, #tpu.memory_space<vmem>>, vector<16xi32>,
      %swap3A_396 = arith.constant 112 : index
      %swap3A_397 = tpu.vector_load %arg11[%swap3A_396] {strides = array<i32>} : memref<128xi32, #tpu.memory_space<vmem>>, vector<16xi32>,
      tpu.vector_store %arg11[%swap3A_396], %get3A_395 {strides = array<i32>} : memref<128xi32, #tpu.memory_space<vmem>>, vector<16xi32>,
      %mul3A_398 = arith.constant 128 : i32
      %mul3A_399 = arith.muli %add3A_335, %mul3A_398 : i32
      %dma_wait3A = arith.constant 0 : i32
      %dma_wait3A_400 = arith.constant 0 : i32
      %dma_wait3A_401 = arith.constant 0 : i32
      %dma_wait3A_402 = tpu.memref_slice %arg10[%dma_wait3A, %dma_wait3A_400, %dma_wait3A_401] : memref<2x128x128xf32, #tpu.memory_space<vmem>> -> memref<1x128x128xf32, #tpu.memory_space<vmem>>
      %dma_wait3A_403 = tpu.memref_squeeze %dma_wait3A_402 : memref<1x128x128xf32, #tpu.memory_space<vmem>> -> memref<128x128xf32, #tpu.memory_space<vmem>>
      %dma_wait3A_404 = tpu.memref_slice %arg6[%mul3A_399] : memref<4352xi32, #tpu.memory_space<vmem>> -> memref<128xi32, #tpu.memory_space<vmem>>
      %dma_wait3A_405 = arith.constant 0 : i32
      %dma_wait3A_406 = arith.constant 0 : i32
      %dma_wait3A_407 = tpu.memref_slice %arg2[%dma_wait3A_405, %dma_wait3A_406] : memref<10000x128xf32, #tpu.memory_space<hbm>> -> memref<10000x128xf32, #tpu.memory_space<hbm>>
      tpu.wait_indirect_dma semaphore(%arg13 : memref<!tpu.dma_semaphore, #tpu.memory_space<semaphore_mem>>) src(%dma_wait3A_407 : memref<10000x128xf32, #tpu.memory_space<hbm>>) dst(%dma_wait3A_403 : memref<128x128xf32, #tpu.memory_space<vmem>>)
      %add3A_408 = arith.constant 1 : i32
      %add3A_409 = arith.addi %add3A_335, %add3A_408 : i32
      %lt3A = arith.cmpi slt, %add3A_409, %select_n3A_233 : i32
      %convert_element_type3A_410 = arith.extui %lt3A : i1 to i32
      %cond3A_411 = arith.constant 0 : i32
      %cond3A_412 = arith.cmpi ne, %convert_element_type3A_410, %cond3A_411 : i32
      scf.if %cond3A_412 {
        %add3A_419 = arith.constant 1 : i32
        %add3A_420 = arith.addi %add3A_335, %add3A_419 : i32
        %mul3A_421 = arith.constant 128 : i32
        %mul3A_422 = arith.muli %add3A_420, %mul3A_421 : i32
        %dma_start3A = arith.constant 1 : i32
        %dma_start3A_423 = arith.constant 0 : i32
        %dma_start3A_424 = arith.constant 0 : i32
        %dma_start3A_425 = tpu.memref_slice %arg10[%dma_start3A, %dma_start3A_423, %dma_start3A_424] : memref<2x128x128xf32, #tpu.memory_space<vmem>> -> memref<1x128x128xf32, #tpu.memory_space<vmem>>
        %dma_start3A_426 = tpu.memref_squeeze %dma_start3A_425 : memref<1x128x128xf32, #tpu.memory_space<vmem>> -> memref<128x128xf32, #tpu.memory_space<vmem>>
        %dma_start3A_427 = tpu.memref_slice %arg6[%mul3A_422] : memref<4352xi32, #tpu.memory_space<vmem>> -> memref<128xi32, #tpu.memory_space<vmem>>
        %dma_start3A_428 = arith.constant 0 : i32
        %dma_start3A_429 = arith.constant 0 : i32
        %dma_start3A_430 = tpu.memref_slice %arg2[%dma_start3A_428, %dma_start3A_429] : memref<10000x128xf32, #tpu.memory_space<hbm>> -> memref<10000x128xf32, #tpu.memory_space<hbm>>
        tpu.enqueue_indirect_dma source(%dma_start3A_430 : memref<10000x128xf32, #tpu.memory_space<hbm>>) target(%dma_start3A_426 : memref<128x128xf32, #tpu.memory_space<vmem>>) offsets(%dma_start3A_427 : memref<128xi32, #tpu.memory_space<vmem>>) semaphore(%arg14 : memref<!tpu.dma_semaphore, #tpu.memory_space<semaphore_mem>>)
      } else {
      }
      %run_scoped3A = arith.constant 0 : i32
      "tpu.region"() ({
        %run_scoped3A_419 = tpu.sem_alloc : memref<!tpu.dma_semaphore, #tpu.memory_space<semaphore_mem>>
        %dma_start3A = arith.constant 0 : i32
        %dma_start3A_420 = arith.constant 0 : i32
        %dma_start3A_421 = tpu.memref_slice %arg10[%run_scoped3A, %dma_start3A, %dma_start3A_420] : memref<2x128x128xf32, #tpu.memory_space<vmem>> -> memref<1x128x128xf32, #tpu.memory_space<vmem>>
        %dma_start3A_422 = tpu.memref_squeeze %dma_start3A_421 : memref<1x128x128xf32, #tpu.memory_space<vmem>> -> memref<128x128xf32, #tpu.memory_space<vmem>>
        %dma_start3A_423 = arith.constant 0 : i32
        %dma_start3A_424 = arith.constant 0 : i32
        %dma_start3A_425 = tpu.memref_slice %arg15[%dma_start3A_423, %dma_start3A_424] : memref<5128x128xf32, #tpu.memory_space<vmem_shared>> -> memref<5128x128xf32, #tpu.memory_space<vmem_shared>>
        tpu.enqueue_indirect_dma source(%dma_start3A_422 : memref<128x128xf32, #tpu.memory_space<vmem>>) target(%dma_start3A_425 : memref<5128x128xf32, #tpu.memory_space<vmem_shared>>) offsets(%arg11 : memref<128xi32, #tpu.memory_space<vmem>>) semaphore(%run_scoped3A_419 : memref<!tpu.dma_semaphore, #tpu.memory_space<semaphore_mem>>) {add = true}
        %dma_wait3A_426 = arith.constant 0 : i32
        %dma_wait3A_427 = arith.constant 0 : i32
        %dma_wait3A_428 = tpu.memref_slice %arg10[%run_scoped3A, %dma_wait3A_426, %dma_wait3A_427] : memref<2x128x128xf32, #tpu.memory_space<vmem>> -> memref<1x128x128xf32, #tpu.memory_space<vmem>>
        %dma_wait3A_429 = tpu.memref_squeeze %dma_wait3A_428 : memref<1x128x128xf32, #tpu.memory_space<vmem>> -> memref<128x128xf32, #tpu.memory_space<vmem>>
        %dma_wait3A_430 = arith.constant 0 : i32
        %dma_wait3A_431 = arith.constant 0 : i32
        %dma_wait3A_432 = tpu.memref_slice %arg15[%dma_wait3A_430, %dma_wait3A_431] : memref<5128x128xf32, #tpu.memory_space<vmem_shared>> -> memref<5128x128xf32, #tpu.memory_space<vmem_shared>>
        tpu.wait_indirect_dma semaphore(%run_scoped3A_419 : memref<!tpu.dma_semaphore, #tpu.memory_space<semaphore_mem>>) src(%dma_wait3A_429 : memref<128x128xf32, #tpu.memory_space<vmem>>) dst(%dma_wait3A_432 : memref<5128x128xf32, #tpu.memory_space<vmem_shared>>)
        tpu.yield
      }) : () -> ()
      %add3A_413 = arith.constant 1 : i32
      %add3A_414 = arith.addi %add3A_335, %add3A_413 : i32
      %lt3A_415 = arith.cmpi slt, %add3A_414, %select_n3A_233 : i32
      %convert_element_type3A_416 = arith.extui %lt3A_415 : i1 to i32
      %cond3A_417 = arith.constant 0 : i32
      %cond3A_418 = arith.cmpi ne, %convert_element_type3A_416, %cond3A_417 : i32
      scf.if %cond3A_418 {
        %add3A_419 = arith.constant 1 : i32
        %add3A_420 = arith.addi %add3A_335, %add3A_419 : i32
        %mul3A_421 = arith.constant 128 : i32
        %mul3A_422 = arith.muli %add3A_420, %mul3A_421 : i32
        %add3A_423 = arith.constant 0 : i32
        %add3A_424 = arith.addi %mul3A_422, %add3A_423 : i32
        %get3A_425 = arith.index_cast %add3A_424 : i32 to index
        %get3A_426 = tpu.vector_load %arg7[%get3A_425] {strides = array<i32>} : memref<4352xi32, #tpu.memory_space<vmem>>, vector<16xi32>,
        %swap3A_427 = arith.constant 0 : index
        %swap3A_428 = tpu.vector_load %arg11[%swap3A_427] {strides = array<i32>} : memref<128xi32, #tpu.memory_space<vmem>>, vector<16xi32>,
        tpu.vector_store %arg11[%swap3A_427], %get3A_426 {strides = array<i32>} : memref<128xi32, #tpu.memory_space<vmem>>, vector<16xi32>,
        %mul3A_429 = arith.constant 128 : i32
        %mul3A_430 = arith.muli %add3A_420, %mul3A_429 : i32
        %add3A_431 = arith.constant 16 : i32
        %add3A_432 = arith.addi %mul3A_430, %add3A_431 : i32
        %get3A_433 = arith.index_cast %add3A_432 : i32 to index
        %get3A_434 = tpu.vector_load %arg7[%get3A_433] {strides = array<i32>} : memref<4352xi32, #tpu.memory_space<vmem>>, vector<16xi32>,
        %swap3A_435 = arith.constant 16 : index
        %swap3A_436 = tpu.vector_load %arg11[%swap3A_435] {strides = array<i32>} : memref<128xi32, #tpu.memory_space<vmem>>, vector<16xi32>,
        tpu.vector_store %arg11[%swap3A_435], %get3A_434 {strides = array<i32>} : memref<128xi32, #tpu.memory_space<vmem>>, vector<16xi32>,
        %mul3A_437 = arith.constant 128 : i32
        %mul3A_438 = arith.muli %add3A_420, %mul3A_437 : i32
        %add3A_439 = arith.constant 32 : i32
        %add3A_440 = arith.addi %mul3A_438, %add3A_439 : i32
        %get3A_441 = arith.index_cast %add3A_440 : i32 to index
        %get3A_442 = tpu.vector_load %arg7[%get3A_441] {strides = array<i32>} : memref<4352xi32, #tpu.memory_space<vmem>>, vector<16xi32>,
        %swap3A_443 = arith.constant 32 : index
        %swap3A_444 = tpu.vector_load %arg11[%swap3A_443] {strides = array<i32>} : memref<128xi32, #tpu.memory_space<vmem>>, vector<16xi32>,
        tpu.vector_store %arg11[%swap3A_443], %get3A_442 {strides = array<i32>} : memref<128xi32, #tpu.memory_space<vmem>>, vector<16xi32>,
        %mul3A_445 = arith.constant 128 : i32
        %mul3A_446 = arith.muli %add3A_420, %mul3A_445 : i32
        %add3A_447 = arith.constant 48 : i32
        %add3A_448 = arith.addi %mul3A_446, %add3A_447 : i32
        %get3A_449 = arith.index_cast %add3A_448 : i32 to index
        %get3A_450 = tpu.vector_load %arg7[%get3A_449] {strides = array<i32>} : memref<4352xi32, #tpu.memory_space<vmem>>, vector<16xi32>,
        %swap3A_451 = arith.constant 48 : index
        %swap3A_452 = tpu.vector_load %arg11[%swap3A_451] {strides = array<i32>} : memref<128xi32, #tpu.memory_space<vmem>>, vector<16xi32>,
        tpu.vector_store %arg11[%swap3A_451], %get3A_450 {strides = array<i32>} : memref<128xi32, #tpu.memory_space<vmem>>, vector<16xi32>,
        %mul3A_453 = arith.constant 128 : i32
        %mul3A_454 = arith.muli %add3A_420, %mul3A_453 : i32
        %add3A_455 = arith.constant 64 : i32
        %add3A_456 = arith.addi %mul3A_454, %add3A_455 : i32
        %get3A_457 = arith.index_cast %add3A_456 : i32 to index
        %get3A_458 = tpu.vector_load %arg7[%get3A_457] {strides = array<i32>} : memref<4352xi32, #tpu.memory_space<vmem>>, vector<16xi32>,
        %swap3A_459 = arith.constant 64 : index
        %swap3A_460 = tpu.vector_load %arg11[%swap3A_459] {strides = array<i32>} : memref<128xi32, #tpu.memory_space<vmem>>, vector<16xi32>,
        tpu.vector_store %arg11[%swap3A_459], %get3A_458 {strides = array<i32>} : memref<128xi32, #tpu.memory_space<vmem>>, vector<16xi32>,
        %mul3A_461 = arith.constant 128 : i32
        %mul3A_462 = arith.muli %add3A_420, %mul3A_461 : i32
        %add3A_463 = arith.constant 80 : i32
        %add3A_464 = arith.addi %mul3A_462, %add3A_463 : i32
        %get3A_465 = arith.index_cast %add3A_464 : i32 to index
        %get3A_466 = tpu.vector_load %arg7[%get3A_465] {strides = array<i32>} : memref<4352xi32, #tpu.memory_space<vmem>>, vector<16xi32>,
        %swap3A_467 = arith.constant 80 : index
        %swap3A_468 = tpu.vector_load %arg11[%swap3A_467] {strides = array<i32>} : memref<128xi32, #tpu.memory_space<vmem>>, vector<16xi32>,
        tpu.vector_store %arg11[%swap3A_467], %get3A_466 {strides = array<i32>} : memref<128xi32, #tpu.memory_space<vmem>>, vector<16xi32>,
        %mul3A_469 = arith.constant 128 : i32
        %mul3A_470 = arith.muli %add3A_420, %mul3A_469 : i32
        %add3A_471 = arith.constant 96 : i32
        %add3A_472 = arith.addi %mul3A_470, %add3A_471 : i32
        %get3A_473 = arith.index_cast %add3A_472 : i32 to index
        %get3A_474 = tpu.vector_load %arg7[%get3A_473] {strides = array<i32>} : memref<4352xi32, #tpu.memory_space<vmem>>, vector<16xi32>,
        %swap3A_475 = arith.constant 96 : index
        %swap3A_476 = tpu.vector_load %arg11[%swap3A_475] {strides = array<i32>} : memref<128xi32, #tpu.memory_space<vmem>>, vector<16xi32>,
        tpu.vector_store %arg11[%swap3A_475], %get3A_474 {strides = array<i32>} : memref<128xi32, #tpu.memory_space<vmem>>, vector<16xi32>,
        %mul3A_477 = arith.constant 128 : i32
        %mul3A_478 = arith.muli %add3A_420, %mul3A_477 : i32
        %add3A_479 = arith.constant 112 : i32
        %add3A_480 = arith.addi %mul3A_478, %add3A_479 : i32
        %get3A_481 = arith.index_cast %add3A_480 : i32 to index
        %get3A_482 = tpu.vector_load %arg7[%get3A_481] {strides = array<i32>} : memref<4352xi32, #tpu.memory_space<vmem>>, vector<16xi32>,
        %swap3A_483 = arith.constant 112 : index
        %swap3A_484 = tpu.vector_load %arg11[%swap3A_483] {strides = array<i32>} : memref<128xi32, #tpu.memory_space<vmem>>, vector<16xi32>,
        tpu.vector_store %arg11[%swap3A_483], %get3A_482 {strides = array<i32>} : memref<128xi32, #tpu.memory_space<vmem>>, vector<16xi32>,
        %mul3A_485 = arith.constant 128 : i32
        %mul3A_486 = arith.muli %add3A_420, %mul3A_485 : i32
        %dma_wait3A_487 = arith.constant 1 : i32
        %dma_wait3A_488 = arith.constant 0 : i32
        %dma_wait3A_489 = arith.constant 0 : i32
        %dma_wait3A_490 = tpu.memref_slice %arg10[%dma_wait3A_487, %dma_wait3A_488, %dma_wait3A_489] : memref<2x128x128xf32, #tpu.memory_space<vmem>> -> memref<1x128x128xf32, #tpu.memory_space<vmem>>
        %dma_wait3A_491 = tpu.memref_squeeze %dma_wait3A_490 : memref<1x128x128xf32, #tpu.memory_space<vmem>> -> memref<128x128xf32, #tpu.memory_space<vmem>>
        %dma_wait3A_492 = tpu.memref_slice %arg6[%mul3A_486] : memref<4352xi32, #tpu.memory_space<vmem>> -> memref<128xi32, #tpu.memory_space<vmem>>
        %dma_wait3A_493 = arith.constant 0 : i32
        %dma_wait3A_494 = arith.constant 0 : i32
        %dma_wait3A_495 = tpu.memref_slice %arg2[%dma_wait3A_493, %dma_wait3A_494] : memref<10000x128xf32, #tpu.memory_space<hbm>> -> memref<10000x128xf32, #tpu.memory_space<hbm>>
        tpu.wait_indirect_dma semaphore(%arg14 : memref<!tpu.dma_semaphore, #tpu.memory_space<semaphore_mem>>) src(%dma_wait3A_495 : memref<10000x128xf32, #tpu.memory_space<hbm>>) dst(%dma_wait3A_491 : memref<128x128xf32, #tpu.memory_space<vmem>>)
        %add3A_496 = arith.constant 1 : i32
        %add3A_497 = arith.addi %add3A_420, %add3A_496 : i32
        %lt3A_498 = arith.cmpi slt, %add3A_497, %select_n3A_233 : i32
        %convert_element_type3A_499 = arith.extui %lt3A_498 : i1 to i32
        %cond3A_500 = arith.constant 0 : i32
        %cond3A_501 = arith.cmpi ne, %convert_element_type3A_499, %cond3A_500 : i32
        scf.if %cond3A_501 {
          %add3A_503 = arith.constant 1 : i32
          %add3A_504 = arith.addi %add3A_420, %add3A_503 : i32
          %mul3A_505 = arith.constant 128 : i32
          %mul3A_506 = arith.muli %add3A_504, %mul3A_505 : i32
          %dma_start3A = arith.constant 0 : i32
          %dma_start3A_507 = arith.constant 0 : i32
          %dma_start3A_508 = arith.constant 0 : i32
          %dma_start3A_509 = tpu.memref_slice %arg10[%dma_start3A, %dma_start3A_507, %dma_start3A_508] : memref<2x128x128xf32, #tpu.memory_space<vmem>> -> memref<1x128x128xf32, #tpu.memory_space<vmem>>
          %dma_start3A_510 = tpu.memref_squeeze %dma_start3A_509 : memref<1x128x128xf32, #tpu.memory_space<vmem>> -> memref<128x128xf32, #tpu.memory_space<vmem>>
          %dma_start3A_511 = tpu.memref_slice %arg6[%mul3A_506] : memref<4352xi32, #tpu.memory_space<vmem>> -> memref<128xi32, #tpu.memory_space<vmem>>
          %dma_start3A_512 = arith.constant 0 : i32
          %dma_start3A_513 = arith.constant 0 : i32
          %dma_start3A_514 = tpu.memref_slice %arg2[%dma_start3A_512, %dma_start3A_513] : memref<10000x128xf32, #tpu.memory_space<hbm>> -> memref<10000x128xf32, #tpu.memory_space<hbm>>
          tpu.enqueue_indirect_dma source(%dma_start3A_514 : memref<10000x128xf32, #tpu.memory_space<hbm>>) target(%dma_start3A_510 : memref<128x128xf32, #tpu.memory_space<vmem>>) offsets(%dma_start3A_511 : memref<128xi32, #tpu.memory_space<vmem>>) semaphore(%arg13 : memref<!tpu.dma_semaphore, #tpu.memory_space<semaphore_mem>>)
        } else {
        }
        %run_scoped3A_502 = arith.constant 1 : i32
        "tpu.region"() ({
          %run_scoped3A_503 = tpu.sem_alloc : memref<!tpu.dma_semaphore, #tpu.memory_space<semaphore_mem>>
          %dma_start3A = arith.constant 0 : i32
          %dma_start3A_504 = arith.constant 0 : i32
          %dma_start3A_505 = tpu.memref_slice %arg10[%run_scoped3A_502, %dma_start3A, %dma_start3A_504] : memref<2x128x128xf32, #tpu.memory_space<vmem>> -> memref<1x128x128xf32, #tpu.memory_space<vmem>>
          %dma_start3A_506 = tpu.memref_squeeze %dma_start3A_505 : memref<1x128x128xf32, #tpu.memory_space<vmem>> -> memref<128x128xf32, #tpu.memory_space<vmem>>
          %dma_start3A_507 = arith.constant 0 : i32
          %dma_start3A_508 = arith.constant 0 : i32
          %dma_start3A_509 = tpu.memref_slice %arg15[%dma_start3A_507, %dma_start3A_508] : memref<5128x128xf32, #tpu.memory_space<vmem_shared>> -> memref<5128x128xf32, #tpu.memory_space<vmem_shared>>
          tpu.enqueue_indirect_dma source(%dma_start3A_506 : memref<128x128xf32, #tpu.memory_space<vmem>>) target(%dma_start3A_509 : memref<5128x128xf32, #tpu.memory_space<vmem_shared>>) offsets(%arg11 : memref<128xi32, #tpu.memory_space<vmem>>) semaphore(%run_scoped3A_503 : memref<!tpu.dma_semaphore, #tpu.memory_space<semaphore_mem>>) {add = true}
          %dma_wait3A_510 = arith.constant 0 : i32
          %dma_wait3A_511 = arith.constant 0 : i32
          %dma_wait3A_512 = tpu.memref_slice %arg10[%run_scoped3A_502, %dma_wait3A_510, %dma_wait3A_511] : memref<2x128x128xf32, #tpu.memory_space<vmem>> -> memref<1x128x128xf32, #tpu.memory_space<vmem>>
          %dma_wait3A_513 = tpu.memref_squeeze %dma_wait3A_512 : memref<1x128x128xf32, #tpu.memory_space<vmem>> -> memref<128x128xf32, #tpu.memory_space<vmem>>
          %dma_wait3A_514 = arith.constant 0 : i32
          %dma_wait3A_515 = arith.constant 0 : i32
          %dma_wait3A_516 = tpu.memref_slice %arg15[%dma_wait3A_514, %dma_wait3A_515] : memref<5128x128xf32, #tpu.memory_space<vmem_shared>> -> memref<5128x128xf32, #tpu.memory_space<vmem_shared>>
          tpu.wait_indirect_dma semaphore(%run_scoped3A_503 : memref<!tpu.dma_semaphore, #tpu.memory_space<semaphore_mem>>) src(%dma_wait3A_513 : memref<128x128xf32, #tpu.memory_space<vmem>>) dst(%dma_wait3A_516 : memref<5128x128xf32, #tpu.memory_space<vmem_shared>>)
          tpu.yield
        }) : () -> ()
      } else {
      }
    }
    %while3A_257 = arith.constant 1 : i32
    scf.for %while3A_333 = %while3A_255 to %while3A_251 step %while3A_257  : i32 {
      %mul3A_334 = arith.muli %while3A_333, %while3A_247 : i32
      %add3A_335 = arith.addi %while3A_248, %mul3A_334 : i32
      %mul3A_336 = arith.constant 128 : i32
      %mul3A_337 = arith.muli %add3A_335, %mul3A_336 : i32
      %add3A_338 = arith.constant 0 : i32
      %add3A_339 = arith.addi %mul3A_337, %add3A_338 : i32
      %get3A = arith.index_cast %add3A_339 : i32 to index
      %get3A_340 = tpu.vector_load %arg7[%get3A] {strides = array<i32>} : memref<4352xi32, #tpu.memory_space<vmem>>, vector<16xi32>,
      %swap3A = arith.constant 0 : index
      %swap3A_341 = tpu.vector_load %arg11[%swap3A] {strides = array<i32>} : memref<128xi32, #tpu.memory_space<vmem>>, vector<16xi32>,
      tpu.vector_store %arg11[%swap3A], %get3A_340 {strides = array<i32>} : memref<128xi32, #tpu.memory_space<vmem>>, vector<16xi32>,
      %mul3A_342 = arith.constant 128 : i32
      %mul3A_343 = arith.muli %add3A_335, %mul3A_342 : i32
      %add3A_344 = arith.constant 16 : i32
      %add3A_345 = arith.addi %mul3A_343, %add3A_344 : i32
      %get3A_346 = arith.index_cast %add3A_345 : i32 to index
      %get3A_347 = tpu.vector_load %arg7[%get3A_346] {strides = array<i32>} : memref<4352xi32, #tpu.memory_space<vmem>>, vector<16xi32>,
      %swap3A_348 = arith.constant 16 : index
      %swap3A_349 = tpu.vector_load %arg11[%swap3A_348] {strides = array<i32>} : memref<128xi32, #tpu.memory_space<vmem>>, vector<16xi32>,
      tpu.vector_store %arg11[%swap3A_348], %get3A_347 {strides = array<i32>} : memref<128xi32, #tpu.memory_space<vmem>>, vector<16xi32>,
      %mul3A_350 = arith.constant 128 : i32
      %mul3A_351 = arith.muli %add3A_335, %mul3A_350 : i32
      %add3A_352 = arith.constant 32 : i32
      %add3A_353 = arith.addi %mul3A_351, %add3A_352 : i32
      %get3A_354 = arith.index_cast %add3A_353 : i32 to index
      %get3A_355 = tpu.vector_load %arg7[%get3A_354] {strides = array<i32>} : memref<4352xi32, #tpu.memory_space<vmem>>, vector<16xi32>,
      %swap3A_356 = arith.constant 32 : index
      %swap3A_357 = tpu.vector_load %arg11[%swap3A_356] {strides = array<i32>} : memref<128xi32, #tpu.memory_space<vmem>>, vector<16xi32>,
      tpu.vector_store %arg11[%swap3A_356], %get3A_355 {strides = array<i32>} : memref<128xi32, #tpu.memory_space<vmem>>, vector<16xi32>,
      %mul3A_358 = arith.constant 128 : i32
      %mul3A_359 = arith.muli %add3A_335, %mul3A_358 : i32
      %add3A_360 = arith.constant 48 : i32
      %add3A_361 = arith.addi %mul3A_359, %add3A_360 : i32
      %get3A_362 = arith.index_cast %add3A_361 : i32 to index
      %get3A_363 = tpu.vector_load %arg7[%get3A_362] {strides = array<i32>} : memref<4352xi32, #tpu.memory_space<vmem>>, vector<16xi32>,
      %swap3A_364 = arith.constant 48 : index
      %swap3A_365 = tpu.vector_load %arg11[%swap3A_364] {strides = array<i32>} : memref<128xi32, #tpu.memory_space<vmem>>, vector<16xi32>,
      tpu.vector_store %arg11[%swap3A_364], %get3A_363 {strides = array<i32>} : memref<128xi32, #tpu.memory_space<vmem>>, vector<16xi32>,
      %mul3A_366 = arith.constant 128 : i32
      %mul3A_367 = arith.muli %add3A_335, %mul3A_366 : i32
      %add3A_368 = arith.constant 64 : i32
      %add3A_369 = arith.addi %mul3A_367, %add3A_368 : i32
      %get3A_370 = arith.index_cast %add3A_369 : i32 to index
      %get3A_371 = tpu.vector_load %arg7[%get3A_370] {strides = array<i32>} : memref<4352xi32, #tpu.memory_space<vmem>>, vector<16xi32>,
      %swap3A_372 = arith.constant 64 : index
      %swap3A_373 = tpu.vector_load %arg11[%swap3A_372] {strides = array<i32>} : memref<128xi32, #tpu.memory_space<vmem>>, vector<16xi32>,
      tpu.vector_store %arg11[%swap3A_372], %get3A_371 {strides = array<i32>} : memref<128xi32, #tpu.memory_space<vmem>>, vector<16xi32>,
      %mul3A_374 = arith.constant 128 : i32
      %mul3A_375 = arith.muli %add3A_335, %mul3A_374 : i32
      %add3A_376 = arith.constant 80 : i32
      %add3A_377 = arith.addi %mul3A_375, %add3A_376 : i32
      %get3A_378 = arith.index_cast %add3A_377 : i32 to index
      %get3A_379 = tpu.vector_load %arg7[%get3A_378] {strides = array<i32>} : memref<4352xi32, #tpu.memory_space<vmem>>, vector<16xi32>,
      %swap3A_380 = arith.constant 80 : index
      %swap3A_381 = tpu.vector_load %arg11[%swap3A_380] {strides = array<i32>} : memref<128xi32, #tpu.memory_space<vmem>>, vector<16xi32>,
      tpu.vector_store %arg11[%swap3A_380], %get3A_379 {strides = array<i32>} : memref<128xi32, #tpu.memory_space<vmem>>, vector<16xi32>,
      %mul3A_382 = arith.constant 128 : i32
      %mul3A_383 = arith.muli %add3A_335, %mul3A_382 : i32
      %add3A_384 = arith.constant 96 : i32
      %add3A_385 = arith.addi %mul3A_383, %add3A_384 : i32
      %get3A_386 = arith.index_cast %add3A_385 : i32 to index
      %get3A_387 = tpu.vector_load %arg7[%get3A_386] {strides = array<i32>} : memref<4352xi32, #tpu.memory_space<vmem>>, vector<16xi32>,
      %swap3A_388 = arith.constant 96 : index
      %swap3A_389 = tpu.vector_load %arg11[%swap3A_388] {strides = array<i32>} : memref<128xi32, #tpu.memory_space<vmem>>, vector<16xi32>,
      tpu.vector_store %arg11[%swap3A_388], %get3A_387 {strides = array<i32>} : memref<128xi32, #tpu.memory_space<vmem>>, vector<16xi32>,
      %mul3A_390 = arith.constant 128 : i32
      %mul3A_391 = arith.muli %add3A_335, %mul3A_390 : i32
      %add3A_392 = arith.constant 112 : i32
      %add3A_393 = arith.addi %mul3A_391, %add3A_392 : i32
      %get3A_394 = arith.index_cast %add3A_393 : i32 to index
      %get3A_395 = tpu.vector_load %arg7[%get3A_394] {strides = array<i32>} : memref<4352xi32, #tpu.memory_space<vmem>>, vector<16xi32>,
      %swap3A_396 = arith.constant 112 : index
      %swap3A_397 = tpu.vector_load %arg11[%swap3A_396] {strides = array<i32>} : memref<128xi32, #tpu.memory_space<vmem>>, vector<16xi32>,
      tpu.vector_store %arg11[%swap3A_396], %get3A_395 {strides = array<i32>} : memref<128xi32, #tpu.memory_space<vmem>>, vector<16xi32>,
      %mul3A_398 = arith.constant 128 : i32
      %mul3A_399 = arith.muli %add3A_335, %mul3A_398 : i32
      %dma_wait3A = arith.constant 0 : i32
      %dma_wait3A_400 = arith.constant 0 : i32
      %dma_wait3A_401 = arith.constant 0 : i32
      %dma_wait3A_402 = tpu.memref_slice %arg10[%dma_wait3A, %dma_wait3A_400, %dma_wait3A_401] : memref<2x128x128xf32, #tpu.memory_space<vmem>> -> memref<1x128x128xf32, #tpu.memory_space<vmem>>
      %dma_wait3A_403 = tpu.memref_squeeze %dma_wait3A_402 : memref<1x128x128xf32, #tpu.memory_space<vmem>> -> memref<128x128xf32, #tpu.memory_space<vmem>>
      %dma_wait3A_404 = tpu.memref_slice %arg6[%mul3A_399] : memref<4352xi32, #tpu.memory_space<vmem>> -> memref<128xi32, #tpu.memory_space<vmem>>
      %dma_wait3A_405 = arith.constant 0 : i32
      %dma_wait3A_406 = arith.constant 0 : i32
      %dma_wait3A_407 = tpu.memref_slice %arg2[%dma_wait3A_405, %dma_wait3A_406] : memref<10000x128xf32, #tpu.memory_space<hbm>> -> memref<10000x128xf32, #tpu.memory_space<hbm>>
      tpu.wait_indirect_dma semaphore(%arg13 : memref<!tpu.dma_semaphore, #tpu.memory_space<semaphore_mem>>) src(%dma_wait3A_407 : memref<10000x128xf32, #tpu.memory_space<hbm>>) dst(%dma_wait3A_403 : memref<128x128xf32, #tpu.memory_space<vmem>>)
      %add3A_408 = arith.constant 1 : i32
      %add3A_409 = arith.addi %add3A_335, %add3A_408 : i32
      %lt3A = arith.cmpi slt, %add3A_409, %select_n3A_233 : i32
      %convert_element_type3A_410 = arith.extui %lt3A : i1 to i32
      %cond3A_411 = arith.constant 0 : i32
      %cond3A_412 = arith.cmpi ne, %convert_element_type3A_410, %cond3A_411 : i32
      scf.if %cond3A_412 {
        %add3A_419 = arith.constant 1 : i32
        %add3A_420 = arith.addi %add3A_335, %add3A_419 : i32
        %mul3A_421 = arith.constant 128 : i32
        %mul3A_422 = arith.muli %add3A_420, %mul3A_421 : i32
        %dma_start3A = arith.constant 1 : i32
        %dma_start3A_423 = arith.constant 0 : i32
        %dma_start3A_424 = arith.constant 0 : i32
        %dma_start3A_425 = tpu.memref_slice %arg10[%dma_start3A, %dma_start3A_423, %dma_start3A_424] : memref<2x128x128xf32, #tpu.memory_space<vmem>> -> memref<1x128x128xf32, #tpu.memory_space<vmem>>
        %dma_start3A_426 = tpu.memref_squeeze %dma_start3A_425 : memref<1x128x128xf32, #tpu.memory_space<vmem>> -> memref<128x128xf32, #tpu.memory_space<vmem>>
        %dma_start3A_427 = tpu.memref_slice %arg6[%mul3A_422] : memref<4352xi32, #tpu.memory_space<vmem>> -> memref<128xi32, #tpu.memory_space<vmem>>
        %dma_start3A_428 = arith.constant 0 : i32
        %dma_start3A_429 = arith.constant 0 : i32
        %dma_start3A_430 = tpu.memref_slice %arg2[%dma_start3A_428, %dma_start3A_429] : memref<10000x128xf32, #tpu.memory_space<hbm>> -> memref<10000x128xf32, #tpu.memory_space<hbm>>
        tpu.enqueue_indirect_dma source(%dma_start3A_430 : memref<10000x128xf32, #tpu.memory_space<hbm>>) target(%dma_start3A_426 : memref<128x128xf32, #tpu.memory_space<vmem>>) offsets(%dma_start3A_427 : memref<128xi32, #tpu.memory_space<vmem>>) semaphore(%arg14 : memref<!tpu.dma_semaphore, #tpu.memory_space<semaphore_mem>>)
      } else {
      }
      %run_scoped3A = arith.constant 0 : i32
      "tpu.region"() ({
        %run_scoped3A_419 = tpu.sem_alloc : memref<!tpu.dma_semaphore, #tpu.memory_space<semaphore_mem>>
        %dma_start3A = arith.constant 0 : i32
        %dma_start3A_420 = arith.constant 0 : i32
        %dma_start3A_421 = tpu.memref_slice %arg10[%run_scoped3A, %dma_start3A, %dma_start3A_420] : memref<2x128x128xf32, #tpu.memory_space<vmem>> -> memref<1x128x128xf32, #tpu.memory_space<vmem>>
        %dma_start3A_422 = tpu.memref_squeeze %dma_start3A_421 : memref<1x128x128xf32, #tpu.memory_space<vmem>> -> memref<128x128xf32, #tpu.memory_space<vmem>>
        %dma_start3A_423 = arith.constant 0 : i32
        %dma_start3A_424 = arith.constant 0 : i32
        %dma_start3A_425 = tpu.memref_slice %arg15[%dma_start3A_423, %dma_start3A_424] : memref<5128x128xf32, #tpu.memory_space<vmem_shared>> -> memref<5128x128xf32, #tpu.memory_space<vmem_shared>>
        tpu.enqueue_indirect_dma source(%dma_start3A_422 : memref<128x128xf32, #tpu.memory_space<vmem>>) target(%dma_start3A_425 : memref<5128x128xf32, #tpu.memory_space<vmem_shared>>) offsets(%arg11 : memref<128xi32, #tpu.memory_space<vmem>>) semaphore(%run_scoped3A_419 : memref<!tpu.dma_semaphore, #tpu.memory_space<semaphore_mem>>) {add = true}
        %dma_wait3A_426 = arith.constant 0 : i32
        %dma_wait3A_427 = arith.constant 0 : i32
        %dma_wait3A_428 = tpu.memref_slice %arg10[%run_scoped3A, %dma_wait3A_426, %dma_wait3A_427] : memref<2x128x128xf32, #tpu.memory_space<vmem>> -> memref<1x128x128xf32, #tpu.memory_space<vmem>>
        %dma_wait3A_429 = tpu.memref_squeeze %dma_wait3A_428 : memref<1x128x128xf32, #tpu.memory_space<vmem>> -> memref<128x128xf32, #tpu.memory_space<vmem>>
        %dma_wait3A_430 = arith.constant 0 : i32
        %dma_wait3A_431 = arith.constant 0 : i32
        %dma_wait3A_432 = tpu.memref_slice %arg15[%dma_wait3A_430, %dma_wait3A_431] : memref<5128x128xf32, #tpu.memory_space<vmem_shared>> -> memref<5128x128xf32, #tpu.memory_space<vmem_shared>>
        tpu.wait_indirect_dma semaphore(%run_scoped3A_419 : memref<!tpu.dma_semaphore, #tpu.memory_space<semaphore_mem>>) src(%dma_wait3A_429 : memref<128x128xf32, #tpu.memory_space<vmem>>) dst(%dma_wait3A_432 : memref<5128x128xf32, #tpu.memory_space<vmem_shared>>)
        tpu.yield
      }) : () -> ()
      %add3A_413 = arith.constant 1 : i32
      %add3A_414 = arith.addi %add3A_335, %add3A_413 : i32
      %lt3A_415 = arith.cmpi slt, %add3A_414, %select_n3A_233 : i32
      %convert_element_type3A_416 = arith.extui %lt3A_415 : i1 to i32
      %cond3A_417 = arith.constant 0 : i32
      %cond3A_418 = arith.cmpi ne, %convert_element_type3A_416, %cond3A_417 : i32
      scf.if %cond3A_418 {
        %add3A_419 = arith.constant 1 : i32
        %add3A_420 = arith.addi %add3A_335, %add3A_419 : i32
        %mul3A_421 = arith.constant 128 : i32
        %mul3A_422 = arith.muli %add3A_420, %mul3A_421 : i32
        %add3A_423 = arith.constant 0 : i32
        %add3A_424 = arith.addi %mul3A_422, %add3A_423 : i32
        %get3A_425 = arith.index_cast %add3A_424 : i32 to index
        %get3A_426 = tpu.vector_load %arg7[%get3A_425] {strides = array<i32>} : memref<4352xi32, #tpu.memory_space<vmem>>, vector<16xi32>,
        %swap3A_427 = arith.constant 0 : index
        %swap3A_428 = tpu.vector_load %arg11[%swap3A_427] {strides = array<i32>} : memref<128xi32, #tpu.memory_space<vmem>>, vector<16xi32>,
        tpu.vector_store %arg11[%swap3A_427], %get3A_426 {strides = array<i32>} : memref<128xi32, #tpu.memory_space<vmem>>, vector<16xi32>,
        %mul3A_429 = arith.constant 128 : i32
        %mul3A_430 = arith.muli %add3A_420, %mul3A_429 : i32
        %add3A_431 = arith.constant 16 : i32
        %add3A_432 = arith.addi %mul3A_430, %add3A_431 : i32
        %get3A_433 = arith.index_cast %add3A_432 : i32 to index
        %get3A_434 = tpu.vector_load %arg7[%get3A_433] {strides = array<i32>} : memref<4352xi32, #tpu.memory_space<vmem>>, vector<16xi32>,
        %swap3A_435 = arith.constant 16 : index
        %swap3A_436 = tpu.vector_load %arg11[%swap3A_435] {strides = array<i32>} : memref<128xi32, #tpu.memory_space<vmem>>, vector<16xi32>,
        tpu.vector_store %arg11[%swap3A_435], %get3A_434 {strides = array<i32>} : memref<128xi32, #tpu.memory_space<vmem>>, vector<16xi32>,
        %mul3A_437 = arith.constant 128 : i32
        %mul3A_438 = arith.muli %add3A_420, %mul3A_437 : i32
        %add3A_439 = arith.constant 32 : i32
        %add3A_440 = arith.addi %mul3A_438, %add3A_439 : i32
        %get3A_441 = arith.index_cast %add3A_440 : i32 to index
        %get3A_442 = tpu.vector_load %arg7[%get3A_441] {strides = array<i32>} : memref<4352xi32, #tpu.memory_space<vmem>>, vector<16xi32>,
        %swap3A_443 = arith.constant 32 : index
        %swap3A_444 = tpu.vector_load %arg11[%swap3A_443] {strides = array<i32>} : memref<128xi32, #tpu.memory_space<vmem>>, vector<16xi32>,
        tpu.vector_store %arg11[%swap3A_443], %get3A_442 {strides = array<i32>} : memref<128xi32, #tpu.memory_space<vmem>>, vector<16xi32>,
        %mul3A_445 = arith.constant 128 : i32
        %mul3A_446 = arith.muli %add3A_420, %mul3A_445 : i32
        %add3A_447 = arith.constant 48 : i32
        %add3A_448 = arith.addi %mul3A_446, %add3A_447 : i32
        %get3A_449 = arith.index_cast %add3A_448 : i32 to index
        %get3A_450 = tpu.vector_load %arg7[%get3A_449] {strides = array<i32>} : memref<4352xi32, #tpu.memory_space<vmem>>, vector<16xi32>,
        %swap3A_451 = arith.constant 48 : index
        %swap3A_452 = tpu.vector_load %arg11[%swap3A_451] {strides = array<i32>} : memref<128xi32, #tpu.memory_space<vmem>>, vector<16xi32>,
        tpu.vector_store %arg11[%swap3A_451], %get3A_450 {strides = array<i32>} : memref<128xi32, #tpu.memory_space<vmem>>, vector<16xi32>,
        %mul3A_453 = arith.constant 128 : i32
        %mul3A_454 = arith.muli %add3A_420, %mul3A_453 : i32
        %add3A_455 = arith.constant 64 : i32
        %add3A_456 = arith.addi %mul3A_454, %add3A_455 : i32
        %get3A_457 = arith.index_cast %add3A_456 : i32 to index
        %get3A_458 = tpu.vector_load %arg7[%get3A_457] {strides = array<i32>} : memref<4352xi32, #tpu.memory_space<vmem>>, vector<16xi32>,
        %swap3A_459 = arith.constant 64 : index
        %swap3A_460 = tpu.vector_load %arg11[%swap3A_459] {strides = array<i32>} : memref<128xi32, #tpu.memory_space<vmem>>, vector<16xi32>,
        tpu.vector_store %arg11[%swap3A_459], %get3A_458 {strides = array<i32>} : memref<128xi32, #tpu.memory_space<vmem>>, vector<16xi32>,
        %mul3A_461 = arith.constant 128 : i32
        %mul3A_462 = arith.muli %add3A_420, %mul3A_461 : i32
        %add3A_463 = arith.constant 80 : i32
        %add3A_464 = arith.addi %mul3A_462, %add3A_463 : i32
        %get3A_465 = arith.index_cast %add3A_464 : i32 to index
        %get3A_466 = tpu.vector_load %arg7[%get3A_465] {strides = array<i32>} : memref<4352xi32, #tpu.memory_space<vmem>>, vector<16xi32>,
        %swap3A_467 = arith.constant 80 : index
        %swap3A_468 = tpu.vector_load %arg11[%swap3A_467] {strides = array<i32>} : memref<128xi32, #tpu.memory_space<vmem>>, vector<16xi32>,
        tpu.vector_store %arg11[%swap3A_467], %get3A_466 {strides = array<i32>} : memref<128xi32, #tpu.memory_space<vmem>>, vector<16xi32>,
        %mul3A_469 = arith.constant 128 : i32
        %mul3A_470 = arith.muli %add3A_420, %mul3A_469 : i32
        %add3A_471 = arith.constant 96 : i32
        %add3A_472 = arith.addi %mul3A_470, %add3A_471 : i32
        %get3A_473 = arith.index_cast %add3A_472 : i32 to index
        %get3A_474 = tpu.vector_load %arg7[%get3A_473] {strides = array<i32>} : memref<4352xi32, #tpu.memory_space<vmem>>, vector<16xi32>,
        %swap3A_475 = arith.constant 96 : index
        %swap3A_476 = tpu.vector_load %arg11[%swap3A_475] {strides = array<i32>} : memref<128xi32, #tpu.memory_space<vmem>>, vector<16xi32>,
        tpu.vector_store %arg11[%swap3A_475], %get3A_474 {strides = array<i32>} : memref<128xi32, #tpu.memory_space<vmem>>, vector<16xi32>,
        %mul3A_477 = arith.constant 128 : i32
        %mul3A_478 = arith.muli %add3A_420, %mul3A_477 : i32
        %add3A_479 = arith.constant 112 : i32
        %add3A_480 = arith.addi %mul3A_478, %add3A_479 : i32
        %get3A_481 = arith.index_cast %add3A_480 : i32 to index
        %get3A_482 = tpu.vector_load %arg7[%get3A_481] {strides = array<i32>} : memref<4352xi32, #tpu.memory_space<vmem>>, vector<16xi32>,
        %swap3A_483 = arith.constant 112 : index
        %swap3A_484 = tpu.vector_load %arg11[%swap3A_483] {strides = array<i32>} : memref<128xi32, #tpu.memory_space<vmem>>, vector<16xi32>,
        tpu.vector_store %arg11[%swap3A_483], %get3A_482 {strides = array<i32>} : memref<128xi32, #tpu.memory_space<vmem>>, vector<16xi32>,
        %mul3A_485 = arith.constant 128 : i32
        %mul3A_486 = arith.muli %add3A_420, %mul3A_485 : i32
        %dma_wait3A_487 = arith.constant 1 : i32
        %dma_wait3A_488 = arith.constant 0 : i32
        %dma_wait3A_489 = arith.constant 0 : i32
        %dma_wait3A_490 = tpu.memref_slice %arg10[%dma_wait3A_487, %dma_wait3A_488, %dma_wait3A_489] : memref<2x128x128xf32, #tpu.memory_space<vmem>> -> memref<1x128x128xf32, #tpu.memory_space<vmem>>
        %dma_wait3A_491 = tpu.memref_squeeze %dma_wait3A_490 : memref<1x128x128xf32, #tpu.memory_space<vmem>> -> memref<128x128xf32, #tpu.memory_space<vmem>>
        %dma_wait3A_492 = tpu.memref_slice %arg6[%mul3A_486] : memref<4352xi32, #tpu.memory_space<vmem>> -> memref<128xi32, #tpu.memory_space<vmem>>
        %dma_wait3A_493 = arith.constant 0 : i32
        %dma_wait3A_494 = arith.constant 0 : i32
        %dma_wait3A_495 = tpu.memref_slice %arg2[%dma_wait3A_493, %dma_wait3A_494] : memref<10000x128xf32, #tpu.memory_space<hbm>> -> memref<10000x128xf32, #tpu.memory_space<hbm>>
        tpu.wait_indirect_dma semaphore(%arg14 : memref<!tpu.dma_semaphore, #tpu.memory_space<semaphore_mem>>) src(%dma_wait3A_495 : memref<10000x128xf32, #tpu.memory_space<hbm>>) dst(%dma_wait3A_491 : memref<128x128xf32, #tpu.memory_space<vmem>>)
        %add3A_496 = arith.constant 1 : i32
        %add3A_497 = arith.addi %add3A_420, %add3A_496 : i32
        %lt3A_498 = arith.cmpi slt, %add3A_497, %select_n3A_233 : i32
        %convert_element_type3A_499 = arith.extui %lt3A_498 : i1 to i32
        %cond3A_500 = arith.constant 0 : i32
        %cond3A_501 = arith.cmpi ne, %convert_element_type3A_499, %cond3A_500 : i32
        scf.if %cond3A_501 {
          %add3A_503 = arith.constant 1 : i32
          %add3A_504 = arith.addi %add3A_420, %add3A_503 : i32
          %mul3A_505 = arith.constant 128 : i32
          %mul3A_506 = arith.muli %add3A_504, %mul3A_505 : i32
          %dma_start3A = arith.constant 0 : i32
          %dma_start3A_507 = arith.constant 0 : i32
          %dma_start3A_508 = arith.constant 0 : i32
          %dma_start3A_509 = tpu.memref_slice %arg10[%dma_start3A, %dma_start3A_507, %dma_start3A_508] : memref<2x128x128xf32, #tpu.memory_space<vmem>> -> memref<1x128x128xf32, #tpu.memory_space<vmem>>
          %dma_start3A_510 = tpu.memref_squeeze %dma_start3A_509 : memref<1x128x128xf32, #tpu.memory_space<vmem>> -> memref<128x128xf32, #tpu.memory_space<vmem>>
          %dma_start3A_511 = tpu.memref_slice %arg6[%mul3A_506] : memref<4352xi32, #tpu.memory_space<vmem>> -> memref<128xi32, #tpu.memory_space<vmem>>
          %dma_start3A_512 = arith.constant 0 : i32
          %dma_start3A_513 = arith.constant 0 : i32
          %dma_start3A_514 = tpu.memref_slice %arg2[%dma_start3A_512, %dma_start3A_513] : memref<10000x128xf32, #tpu.memory_space<hbm>> -> memref<10000x128xf32, #tpu.memory_space<hbm>>
          tpu.enqueue_indirect_dma source(%dma_start3A_514 : memref<10000x128xf32, #tpu.memory_space<hbm>>) target(%dma_start3A_510 : memref<128x128xf32, #tpu.memory_space<vmem>>) offsets(%dma_start3A_511 : memref<128xi32, #tpu.memory_space<vmem>>) semaphore(%arg13 : memref<!tpu.dma_semaphore, #tpu.memory_space<semaphore_mem>>)
        } else {
        }
        %run_scoped3A_502 = arith.constant 1 : i32
        "tpu.region"() ({
          %run_scoped3A_503 = tpu.sem_alloc : memref<!tpu.dma_semaphore, #tpu.memory_space<semaphore_mem>>
          %dma_start3A = arith.constant 0 : i32
          %dma_start3A_504 = arith.constant 0 : i32
          %dma_start3A_505 = tpu.memref_slice %arg10[%run_scoped3A_502, %dma_start3A, %dma_start3A_504] : memref<2x128x128xf32, #tpu.memory_space<vmem>> -> memref<1x128x128xf32, #tpu.memory_space<vmem>>
          %dma_start3A_506 = tpu.memref_squeeze %dma_start3A_505 : memref<1x128x128xf32, #tpu.memory_space<vmem>> -> memref<128x128xf32, #tpu.memory_space<vmem>>
          %dma_start3A_507 = arith.constant 0 : i32
          %dma_start3A_508 = arith.constant 0 : i32
          %dma_start3A_509 = tpu.memref_slice %arg15[%dma_start3A_507, %dma_start3A_508] : memref<5128x128xf32, #tpu.memory_space<vmem_shared>> -> memref<5128x128xf32, #tpu.memory_space<vmem_shared>>
          tpu.enqueue_indirect_dma source(%dma_start3A_506 : memref<128x128xf32, #tpu.memory_space<vmem>>) target(%dma_start3A_509 : memref<5128x128xf32, #tpu.memory_space<vmem_shared>>) offsets(%arg11 : memref<128xi32, #tpu.memory_space<vmem>>) semaphore(%run_scoped3A_503 : memref<!tpu.dma_semaphore, #tpu.memory_space<semaphore_mem>>) {add = true}
          %dma_wait3A_510 = arith.constant 0 : i32
          %dma_wait3A_511 = arith.constant 0 : i32
          %dma_wait3A_512 = tpu.memref_slice %arg10[%run_scoped3A_502, %dma_wait3A_510, %dma_wait3A_511] : memref<2x128x128xf32, #tpu.memory_space<vmem>> -> memref<1x128x128xf32, #tpu.memory_space<vmem>>
          %dma_wait3A_513 = tpu.memref_squeeze %dma_wait3A_512 : memref<1x128x128xf32, #tpu.memory_space<vmem>> -> memref<128x128xf32, #tpu.memory_space<vmem>>
          %dma_wait3A_514 = arith.constant 0 : i32
          %dma_wait3A_515 = arith.constant 0 : i32
          %dma_wait3A_516 = tpu.memref_slice %arg15[%dma_wait3A_514, %dma_wait3A_515] : memref<5128x128xf32, #tpu.memory_space<vmem_shared>> -> memref<5128x128xf32, #tpu.memory_space<vmem_shared>>
          tpu.wait_indirect_dma semaphore(%run_scoped3A_503 : memref<!tpu.dma_semaphore, #tpu.memory_space<semaphore_mem>>) src(%dma_wait3A_513 : memref<128x128xf32, #tpu.memory_space<vmem>>) dst(%dma_wait3A_516 : memref<5128x128xf32, #tpu.memory_space<vmem_shared>>)
          tpu.yield
        }) : () -> ()
      } else {
      }
    }
    %add3A_258 = arith.constant 16000 : i32
    %add3A_259 = arith.addi %mul3A_0, %add3A_258 : i32
    "tpu.region"() ({
      %run_scoped3A = tpu.sem_alloc : memref<!tpu.dma_semaphore, #tpu.memory_space<semaphore_mem>>
      %dma_start3A = tpu.memref_slice %arg3[%add3A_259] : memref<320000xi32, #tpu.memory_space<hbm>> -> memref<4000xi32, #tpu.memory_space<hbm>>
      %dma_start3A_333 = tpu.memref_slice %arg3[%add3A_259] : memref<320000xi32, #tpu.memory_space<hbm>> -> memref<4000xi32, #tpu.memory_space<hbm>>
      tpu.enqueue_dma source(%dma_start3A_333 : memref<4000xi32, #tpu.memory_space<hbm>>) target(%arg8 : memref<4000xi32, #tpu.memory_space<vmem>>) target_semaphore(%run_scoped3A : memref<!tpu.dma_semaphore, #tpu.memory_space<semaphore_mem>>)
      %dma_wait3A = tpu.memref_slice %arg3[%add3A_259] : memref<320000xi32, #tpu.memory_space<hbm>> -> memref<4000xi32, #tpu.memory_space<hbm>>
      %dma_wait3A_334 = tpu.memref_slice %arg3[%add3A_259] : memref<320000xi32, #tpu.memory_space<hbm>> -> memref<4000xi32, #tpu.memory_space<hbm>>
      tpu.wait_dma2 semaphore(%run_scoped3A : memref<!tpu.dma_semaphore, #tpu.memory_space<semaphore_mem>>) src(%dma_wait3A_334 : memref<4000xi32, #tpu.memory_space<hbm>>) dst(%arg8 : memref<4000xi32, #tpu.memory_space<vmem>>)
      tpu.yield
    }) : () -> ()
    "tpu.region"() ({
      %run_scoped3A = tpu.sem_alloc : memref<!tpu.dma_semaphore, #tpu.memory_space<semaphore_mem>>
      %dma_start3A = tpu.memref_slice %arg4[%add3A_259] : memref<320000xi32, #tpu.memory_space<hbm>> -> memref<4000xi32, #tpu.memory_space<hbm>>
      %dma_start3A_333 = tpu.memref_slice %arg4[%add3A_259] : memref<320000xi32, #tpu.memory_space<hbm>> -> memref<4000xi32, #tpu.memory_space<hbm>>
      tpu.enqueue_dma source(%dma_start3A_333 : memref<4000xi32, #tpu.memory_space<hbm>>) target(%arg9 : memref<4000xi32, #tpu.memory_space<vmem>>) target_semaphore(%run_scoped3A : memref<!tpu.dma_semaphore, #tpu.memory_space<semaphore_mem>>)
      %dma_wait3A = tpu.memref_slice %arg4[%add3A_259] : memref<320000xi32, #tpu.memory_space<hbm>> -> memref<4000xi32, #tpu.memory_space<hbm>>
      %dma_wait3A_334 = tpu.memref_slice %arg4[%add3A_259] : memref<320000xi32, #tpu.memory_space<hbm>> -> memref<4000xi32, #tpu.memory_space<hbm>>
      tpu.wait_dma2 semaphore(%run_scoped3A : memref<!tpu.dma_semaphore, #tpu.memory_space<semaphore_mem>>) src(%dma_wait3A_334 : memref<4000xi32, #tpu.memory_space<hbm>>) dst(%arg9 : memref<4000xi32, #tpu.memory_space<vmem>>)
      tpu.yield
    }) : () -> ()
    %scan3A_260 = arith.constant 0 : i32
    %scan3A_261 = arith.constant 0 : i32
    %scan3A_262 = arith.constant 250 : i32
    %scan3A_263 = arith.addi %scan3A_261, %scan3A_262 : i32
    %scan3A_264 = arith.constant 1 : i32
    %scan3A_265 = scf.for %scan3A_333 = %scan3A_261 to %scan3A_263 step %scan3A_264 iter_args(%scan3A_334 = %scan3A_260) -> (i32)  : i32 {
      %mul3A_335 = arith.constant 16 : i32
      %mul3A_336 = arith.muli %scan3A_333, %mul3A_335 : i32
      %add3A_337 = arith.constant 0 : i32
      %add3A_338 = arith.addi %add3A_337, %mul3A_336 : i32
      %get3A = arith.index_cast %add3A_338 : i32 to index
      %get3A_339 = tpu.vector_load %arg8[%get3A] {strides = array<i32>} : memref<4000xi32, #tpu.memory_space<vmem>>, vector<16xi32>,
      %get3A_340 = arith.index_cast %add3A_338 : i32 to index
      %get3A_341 = tpu.vector_load %arg9[%get3A_340] {strides = array<i32>} : memref<4000xi32, #tpu.memory_space<vmem>>, vector<16xi32>,
      %sub3A_342 = vector.broadcast %mul3A_4 : i32 to vector<16xi32>
      %sub3A_343 = arith.subi %get3A_341, %sub3A_342 : vector<16xi32>
      %ge3A = arith.constant 0 : i32
      %ge3A_344 = vector.broadcast %ge3A : i32 to vector<16xi32>
      %ge3A_345 = arith.cmpi sge, %sub3A_343, %ge3A_344 : vector<16xi32>
      %lt3A = arith.constant 5120 : i32
      %lt3A_346 = vector.broadcast %lt3A : i32 to vector<16xi32>
      %lt3A_347 = arith.cmpi slt, %sub3A_343, %lt3A_346 : vector<16xi32>
      %and3A_348 = arith.andi %ge3A_345, %lt3A_347 : vector<16xi1>
      %jit3A_349 = arith.constant 1 : i32
      %jit3A_350 = arith.constant 0 : i32
      %broadcast_in_dim3A = vector.broadcast %jit3A_349 : i32 to vector<16xi32>
      %broadcast_in_dim3A_351 = vector.broadcast %jit3A_350 : i32 to vector<16xi32>
      %select_n3A_352 = arith.select %and3A_348, %broadcast_in_dim3A, %broadcast_in_dim3A_351 : vector<16xi1>, vector<16xi32>
      %broadcast_in_dim3A_353 = arith.constant true
      %broadcast_in_dim3A_354 = vector.broadcast %broadcast_in_dim3A_353 : i1 to vector<16xi1>
      %masked_cumsum3A = tpu.scan <sum>, %select_n3A_352 masked %broadcast_in_dim3A_354 : vector<16xi32>, vector<16xi1> -> vector<16xi32>
      %add3A_355 = vector.broadcast %scan3A_334 : i32 to vector<16xi32>
      %add3A_356 = arith.addi %add3A_355, %masked_cumsum3A : vector<16xi32>
      %sub3A_357 = arith.constant 1 : i32
      %sub3A_358 = vector.broadcast %sub3A_357 : i32 to vector<16xi32>
      %sub3A_359 = arith.subi %add3A_356, %sub3A_358 : vector<16xi32>
      tpu.vector_store_idx %arg6[%sub3A_359], %get3A_339 masked %and3A_348 : memref<4352xi32, #tpu.memory_space<vmem>>[vector<16xi32>], vector<16xi32>, vector<16xi1>
      tpu.vector_store_idx %arg7[%sub3A_359], %sub3A_343 masked %and3A_348 : memref<4352xi32, #tpu.memory_space<vmem>>[vector<16xi32>], vector<16xi32>, vector<16xi1>
      %reduce_max3A = arith.constant true
      %reduce_max3A_360 = vector.broadcast %reduce_max3A : i1 to vector<16xi1>
      %reduce_max3A_361 = arith.constant -2147483648 : i32
      %reduce_max3A_362 = vector.broadcast %reduce_max3A_361 : i32 to vector<16xi32>
      %reduce_max3A_363 = arith.xori %masked_cumsum3A, %reduce_max3A_362 : vector<16xi32>
      %reduce_max3A_364 = tpu.scan <max>, %reduce_max3A_363 masked %reduce_max3A_360 : vector<16xi32>, vector<16xi1> -> vector<16xi32>
      %reduce_max3A_365 = arith.xori %reduce_max3A_364, %reduce_max3A_362 : vector<16xi32>
      %reduce_max3A_366 = vector.extract %reduce_max3A_365[15] : i32 from vector<16xi32>
      %add3A_367 = arith.addi %scan3A_334, %reduce_max3A_366 : i32
      scf.yield %add3A_367 : i32
    }
    %scan3A_266 = arith.constant 250 : i32
    %scan3A_267 = arith.constant 0 : i32
    %scan3A_268 = arith.constant 16 : i32
    %scan3A_269 = arith.addi %scan3A_267, %scan3A_268 : i32
    %scan3A_270 = arith.constant 1 : i32
    scf.for %scan3A_333 = %scan3A_267 to %scan3A_269 step %scan3A_270  : i32 {
      %mul3A_334 = arith.constant 16 : i32
      %mul3A_335 = arith.muli %scan3A_333, %mul3A_334 : i32
      %add3A_336 = arith.constant 0 : i32
      %add3A_337 = arith.addi %add3A_336, %mul3A_335 : i32
      %add3A_338 = arith.addi %scan3A_265, %add3A_337 : i32
      %iota3A = tpu.iota {dimensions = array<i32: 0>} : vector<16xi32>
      %add3A_339 = vector.broadcast %add3A_338 : i32 to vector<16xi32>
      %add3A_340 = arith.addi %add3A_339, %iota3A : vector<16xi32>
      %broadcast_in_dim3A = arith.constant 0 : i32
      %broadcast_in_dim3A_341 = vector.broadcast %broadcast_in_dim3A : i32 to vector<16xi32>
      tpu.vector_store_idx %arg6[%add3A_340], %broadcast_in_dim3A_341 : memref<4352xi32, #tpu.memory_space<vmem>>[vector<16xi32>], vector<16xi32>,
      %broadcast_in_dim3A_342 = arith.constant 5120 : i32
      %broadcast_in_dim3A_343 = vector.broadcast %broadcast_in_dim3A_342 : i32 to vector<16xi32>
      tpu.vector_store_idx %arg7[%add3A_340], %broadcast_in_dim3A_343 : memref<4352xi32, #tpu.memory_space<vmem>>[vector<16xi32>], vector<16xi32>,
    }
    %scan3A_271 = arith.constant 16 : i32
    %add3A_272 = arith.constant 127 : i32
    %add3A_273 = arith.addi %scan3A_265, %add3A_272 : i32
    %jit3A_274 = arith.constant 128 : i32
    %div3A_275 = arith.divsi %add3A_273, %jit3A_274 : i32
    %sign3A_276 = arith.constant 0 : i32
    %sign3A_277 = arith.cmpi sgt, %add3A_273, %sign3A_276 : i32
    %sign3A_278 = arith.extui %sign3A_277 : i1 to i32
    %sign3A_279 = arith.constant 0 : i32
    %sign3A_280 = arith.cmpi slt, %add3A_273, %sign3A_279 : i32
    %sign3A_281 = arith.extui %sign3A_280 : i1 to i32
    %sign3A_282 = arith.subi %sign3A_278, %sign3A_281 : i32
    %sign3A_283 = arith.constant 0 : i32
    %sign3A_284 = arith.cmpi sgt, %jit3A_274, %sign3A_283 : i32
    %sign3A_285 = arith.extui %sign3A_284 : i1 to i32
    %sign3A_286 = arith.constant 0 : i32
    %sign3A_287 = arith.cmpi slt, %jit3A_274, %sign3A_286 : i32
    %sign3A_288 = arith.extui %sign3A_287 : i1 to i32
    %sign3A_289 = arith.subi %sign3A_285, %sign3A_288 : i32
    %ne3A_290 = arith.cmpi ne, %sign3A_282, %sign3A_289 : i32
    %rem3A_291 = arith.remsi %add3A_273, %jit3A_274 : i32
    %ne3A_292 = arith.constant 0 : i32
    %ne3A_293 = arith.cmpi ne, %rem3A_291, %ne3A_292 : i32
    %and3A_294 = arith.andi %ne3A_290, %ne3A_293 : i1
    %sub3A_295 = arith.constant 1 : i32
    %sub3A_296 = arith.subi %div3A_275, %sub3A_295 : i32
    %select_n3A_297 = arith.select %and3A_294, %sub3A_296, %div3A_275 : i32
    %gt3A_298 = arith.constant 0 : i32
    %gt3A_299 = arith.cmpi sgt, %select_n3A_297, %gt3A_298 : i32
    %convert_element_type3A_300 = arith.extui %gt3A_299 : i1 to i32
    %cond3A_301 = arith.constant 0 : i32
    %cond3A_302 = arith.cmpi ne, %convert_element_type3A_300, %cond3A_301 : i32
    scf.if %cond3A_302 {
      %dma_start3A = arith.constant 0 : i32
      %dma_start3A_333 = arith.constant 0 : i32
      %dma_start3A_334 = arith.constant 0 : i32
      %dma_start3A_335 = tpu.memref_slice %arg10[%dma_start3A, %dma_start3A_333, %dma_start3A_334] : memref<2x128x128xf32, #tpu.memory_space<vmem>> -> memref<1x128x128xf32, #tpu.memory_space<vmem>>
      %dma_start3A_336 = tpu.memref_squeeze %dma_start3A_335 : memref<1x128x128xf32, #tpu.memory_space<vmem>> -> memref<128x128xf32, #tpu.memory_space<vmem>>
      %dma_start3A_337 = arith.constant 0 : i32
      %dma_start3A_338 = tpu.memref_slice %arg6[%dma_start3A_337] : memref<4352xi32, #tpu.memory_space<vmem>> -> memref<128xi32, #tpu.memory_space<vmem>>
      %dma_start3A_339 = arith.constant 0 : i32
      %dma_start3A_340 = arith.constant 0 : i32
      %dma_start3A_341 = tpu.memref_slice %arg2[%dma_start3A_339, %dma_start3A_340] : memref<10000x128xf32, #tpu.memory_space<hbm>> -> memref<10000x128xf32, #tpu.memory_space<hbm>>
      tpu.enqueue_indirect_dma source(%dma_start3A_341 : memref<10000x128xf32, #tpu.memory_space<hbm>>) target(%dma_start3A_336 : memref<128x128xf32, #tpu.memory_space<vmem>>) offsets(%dma_start3A_338 : memref<128xi32, #tpu.memory_space<vmem>>) semaphore(%arg13 : memref<!tpu.dma_semaphore, #tpu.memory_space<semaphore_mem>>)
    } else {
    }
    %sub3A_303 = arith.constant 0 : i32
    %sub3A_304 = arith.subi %select_n3A_297, %sub3A_303 : i32
    %sub3A_305 = arith.constant 2 : i32
    %sub3A_306 = arith.constant 1 : i32
    %sub3A_307 = arith.subi %sub3A_305, %sub3A_306 : i32
    %add3A_308 = arith.addi %sub3A_304, %sub3A_307 : i32
    %div3A_309 = arith.constant 2 : i32
    %div3A_310 = arith.divsi %add3A_308, %div3A_309 : i32
    %while3A_311 = arith.constant 2 : i32
    %while3A_312 = arith.constant 0 : i32
    %while3A_313 = arith.constant 0 : i32
    %while3A_314 = arith.subi %div3A_310, %while3A_313 : i32
    %while3A_315 = arith.addi %while3A_313, %while3A_314 : i32
    %while3A_316 = arith.constant 1 : i32
    %while3A_317 = arith.divsi %while3A_314, %while3A_316 : i32
    %while3A_318 = arith.muli %while3A_317, %while3A_316 : i32
    %while3A_319 = arith.addi %while3A_313, %while3A_318 : i32
    %while3A_320 = arith.constant 1 : i32
    scf.for %while3A_333 = %while3A_313 to %while3A_319 step %while3A_320  : i32 {
      %mul3A_334 = arith.muli %while3A_333, %while3A_311 : i32
      %add3A_335 = arith.addi %while3A_312, %mul3A_334 : i32
      %mul3A_336 = arith.constant 128 : i32
      %mul3A_337 = arith.muli %add3A_335, %mul3A_336 : i32
      %add3A_338 = arith.constant 0 : i32
      %add3A_339 = arith.addi %mul3A_337, %add3A_338 : i32
      %get3A = arith.index_cast %add3A_339 : i32 to index
      %get3A_340 = tpu.vector_load %arg7[%get3A] {strides = array<i32>} : memref<4352xi32, #tpu.memory_space<vmem>>, vector<16xi32>,
      %swap3A = arith.constant 0 : index
      %swap3A_341 = tpu.vector_load %arg11[%swap3A] {strides = array<i32>} : memref<128xi32, #tpu.memory_space<vmem>>, vector<16xi32>,
      tpu.vector_store %arg11[%swap3A], %get3A_340 {strides = array<i32>} : memref<128xi32, #tpu.memory_space<vmem>>, vector<16xi32>,
      %mul3A_342 = arith.constant 128 : i32
      %mul3A_343 = arith.muli %add3A_335, %mul3A_342 : i32
      %add3A_344 = arith.constant 16 : i32
      %add3A_345 = arith.addi %mul3A_343, %add3A_344 : i32
      %get3A_346 = arith.index_cast %add3A_345 : i32 to index
      %get3A_347 = tpu.vector_load %arg7[%get3A_346] {strides = array<i32>} : memref<4352xi32, #tpu.memory_space<vmem>>, vector<16xi32>,
      %swap3A_348 = arith.constant 16 : index
      %swap3A_349 = tpu.vector_load %arg11[%swap3A_348] {strides = array<i32>} : memref<128xi32, #tpu.memory_space<vmem>>, vector<16xi32>,
      tpu.vector_store %arg11[%swap3A_348], %get3A_347 {strides = array<i32>} : memref<128xi32, #tpu.memory_space<vmem>>, vector<16xi32>,
      %mul3A_350 = arith.constant 128 : i32
      %mul3A_351 = arith.muli %add3A_335, %mul3A_350 : i32
      %add3A_352 = arith.constant 32 : i32
      %add3A_353 = arith.addi %mul3A_351, %add3A_352 : i32
      %get3A_354 = arith.index_cast %add3A_353 : i32 to index
      %get3A_355 = tpu.vector_load %arg7[%get3A_354] {strides = array<i32>} : memref<4352xi32, #tpu.memory_space<vmem>>, vector<16xi32>,
      %swap3A_356 = arith.constant 32 : index
      %swap3A_357 = tpu.vector_load %arg11[%swap3A_356] {strides = array<i32>} : memref<128xi32, #tpu.memory_space<vmem>>, vector<16xi32>,
      tpu.vector_store %arg11[%swap3A_356], %get3A_355 {strides = array<i32>} : memref<128xi32, #tpu.memory_space<vmem>>, vector<16xi32>,
      %mul3A_358 = arith.constant 128 : i32
      %mul3A_359 = arith.muli %add3A_335, %mul3A_358 : i32
      %add3A_360 = arith.constant 48 : i32
      %add3A_361 = arith.addi %mul3A_359, %add3A_360 : i32
      %get3A_362 = arith.index_cast %add3A_361 : i32 to index
      %get3A_363 = tpu.vector_load %arg7[%get3A_362] {strides = array<i32>} : memref<4352xi32, #tpu.memory_space<vmem>>, vector<16xi32>,
      %swap3A_364 = arith.constant 48 : index
      %swap3A_365 = tpu.vector_load %arg11[%swap3A_364] {strides = array<i32>} : memref<128xi32, #tpu.memory_space<vmem>>, vector<16xi32>,
      tpu.vector_store %arg11[%swap3A_364], %get3A_363 {strides = array<i32>} : memref<128xi32, #tpu.memory_space<vmem>>, vector<16xi32>,
      %mul3A_366 = arith.constant 128 : i32
      %mul3A_367 = arith.muli %add3A_335, %mul3A_366 : i32
      %add3A_368 = arith.constant 64 : i32
      %add3A_369 = arith.addi %mul3A_367, %add3A_368 : i32
      %get3A_370 = arith.index_cast %add3A_369 : i32 to index
      %get3A_371 = tpu.vector_load %arg7[%get3A_370] {strides = array<i32>} : memref<4352xi32, #tpu.memory_space<vmem>>, vector<16xi32>,
      %swap3A_372 = arith.constant 64 : index
      %swap3A_373 = tpu.vector_load %arg11[%swap3A_372] {strides = array<i32>} : memref<128xi32, #tpu.memory_space<vmem>>, vector<16xi32>,
      tpu.vector_store %arg11[%swap3A_372], %get3A_371 {strides = array<i32>} : memref<128xi32, #tpu.memory_space<vmem>>, vector<16xi32>,
      %mul3A_374 = arith.constant 128 : i32
      %mul3A_375 = arith.muli %add3A_335, %mul3A_374 : i32
      %add3A_376 = arith.constant 80 : i32
      %add3A_377 = arith.addi %mul3A_375, %add3A_376 : i32
      %get3A_378 = arith.index_cast %add3A_377 : i32 to index
      %get3A_379 = tpu.vector_load %arg7[%get3A_378] {strides = array<i32>} : memref<4352xi32, #tpu.memory_space<vmem>>, vector<16xi32>,
      %swap3A_380 = arith.constant 80 : index
      %swap3A_381 = tpu.vector_load %arg11[%swap3A_380] {strides = array<i32>} : memref<128xi32, #tpu.memory_space<vmem>>, vector<16xi32>,
      tpu.vector_store %arg11[%swap3A_380], %get3A_379 {strides = array<i32>} : memref<128xi32, #tpu.memory_space<vmem>>, vector<16xi32>,
      %mul3A_382 = arith.constant 128 : i32
      %mul3A_383 = arith.muli %add3A_335, %mul3A_382 : i32
      %add3A_384 = arith.constant 96 : i32
      %add3A_385 = arith.addi %mul3A_383, %add3A_384 : i32
      %get3A_386 = arith.index_cast %add3A_385 : i32 to index
      %get3A_387 = tpu.vector_load %arg7[%get3A_386] {strides = array<i32>} : memref<4352xi32, #tpu.memory_space<vmem>>, vector<16xi32>,
      %swap3A_388 = arith.constant 96 : index
      %swap3A_389 = tpu.vector_load %arg11[%swap3A_388] {strides = array<i32>} : memref<128xi32, #tpu.memory_space<vmem>>, vector<16xi32>,
      tpu.vector_store %arg11[%swap3A_388], %get3A_387 {strides = array<i32>} : memref<128xi32, #tpu.memory_space<vmem>>, vector<16xi32>,
      %mul3A_390 = arith.constant 128 : i32
      %mul3A_391 = arith.muli %add3A_335, %mul3A_390 : i32
      %add3A_392 = arith.constant 112 : i32
      %add3A_393 = arith.addi %mul3A_391, %add3A_392 : i32
      %get3A_394 = arith.index_cast %add3A_393 : i32 to index
      %get3A_395 = tpu.vector_load %arg7[%get3A_394] {strides = array<i32>} : memref<4352xi32, #tpu.memory_space<vmem>>, vector<16xi32>,
      %swap3A_396 = arith.constant 112 : index
      %swap3A_397 = tpu.vector_load %arg11[%swap3A_396] {strides = array<i32>} : memref<128xi32, #tpu.memory_space<vmem>>, vector<16xi32>,
      tpu.vector_store %arg11[%swap3A_396], %get3A_395 {strides = array<i32>} : memref<128xi32, #tpu.memory_space<vmem>>, vector<16xi32>,
      %mul3A_398 = arith.constant 128 : i32
      %mul3A_399 = arith.muli %add3A_335, %mul3A_398 : i32
      %dma_wait3A = arith.constant 0 : i32
      %dma_wait3A_400 = arith.constant 0 : i32
      %dma_wait3A_401 = arith.constant 0 : i32
      %dma_wait3A_402 = tpu.memref_slice %arg10[%dma_wait3A, %dma_wait3A_400, %dma_wait3A_401] : memref<2x128x128xf32, #tpu.memory_space<vmem>> -> memref<1x128x128xf32, #tpu.memory_space<vmem>>
      %dma_wait3A_403 = tpu.memref_squeeze %dma_wait3A_402 : memref<1x128x128xf32, #tpu.memory_space<vmem>> -> memref<128x128xf32, #tpu.memory_space<vmem>>
      %dma_wait3A_404 = tpu.memref_slice %arg6[%mul3A_399] : memref<4352xi32, #tpu.memory_space<vmem>> -> memref<128xi32, #tpu.memory_space<vmem>>
      %dma_wait3A_405 = arith.constant 0 : i32
      %dma_wait3A_406 = arith.constant 0 : i32
      %dma_wait3A_407 = tpu.memref_slice %arg2[%dma_wait3A_405, %dma_wait3A_406] : memref<10000x128xf32, #tpu.memory_space<hbm>> -> memref<10000x128xf32, #tpu.memory_space<hbm>>
      tpu.wait_indirect_dma semaphore(%arg13 : memref<!tpu.dma_semaphore, #tpu.memory_space<semaphore_mem>>) src(%dma_wait3A_407 : memref<10000x128xf32, #tpu.memory_space<hbm>>) dst(%dma_wait3A_403 : memref<128x128xf32, #tpu.memory_space<vmem>>)
      %add3A_408 = arith.constant 1 : i32
      %add3A_409 = arith.addi %add3A_335, %add3A_408 : i32
      %lt3A = arith.cmpi slt, %add3A_409, %select_n3A_297 : i32
      %convert_element_type3A_410 = arith.extui %lt3A : i1 to i32
      %cond3A_411 = arith.constant 0 : i32
      %cond3A_412 = arith.cmpi ne, %convert_element_type3A_410, %cond3A_411 : i32
      scf.if %cond3A_412 {
        %add3A_419 = arith.constant 1 : i32
        %add3A_420 = arith.addi %add3A_335, %add3A_419 : i32
        %mul3A_421 = arith.constant 128 : i32
        %mul3A_422 = arith.muli %add3A_420, %mul3A_421 : i32
        %dma_start3A = arith.constant 1 : i32
        %dma_start3A_423 = arith.constant 0 : i32
        %dma_start3A_424 = arith.constant 0 : i32
        %dma_start3A_425 = tpu.memref_slice %arg10[%dma_start3A, %dma_start3A_423, %dma_start3A_424] : memref<2x128x128xf32, #tpu.memory_space<vmem>> -> memref<1x128x128xf32, #tpu.memory_space<vmem>>
        %dma_start3A_426 = tpu.memref_squeeze %dma_start3A_425 : memref<1x128x128xf32, #tpu.memory_space<vmem>> -> memref<128x128xf32, #tpu.memory_space<vmem>>
        %dma_start3A_427 = tpu.memref_slice %arg6[%mul3A_422] : memref<4352xi32, #tpu.memory_space<vmem>> -> memref<128xi32, #tpu.memory_space<vmem>>
        %dma_start3A_428 = arith.constant 0 : i32
        %dma_start3A_429 = arith.constant 0 : i32
        %dma_start3A_430 = tpu.memref_slice %arg2[%dma_start3A_428, %dma_start3A_429] : memref<10000x128xf32, #tpu.memory_space<hbm>> -> memref<10000x128xf32, #tpu.memory_space<hbm>>
        tpu.enqueue_indirect_dma source(%dma_start3A_430 : memref<10000x128xf32, #tpu.memory_space<hbm>>) target(%dma_start3A_426 : memref<128x128xf32, #tpu.memory_space<vmem>>) offsets(%dma_start3A_427 : memref<128xi32, #tpu.memory_space<vmem>>) semaphore(%arg14 : memref<!tpu.dma_semaphore, #tpu.memory_space<semaphore_mem>>)
      } else {
      }
      %run_scoped3A = arith.constant 0 : i32
      "tpu.region"() ({
        %run_scoped3A_419 = tpu.sem_alloc : memref<!tpu.dma_semaphore, #tpu.memory_space<semaphore_mem>>
        %dma_start3A = arith.constant 0 : i32
        %dma_start3A_420 = arith.constant 0 : i32
        %dma_start3A_421 = tpu.memref_slice %arg10[%run_scoped3A, %dma_start3A, %dma_start3A_420] : memref<2x128x128xf32, #tpu.memory_space<vmem>> -> memref<1x128x128xf32, #tpu.memory_space<vmem>>
        %dma_start3A_422 = tpu.memref_squeeze %dma_start3A_421 : memref<1x128x128xf32, #tpu.memory_space<vmem>> -> memref<128x128xf32, #tpu.memory_space<vmem>>
        %dma_start3A_423 = arith.constant 0 : i32
        %dma_start3A_424 = arith.constant 0 : i32
        %dma_start3A_425 = tpu.memref_slice %arg15[%dma_start3A_423, %dma_start3A_424] : memref<5128x128xf32, #tpu.memory_space<vmem_shared>> -> memref<5128x128xf32, #tpu.memory_space<vmem_shared>>
        tpu.enqueue_indirect_dma source(%dma_start3A_422 : memref<128x128xf32, #tpu.memory_space<vmem>>) target(%dma_start3A_425 : memref<5128x128xf32, #tpu.memory_space<vmem_shared>>) offsets(%arg11 : memref<128xi32, #tpu.memory_space<vmem>>) semaphore(%run_scoped3A_419 : memref<!tpu.dma_semaphore, #tpu.memory_space<semaphore_mem>>) {add = true}
        %dma_wait3A_426 = arith.constant 0 : i32
        %dma_wait3A_427 = arith.constant 0 : i32
        %dma_wait3A_428 = tpu.memref_slice %arg10[%run_scoped3A, %dma_wait3A_426, %dma_wait3A_427] : memref<2x128x128xf32, #tpu.memory_space<vmem>> -> memref<1x128x128xf32, #tpu.memory_space<vmem>>
        %dma_wait3A_429 = tpu.memref_squeeze %dma_wait3A_428 : memref<1x128x128xf32, #tpu.memory_space<vmem>> -> memref<128x128xf32, #tpu.memory_space<vmem>>
        %dma_wait3A_430 = arith.constant 0 : i32
        %dma_wait3A_431 = arith.constant 0 : i32
        %dma_wait3A_432 = tpu.memref_slice %arg15[%dma_wait3A_430, %dma_wait3A_431] : memref<5128x128xf32, #tpu.memory_space<vmem_shared>> -> memref<5128x128xf32, #tpu.memory_space<vmem_shared>>
        tpu.wait_indirect_dma semaphore(%run_scoped3A_419 : memref<!tpu.dma_semaphore, #tpu.memory_space<semaphore_mem>>) src(%dma_wait3A_429 : memref<128x128xf32, #tpu.memory_space<vmem>>) dst(%dma_wait3A_432 : memref<5128x128xf32, #tpu.memory_space<vmem_shared>>)
        tpu.yield
      }) : () -> ()
      %add3A_413 = arith.constant 1 : i32
      %add3A_414 = arith.addi %add3A_335, %add3A_413 : i32
      %lt3A_415 = arith.cmpi slt, %add3A_414, %select_n3A_297 : i32
      %convert_element_type3A_416 = arith.extui %lt3A_415 : i1 to i32
      %cond3A_417 = arith.constant 0 : i32
      %cond3A_418 = arith.cmpi ne, %convert_element_type3A_416, %cond3A_417 : i32
      scf.if %cond3A_418 {
        %add3A_419 = arith.constant 1 : i32
        %add3A_420 = arith.addi %add3A_335, %add3A_419 : i32
        %mul3A_421 = arith.constant 128 : i32
        %mul3A_422 = arith.muli %add3A_420, %mul3A_421 : i32
        %add3A_423 = arith.constant 0 : i32
        %add3A_424 = arith.addi %mul3A_422, %add3A_423 : i32
        %get3A_425 = arith.index_cast %add3A_424 : i32 to index
        %get3A_426 = tpu.vector_load %arg7[%get3A_425] {strides = array<i32>} : memref<4352xi32, #tpu.memory_space<vmem>>, vector<16xi32>,
        %swap3A_427 = arith.constant 0 : index
        %swap3A_428 = tpu.vector_load %arg11[%swap3A_427] {strides = array<i32>} : memref<128xi32, #tpu.memory_space<vmem>>, vector<16xi32>,
        tpu.vector_store %arg11[%swap3A_427], %get3A_426 {strides = array<i32>} : memref<128xi32, #tpu.memory_space<vmem>>, vector<16xi32>,
        %mul3A_429 = arith.constant 128 : i32
        %mul3A_430 = arith.muli %add3A_420, %mul3A_429 : i32
        %add3A_431 = arith.constant 16 : i32
        %add3A_432 = arith.addi %mul3A_430, %add3A_431 : i32
        %get3A_433 = arith.index_cast %add3A_432 : i32 to index
        %get3A_434 = tpu.vector_load %arg7[%get3A_433] {strides = array<i32>} : memref<4352xi32, #tpu.memory_space<vmem>>, vector<16xi32>,
        %swap3A_435 = arith.constant 16 : index
        %swap3A_436 = tpu.vector_load %arg11[%swap3A_435] {strides = array<i32>} : memref<128xi32, #tpu.memory_space<vmem>>, vector<16xi32>,
        tpu.vector_store %arg11[%swap3A_435], %get3A_434 {strides = array<i32>} : memref<128xi32, #tpu.memory_space<vmem>>, vector<16xi32>,
        %mul3A_437 = arith.constant 128 : i32
        %mul3A_438 = arith.muli %add3A_420, %mul3A_437 : i32
        %add3A_439 = arith.constant 32 : i32
        %add3A_440 = arith.addi %mul3A_438, %add3A_439 : i32
        %get3A_441 = arith.index_cast %add3A_440 : i32 to index
        %get3A_442 = tpu.vector_load %arg7[%get3A_441] {strides = array<i32>} : memref<4352xi32, #tpu.memory_space<vmem>>, vector<16xi32>,
        %swap3A_443 = arith.constant 32 : index
        %swap3A_444 = tpu.vector_load %arg11[%swap3A_443] {strides = array<i32>} : memref<128xi32, #tpu.memory_space<vmem>>, vector<16xi32>,
        tpu.vector_store %arg11[%swap3A_443], %get3A_442 {strides = array<i32>} : memref<128xi32, #tpu.memory_space<vmem>>, vector<16xi32>,
        %mul3A_445 = arith.constant 128 : i32
        %mul3A_446 = arith.muli %add3A_420, %mul3A_445 : i32
        %add3A_447 = arith.constant 48 : i32
        %add3A_448 = arith.addi %mul3A_446, %add3A_447 : i32
        %get3A_449 = arith.index_cast %add3A_448 : i32 to index
        %get3A_450 = tpu.vector_load %arg7[%get3A_449] {strides = array<i32>} : memref<4352xi32, #tpu.memory_space<vmem>>, vector<16xi32>,
        %swap3A_451 = arith.constant 48 : index
        %swap3A_452 = tpu.vector_load %arg11[%swap3A_451] {strides = array<i32>} : memref<128xi32, #tpu.memory_space<vmem>>, vector<16xi32>,
        tpu.vector_store %arg11[%swap3A_451], %get3A_450 {strides = array<i32>} : memref<128xi32, #tpu.memory_space<vmem>>, vector<16xi32>,
        %mul3A_453 = arith.constant 128 : i32
        %mul3A_454 = arith.muli %add3A_420, %mul3A_453 : i32
        %add3A_455 = arith.constant 64 : i32
        %add3A_456 = arith.addi %mul3A_454, %add3A_455 : i32
        %get3A_457 = arith.index_cast %add3A_456 : i32 to index
        %get3A_458 = tpu.vector_load %arg7[%get3A_457] {strides = array<i32>} : memref<4352xi32, #tpu.memory_space<vmem>>, vector<16xi32>,
        %swap3A_459 = arith.constant 64 : index
        %swap3A_460 = tpu.vector_load %arg11[%swap3A_459] {strides = array<i32>} : memref<128xi32, #tpu.memory_space<vmem>>, vector<16xi32>,
        tpu.vector_store %arg11[%swap3A_459], %get3A_458 {strides = array<i32>} : memref<128xi32, #tpu.memory_space<vmem>>, vector<16xi32>,
        %mul3A_461 = arith.constant 128 : i32
        %mul3A_462 = arith.muli %add3A_420, %mul3A_461 : i32
        %add3A_463 = arith.constant 80 : i32
        %add3A_464 = arith.addi %mul3A_462, %add3A_463 : i32
        %get3A_465 = arith.index_cast %add3A_464 : i32 to index
        %get3A_466 = tpu.vector_load %arg7[%get3A_465] {strides = array<i32>} : memref<4352xi32, #tpu.memory_space<vmem>>, vector<16xi32>,
        %swap3A_467 = arith.constant 80 : index
        %swap3A_468 = tpu.vector_load %arg11[%swap3A_467] {strides = array<i32>} : memref<128xi32, #tpu.memory_space<vmem>>, vector<16xi32>,
        tpu.vector_store %arg11[%swap3A_467], %get3A_466 {strides = array<i32>} : memref<128xi32, #tpu.memory_space<vmem>>, vector<16xi32>,
        %mul3A_469 = arith.constant 128 : i32
        %mul3A_470 = arith.muli %add3A_420, %mul3A_469 : i32
        %add3A_471 = arith.constant 96 : i32
        %add3A_472 = arith.addi %mul3A_470, %add3A_471 : i32
        %get3A_473 = arith.index_cast %add3A_472 : i32 to index
        %get3A_474 = tpu.vector_load %arg7[%get3A_473] {strides = array<i32>} : memref<4352xi32, #tpu.memory_space<vmem>>, vector<16xi32>,
        %swap3A_475 = arith.constant 96 : index
        %swap3A_476 = tpu.vector_load %arg11[%swap3A_475] {strides = array<i32>} : memref<128xi32, #tpu.memory_space<vmem>>, vector<16xi32>,
        tpu.vector_store %arg11[%swap3A_475], %get3A_474 {strides = array<i32>} : memref<128xi32, #tpu.memory_space<vmem>>, vector<16xi32>,
        %mul3A_477 = arith.constant 128 : i32
        %mul3A_478 = arith.muli %add3A_420, %mul3A_477 : i32
        %add3A_479 = arith.constant 112 : i32
        %add3A_480 = arith.addi %mul3A_478, %add3A_479 : i32
        %get3A_481 = arith.index_cast %add3A_480 : i32 to index
        %get3A_482 = tpu.vector_load %arg7[%get3A_481] {strides = array<i32>} : memref<4352xi32, #tpu.memory_space<vmem>>, vector<16xi32>,
        %swap3A_483 = arith.constant 112 : index
        %swap3A_484 = tpu.vector_load %arg11[%swap3A_483] {strides = array<i32>} : memref<128xi32, #tpu.memory_space<vmem>>, vector<16xi32>,
        tpu.vector_store %arg11[%swap3A_483], %get3A_482 {strides = array<i32>} : memref<128xi32, #tpu.memory_space<vmem>>, vector<16xi32>,
        %mul3A_485 = arith.constant 128 : i32
        %mul3A_486 = arith.muli %add3A_420, %mul3A_485 : i32
        %dma_wait3A_487 = arith.constant 1 : i32
        %dma_wait3A_488 = arith.constant 0 : i32
        %dma_wait3A_489 = arith.constant 0 : i32
        %dma_wait3A_490 = tpu.memref_slice %arg10[%dma_wait3A_487, %dma_wait3A_488, %dma_wait3A_489] : memref<2x128x128xf32, #tpu.memory_space<vmem>> -> memref<1x128x128xf32, #tpu.memory_space<vmem>>
        %dma_wait3A_491 = tpu.memref_squeeze %dma_wait3A_490 : memref<1x128x128xf32, #tpu.memory_space<vmem>> -> memref<128x128xf32, #tpu.memory_space<vmem>>
        %dma_wait3A_492 = tpu.memref_slice %arg6[%mul3A_486] : memref<4352xi32, #tpu.memory_space<vmem>> -> memref<128xi32, #tpu.memory_space<vmem>>
        %dma_wait3A_493 = arith.constant 0 : i32
        %dma_wait3A_494 = arith.constant 0 : i32
        %dma_wait3A_495 = tpu.memref_slice %arg2[%dma_wait3A_493, %dma_wait3A_494] : memref<10000x128xf32, #tpu.memory_space<hbm>> -> memref<10000x128xf32, #tpu.memory_space<hbm>>
        tpu.wait_indirect_dma semaphore(%arg14 : memref<!tpu.dma_semaphore, #tpu.memory_space<semaphore_mem>>) src(%dma_wait3A_495 : memref<10000x128xf32, #tpu.memory_space<hbm>>) dst(%dma_wait3A_491 : memref<128x128xf32, #tpu.memory_space<vmem>>)
        %add3A_496 = arith.constant 1 : i32
        %add3A_497 = arith.addi %add3A_420, %add3A_496 : i32
        %lt3A_498 = arith.cmpi slt, %add3A_497, %select_n3A_297 : i32
        %convert_element_type3A_499 = arith.extui %lt3A_498 : i1 to i32
        %cond3A_500 = arith.constant 0 : i32
        %cond3A_501 = arith.cmpi ne, %convert_element_type3A_499, %cond3A_500 : i32
        scf.if %cond3A_501 {
          %add3A_503 = arith.constant 1 : i32
          %add3A_504 = arith.addi %add3A_420, %add3A_503 : i32
          %mul3A_505 = arith.constant 128 : i32
          %mul3A_506 = arith.muli %add3A_504, %mul3A_505 : i32
          %dma_start3A = arith.constant 0 : i32
          %dma_start3A_507 = arith.constant 0 : i32
          %dma_start3A_508 = arith.constant 0 : i32
          %dma_start3A_509 = tpu.memref_slice %arg10[%dma_start3A, %dma_start3A_507, %dma_start3A_508] : memref<2x128x128xf32, #tpu.memory_space<vmem>> -> memref<1x128x128xf32, #tpu.memory_space<vmem>>
          %dma_start3A_510 = tpu.memref_squeeze %dma_start3A_509 : memref<1x128x128xf32, #tpu.memory_space<vmem>> -> memref<128x128xf32, #tpu.memory_space<vmem>>
          %dma_start3A_511 = tpu.memref_slice %arg6[%mul3A_506] : memref<4352xi32, #tpu.memory_space<vmem>> -> memref<128xi32, #tpu.memory_space<vmem>>
          %dma_start3A_512 = arith.constant 0 : i32
          %dma_start3A_513 = arith.constant 0 : i32
          %dma_start3A_514 = tpu.memref_slice %arg2[%dma_start3A_512, %dma_start3A_513] : memref<10000x128xf32, #tpu.memory_space<hbm>> -> memref<10000x128xf32, #tpu.memory_space<hbm>>
          tpu.enqueue_indirect_dma source(%dma_start3A_514 : memref<10000x128xf32, #tpu.memory_space<hbm>>) target(%dma_start3A_510 : memref<128x128xf32, #tpu.memory_space<vmem>>) offsets(%dma_start3A_511 : memref<128xi32, #tpu.memory_space<vmem>>) semaphore(%arg13 : memref<!tpu.dma_semaphore, #tpu.memory_space<semaphore_mem>>)
        } else {
        }
        %run_scoped3A_502 = arith.constant 1 : i32
        "tpu.region"() ({
          %run_scoped3A_503 = tpu.sem_alloc : memref<!tpu.dma_semaphore, #tpu.memory_space<semaphore_mem>>
          %dma_start3A = arith.constant 0 : i32
          %dma_start3A_504 = arith.constant 0 : i32
          %dma_start3A_505 = tpu.memref_slice %arg10[%run_scoped3A_502, %dma_start3A, %dma_start3A_504] : memref<2x128x128xf32, #tpu.memory_space<vmem>> -> memref<1x128x128xf32, #tpu.memory_space<vmem>>
          %dma_start3A_506 = tpu.memref_squeeze %dma_start3A_505 : memref<1x128x128xf32, #tpu.memory_space<vmem>> -> memref<128x128xf32, #tpu.memory_space<vmem>>
          %dma_start3A_507 = arith.constant 0 : i32
          %dma_start3A_508 = arith.constant 0 : i32
          %dma_start3A_509 = tpu.memref_slice %arg15[%dma_start3A_507, %dma_start3A_508] : memref<5128x128xf32, #tpu.memory_space<vmem_shared>> -> memref<5128x128xf32, #tpu.memory_space<vmem_shared>>
          tpu.enqueue_indirect_dma source(%dma_start3A_506 : memref<128x128xf32, #tpu.memory_space<vmem>>) target(%dma_start3A_509 : memref<5128x128xf32, #tpu.memory_space<vmem_shared>>) offsets(%arg11 : memref<128xi32, #tpu.memory_space<vmem>>) semaphore(%run_scoped3A_503 : memref<!tpu.dma_semaphore, #tpu.memory_space<semaphore_mem>>) {add = true}
          %dma_wait3A_510 = arith.constant 0 : i32
          %dma_wait3A_511 = arith.constant 0 : i32
          %dma_wait3A_512 = tpu.memref_slice %arg10[%run_scoped3A_502, %dma_wait3A_510, %dma_wait3A_511] : memref<2x128x128xf32, #tpu.memory_space<vmem>> -> memref<1x128x128xf32, #tpu.memory_space<vmem>>
          %dma_wait3A_513 = tpu.memref_squeeze %dma_wait3A_512 : memref<1x128x128xf32, #tpu.memory_space<vmem>> -> memref<128x128xf32, #tpu.memory_space<vmem>>
          %dma_wait3A_514 = arith.constant 0 : i32
          %dma_wait3A_515 = arith.constant 0 : i32
          %dma_wait3A_516 = tpu.memref_slice %arg15[%dma_wait3A_514, %dma_wait3A_515] : memref<5128x128xf32, #tpu.memory_space<vmem_shared>> -> memref<5128x128xf32, #tpu.memory_space<vmem_shared>>
          tpu.wait_indirect_dma semaphore(%run_scoped3A_503 : memref<!tpu.dma_semaphore, #tpu.memory_space<semaphore_mem>>) src(%dma_wait3A_513 : memref<128x128xf32, #tpu.memory_space<vmem>>) dst(%dma_wait3A_516 : memref<5128x128xf32, #tpu.memory_space<vmem_shared>>)
          tpu.yield
        }) : () -> ()
      } else {
      }
    }
    %while3A_321 = arith.constant 1 : i32
    scf.for %while3A_333 = %while3A_319 to %while3A_315 step %while3A_321  : i32 {
      %mul3A_334 = arith.muli %while3A_333, %while3A_311 : i32
      %add3A_335 = arith.addi %while3A_312, %mul3A_334 : i32
      %mul3A_336 = arith.constant 128 : i32
      %mul3A_337 = arith.muli %add3A_335, %mul3A_336 : i32
      %add3A_338 = arith.constant 0 : i32
      %add3A_339 = arith.addi %mul3A_337, %add3A_338 : i32
      %get3A = arith.index_cast %add3A_339 : i32 to index
      %get3A_340 = tpu.vector_load %arg7[%get3A] {strides = array<i32>} : memref<4352xi32, #tpu.memory_space<vmem>>, vector<16xi32>,
      %swap3A = arith.constant 0 : index
      %swap3A_341 = tpu.vector_load %arg11[%swap3A] {strides = array<i32>} : memref<128xi32, #tpu.memory_space<vmem>>, vector<16xi32>,
      tpu.vector_store %arg11[%swap3A], %get3A_340 {strides = array<i32>} : memref<128xi32, #tpu.memory_space<vmem>>, vector<16xi32>,
      %mul3A_342 = arith.constant 128 : i32
      %mul3A_343 = arith.muli %add3A_335, %mul3A_342 : i32
      %add3A_344 = arith.constant 16 : i32
      %add3A_345 = arith.addi %mul3A_343, %add3A_344 : i32
      %get3A_346 = arith.index_cast %add3A_345 : i32 to index
      %get3A_347 = tpu.vector_load %arg7[%get3A_346] {strides = array<i32>} : memref<4352xi32, #tpu.memory_space<vmem>>, vector<16xi32>,
      %swap3A_348 = arith.constant 16 : index
      %swap3A_349 = tpu.vector_load %arg11[%swap3A_348] {strides = array<i32>} : memref<128xi32, #tpu.memory_space<vmem>>, vector<16xi32>,
      tpu.vector_store %arg11[%swap3A_348], %get3A_347 {strides = array<i32>} : memref<128xi32, #tpu.memory_space<vmem>>, vector<16xi32>,
      %mul3A_350 = arith.constant 128 : i32
      %mul3A_351 = arith.muli %add3A_335, %mul3A_350 : i32
      %add3A_352 = arith.constant 32 : i32
      %add3A_353 = arith.addi %mul3A_351, %add3A_352 : i32
      %get3A_354 = arith.index_cast %add3A_353 : i32 to index
      %get3A_355 = tpu.vector_load %arg7[%get3A_354] {strides = array<i32>} : memref<4352xi32, #tpu.memory_space<vmem>>, vector<16xi32>,
      %swap3A_356 = arith.constant 32 : index
      %swap3A_357 = tpu.vector_load %arg11[%swap3A_356] {strides = array<i32>} : memref<128xi32, #tpu.memory_space<vmem>>, vector<16xi32>,
      tpu.vector_store %arg11[%swap3A_356], %get3A_355 {strides = array<i32>} : memref<128xi32, #tpu.memory_space<vmem>>, vector<16xi32>,
      %mul3A_358 = arith.constant 128 : i32
      %mul3A_359 = arith.muli %add3A_335, %mul3A_358 : i32
      %add3A_360 = arith.constant 48 : i32
      %add3A_361 = arith.addi %mul3A_359, %add3A_360 : i32
      %get3A_362 = arith.index_cast %add3A_361 : i32 to index
      %get3A_363 = tpu.vector_load %arg7[%get3A_362] {strides = array<i32>} : memref<4352xi32, #tpu.memory_space<vmem>>, vector<16xi32>,
      %swap3A_364 = arith.constant 48 : index
      %swap3A_365 = tpu.vector_load %arg11[%swap3A_364] {strides = array<i32>} : memref<128xi32, #tpu.memory_space<vmem>>, vector<16xi32>,
      tpu.vector_store %arg11[%swap3A_364], %get3A_363 {strides = array<i32>} : memref<128xi32, #tpu.memory_space<vmem>>, vector<16xi32>,
      %mul3A_366 = arith.constant 128 : i32
      %mul3A_367 = arith.muli %add3A_335, %mul3A_366 : i32
      %add3A_368 = arith.constant 64 : i32
      %add3A_369 = arith.addi %mul3A_367, %add3A_368 : i32
      %get3A_370 = arith.index_cast %add3A_369 : i32 to index
      %get3A_371 = tpu.vector_load %arg7[%get3A_370] {strides = array<i32>} : memref<4352xi32, #tpu.memory_space<vmem>>, vector<16xi32>,
      %swap3A_372 = arith.constant 64 : index
      %swap3A_373 = tpu.vector_load %arg11[%swap3A_372] {strides = array<i32>} : memref<128xi32, #tpu.memory_space<vmem>>, vector<16xi32>,
      tpu.vector_store %arg11[%swap3A_372], %get3A_371 {strides = array<i32>} : memref<128xi32, #tpu.memory_space<vmem>>, vector<16xi32>,
      %mul3A_374 = arith.constant 128 : i32
      %mul3A_375 = arith.muli %add3A_335, %mul3A_374 : i32
      %add3A_376 = arith.constant 80 : i32
      %add3A_377 = arith.addi %mul3A_375, %add3A_376 : i32
      %get3A_378 = arith.index_cast %add3A_377 : i32 to index
      %get3A_379 = tpu.vector_load %arg7[%get3A_378] {strides = array<i32>} : memref<4352xi32, #tpu.memory_space<vmem>>, vector<16xi32>,
      %swap3A_380 = arith.constant 80 : index
      %swap3A_381 = tpu.vector_load %arg11[%swap3A_380] {strides = array<i32>} : memref<128xi32, #tpu.memory_space<vmem>>, vector<16xi32>,
      tpu.vector_store %arg11[%swap3A_380], %get3A_379 {strides = array<i32>} : memref<128xi32, #tpu.memory_space<vmem>>, vector<16xi32>,
      %mul3A_382 = arith.constant 128 : i32
      %mul3A_383 = arith.muli %add3A_335, %mul3A_382 : i32
      %add3A_384 = arith.constant 96 : i32
      %add3A_385 = arith.addi %mul3A_383, %add3A_384 : i32
      %get3A_386 = arith.index_cast %add3A_385 : i32 to index
      %get3A_387 = tpu.vector_load %arg7[%get3A_386] {strides = array<i32>} : memref<4352xi32, #tpu.memory_space<vmem>>, vector<16xi32>,
      %swap3A_388 = arith.constant 96 : index
      %swap3A_389 = tpu.vector_load %arg11[%swap3A_388] {strides = array<i32>} : memref<128xi32, #tpu.memory_space<vmem>>, vector<16xi32>,
      tpu.vector_store %arg11[%swap3A_388], %get3A_387 {strides = array<i32>} : memref<128xi32, #tpu.memory_space<vmem>>, vector<16xi32>,
      %mul3A_390 = arith.constant 128 : i32
      %mul3A_391 = arith.muli %add3A_335, %mul3A_390 : i32
      %add3A_392 = arith.constant 112 : i32
      %add3A_393 = arith.addi %mul3A_391, %add3A_392 : i32
      %get3A_394 = arith.index_cast %add3A_393 : i32 to index
      %get3A_395 = tpu.vector_load %arg7[%get3A_394] {strides = array<i32>} : memref<4352xi32, #tpu.memory_space<vmem>>, vector<16xi32>,
      %swap3A_396 = arith.constant 112 : index
      %swap3A_397 = tpu.vector_load %arg11[%swap3A_396] {strides = array<i32>} : memref<128xi32, #tpu.memory_space<vmem>>, vector<16xi32>,
      tpu.vector_store %arg11[%swap3A_396], %get3A_395 {strides = array<i32>} : memref<128xi32, #tpu.memory_space<vmem>>, vector<16xi32>,
      %mul3A_398 = arith.constant 128 : i32
      %mul3A_399 = arith.muli %add3A_335, %mul3A_398 : i32
      %dma_wait3A = arith.constant 0 : i32
      %dma_wait3A_400 = arith.constant 0 : i32
      %dma_wait3A_401 = arith.constant 0 : i32
      %dma_wait3A_402 = tpu.memref_slice %arg10[%dma_wait3A, %dma_wait3A_400, %dma_wait3A_401] : memref<2x128x128xf32, #tpu.memory_space<vmem>> -> memref<1x128x128xf32, #tpu.memory_space<vmem>>
      %dma_wait3A_403 = tpu.memref_squeeze %dma_wait3A_402 : memref<1x128x128xf32, #tpu.memory_space<vmem>> -> memref<128x128xf32, #tpu.memory_space<vmem>>
      %dma_wait3A_404 = tpu.memref_slice %arg6[%mul3A_399] : memref<4352xi32, #tpu.memory_space<vmem>> -> memref<128xi32, #tpu.memory_space<vmem>>
      %dma_wait3A_405 = arith.constant 0 : i32
      %dma_wait3A_406 = arith.constant 0 : i32
      %dma_wait3A_407 = tpu.memref_slice %arg2[%dma_wait3A_405, %dma_wait3A_406] : memref<10000x128xf32, #tpu.memory_space<hbm>> -> memref<10000x128xf32, #tpu.memory_space<hbm>>
      tpu.wait_indirect_dma semaphore(%arg13 : memref<!tpu.dma_semaphore, #tpu.memory_space<semaphore_mem>>) src(%dma_wait3A_407 : memref<10000x128xf32, #tpu.memory_space<hbm>>) dst(%dma_wait3A_403 : memref<128x128xf32, #tpu.memory_space<vmem>>)
      %add3A_408 = arith.constant 1 : i32
      %add3A_409 = arith.addi %add3A_335, %add3A_408 : i32
      %lt3A = arith.cmpi slt, %add3A_409, %select_n3A_297 : i32
      %convert_element_type3A_410 = arith.extui %lt3A : i1 to i32
      %cond3A_411 = arith.constant 0 : i32
      %cond3A_412 = arith.cmpi ne, %convert_element_type3A_410, %cond3A_411 : i32
      scf.if %cond3A_412 {
        %add3A_419 = arith.constant 1 : i32
        %add3A_420 = arith.addi %add3A_335, %add3A_419 : i32
        %mul3A_421 = arith.constant 128 : i32
        %mul3A_422 = arith.muli %add3A_420, %mul3A_421 : i32
        %dma_start3A = arith.constant 1 : i32
        %dma_start3A_423 = arith.constant 0 : i32
        %dma_start3A_424 = arith.constant 0 : i32
        %dma_start3A_425 = tpu.memref_slice %arg10[%dma_start3A, %dma_start3A_423, %dma_start3A_424] : memref<2x128x128xf32, #tpu.memory_space<vmem>> -> memref<1x128x128xf32, #tpu.memory_space<vmem>>
        %dma_start3A_426 = tpu.memref_squeeze %dma_start3A_425 : memref<1x128x128xf32, #tpu.memory_space<vmem>> -> memref<128x128xf32, #tpu.memory_space<vmem>>
        %dma_start3A_427 = tpu.memref_slice %arg6[%mul3A_422] : memref<4352xi32, #tpu.memory_space<vmem>> -> memref<128xi32, #tpu.memory_space<vmem>>
        %dma_start3A_428 = arith.constant 0 : i32
        %dma_start3A_429 = arith.constant 0 : i32
        %dma_start3A_430 = tpu.memref_slice %arg2[%dma_start3A_428, %dma_start3A_429] : memref<10000x128xf32, #tpu.memory_space<hbm>> -> memref<10000x128xf32, #tpu.memory_space<hbm>>
        tpu.enqueue_indirect_dma source(%dma_start3A_430 : memref<10000x128xf32, #tpu.memory_space<hbm>>) target(%dma_start3A_426 : memref<128x128xf32, #tpu.memory_space<vmem>>) offsets(%dma_start3A_427 : memref<128xi32, #tpu.memory_space<vmem>>) semaphore(%arg14 : memref<!tpu.dma_semaphore, #tpu.memory_space<semaphore_mem>>)
      } else {
      }
      %run_scoped3A = arith.constant 0 : i32
      "tpu.region"() ({
        %run_scoped3A_419 = tpu.sem_alloc : memref<!tpu.dma_semaphore, #tpu.memory_space<semaphore_mem>>
        %dma_start3A = arith.constant 0 : i32
        %dma_start3A_420 = arith.constant 0 : i32
        %dma_start3A_421 = tpu.memref_slice %arg10[%run_scoped3A, %dma_start3A, %dma_start3A_420] : memref<2x128x128xf32, #tpu.memory_space<vmem>> -> memref<1x128x128xf32, #tpu.memory_space<vmem>>
        %dma_start3A_422 = tpu.memref_squeeze %dma_start3A_421 : memref<1x128x128xf32, #tpu.memory_space<vmem>> -> memref<128x128xf32, #tpu.memory_space<vmem>>
        %dma_start3A_423 = arith.constant 0 : i32
        %dma_start3A_424 = arith.constant 0 : i32
        %dma_start3A_425 = tpu.memref_slice %arg15[%dma_start3A_423, %dma_start3A_424] : memref<5128x128xf32, #tpu.memory_space<vmem_shared>> -> memref<5128x128xf32, #tpu.memory_space<vmem_shared>>
        tpu.enqueue_indirect_dma source(%dma_start3A_422 : memref<128x128xf32, #tpu.memory_space<vmem>>) target(%dma_start3A_425 : memref<5128x128xf32, #tpu.memory_space<vmem_shared>>) offsets(%arg11 : memref<128xi32, #tpu.memory_space<vmem>>) semaphore(%run_scoped3A_419 : memref<!tpu.dma_semaphore, #tpu.memory_space<semaphore_mem>>) {add = true}
        %dma_wait3A_426 = arith.constant 0 : i32
        %dma_wait3A_427 = arith.constant 0 : i32
        %dma_wait3A_428 = tpu.memref_slice %arg10[%run_scoped3A, %dma_wait3A_426, %dma_wait3A_427] : memref<2x128x128xf32, #tpu.memory_space<vmem>> -> memref<1x128x128xf32, #tpu.memory_space<vmem>>
        %dma_wait3A_429 = tpu.memref_squeeze %dma_wait3A_428 : memref<1x128x128xf32, #tpu.memory_space<vmem>> -> memref<128x128xf32, #tpu.memory_space<vmem>>
        %dma_wait3A_430 = arith.constant 0 : i32
        %dma_wait3A_431 = arith.constant 0 : i32
        %dma_wait3A_432 = tpu.memref_slice %arg15[%dma_wait3A_430, %dma_wait3A_431] : memref<5128x128xf32, #tpu.memory_space<vmem_shared>> -> memref<5128x128xf32, #tpu.memory_space<vmem_shared>>
        tpu.wait_indirect_dma semaphore(%run_scoped3A_419 : memref<!tpu.dma_semaphore, #tpu.memory_space<semaphore_mem>>) src(%dma_wait3A_429 : memref<128x128xf32, #tpu.memory_space<vmem>>) dst(%dma_wait3A_432 : memref<5128x128xf32, #tpu.memory_space<vmem_shared>>)
        tpu.yield
      }) : () -> ()
      %add3A_413 = arith.constant 1 : i32
      %add3A_414 = arith.addi %add3A_335, %add3A_413 : i32
      %lt3A_415 = arith.cmpi slt, %add3A_414, %select_n3A_297 : i32
      %convert_element_type3A_416 = arith.extui %lt3A_415 : i1 to i32
      %cond3A_417 = arith.constant 0 : i32
      %cond3A_418 = arith.cmpi ne, %convert_element_type3A_416, %cond3A_417 : i32
      scf.if %cond3A_418 {
        %add3A_419 = arith.constant 1 : i32
        %add3A_420 = arith.addi %add3A_335, %add3A_419 : i32
        %mul3A_421 = arith.constant 128 : i32
        %mul3A_422 = arith.muli %add3A_420, %mul3A_421 : i32
        %add3A_423 = arith.constant 0 : i32
        %add3A_424 = arith.addi %mul3A_422, %add3A_423 : i32
        %get3A_425 = arith.index_cast %add3A_424 : i32 to index
        %get3A_426 = tpu.vector_load %arg7[%get3A_425] {strides = array<i32>} : memref<4352xi32, #tpu.memory_space<vmem>>, vector<16xi32>,
        %swap3A_427 = arith.constant 0 : index
        %swap3A_428 = tpu.vector_load %arg11[%swap3A_427] {strides = array<i32>} : memref<128xi32, #tpu.memory_space<vmem>>, vector<16xi32>,
        tpu.vector_store %arg11[%swap3A_427], %get3A_426 {strides = array<i32>} : memref<128xi32, #tpu.memory_space<vmem>>, vector<16xi32>,
        %mul3A_429 = arith.constant 128 : i32
        %mul3A_430 = arith.muli %add3A_420, %mul3A_429 : i32
        %add3A_431 = arith.constant 16 : i32
        %add3A_432 = arith.addi %mul3A_430, %add3A_431 : i32
        %get3A_433 = arith.index_cast %add3A_432 : i32 to index
        %get3A_434 = tpu.vector_load %arg7[%get3A_433] {strides = array<i32>} : memref<4352xi32, #tpu.memory_space<vmem>>, vector<16xi32>,
        %swap3A_435 = arith.constant 16 : index
        %swap3A_436 = tpu.vector_load %arg11[%swap3A_435] {strides = array<i32>} : memref<128xi32, #tpu.memory_space<vmem>>, vector<16xi32>,
        tpu.vector_store %arg11[%swap3A_435], %get3A_434 {strides = array<i32>} : memref<128xi32, #tpu.memory_space<vmem>>, vector<16xi32>,
        %mul3A_437 = arith.constant 128 : i32
        %mul3A_438 = arith.muli %add3A_420, %mul3A_437 : i32
        %add3A_439 = arith.constant 32 : i32
        %add3A_440 = arith.addi %mul3A_438, %add3A_439 : i32
        %get3A_441 = arith.index_cast %add3A_440 : i32 to index
        %get3A_442 = tpu.vector_load %arg7[%get3A_441] {strides = array<i32>} : memref<4352xi32, #tpu.memory_space<vmem>>, vector<16xi32>,
        %swap3A_443 = arith.constant 32 : index
        %swap3A_444 = tpu.vector_load %arg11[%swap3A_443] {strides = array<i32>} : memref<128xi32, #tpu.memory_space<vmem>>, vector<16xi32>,
        tpu.vector_store %arg11[%swap3A_443], %get3A_442 {strides = array<i32>} : memref<128xi32, #tpu.memory_space<vmem>>, vector<16xi32>,
        %mul3A_445 = arith.constant 128 : i32
        %mul3A_446 = arith.muli %add3A_420, %mul3A_445 : i32
        %add3A_447 = arith.constant 48 : i32
        %add3A_448 = arith.addi %mul3A_446, %add3A_447 : i32
        %get3A_449 = arith.index_cast %add3A_448 : i32 to index
        %get3A_450 = tpu.vector_load %arg7[%get3A_449] {strides = array<i32>} : memref<4352xi32, #tpu.memory_space<vmem>>, vector<16xi32>,
        %swap3A_451 = arith.constant 48 : index
        %swap3A_452 = tpu.vector_load %arg11[%swap3A_451] {strides = array<i32>} : memref<128xi32, #tpu.memory_space<vmem>>, vector<16xi32>,
        tpu.vector_store %arg11[%swap3A_451], %get3A_450 {strides = array<i32>} : memref<128xi32, #tpu.memory_space<vmem>>, vector<16xi32>,
        %mul3A_453 = arith.constant 128 : i32
        %mul3A_454 = arith.muli %add3A_420, %mul3A_453 : i32
        %add3A_455 = arith.constant 64 : i32
        %add3A_456 = arith.addi %mul3A_454, %add3A_455 : i32
        %get3A_457 = arith.index_cast %add3A_456 : i32 to index
        %get3A_458 = tpu.vector_load %arg7[%get3A_457] {strides = array<i32>} : memref<4352xi32, #tpu.memory_space<vmem>>, vector<16xi32>,
        %swap3A_459 = arith.constant 64 : index
        %swap3A_460 = tpu.vector_load %arg11[%swap3A_459] {strides = array<i32>} : memref<128xi32, #tpu.memory_space<vmem>>, vector<16xi32>,
        tpu.vector_store %arg11[%swap3A_459], %get3A_458 {strides = array<i32>} : memref<128xi32, #tpu.memory_space<vmem>>, vector<16xi32>,
        %mul3A_461 = arith.constant 128 : i32
        %mul3A_462 = arith.muli %add3A_420, %mul3A_461 : i32
        %add3A_463 = arith.constant 80 : i32
        %add3A_464 = arith.addi %mul3A_462, %add3A_463 : i32
        %get3A_465 = arith.index_cast %add3A_464 : i32 to index
        %get3A_466 = tpu.vector_load %arg7[%get3A_465] {strides = array<i32>} : memref<4352xi32, #tpu.memory_space<vmem>>, vector<16xi32>,
        %swap3A_467 = arith.constant 80 : index
        %swap3A_468 = tpu.vector_load %arg11[%swap3A_467] {strides = array<i32>} : memref<128xi32, #tpu.memory_space<vmem>>, vector<16xi32>,
        tpu.vector_store %arg11[%swap3A_467], %get3A_466 {strides = array<i32>} : memref<128xi32, #tpu.memory_space<vmem>>, vector<16xi32>,
        %mul3A_469 = arith.constant 128 : i32
        %mul3A_470 = arith.muli %add3A_420, %mul3A_469 : i32
        %add3A_471 = arith.constant 96 : i32
        %add3A_472 = arith.addi %mul3A_470, %add3A_471 : i32
        %get3A_473 = arith.index_cast %add3A_472 : i32 to index
        %get3A_474 = tpu.vector_load %arg7[%get3A_473] {strides = array<i32>} : memref<4352xi32, #tpu.memory_space<vmem>>, vector<16xi32>,
        %swap3A_475 = arith.constant 96 : index
        %swap3A_476 = tpu.vector_load %arg11[%swap3A_475] {strides = array<i32>} : memref<128xi32, #tpu.memory_space<vmem>>, vector<16xi32>,
        tpu.vector_store %arg11[%swap3A_475], %get3A_474 {strides = array<i32>} : memref<128xi32, #tpu.memory_space<vmem>>, vector<16xi32>,
        %mul3A_477 = arith.constant 128 : i32
        %mul3A_478 = arith.muli %add3A_420, %mul3A_477 : i32
        %add3A_479 = arith.constant 112 : i32
        %add3A_480 = arith.addi %mul3A_478, %add3A_479 : i32
        %get3A_481 = arith.index_cast %add3A_480 : i32 to index
        %get3A_482 = tpu.vector_load %arg7[%get3A_481] {strides = array<i32>} : memref<4352xi32, #tpu.memory_space<vmem>>, vector<16xi32>,
        %swap3A_483 = arith.constant 112 : index
        %swap3A_484 = tpu.vector_load %arg11[%swap3A_483] {strides = array<i32>} : memref<128xi32, #tpu.memory_space<vmem>>, vector<16xi32>,
        tpu.vector_store %arg11[%swap3A_483], %get3A_482 {strides = array<i32>} : memref<128xi32, #tpu.memory_space<vmem>>, vector<16xi32>,
        %mul3A_485 = arith.constant 128 : i32
        %mul3A_486 = arith.muli %add3A_420, %mul3A_485 : i32
        %dma_wait3A_487 = arith.constant 1 : i32
        %dma_wait3A_488 = arith.constant 0 : i32
        %dma_wait3A_489 = arith.constant 0 : i32
        %dma_wait3A_490 = tpu.memref_slice %arg10[%dma_wait3A_487, %dma_wait3A_488, %dma_wait3A_489] : memref<2x128x128xf32, #tpu.memory_space<vmem>> -> memref<1x128x128xf32, #tpu.memory_space<vmem>>
        %dma_wait3A_491 = tpu.memref_squeeze %dma_wait3A_490 : memref<1x128x128xf32, #tpu.memory_space<vmem>> -> memref<128x128xf32, #tpu.memory_space<vmem>>
        %dma_wait3A_492 = tpu.memref_slice %arg6[%mul3A_486] : memref<4352xi32, #tpu.memory_space<vmem>> -> memref<128xi32, #tpu.memory_space<vmem>>
        %dma_wait3A_493 = arith.constant 0 : i32
        %dma_wait3A_494 = arith.constant 0 : i32
        %dma_wait3A_495 = tpu.memref_slice %arg2[%dma_wait3A_493, %dma_wait3A_494] : memref<10000x128xf32, #tpu.memory_space<hbm>> -> memref<10000x128xf32, #tpu.memory_space<hbm>>
        tpu.wait_indirect_dma semaphore(%arg14 : memref<!tpu.dma_semaphore, #tpu.memory_space<semaphore_mem>>) src(%dma_wait3A_495 : memref<10000x128xf32, #tpu.memory_space<hbm>>) dst(%dma_wait3A_491 : memref<128x128xf32, #tpu.memory_space<vmem>>)
        %add3A_496 = arith.constant 1 : i32
        %add3A_497 = arith.addi %add3A_420, %add3A_496 : i32
        %lt3A_498 = arith.cmpi slt, %add3A_497, %select_n3A_297 : i32
        %convert_element_type3A_499 = arith.extui %lt3A_498 : i1 to i32
        %cond3A_500 = arith.constant 0 : i32
        %cond3A_501 = arith.cmpi ne, %convert_element_type3A_499, %cond3A_500 : i32
        scf.if %cond3A_501 {
          %add3A_503 = arith.constant 1 : i32
          %add3A_504 = arith.addi %add3A_420, %add3A_503 : i32
          %mul3A_505 = arith.constant 128 : i32
          %mul3A_506 = arith.muli %add3A_504, %mul3A_505 : i32
          %dma_start3A = arith.constant 0 : i32
          %dma_start3A_507 = arith.constant 0 : i32
          %dma_start3A_508 = arith.constant 0 : i32
          %dma_start3A_509 = tpu.memref_slice %arg10[%dma_start3A, %dma_start3A_507, %dma_start3A_508] : memref<2x128x128xf32, #tpu.memory_space<vmem>> -> memref<1x128x128xf32, #tpu.memory_space<vmem>>
          %dma_start3A_510 = tpu.memref_squeeze %dma_start3A_509 : memref<1x128x128xf32, #tpu.memory_space<vmem>> -> memref<128x128xf32, #tpu.memory_space<vmem>>
          %dma_start3A_511 = tpu.memref_slice %arg6[%mul3A_506] : memref<4352xi32, #tpu.memory_space<vmem>> -> memref<128xi32, #tpu.memory_space<vmem>>
          %dma_start3A_512 = arith.constant 0 : i32
          %dma_start3A_513 = arith.constant 0 : i32
          %dma_start3A_514 = tpu.memref_slice %arg2[%dma_start3A_512, %dma_start3A_513] : memref<10000x128xf32, #tpu.memory_space<hbm>> -> memref<10000x128xf32, #tpu.memory_space<hbm>>
          tpu.enqueue_indirect_dma source(%dma_start3A_514 : memref<10000x128xf32, #tpu.memory_space<hbm>>) target(%dma_start3A_510 : memref<128x128xf32, #tpu.memory_space<vmem>>) offsets(%dma_start3A_511 : memref<128xi32, #tpu.memory_space<vmem>>) semaphore(%arg13 : memref<!tpu.dma_semaphore, #tpu.memory_space<semaphore_mem>>)
        } else {
        }
        %run_scoped3A_502 = arith.constant 1 : i32
        "tpu.region"() ({
          %run_scoped3A_503 = tpu.sem_alloc : memref<!tpu.dma_semaphore, #tpu.memory_space<semaphore_mem>>
          %dma_start3A = arith.constant 0 : i32
          %dma_start3A_504 = arith.constant 0 : i32
          %dma_start3A_505 = tpu.memref_slice %arg10[%run_scoped3A_502, %dma_start3A, %dma_start3A_504] : memref<2x128x128xf32, #tpu.memory_space<vmem>> -> memref<1x128x128xf32, #tpu.memory_space<vmem>>
          %dma_start3A_506 = tpu.memref_squeeze %dma_start3A_505 : memref<1x128x128xf32, #tpu.memory_space<vmem>> -> memref<128x128xf32, #tpu.memory_space<vmem>>
          %dma_start3A_507 = arith.constant 0 : i32
          %dma_start3A_508 = arith.constant 0 : i32
          %dma_start3A_509 = tpu.memref_slice %arg15[%dma_start3A_507, %dma_start3A_508] : memref<5128x128xf32, #tpu.memory_space<vmem_shared>> -> memref<5128x128xf32, #tpu.memory_space<vmem_shared>>
          tpu.enqueue_indirect_dma source(%dma_start3A_506 : memref<128x128xf32, #tpu.memory_space<vmem>>) target(%dma_start3A_509 : memref<5128x128xf32, #tpu.memory_space<vmem_shared>>) offsets(%arg11 : memref<128xi32, #tpu.memory_space<vmem>>) semaphore(%run_scoped3A_503 : memref<!tpu.dma_semaphore, #tpu.memory_space<semaphore_mem>>) {add = true}
          %dma_wait3A_510 = arith.constant 0 : i32
          %dma_wait3A_511 = arith.constant 0 : i32
          %dma_wait3A_512 = tpu.memref_slice %arg10[%run_scoped3A_502, %dma_wait3A_510, %dma_wait3A_511] : memref<2x128x128xf32, #tpu.memory_space<vmem>> -> memref<1x128x128xf32, #tpu.memory_space<vmem>>
          %dma_wait3A_513 = tpu.memref_squeeze %dma_wait3A_512 : memref<1x128x128xf32, #tpu.memory_space<vmem>> -> memref<128x128xf32, #tpu.memory_space<vmem>>
          %dma_wait3A_514 = arith.constant 0 : i32
          %dma_wait3A_515 = arith.constant 0 : i32
          %dma_wait3A_516 = tpu.memref_slice %arg15[%dma_wait3A_514, %dma_wait3A_515] : memref<5128x128xf32, #tpu.memory_space<vmem_shared>> -> memref<5128x128xf32, #tpu.memory_space<vmem_shared>>
          tpu.wait_indirect_dma semaphore(%run_scoped3A_503 : memref<!tpu.dma_semaphore, #tpu.memory_space<semaphore_mem>>) src(%dma_wait3A_513 : memref<128x128xf32, #tpu.memory_space<vmem>>) dst(%dma_wait3A_516 : memref<5128x128xf32, #tpu.memory_space<vmem_shared>>)
          tpu.yield
        }) : () -> ()
      } else {
      }
    }
    %barrier3A_322 = arith.constant 0 : index
    tpu.barrier barrier_id(%barrier3A_322)
    %add3A_323 = arith.constant 0 : i32
    %add3A_324 = arith.addi %mul3A_2, %add3A_323 : i32
    "tpu.region"() ({
      %run_scoped3A = tpu.sem_alloc : memref<!tpu.dma_semaphore, #tpu.memory_space<semaphore_mem>>
      %dma_start3A = arith.constant 0 : i32
      %dma_start3A_333 = tpu.memref_slice %arg15[%add3A_324, %dma_start3A] : memref<5128x128xf32, #tpu.memory_space<vmem_shared>> -> memref<160x128xf32, #tpu.memory_space<vmem_shared>>
      %dma_start3A_334 = arith.constant 0 : i32
      %dma_start3A_335 = tpu.memref_slice %arg15[%add3A_324, %dma_start3A_334] : memref<5128x128xf32, #tpu.memory_space<vmem_shared>> -> memref<160x128xf32, #tpu.memory_space<vmem_shared>>
      tpu.enqueue_dma source(%dma_start3A_335 : memref<160x128xf32, #tpu.memory_space<vmem_shared>>) target(%arg12 : memref<160x128xf32, #tpu.memory_space<vmem>>) target_semaphore(%run_scoped3A : memref<!tpu.dma_semaphore, #tpu.memory_space<semaphore_mem>>)
      %dma_wait3A = arith.constant 0 : i32
      %dma_wait3A_336 = tpu.memref_slice %arg15[%add3A_324, %dma_wait3A] : memref<5128x128xf32, #tpu.memory_space<vmem_shared>> -> memref<160x128xf32, #tpu.memory_space<vmem_shared>>
      %dma_wait3A_337 = arith.constant 0 : i32
      %dma_wait3A_338 = tpu.memref_slice %arg15[%add3A_324, %dma_wait3A_337] : memref<5128x128xf32, #tpu.memory_space<vmem_shared>> -> memref<160x128xf32, #tpu.memory_space<vmem_shared>>
      tpu.wait_dma2 semaphore(%run_scoped3A : memref<!tpu.dma_semaphore, #tpu.memory_space<semaphore_mem>>) src(%dma_wait3A_338 : memref<160x128xf32, #tpu.memory_space<vmem_shared>>) dst(%arg12 : memref<160x128xf32, #tpu.memory_space<vmem>>)
      tpu.yield
    }) : () -> ()
    %add3A_325 = arith.addi %mul3A_4, %mul3A_2 : i32
    %add3A_326 = arith.constant 0 : i32
    %add3A_327 = arith.addi %add3A_325, %add3A_326 : i32
    "tpu.region"() ({
      %run_scoped3A = tpu.sem_alloc : memref<!tpu.dma_semaphore, #tpu.memory_space<semaphore_mem>>
      %dma_start3A = arith.constant 0 : i32
      %dma_start3A_333 = tpu.memref_slice %arg5[%add3A_327, %dma_start3A] : memref<10240x128xf32, #tpu.memory_space<hbm>> -> memref<160x128xf32, #tpu.memory_space<hbm>>
      %dma_start3A_334 = arith.constant 0 : i32
      %dma_start3A_335 = tpu.memref_slice %arg5[%add3A_327, %dma_start3A_334] : memref<10240x128xf32, #tpu.memory_space<hbm>> -> memref<160x128xf32, #tpu.memory_space<hbm>>
      tpu.enqueue_dma source(%arg12 : memref<160x128xf32, #tpu.memory_space<vmem>>) target(%dma_start3A_335 : memref<160x128xf32, #tpu.memory_space<hbm>>) target_semaphore(%run_scoped3A : memref<!tpu.dma_semaphore, #tpu.memory_space<semaphore_mem>>)
      %dma_wait3A = arith.constant 0 : i32
      %dma_wait3A_336 = tpu.memref_slice %arg5[%add3A_327, %dma_wait3A] : memref<10240x128xf32, #tpu.memory_space<hbm>> -> memref<160x128xf32, #tpu.memory_space<hbm>>
      %dma_wait3A_337 = arith.constant 0 : i32
      %dma_wait3A_338 = tpu.memref_slice %arg5[%add3A_327, %dma_wait3A_337] : memref<10240x128xf32, #tpu.memory_space<hbm>> -> memref<160x128xf32, #tpu.memory_space<hbm>>
      tpu.wait_dma2 semaphore(%run_scoped3A : memref<!tpu.dma_semaphore, #tpu.memory_space<semaphore_mem>>) src(%arg12 : memref<160x128xf32, #tpu.memory_space<vmem>>) dst(%dma_wait3A_338 : memref<160x128xf32, #tpu.memory_space<hbm>>)
      tpu.yield
    }) : () -> ()
    %add3A_328 = arith.constant 160 : i32
    %add3A_329 = arith.addi %mul3A_2, %add3A_328 : i32
    "tpu.region"() ({
      %run_scoped3A = tpu.sem_alloc : memref<!tpu.dma_semaphore, #tpu.memory_space<semaphore_mem>>
      %dma_start3A = arith.constant 0 : i32
      %dma_start3A_333 = tpu.memref_slice %arg15[%add3A_329, %dma_start3A] : memref<5128x128xf32, #tpu.memory_space<vmem_shared>> -> memref<160x128xf32, #tpu.memory_space<vmem_shared>>
      %dma_start3A_334 = arith.constant 0 : i32
      %dma_start3A_335 = tpu.memref_slice %arg15[%add3A_329, %dma_start3A_334] : memref<5128x128xf32, #tpu.memory_space<vmem_shared>> -> memref<160x128xf32, #tpu.memory_space<vmem_shared>>
      tpu.enqueue_dma source(%dma_start3A_335 : memref<160x128xf32, #tpu.memory_space<vmem_shared>>) target(%arg12 : memref<160x128xf32, #tpu.memory_space<vmem>>) target_semaphore(%run_scoped3A : memref<!tpu.dma_semaphore, #tpu.memory_space<semaphore_mem>>)
      %dma_wait3A = arith.constant 0 : i32
      %dma_wait3A_336 = tpu.memref_slice %arg15[%add3A_329, %dma_wait3A] : memref<5128x128xf32, #tpu.memory_space<vmem_shared>> -> memref<160x128xf32, #tpu.memory_space<vmem_shared>>
      %dma_wait3A_337 = arith.constant 0 : i32
      %dma_wait3A_338 = tpu.memref_slice %arg15[%add3A_329, %dma_wait3A_337] : memref<5128x128xf32, #tpu.memory_space<vmem_shared>> -> memref<160x128xf32, #tpu.memory_space<vmem_shared>>
      tpu.wait_dma2 semaphore(%run_scoped3A : memref<!tpu.dma_semaphore, #tpu.memory_space<semaphore_mem>>) src(%dma_wait3A_338 : memref<160x128xf32, #tpu.memory_space<vmem_shared>>) dst(%arg12 : memref<160x128xf32, #tpu.memory_space<vmem>>)
      tpu.yield
    }) : () -> ()
    %add3A_330 = arith.addi %mul3A_4, %mul3A_2 : i32
    %add3A_331 = arith.constant 160 : i32
    %add3A_332 = arith.addi %add3A_330, %add3A_331 : i32
    "tpu.region"() ({
      %run_scoped3A = tpu.sem_alloc : memref<!tpu.dma_semaphore, #tpu.memory_space<semaphore_mem>>
      %dma_start3A = arith.constant 0 : i32
      %dma_start3A_333 = tpu.memref_slice %arg5[%add3A_332, %dma_start3A] : memref<10240x128xf32, #tpu.memory_space<hbm>> -> memref<160x128xf32, #tpu.memory_space<hbm>>
      %dma_start3A_334 = arith.constant 0 : i32
      %dma_start3A_335 = tpu.memref_slice %arg5[%add3A_332, %dma_start3A_334] : memref<10240x128xf32, #tpu.memory_space<hbm>> -> memref<160x128xf32, #tpu.memory_space<hbm>>
      tpu.enqueue_dma source(%arg12 : memref<160x128xf32, #tpu.memory_space<vmem>>) target(%dma_start3A_335 : memref<160x128xf32, #tpu.memory_space<hbm>>) target_semaphore(%run_scoped3A : memref<!tpu.dma_semaphore, #tpu.memory_space<semaphore_mem>>)
      %dma_wait3A = arith.constant 0 : i32
      %dma_wait3A_336 = tpu.memref_slice %arg5[%add3A_332, %dma_wait3A] : memref<10240x128xf32, #tpu.memory_space<hbm>> -> memref<160x128xf32, #tpu.memory_space<hbm>>
      %dma_wait3A_337 = arith.constant 0 : i32
      %dma_wait3A_338 = tpu.memref_slice %arg5[%add3A_332, %dma_wait3A_337] : memref<10240x128xf32, #tpu.memory_space<hbm>> -> memref<160x128xf32, #tpu.memory_space<hbm>>
      tpu.wait_dma2 semaphore(%run_scoped3A : memref<!tpu.dma_semaphore, #tpu.memory_space<semaphore_mem>>) src(%arg12 : memref<160x128xf32, #tpu.memory_space<vmem>>) dst(%dma_wait3A_338 : memref<160x128xf32, #tpu.memory_space<hbm>>)
      tpu.yield
    }) : () -> ()
    return
  }
}

module attributes {stable_mosaic.version = 14 : i64} {
  func.func @_tc_fin_body(%arg0: i32, %arg1: memref<1000x128xf32, #tpu.memory_space<vmem>>, %arg2: memref<2x1000x1xf32, #tpu.memory_space<vmem>>, %arg3: memref<1000x128xf32, #tpu.memory_space<vmem>>, %arg4: memref<1000x128xf32, #tpu.memory_space<vmem>>) attributes {dimension_semantics = [#tpu.dimension_semantics<arbitrary>], iteration_bounds = array<i64: 10>, scalar_prefetch = 0 : i64, scratch_operands = 0 : i64, tpu.core_type = #tpu.core_type<tc>, window_params = [{transform_indices = @transform_0, window_bounds = array<i64: 1000, 128>}, {transform_indices = @transform_1, window_bounds = array<i64: 2, 1000, 1>}, {transform_indices = @transform_2, window_bounds = array<i64: 1000, 128>}, {transform_indices = @transform_3, window_bounds = array<i64: 1000, 128>}]} {
    %get3A = arith.constant 0 : index
    %get3A_0 = arith.constant 0 : index
    %get3A_1 = arith.constant 0 : index
    %get3A_2 = vector.load %arg2[%get3A, %get3A_0, %get3A_1] : memref<2x1000x1xf32, #tpu.memory_space<vmem>>, vector<1x1000x1xf32>
    %get3A_3 = vector.shape_cast %get3A_2 : vector<1x1000x1xf32> to vector<1000x1xf32>
    %get3A_4 = arith.constant 1 : index
    %get3A_5 = arith.constant 0 : index
    %get3A_6 = arith.constant 0 : index
    %get3A_7 = vector.load %arg2[%get3A_4, %get3A_5, %get3A_6] : memref<2x1000x1xf32, #tpu.memory_space<vmem>>, vector<1x1000x1xf32>
    %get3A_8 = vector.shape_cast %get3A_7 : vector<1x1000x1xf32> to vector<1000x1xf32>
    %add3A = arith.addf %get3A_3, %get3A_8 : vector<1000x1xf32>
    %gt3A = arith.constant 0.000000e+00 : f32
    %gt3A_9 = vector.broadcast %gt3A : f32 to vector<1000x1xf32>
    %gt3A_10 = arith.cmpf ogt, %add3A, %gt3A_9 : vector<1000x1xf32>
    %rsqrt3A = math.rsqrt %add3A : vector<1000x1xf32>
    %jit3A = arith.constant 0.000000e+00 : f32
    %broadcast_in_dim3A = vector.broadcast %jit3A : f32 to vector<1000x1xf32>
    %select_n3A = arith.select %gt3A_10, %rsqrt3A, %broadcast_in_dim3A : vector<1000x1xi1>, vector<1000x1xf32>
    %get3A_11 = arith.constant 0 : index
    %get3A_12 = arith.constant 0 : index
    %get3A_13 = vector.load %arg1[%get3A_11, %get3A_12] : memref<1000x128xf32, #tpu.memory_space<vmem>>, vector<1000x128xf32>
    %mul3A = vector.broadcast %select_n3A : vector<1000x1xf32> to vector<1000x128xf32>
    %mul3A_14 = arith.mulf %get3A_13, %mul3A : vector<1000x128xf32>
    %get3A_15 = arith.constant 0 : index
    %get3A_16 = arith.constant 0 : index
    %get3A_17 = vector.load %arg3[%get3A_15, %get3A_16] : memref<1000x128xf32, #tpu.memory_space<vmem>>, vector<1000x128xf32>
    %add3A_18 = arith.addf %mul3A_14, %get3A_17 : vector<1000x128xf32>
    %max3A = arith.constant 0.000000e+00 : f32
    %max3A_19 = vector.broadcast %max3A : f32 to vector<1000x128xf32>
    %max3A_20 = arith.maximumf %add3A_18, %max3A_19 : vector<1000x128xf32>
    %swap3A = arith.constant 0 : index
    %swap3A_21 = arith.constant 0 : index
    %swap3A_22 = vector.load %arg4[%swap3A, %swap3A_21] : memref<1000x128xf32, #tpu.memory_space<vmem>>, vector<1000x128xf32>
    tpu.vector_store %arg4[%swap3A, %swap3A_21], %max3A_20 {strides = array<i32>} : memref<1000x128xf32, #tpu.memory_space<vmem>>, vector<1000x128xf32>,
    return
  }
  func.func @transform_0(%arg0: i32) -> (i32, i32) {
    %c0_i32 = arith.constant 0 : i32
    %c0_i32_0 = arith.constant 0 : i32
    return %arg0, %c0_i32 : i32, i32
  }
  func.func @transform_1(%arg0: i32) -> (i32, i32, i32) {
    %c0_i32 = arith.constant 0 : i32
    %c0_i32_0 = arith.constant 0 : i32
    %c0_i32_1 = arith.constant 0 : i32
    return %c0_i32, %arg0, %c0_i32_0 : i32, i32, i32
  }
  func.func @transform_2(%arg0: i32) -> (i32, i32) {
    %c0_i32 = arith.constant 0 : i32
    %c0_i32_0 = arith.constant 0 : i32
    return %arg0, %c0_i32 : i32, i32
  }
  func.func @transform_3(%arg0: i32) -> (i32, i32) {
    %c0_i32 = arith.constant 0 : i32
    %c0_i32_0 = arith.constant 0 : i32
    return %arg0, %c0_i32 : i32, i32
  }
}

module attributes {stable_mosaic.version = 14 : i64} {
  func.func @_tc_mm_body(%arg0: i32, %arg1: memref<1000x128xf32, #tpu.memory_space<vmem>>, %arg2: memref<2x1000x1xf32, #tpu.memory_space<vmem>>, %arg3: memref<128x128xf32, #tpu.memory_space<vmem>>, %arg4: memref<128x128xf32, #tpu.memory_space<vmem>>, %arg5: memref<1x128xf32, #tpu.memory_space<vmem>>, %arg6: memref<1000x128xf32, #tpu.memory_space<vmem>>, %arg7: memref<1000x128xf32, #tpu.memory_space<vmem>>) attributes {dimension_semantics = [#tpu.dimension_semantics<arbitrary>], iteration_bounds = array<i64: 10>, scalar_prefetch = 0 : i64, scratch_operands = 0 : i64, tpu.core_type = #tpu.core_type<tc>, window_params = [{transform_indices = @transform_0, window_bounds = array<i64: 1000, 128>}, {transform_indices = @transform_1, window_bounds = array<i64: 2, 1000, 1>}, {pipeline_mode = #tpu.pipeline_mode<synchronous>, transform_indices = @transform_2, window_bounds = array<i64: 128, 128>}, {pipeline_mode = #tpu.pipeline_mode<synchronous>, transform_indices = @transform_3, window_bounds = array<i64: 128, 128>}, {pipeline_mode = #tpu.pipeline_mode<synchronous>, transform_indices = @transform_4, window_bounds = array<i64: 1, 128>}, {transform_indices = @transform_5, window_bounds = array<i64: 1000, 128>}, {transform_indices = @transform_6, window_bounds = array<i64: 1000, 128>}]} {
    %get3A = arith.constant 0 : index
    %get3A_0 = arith.constant 0 : index
    %get3A_1 = arith.constant 0 : index
    %get3A_2 = vector.load %arg2[%get3A, %get3A_0, %get3A_1] : memref<2x1000x1xf32, #tpu.memory_space<vmem>>, vector<1x1000x1xf32>
    %get3A_3 = vector.shape_cast %get3A_2 : vector<1x1000x1xf32> to vector<1000x1xf32>
    %get3A_4 = arith.constant 1 : index
    %get3A_5 = arith.constant 0 : index
    %get3A_6 = arith.constant 0 : index
    %get3A_7 = vector.load %arg2[%get3A_4, %get3A_5, %get3A_6] : memref<2x1000x1xf32, #tpu.memory_space<vmem>>, vector<1x1000x1xf32>
    %get3A_8 = vector.shape_cast %get3A_7 : vector<1x1000x1xf32> to vector<1000x1xf32>
    %add3A = arith.addf %get3A_3, %get3A_8 : vector<1000x1xf32>
    %gt3A = arith.constant 0.000000e+00 : f32
    %gt3A_9 = vector.broadcast %gt3A : f32 to vector<1000x1xf32>
    %gt3A_10 = arith.cmpf ogt, %add3A, %gt3A_9 : vector<1000x1xf32>
    %rsqrt3A = math.rsqrt %add3A : vector<1000x1xf32>
    %jit3A = arith.constant 0.000000e+00 : f32
    %broadcast_in_dim3A = vector.broadcast %jit3A : f32 to vector<1000x1xf32>
    %select_n3A = arith.select %gt3A_10, %rsqrt3A, %broadcast_in_dim3A : vector<1000x1xi1>, vector<1000x1xf32>
    %get3A_11 = arith.constant 0 : index
    %get3A_12 = arith.constant 0 : index
    %get3A_13 = vector.load %arg1[%get3A_11, %get3A_12] : memref<1000x128xf32, #tpu.memory_space<vmem>>, vector<1000x128xf32>
    %get3A_14 = arith.constant 0 : index
    %get3A_15 = arith.constant 0 : index
    %get3A_16 = vector.load %arg3[%get3A_14, %get3A_15] : memref<128x128xf32, #tpu.memory_space<vmem>>, vector<128x128xf32>
    %dot_general3A = arith.constant dense<0.000000e+00> : vector<1000x128xf32>
    %dot_general3A_17 = tpu.matmul %get3A_13, %get3A_16, %dot_general3A {dimension_numbers = #tpu.dot_dimension_numbers<[1], [0], [0], [1], [0, 0, 1, 1], [], []>, transpose_lhs_hint = false} : vector<1000x128xf32>, vector<128x128xf32>, vector<1000x128xf32> -> vector<1000x128xf32>
    %mul3A = vector.broadcast %select_n3A : vector<1000x1xf32> to vector<1000x128xf32>
    %mul3A_18 = arith.mulf %dot_general3A_17, %mul3A : vector<1000x128xf32>
    %swap3A = arith.constant 0 : index
    %swap3A_19 = arith.constant 0 : index
    %swap3A_20 = vector.load %arg6[%swap3A, %swap3A_19] : memref<1000x128xf32, #tpu.memory_space<vmem>>, vector<1000x128xf32>
    tpu.vector_store %arg6[%swap3A, %swap3A_19], %mul3A_18 {strides = array<i32>} : memref<1000x128xf32, #tpu.memory_space<vmem>>, vector<1000x128xf32>,
    %get3A_21 = arith.constant 0 : index
    %get3A_22 = arith.constant 0 : index
    %get3A_23 = vector.load %arg4[%get3A_21, %get3A_22] : memref<128x128xf32, #tpu.memory_space<vmem>>, vector<128x128xf32>
    %dot_general3A_24 = arith.constant dense<0.000000e+00> : vector<1000x128xf32>
    %dot_general3A_25 = tpu.matmul %get3A_13, %get3A_23, %dot_general3A_24 {dimension_numbers = #tpu.dot_dimension_numbers<[1], [0], [0], [1], [0, 0, 1, 1], [], []>, transpose_lhs_hint = false} : vector<1000x128xf32>, vector<128x128xf32>, vector<1000x128xf32> -> vector<1000x128xf32>
    %get3A_26 = arith.constant 0 : index
    %get3A_27 = arith.constant 0 : index
    %get3A_28 = vector.load %arg5[%get3A_26, %get3A_27] : memref<1x128xf32, #tpu.memory_space<vmem>>, vector<1x128xf32>
    %add3A_29 = vector.broadcast %get3A_28 : vector<1x128xf32> to vector<1000x128xf32>
    %add3A_30 = arith.addf %dot_general3A_25, %add3A_29 : vector<1000x128xf32>
    %swap3A_31 = arith.constant 0 : index
    %swap3A_32 = arith.constant 0 : index
    %swap3A_33 = vector.load %arg7[%swap3A_31, %swap3A_32] : memref<1000x128xf32, #tpu.memory_space<vmem>>, vector<1000x128xf32>
    tpu.vector_store %arg7[%swap3A_31, %swap3A_32], %add3A_30 {strides = array<i32>} : memref<1000x128xf32, #tpu.memory_space<vmem>>, vector<1000x128xf32>,
    return
  }
  func.func @transform_0(%arg0: i32) -> (i32, i32) {
    %c0_i32 = arith.constant 0 : i32
    %c0_i32_0 = arith.constant 0 : i32
    return %arg0, %c0_i32 : i32, i32
  }
  func.func @transform_1(%arg0: i32) -> (i32, i32, i32) {
    %c0_i32 = arith.constant 0 : i32
    %c0_i32_0 = arith.constant 0 : i32
    %c0_i32_1 = arith.constant 0 : i32
    return %c0_i32, %arg0, %c0_i32_0 : i32, i32, i32
  }
  func.func @transform_2(%arg0: i32) -> (i32, i32) {
    %c0_i32 = arith.constant 0 : i32
    %c0_i32_0 = arith.constant 0 : i32
    %c0_i32_1 = arith.constant 0 : i32
    return %c0_i32, %c0_i32_0 : i32, i32
  }
  func.func @transform_3(%arg0: i32) -> (i32, i32) {
    %c0_i32 = arith.constant 0 : i32
    %c0_i32_0 = arith.constant 0 : i32
    %c0_i32_1 = arith.constant 0 : i32
    return %c0_i32, %c0_i32_0 : i32, i32
  }
  func.func @transform_4(%arg0: i32) -> (i32, i32) {
    %c0_i32 = arith.constant 0 : i32
    %c0_i32_0 = arith.constant 0 : i32
    %c0_i32_1 = arith.constant 0 : i32
    return %c0_i32, %c0_i32_0 : i32, i32
  }
  func.func @transform_5(%arg0: i32) -> (i32, i32) {
    %c0_i32 = arith.constant 0 : i32
    %c0_i32_0 = arith.constant 0 : i32
    return %arg0, %c0_i32 : i32, i32
  }
  func.func @transform_6(%arg0: i32) -> (i32, i32) {
    %c0_i32 = arith.constant 0 : i32
    %c0_i32_0 = arith.constant 0 : i32
    return %arg0, %c0_i32 : i32, i32
  }
}

</mosaic_0001>

<sc_bundles>
// kernel: kernel.6.cloned.1.call-start
scs
__scs_entry_jumppad:
0x0: {  	(pc) =	sbr.rel $0x88, $3  }
0x1: {  	(tag) =	ssettag $0x0;
	lr =	simm.s32 $0x1  }
0x2: {  	[smem:$0x3F9C] =	sst lr;
	_ =	strace $0xD0000000  }
0x3: {  	_ = 	snop  }
0x4: {  	_ = 	snop  }
0x5: {  	_ = 	snop  }
0x6: {  	_ = 	snop  }
0x7: {  	_ = 	snop  }
__scs_overlays_trampoline_lowered:
0x8: {  	[smem:$0x3FAB] =	sst s0  }
0x9: {  	[smem:$0x3FAC] =	sst s1  }
0xa: {  	[smem:$0x3FAD] =	sst s2  }
0xb: {  	[smem:$0x3FAE] =	sst s3  }
0xc: {  	[smem:$0x3FAF] =	sst s4  }
0xd: {  	[smem:$0x3FB0] =	sst s5  }
0xe: {  	[smem:$0x3FB1] =	sst s6  }
0xf: {  	[smem:$0x3FB2] =	sst s7  }
0x10: {  	[smem:$0x3FB3] =	sst s8  }
0x11: {  	[smem:$0x3FB4] =	sst s9;
	s0 =	simm.s32 @!p0 $0x0  }
0x12: {  	s1 =	sld [smem:$0x3F9A];
	s0 =	simm.s32 @p0 $0x1  }
0x13: {  	[smem:$0x3FB5] =	sst s0;
	s0 =	simm.s32 @!p1 $0x0  }
0x14: {  	s2 =	sld [smem:$0x3F99];
	s0 =	simm.s32 @p1 $0x1  }
0x15: {  	[smem:$0x3FB6] =	sst s0;
	s0 =	simm.s32 @!p2 $0x0  }
0x16: {  	s3 =	sld [smem:$0x3FDB];
	s0 =	simm.s32 @p2 $0x1  }
0x17: {  	s4 =	simm.s32 $0x1BF5;
	[smem:$0x3FB8] =	sst s0  }
0x18: {  	s0 =	sld [smem:$0x3F9B];
	_ =	swait.ge [sflag:s4], $0x0  }
0x19: {  	s7 =	sld [smem:$0x3F9C]  }
0x1a: {  	s8 =	sadd.s32 $0xFFFFE003, lr  }
0x1b: {  	s9 =	sadd.s32 $0xFFFFFEF7, lr;
	s5 =	simm.s32 $0xFFFFFFFF;
	p2 =	slt.u32 s8, $0xFFFFF086  }
0x1c: {  	p1 =	slt.u32 s9, $0xF7A;
	s5 =	simm.s32 @!p2 $0x0  }
0x1d: {  	s5 =	simm.s32 @p1 $0x1;
	p0 =	seq.s32 s7, s2  }
0x1e: {  	s7 =	smul.u32 @!p0 $0xF7A, s2;
	p2 =	seq.s32 @!p0 s5, $0x0  }
0x1f: {  	s9 =	smul.u32 $0xF7A, s1;
	s8 =	simm.s32 @!p0 $0x1BF5;
	p2 =	por !p2, p0  }
0x20: {  	[sflag:s8] =	ssyncset.s32 @!p0 $0xFFFFF086;
	s6 =	sadd.s32 @!p0 s3, s7;
	s7 =	simm.s32 @!p0 $0x108  }
0x21: {  	s3 =	sadd.s32 s3, s9;
	s6 =	sadd.s32 @!p0 $0x88, s6;
	s7 =	simm.s32 @p2 $0x1082  }
0x22: {  	[simem:s7], [sflag:s8] =	dma.local @!p0 [hbm:s6], $0xF7A  }
0x23: {  	s9 =	sor.u32 $0xD0000000, s2;
	s6 =	simm.s32 $0x108;
	_ =	swait.ge @!p0 [sflag:s8], $0x0  }
0x24: {  	s3 =	sadd.s32 $0x88, s3;
	s6 =	simm.s32 @!p1 $0x1082;
	[sflag:s4] =	ssyncset.s32 $0xFFFFF086  }
0x25: {  	[simem:s6], [sflag:s4] =	dma.local [hbm:s3], $0xF7A  }
0x26: {  	[smem:$0x3F9C] =	sst s1;
	(tag) =	ssettag s2;
	_ =	strace s9  }
0x27: {  	s1 =	sld [smem:$0x3FAC]  }
0x28: {  	s2 =	sld [smem:$0x3FAD]  }
0x29: {  	s4 =	sld [smem:$0x3FAF]  }
0x2a: {  	p0 =	seq.s32 s5, $0x0;
	s5 =	sld [smem:$0x3FB0]  }
0x2b: {  	s6 =	sld [smem:$0x3FB1]  }
0x2c: {  	s7 =	sld [smem:$0x3FB2]  }
0x2d: {  	s3 =	simm.s32 $0x108;
	s8 =	sld [smem:$0x3FB3]  }
0x2e: {  	s3 =	simm.s32 @!p0 $0x1082;
	s9 =	sld [smem:$0x3FB4]  }
0x2f: {  	lr =	sadd.s32 s0, s3;
	s0 =	sld [smem:$0x3FAB]  }
0x30: {  	s3 =	sld [smem:$0x3FAE]  }
0x31: {  	[smem:$0x3FB7] =	sst s10  }
0x32: {  	s10 =	sld [smem:$0x3FB5];
	_ =	sdelay $0x3  }
0x33: {  	p0 =	seq.s32 s10, $0x1;
	s10 =	sld [smem:$0x3FB7];
	_ =	sdelay $0x3  }
0x34: {  	[smem:$0x3FB7] =	sst s10  }
0x35: {  	s10 =	sld [smem:$0x3FB6];
	_ =	sdelay $0x3  }
0x36: {  	p1 =	seq.s32 s10, $0x1;
	s10 =	sld [smem:$0x3FB7];
	_ =	sdelay $0x3  }
0x37: {  	[smem:$0x3FB7] =	sst s10  }
0x38: {  	s10 =	sld [smem:$0x3FB8]  }
0x39: {  	_ = 	snop;
	(pc) =	sbr.ind lr, $3  }
0x3a: {  	_ = 	snop  }
0x3b: {  	_ = 	snop  }
0x3c: {  	p2 =	seq.s32 s10, $0x1;
	s10 =	sld [smem:$0x3FB7]  }
0x3d: {  	_ =	shalt  }
0x3e: {  	_ =	shalt  }
0x3f: {  	_ =	shalt  }
0x40: {  	_ =	shalt  }
0x41: {  	_ =	shalt  }
0x42: {  	_ =	shalt  }
0x43: {  	_ =	shalt  }
0x44: {  	_ =	shalt  }
0x45: {  	_ =	shalt  }
0x46: {  	_ =	shalt  }
0x47: {  	_ =	shalt  }
0x48: {  	_ =	shalt  }
0x49: {  	_ =	shalt  }
0x4a: {  	_ =	shalt  }
0x4b: {  	_ =	shalt  }
0x4c: {  	_ =	shalt  }
0x4d: {  	_ =	shalt  }
0x4e: {  	_ =	shalt  }
0x4f: {  	_ =	shalt  }
0x50: {  	_ =	shalt  }
0x51: {  	_ =	shalt  }
0x52: {  	_ =	shalt  }
0x53: {  	_ =	shalt  }
0x54: {  	_ =	shalt  }
0x55: {  	_ =	shalt  }
0x56: {  	_ =	shalt  }
0x57: {  	_ =	shalt  }
0x58: {  	_ =	shalt  }
0x59: {  	_ =	shalt  }
0x5a: {  	_ =	shalt  }
0x5b: {  	_ =	shalt  }
0x5c: {  	_ =	shalt  }
0x5d: {  	_ =	shalt  }
0x5e: {  	_ =	shalt  }
0x5f: {  	_ =	shalt  }
0x60: {  	_ =	shalt  }
0x61: {  	_ =	shalt  }
0x62: {  	_ =	shalt  }
0x63: {  	_ =	shalt  }
0x64: {  	_ =	shalt  }
0x65: {  	_ =	shalt  }
0x66: {  	_ =	shalt  }
0x67: {  	_ =	shalt  }
0x68: {  	_ =	shalt  }
0x69: {  	_ =	shalt  }
0x6a: {  	_ =	shalt  }
0x6b: {  	_ =	shalt  }
0x6c: {  	_ =	shalt  }
0x6d: {  	_ =	shalt  }
0x6e: {  	_ =	shalt  }
0x6f: {  	_ =	shalt  }
0x70: {  	_ =	shalt  }
0x71: {  	_ =	shalt  }
0x72: {  	_ =	shalt  }
0x73: {  	_ =	shalt  }
0x74: {  	_ =	shalt  }
0x75: {  	_ =	shalt  }
0x76: {  	_ =	shalt  }
0x77: {  	_ =	shalt  }
0x78: {  	_ =	shalt  }
0x79: {  	_ =	shalt  }
0x7a: {  	_ =	shalt  }
0x7b: {  	_ =	shalt  }
0x7c: {  	_ =	shalt  }
0x7d: {  	_ =	shalt  }
0x7e: {  	_ =	shalt  }
0x7f: {  	_ =	shalt  }
0x80: {  	_ =	shalt  }
0x81: {  	_ =	shalt  }
0x82: {  	_ =	shalt  }
0x83: {  	_ =	shalt  }
0x84: {  	_ =	shalt  }
0x85: {  	_ =	shalt  }
0x86: {  	_ =	shalt  }
0x87: {  	_ =	shalt  }
.Lfunc_end0:
.L_simem_size_0:
called_computation_lowered:
.L_overlay_start_0:
0x88: {  	s2 =	sld [smem:$0x3FD9]  }
0x89: {  	s3 =	sld [smem:$0x3FFE];
	_ =	sdelay $0x1  }
0x8a: {  	s1 =	srdreg.scid  }
0x8b: {  	s0 =	sand.u32 $0x1, s1  }
0x8c: {  	s17 =	sshll.u32 s0, $0xA;
	s2 =	sadd.s32 s3, s2  }
0x8d: {  	s2 =	sadd.s32 s2, s17  }
0x8e: {  	[smem:$0x3FC3] =	sst s2  }
0x8f: {  	_ = 	snop  }
0x90: {  	s2 =	sld [smem:$0x3FD0];
	(tm) =	ssettm $0x1  }
0x91: {  	s18 =	sld [smem:$0x3FFB];
	_ =	sdelay $0x3  }
0x92: {  	_ =	strace s18  }
0x93: {  	s3 =	sld [smem:$0x3FFC];
	_ =	sdelay $0x3  }
0x94: {  	_ =	strace s3  }
0x95: {  	s3 =	sld [smem:$0x3FFD];
	_ =	sdelay $0x3  }
0x96: {  	_ =	strace s3  }
0x97: {  	_ =	strace $0x8FFFFFFF  }
0x98: {  	s19 =	sld [smem:$0x3FDB];
	_ =	sdelay $0x1  }
0x99: {  	s4 =	simm.s32 $_scs_section_size  }
0x9a: {  	s5 =	simm.s32 $_size__tile_overlayer_lowered;
	s6 =	simm.s32 $_tile_overlayer_lowered  }
0x9b: {  	s22 =	simm.s32 $0x1BFF;
	s21 =	sshll.u32 s6, $0x1;
	s3 =	sadd.s32 s4, s19  }
0x9c: {  	s7 =	simm.s32 $0x0;
	s20 =	sshll.u32 s5, $0x1;
	s5 =	sadd.s32 s21, s3  }
0x9d: {  	[timem:s7], [sflag:s22] =	dma.local [hbm:s5], s20  }
0x9e: {  	_ =	swait.ge [sflag:s22], s20  }
0x9f: {  	s4 =	ssub.s32 $0x0, s20;
	[sflag:s22] =	ssyncset.done $0x0  }
0xa0: {  	[sflag:s22] =	ssyncadd.s32 s4;
	_ =	sdelay $0x1  }
0xa1: {  	s23 =	simm.s32 $0x1B8B  }
0xa2: {  	_ =	swait.ge [sflag:s23], $0x1  }
0xa3: {  	[sflag:s23] =	ssyncset.done $0x0  }
0xa4: {  	s25 =	simm.s32 $0x1B8E;
	s24 =	sld [smem:$0x3FFE];
	[sflag:s23] =	ssyncadd.s32 $0xFFFFFFFF  }
0xa5: {  	s26 =	simm.s32 $execute0_lowered;
	[smem:$0x3FD2] =	sst s25  }
0xa6: {  	s5 =	sshll.u32 s26, $0x1;
	_ =	strace $0x80000046;
	[dreg:$0x1] =	wrdreg $0xFFFFFFFF  }
0xa7: {  	s28 =	simm.s32 $_size_execute0_lowered;
	s3 =	sadd.s32 s3, s5;
	[dreg:$0x0] =	wrdreg $0x0  }
0xa8: {  	s5 =	sshll.u32 s28, $0x1;
	[dreg:$0x2] =	wrdreg s3  }
0xa9: {  	[dreg:$0x3] =	wrdreg s5  }
0xaa: {  	[dreg:$0x4] =	wrdreg $0xC0  }
0xab: {  	_ =	task [dreg:s7], $0x5FFFF  }
0xac: {  	[dreg:$0x1] =	wrdreg $0xFFFFFFFF  }
0xad: {  	[dreg:$0x0] =	wrdreg $0x60  }
0xae: {  	[dreg:$0x2] =	wrdreg s24  }
0xaf: {  	[dreg:$0x3] =	wrdreg s2  }
0xb0: {  	[dreg:$0x4] =	wrdreg $0x9  }
0xb1: {  	_ =	task.clear_ibuf [dreg:s7], $0x5FFFF;
	_ =	strace $0x90000046  }
0xb2: {  	s29 =	simm.s32 $0x9;
	_ =	strace $0x80000048  }
0xb3: {  	_ =	swait.ge [sflag:s29], $0x1  }
0xb4: {  	[sflag:s29] =	ssyncadd.s32 $0xFFFFFFFF  }
0xb5: {  	_ =	strace $0x90000048  }
0xb6: {  	_ =	sfence  }
0xb7: {  	s30 =	sld [smem:$0x0];
	_ =	sdelay $0x2  }
0xb8: {  	s31 =	sshll.u32 s1, $0xD;
	s1 =	sshrl.u32 s1, $0x2  }
0xb9: {  	s3 =	sand.u32 $0x4000, s31;
	s1 =	sadd.s32 s1, s30  }
0xba: {  	s0 =	sor.u32 s3, s0;
	s1 =	sshll.u32 s1, $0x11  }
0xbb: {  	s0 =	sor.u32 s1, s0  }
0xbc: {  	s0 =	sadd.s32 $0x8F2B, s0  }
0xbd: {  	[sflag:s0] =	ssyncadd.remote.s32 $0x1  }
0xbe: {  	_ =	sfence.sel $0xFFFF  }
0xbf: {  	[dreg:$0x0] =	wrdreg $0xFFFFFFFF;
	(pc) =	sbr.abs _section_cstart, $3  }
0xc0: {  	[dreg:$0x1] =	wrdreg $0xFFFFFFFF  }
0xc1: {  	_ =	task.clear_ibuf [dreg:s7], $0x2FFFF;
	_ =	strace $0x9FFFFFFF  }
0xc2: {  	(tm) =	ssettm $0x7FFFFFFF  }
0xc3: {  	_ =	shalt  }
tec
execute0_lowered:
.L_overlay_start_1:
0x0: {  	(tag) =	ssettag $0x1  }
0x1: {  	s3 =	rddreg [dreg:$0x0]  }
0x2: {  	s5 =	rddreg [dreg:$0x1]  }
0x3: {  	s1 =	srdreg.scid;
	s0 =	rddreg [dreg:$0x2];
	s2 =	simm.s32 $0x0  }
0x4: {  	s12 =	simm.s32 $0x1400;
	s13 =	simm.s32 $0x14000;
	s14 =	simm.s32 $0x5200  }
0x5: {  	s15 =	simm.s32 $0x100;
	s16 =	simm.s32 $0x4F80;
	s17 =	simm.s32 $0x0  }
0x6: {  	s4 =	sand.u32 $0x1, s1;
	s1 =	stileid.u32;
	[smem:$0x7FF] =	sst s2  }
0x7: {  	s6 =	sshll.u32 s4, $0x4;
	s7 =	smul.u32 $0x500, s1;
	_ =	strace $0x80000047  }
0x8: {  	s8 =	sshll.u32 s4, $0x7;
	s28 =	smul.u32 $0x28000, s4;
	s9 =	sshrl.u32 s1, $0x3  }
0x9: {  	s29 =	sshll.u32 s1, $0x7;
	s10 =	smul.u32 $0x1400, s1;
	s4 =	ssub.s32 $0x2, s4  }
0xa: {  	s6 =	sor.u32 s1, s6;
	s9 =	smul.u32 $0x14000, s9;
	s11 =	sshrl.u32 s4, $0x1  }
0xb: {  	s6 =	smul.u32 $0x4E2, s6;
	s7 =	sor.u32 s8, s7;
	s8 =	sadd.s32 s10, s28  }
0xc: {  	s30 =	ssub.s32 s4, s11;
	s7 =	sshrl.u32 s7, $0x3;
	s9 =	sadd.s32 s28, s9  }
0xd: {  	s6 =	sadd.s32 s6, s3;
	s7 =	sadd.s32 s7, s3;
	s3 =	sand.u32 $0x380, s29  }
0xe: {  	s10 =	simm.s32 $0x80;
	s11 =	simm.s32 $0x400;
	s3 =	sor.u32 s3, s9  }
0xf: {  	s8 =	sshrl.u32 s8, $0x3;
	s9 =	simm.s32 $0x1;
	s31 =	sshrl.u32 s3, $0x3  }
0x10: {  	s3 =	sadd.s32 $0xC200, s6;
	s6 =	sadd.s32 $0x16000, s7;
	s7 =	smax.u32 s30, $0x1  }
0x11: {  	v0 =	vimm.f32 $0.0e+00;
	v1 =	vimm.f32 $1.000000000e+00;
	s4 =	sadd.s32 s5, s31;
	s5 =	sadd.s32 s5, s8;
	s8 =	simm.s32 $0x2800  }
.LBB2_1:
0x12: {  	s18 =	simm.s32 $0x40;
	s19 =	simm.s32 $0x0  }
.LBB2_2:
0x13: {  	p0 =	sne.s32 s18, $0x9FC0;
	[tilespmem:s19+$0x0] =	vst v0;
	s19 =	smov.u32 s18;
	s18 =	sadd.s32 $0x40, s18  }
.Ltmp0:
0x14: {  	(pc) =	sbr.rel @p0 .LBB2_2-.Ltmp0, $2  }
0x15: {  	_ =	sdelay $0x2  }
0x16: {  	s19 =	sshra.s32 s19, $0x2  }
0x17: {  	[tilespmem:s19+$0x0] =	vst v0;
	s18 =	simm.s32 $0x0  }
0x18: {  	[tilespmem:s8], [sflag:$0x1] =	stream.linear.gather [hbm4b:s3+s18], $0x2710, $0x38;
	[tilespmem:$0x7A00] =	vst v63  }
0x19: {  	_ =	swait.ge [sflag:s9], $0x2710  }
0x1a: {  	[sflag:s9] =	ssyncset.done $0x0  }
0x1b: {  	s19 =	simm.s32 $0x0;
	s18 =	simm.s32 $0x40;
	[sflag:s9] =	ssyncadd.s32 $0xFFFFD8F0  }
.LBB2_4:
0x1c: {  	p0 =	sne.s32 s18, $0x9C00;
	v2 =	vld [tilespmem:s19+$0x2800];
	_ =	sdelay $0x3  }
.Ltmp1:
0x1d: {  	(pc) =	sbr.rel @p0 .LBB2_4-.Ltmp1, $2  }
0x1e: {  	_ =	sdelay $0x2  }
0x1f: {  	s19 =	sshra.s32 s18, $0x2;
	s18 =	sadd.s32 $0x40, s18;
	[tilespmem:v2+s2+$0x0] =	vst.idx.add.f32.msk $0xffff, v1  }
0x20: {  	v2 =	vld [tilespmem:s19+$0x2800];
	_ =	sdelay $0x7  }
0x21: {  	s18 =	simm.s32 $0x0;
	[tilespmem:v2+s2+$0x0] =	vst.idx.add.f32.msk $0xffff, v1  }
0x22: {  	[hbm4b:s4+s10] =	stream.strided.scatter [tilespmem:s18], [sflag:$0x1], $0x2800, s11, s10, $0x38;
	[tilespmem:$0x7A00] =	vst v63  }
0x23: {  	_ =	swait.ge [sflag:s9], $0x2800  }
0x24: {  	[sflag:s9] =	ssyncset.done $0x0  }
0x25: {  	[sflag:s9] =	ssyncadd.s32 $0xFFFFD800  }
0x26: {  	[bflag:$0x0] =	sbarrier.arrive $0xFFFF  }
0x27: {  	[tilespmem:s14], [sflag:$0x1] =	stream.strided.gather [hbm4b:s5+s12], $0x2800, s13, s12, $0x38;
	[tilespmem:$0x7A00] =	vst v63  }
0x28: {  	_ =	swait.ge [sflag:s9], $0x2800  }
0x29: {  	s30 =	sand.u32 $0x70, s18;
	s18 =	sand.u32 $0x1C00, s18;
	[sflag:s9] =	ssyncset.done $0x0  }
0x2a: {  	s18 =	sor.u32 s30, s18;
	[sflag:s9] =	ssyncadd.s32 $0xFFFFD800  }
0x2b: {  	v2 =	vld [tilespmem:s18+$0x5280]  }
0x2c: {  	v3 =	vld [tilespmem:s18+$0x5200];
	_ =	sdelay $0x1  }
0x2d: {  	v4 =	vld [tilespmem:s18+$0x5300];
	_ =	sdelay $0x1  }
0x2e: {  	v5 =	vld [tilespmem:s18+$0x5380]  }
0x2f: {  	v2 =	vadd.f32 v2, v3  }
0x30: {  	v3 =	vld [tilespmem:s18+$0x5400]  }
0x31: {  	v2 =	vadd.f32 v4, v2  }
0x32: {  	v56 =	vld [tilespmem:s18+$0x5480]  }
0x33: {  	v2 =	vadd.f32 v5, v2  }
0x34: {  	v57 =	vld [tilespmem:s18+$0x5500]  }
0x35: {  	v2 =	vadd.f32 v3, v2  }
0x36: {  	v3 =	vld [tilespmem:s18+$0x5580]  }
0x37: {  	v2 =	vadd.f32 v56, v2  }
0x38: {  	v58 =	vld [tilespmem:s18+$0x6600]  }
0x39: {  	v2 =	vadd.f32 v57, v2  }
0x3a: {  	v59 =	vld [tilespmem:s18+$0x6680]  }
0x3b: {  	v2 =	vadd.f32 v3, v2  }
0x3c: {  	v3 =	vld [tilespmem:s18+$0x6700]  }
0x3d: {  	v2 =	vadd.f32 v58, v2  }
0x3e: {  	v60 =	vld [tilespmem:s18+$0x6780]  }
0x3f: {  	v2 =	vadd.f32 v59, v2  }
0x40: {  	v61 =	vld [tilespmem:s18+$0x6800]  }
0x41: {  	v2 =	vadd.f32 v3, v2  }
0x42: {  	v3 =	vld [tilespmem:s18+$0x6880]  }
0x43: {  	v2 =	vadd.f32 v60, v2  }
0x44: {  	v62 =	vld [tilespmem:s18+$0x6900]  }
0x45: {  	v2 =	vadd.f32 v61, v2  }
0x46: {  	v63 =	vld [tilespmem:s18+$0x6980]  }
0x47: {  	v2 =	vadd.f32 v3, v2;
	_ =	sdelay $0x1  }
0x48: {  	v2 =	vadd.f32 v62, v2;
	_ =	sdelay $0x1  }
0x49: {  	s31 =	simm.s32 $0x10;
	s20 =	simm.s32 $0x80;
	v2 =	vadd.f32 v63, v2  }
0x4a: {  	s19 =	sand.u32 $0x70, s31;
	s21 =	sand.u32 $0x1C00, s20;
	s18 =	simm.s32 $0x4F80  }
0x4b: {  	s19 =	sor.u32 s19, s21;
	s21 =	simm.s32 $0x20;
	[tilespmem:s18+$0x0] =	vst v2  }
.LBB2_6:
0x4c: {  	p0 =	sne.s32 s21, $0x270;
	v2 =	vld [tilespmem:s19+$0x5280]  }
0x4d: {  	v3 =	vld [tilespmem:s19+$0x5200];
	_ =	sdelay $0x1  }
0x4e: {  	v4 =	vld [tilespmem:s19+$0x5300];
	_ =	sdelay $0x1  }
0x4f: {  	v5 =	vld [tilespmem:s19+$0x5380]  }
0x50: {  	v2 =	vadd.f32 v2, v3  }
0x51: {  	v3 =	vld [tilespmem:s19+$0x5400]  }
0x52: {  	v2 =	vadd.f32 v4, v2  }
0x53: {  	v4 =	vld [tilespmem:s19+$0x5480]  }
0x54: {  	v2 =	vadd.f32 v5, v2  }
0x55: {  	v5 =	vld [tilespmem:s19+$0x5500]  }
0x56: {  	v2 =	vadd.f32 v3, v2  }
0x57: {  	v3 =	vld [tilespmem:s19+$0x5580]  }
0x58: {  	v2 =	vadd.f32 v4, v2  }
0x59: {  	v4 =	vld [tilespmem:s19+$0x6600]  }
0x5a: {  	v2 =	vadd.f32 v5, v2  }
0x5b: {  	v5 =	vld [tilespmem:s19+$0x6680]  }
0x5c: {  	v2 =	vadd.f32 v3, v2  }
0x5d: {  	v3 =	vld [tilespmem:s19+$0x6700]  }
0x5e: {  	v2 =	vadd.f32 v4, v2  }
0x5f: {  	v4 =	vld [tilespmem:s19+$0x6780]  }
0x60: {  	v2 =	vadd.f32 v5, v2  }
0x61: {  	v5 =	vld [tilespmem:s19+$0x6800]  }
0x62: {  	v2 =	vadd.f32 v3, v2  }
0x63: {  	v3 =	vld [tilespmem:s19+$0x6880]  }
0x64: {  	v2 =	vadd.f32 v4, v2  }
0x65: {  	v4 =	vld [tilespmem:s19+$0x6900]  }
0x66: {  	v2 =	vadd.f32 v5, v2  }
0x67: {  	v5 =	vld [tilespmem:s19+$0x6980]  }
0x68: {  	v2 =	vadd.f32 v3, v2;
	_ =	sdelay $0x1  }
.Ltmp2:
0x69: {  	v2 =	vadd.f32 v4, v2;
	(pc) =	sbr.rel @p0 .LBB2_6-.Ltmp2, $4  }
0x6a: {  	_ = 	snop  }
0x6b: {  	s20 =	sadd.s32 $0x80, s20;
	v2 =	vadd.f32 v5, v2  }
0x6c: {  	s18 =	sadd.s32 $0x10, s18;
	s22 =	sand.u32 $0x1C00, s20;
	s19 =	sand.u32 $0x70, s21  }
0x6d: {  	s21 =	sadd.s32 $0x10, s21;
	s19 =	sor.u32 s19, s22;
	[tilespmem:s18+$0x0] =	vst v2  }
0x6e: {  	v2 =	vld [tilespmem:s19+$0x5280]  }
0x6f: {  	v3 =	vld [tilespmem:s19+$0x5200];
	_ =	sdelay $0x1  }
0x70: {  	v4 =	vld [tilespmem:s19+$0x5300];
	_ =	sdelay $0x1  }
0x71: {  	v5 =	vld [tilespmem:s19+$0x5380]  }
0x72: {  	v2 =	vadd.f32 v2, v3  }
0x73: {  	v3 =	vld [tilespmem:s19+$0x5400]  }
0x74: {  	v2 =	vadd.f32 v4, v2  }
0x75: {  	v56 =	vld [tilespmem:s19+$0x5480]  }
0x76: {  	v2 =	vadd.f32 v5, v2  }
0x77: {  	v57 =	vld [tilespmem:s19+$0x5500]  }
0x78: {  	v2 =	vadd.f32 v3, v2  }
0x79: {  	v3 =	vld [tilespmem:s19+$0x5580]  }
0x7a: {  	v2 =	vadd.f32 v56, v2  }
0x7b: {  	v58 =	vld [tilespmem:s19+$0x6600]  }
0x7c: {  	v2 =	vadd.f32 v57, v2  }
0x7d: {  	v59 =	vld [tilespmem:s19+$0x6680]  }
0x7e: {  	v2 =	vadd.f32 v3, v2  }
0x7f: {  	v3 =	vld [tilespmem:s19+$0x6700]  }
0x80: {  	v2 =	vadd.f32 v58, v2  }
0x81: {  	v60 =	vld [tilespmem:s19+$0x6780]  }
0x82: {  	v2 =	vadd.f32 v59, v2  }
0x83: {  	v61 =	vld [tilespmem:s19+$0x6800]  }
0x84: {  	v2 =	vadd.f32 v3, v2  }
0x85: {  	v3 =	vld [tilespmem:s19+$0x6880]  }
0x86: {  	v2 =	vadd.f32 v60, v2  }
0x87: {  	v62 =	vld [tilespmem:s19+$0x6900]  }
0x88: {  	v2 =	vadd.f32 v61, v2  }
0x89: {  	v63 =	vld [tilespmem:s19+$0x6980]  }
0x8a: {  	v2 =	vadd.f32 v3, v2;
	_ =	sdelay $0x1  }
0x8b: {  	v2 =	vadd.f32 v62, v2;
	_ =	sdelay $0x1  }
0x8c: {  	s17 =	sadd.s32 $0x1, s17;
	v2 =	vadd.f32 v63, v2  }
0x8d: {  	s18 =	sadd.s32 $0x10, s18;
	p0 =	sne.s32 s17, s7  }
.Ltmp3:
0x8e: {  	[tilespmem:s18+$0x0] =	vst v2;
	(pc) =	sbr.rel @p0 .LBB2_1-.Ltmp3, $4  }
0x8f: {  	[hbm4b:s6+s10] =	stream.strided.scatter [tilespmem:s16], [sflag:$0x1], $0x280, s15, s10, $0x38;
	[tilespmem:$0x7A00] =	vst v63  }
0x90: {  	_ =	swait.ge [sflag:s9], $0x280  }
0x91: {  	[sflag:s9] =	ssyncset.done $0x0  }
0x92: {  	[sflag:s9] =	ssyncadd.s32 $0xFFFFFD80  }
0x93: {  	_ =	sfence.sel $0x180000  }
0x94: {  	[bflag:$0x0] =	sbarrier.arrive $0xFFFF  }
0x95: {  	p0 =	sne.s32 s1, $0x0;
	_ =	strace $0x90000047  }
0x96: {  	s0 =	sadd.s32 @!p0 $0x100000, s0;
	[bflag:$0x2] =	sbarrier.arrive $0xFFFF  }
0x97: {  	[sflag:s0] =	ssyncadd.tile.s32 @!p0 $0x1;
	_ =	shalt  }
.Lfunc_end2:
_tile_overlayer_lowered:
.L_overlay_start_2:
0x98: {  	(tag) =	ssettag $0x2  }
0x99: {  	s0 =	rddreg [dreg:$0x0];
	s2 =	stileid.u32  }
0x9a: {  	s1 =	rddreg [dreg:$0x1];
	p0 =	sne.s32 s2, $0x0  }
0x9b: {  	s3 =	rddreg [dreg:$0x2];
	[bflag:$0x3] =	sbarrier.arrive $0xFFFF;
	s2 =	simm.s32 @!p0 $0x1C01  }
0x9c: {  	[timem:s3], [sflag:s2] =	dma.local @!p0 [hbm:s0], s1  }
0x9d: {  	s0 =	simm.s32 @!p0 $0x1  }
0x9e: {  	_ =	swait.ge @!p0 [sflag:s0], s1  }
0x9f: {  	s1 =	ssub.s32 @!p0 $0x0, s1;
	[sflag:s0] =	ssyncset.done @!p0 $0x0  }
0xa0: {  	[sflag:s0] =	ssyncadd.s32 @!p0 s1  }
0xa1: {  	[bflag:$0x3] =	sbarrier.arrive $0xFFFF  }
0xa2: {  	_ =	shalt  }

// kernel: kernel.9.cloned.1.call-start
scs
__scs_entry_jumppad:
0x0: {  	(pc) =	sbr.rel $0x88, $3  }
0x1: {  	(tag) =	ssettag $0x0;
	lr =	simm.s32 $0x1  }
0x2: {  	[smem:$0x3F9C] =	sst lr;
	_ =	strace $0xD0000000  }
0x3: {  	_ = 	snop  }
0x4: {  	_ = 	snop  }
0x5: {  	_ = 	snop  }
0x6: {  	_ = 	snop  }
0x7: {  	_ = 	snop  }
__scs_overlays_trampoline_lowered:
0x8: {  	[smem:$0x3FAB] =	sst s0  }
0x9: {  	[smem:$0x3FAC] =	sst s1  }
0xa: {  	[smem:$0x3FAD] =	sst s2  }
0xb: {  	[smem:$0x3FAE] =	sst s3  }
0xc: {  	[smem:$0x3FAF] =	sst s4  }
0xd: {  	[smem:$0x3FB0] =	sst s5  }
0xe: {  	[smem:$0x3FB1] =	sst s6  }
0xf: {  	[smem:$0x3FB2] =	sst s7  }
0x10: {  	[smem:$0x3FB3] =	sst s8  }
0x11: {  	[smem:$0x3FB4] =	sst s9;
	s0 =	simm.s32 @!p0 $0x0  }
0x12: {  	s1 =	sld [smem:$0x3F9A];
	s0 =	simm.s32 @p0 $0x1  }
0x13: {  	[smem:$0x3FB5] =	sst s0;
	s0 =	simm.s32 @!p1 $0x0  }
0x14: {  	s2 =	sld [smem:$0x3F99];
	s0 =	simm.s32 @p1 $0x1  }
0x15: {  	[smem:$0x3FB6] =	sst s0;
	s0 =	simm.s32 @!p2 $0x0  }
0x16: {  	s3 =	sld [smem:$0x3FDB];
	s0 =	simm.s32 @p2 $0x1  }
0x17: {  	s4 =	simm.s32 $0x1BF5;
	[smem:$0x3FB8] =	sst s0  }
0x18: {  	s0 =	sld [smem:$0x3F9B];
	_ =	swait.ge [sflag:s4], $0x0  }
0x19: {  	s7 =	sld [smem:$0x3F9C]  }
0x1a: {  	s8 =	sadd.s32 $0xFFFFE003, lr  }
0x1b: {  	s9 =	sadd.s32 $0xFFFFFEF7, lr;
	s5 =	simm.s32 $0xFFFFFFFF;
	p2 =	slt.u32 s8, $0xFFFFF086  }
0x1c: {  	p1 =	slt.u32 s9, $0xF7A;
	s5 =	simm.s32 @!p2 $0x0  }
0x1d: {  	s5 =	simm.s32 @p1 $0x1;
	p0 =	seq.s32 s7, s2  }
0x1e: {  	s7 =	smul.u32 @!p0 $0xF7A, s2;
	p2 =	seq.s32 @!p0 s5, $0x0  }
0x1f: {  	s9 =	smul.u32 $0xF7A, s1;
	s8 =	simm.s32 @!p0 $0x1BF5;
	p2 =	por !p2, p0  }
0x20: {  	[sflag:s8] =	ssyncset.s32 @!p0 $0xFFFFF086;
	s6 =	sadd.s32 @!p0 s3, s7;
	s7 =	simm.s32 @!p0 $0x108  }
0x21: {  	s3 =	sadd.s32 s3, s9;
	s6 =	sadd.s32 @!p0 $0x88, s6;
	s7 =	simm.s32 @p2 $0x1082  }
0x22: {  	[simem:s7], [sflag:s8] =	dma.local @!p0 [hbm:s6], $0xF7A  }
0x23: {  	s9 =	sor.u32 $0xD0000000, s2;
	s6 =	simm.s32 $0x108;
	_ =	swait.ge @!p0 [sflag:s8], $0x0  }
0x24: {  	s3 =	sadd.s32 $0x88, s3;
	s6 =	simm.s32 @!p1 $0x1082;
	[sflag:s4] =	ssyncset.s32 $0xFFFFF086  }
0x25: {  	[simem:s6], [sflag:s4] =	dma.local [hbm:s3], $0xF7A  }
0x26: {  	[smem:$0x3F9C] =	sst s1;
	(tag) =	ssettag s2;
	_ =	strace s9  }
0x27: {  	s1 =	sld [smem:$0x3FAC]  }
0x28: {  	s2 =	sld [smem:$0x3FAD]  }
0x29: {  	s4 =	sld [smem:$0x3FAF]  }
0x2a: {  	p0 =	seq.s32 s5, $0x0;
	s5 =	sld [smem:$0x3FB0]  }
0x2b: {  	s6 =	sld [smem:$0x3FB1]  }
0x2c: {  	s7 =	sld [smem:$0x3FB2]  }
0x2d: {  	s3 =	simm.s32 $0x108;
	s8 =	sld [smem:$0x3FB3]  }
0x2e: {  	s3 =	simm.s32 @!p0 $0x1082;
	s9 =	sld [smem:$0x3FB4]  }
0x2f: {  	lr =	sadd.s32 s0, s3;
	s0 =	sld [smem:$0x3FAB]  }
0x30: {  	s3 =	sld [smem:$0x3FAE]  }
0x31: {  	[smem:$0x3FB7] =	sst s10  }
0x32: {  	s10 =	sld [smem:$0x3FB5];
	_ =	sdelay $0x3  }
0x33: {  	p0 =	seq.s32 s10, $0x1;
	s10 =	sld [smem:$0x3FB7];
	_ =	sdelay $0x3  }
0x34: {  	[smem:$0x3FB7] =	sst s10  }
0x35: {  	s10 =	sld [smem:$0x3FB6];
	_ =	sdelay $0x3  }
0x36: {  	p1 =	seq.s32 s10, $0x1;
	s10 =	sld [smem:$0x3FB7];
	_ =	sdelay $0x3  }
0x37: {  	[smem:$0x3FB7] =	sst s10  }
0x38: {  	s10 =	sld [smem:$0x3FB8]  }
0x39: {  	_ = 	snop;
	(pc) =	sbr.ind lr, $3  }
0x3a: {  	_ = 	snop  }
0x3b: {  	_ = 	snop  }
0x3c: {  	p2 =	seq.s32 s10, $0x1;
	s10 =	sld [smem:$0x3FB7]  }
0x3d: {  	_ =	shalt  }
0x3e: {  	_ =	shalt  }
0x3f: {  	_ =	shalt  }
0x40: {  	_ =	shalt  }
0x41: {  	_ =	shalt  }
0x42: {  	_ =	shalt  }
0x43: {  	_ =	shalt  }
0x44: {  	_ =	shalt  }
0x45: {  	_ =	shalt  }
0x46: {  	_ =	shalt  }
0x47: {  	_ =	shalt  }
0x48: {  	_ =	shalt  }
0x49: {  	_ =	shalt  }
0x4a: {  	_ =	shalt  }
0x4b: {  	_ =	shalt  }
0x4c: {  	_ =	shalt  }
0x4d: {  	_ =	shalt  }
0x4e: {  	_ =	shalt  }
0x4f: {  	_ =	shalt  }
0x50: {  	_ =	shalt  }
0x51: {  	_ =	shalt  }
0x52: {  	_ =	shalt  }
0x53: {  	_ =	shalt  }
0x54: {  	_ =	shalt  }
0x55: {  	_ =	shalt  }
0x56: {  	_ =	shalt  }
0x57: {  	_ =	shalt  }
0x58: {  	_ =	shalt  }
0x59: {  	_ =	shalt  }
0x5a: {  	_ =	shalt  }
0x5b: {  	_ =	shalt  }
0x5c: {  	_ =	shalt  }
0x5d: {  	_ =	shalt  }
0x5e: {  	_ =	shalt  }
0x5f: {  	_ =	shalt  }
0x60: {  	_ =	shalt  }
0x61: {  	_ =	shalt  }
0x62: {  	_ =	shalt  }
0x63: {  	_ =	shalt  }
0x64: {  	_ =	shalt  }
0x65: {  	_ =	shalt  }
0x66: {  	_ =	shalt  }
0x67: {  	_ =	shalt  }
0x68: {  	_ =	shalt  }
0x69: {  	_ =	shalt  }
0x6a: {  	_ =	shalt  }
0x6b: {  	_ =	shalt  }
0x6c: {  	_ =	shalt  }
0x6d: {  	_ =	shalt  }
0x6e: {  	_ =	shalt  }
0x6f: {  	_ =	shalt  }
0x70: {  	_ =	shalt  }
0x71: {  	_ =	shalt  }
0x72: {  	_ =	shalt  }
0x73: {  	_ =	shalt  }
0x74: {  	_ =	shalt  }
0x75: {  	_ =	shalt  }
0x76: {  	_ =	shalt  }
0x77: {  	_ =	shalt  }
0x78: {  	_ =	shalt  }
0x79: {  	_ =	shalt  }
0x7a: {  	_ =	shalt  }
0x7b: {  	_ =	shalt  }
0x7c: {  	_ =	shalt  }
0x7d: {  	_ =	shalt  }
0x7e: {  	_ =	shalt  }
0x7f: {  	_ =	shalt  }
0x80: {  	_ =	shalt  }
0x81: {  	_ =	shalt  }
0x82: {  	_ =	shalt  }
0x83: {  	_ =	shalt  }
0x84: {  	_ =	shalt  }
0x85: {  	_ =	shalt  }
0x86: {  	_ =	shalt  }
0x87: {  	_ =	shalt  }
.Lfunc_end0:
.L_simem_size_0:
called_computation.1_lowered:
.L_overlay_start_0:
0x88: {  	s2 =	sld [smem:$0x3FD9]  }
0x89: {  	s3 =	sld [smem:$0x3FFE];
	_ =	sdelay $0x1  }
0x8a: {  	s1 =	srdreg.scid  }
0x8b: {  	s0 =	sand.u32 $0x1, s1  }
0x8c: {  	s17 =	sshll.u32 s0, $0xA;
	s2 =	sadd.s32 s3, s2  }
0x8d: {  	s2 =	sadd.s32 s2, s17  }
0x8e: {  	[smem:$0x3FC3] =	sst s2  }
0x8f: {  	_ = 	snop  }
0x90: {  	s2 =	sld [smem:$0x3FD0];
	(tm) =	ssettm $0x1  }
0x91: {  	s18 =	sld [smem:$0x3FFB];
	_ =	sdelay $0x3  }
0x92: {  	_ =	strace s18  }
0x93: {  	s3 =	sld [smem:$0x3FFC];
	_ =	sdelay $0x3  }
0x94: {  	_ =	strace s3  }
0x95: {  	s3 =	sld [smem:$0x3FFD];
	_ =	sdelay $0x3  }
0x96: {  	_ =	strace s3  }
0x97: {  	_ =	strace $0x8FFFFFFF  }
0x98: {  	s19 =	sld [smem:$0x3FDB];
	_ =	sdelay $0x1  }
0x99: {  	s4 =	simm.s32 $_scs_section_size  }
0x9a: {  	s5 =	simm.s32 $_size__tile_overlayer_lowered;
	s6 =	simm.s32 $_tile_overlayer_lowered  }
0x9b: {  	s22 =	simm.s32 $0x1BFF;
	s21 =	sshll.u32 s6, $0x1;
	s3 =	sadd.s32 s4, s19  }
0x9c: {  	s7 =	simm.s32 $0x0;
	s20 =	sshll.u32 s5, $0x1;
	s5 =	sadd.s32 s21, s3  }
0x9d: {  	[timem:s7], [sflag:s22] =	dma.local [hbm:s5], s20  }
0x9e: {  	_ =	swait.ge [sflag:s22], s20  }
0x9f: {  	s4 =	ssub.s32 $0x0, s20;
	[sflag:s22] =	ssyncset.done $0x0  }
0xa0: {  	[sflag:s22] =	ssyncadd.s32 s4;
	_ =	sdelay $0x1  }
0xa1: {  	s23 =	simm.s32 $0x1B8B  }
0xa2: {  	_ =	swait.ge [sflag:s23], $0x1  }
0xa3: {  	[sflag:s23] =	ssyncset.done $0x0  }
0xa4: {  	s25 =	simm.s32 $0x1B8E;
	s24 =	sld [smem:$0x3FFE];
	[sflag:s23] =	ssyncadd.s32 $0xFFFFFFFF  }
0xa5: {  	s26 =	simm.s32 $execute0_lowered;
	[smem:$0x3FD2] =	sst s25  }
0xa6: {  	s5 =	sshll.u32 s26, $0x1;
	_ =	strace $0x80000049;
	[dreg:$0x1] =	wrdreg $0xFFFFFFFF  }
0xa7: {  	s28 =	simm.s32 $_size_execute0_lowered;
	s3 =	sadd.s32 s3, s5;
	[dreg:$0x0] =	wrdreg $0x0  }
0xa8: {  	s5 =	sshll.u32 s28, $0x1;
	[dreg:$0x2] =	wrdreg s3  }
0xa9: {  	[dreg:$0x3] =	wrdreg s5  }
0xaa: {  	[dreg:$0x4] =	wrdreg $0xC0  }
0xab: {  	_ =	task [dreg:s7], $0x5FFFF  }
0xac: {  	[dreg:$0x1] =	wrdreg $0xFFFFFFFF  }
0xad: {  	[dreg:$0x0] =	wrdreg $0x60  }
0xae: {  	[dreg:$0x2] =	wrdreg s2  }
0xaf: {  	[dreg:$0x3] =	wrdreg s24  }
0xb0: {  	[dreg:$0x4] =	wrdreg $0x112800  }
0xb1: {  	[dreg:$0x5] =	wrdreg $0x9  }
0xb2: {  	_ =	task.clear_ibuf [dreg:s7], $0x6FFFF;
	_ =	strace $0x90000049  }
0xb3: {  	s29 =	simm.s32 $0x9;
	_ =	strace $0x8000004B  }
0xb4: {  	_ =	swait.ge [sflag:s29], $0x1  }
0xb5: {  	[sflag:s29] =	ssyncadd.s32 $0xFFFFFFFF  }
0xb6: {  	_ =	strace $0x9000004B  }
0xb7: {  	_ =	sfence  }
0xb8: {  	s30 =	sld [smem:$0x0];
	_ =	sdelay $0x2  }
0xb9: {  	s31 =	sshll.u32 s1, $0xD;
	s1 =	sshrl.u32 s1, $0x2  }
0xba: {  	s3 =	sand.u32 $0x4000, s31;
	s1 =	sadd.s32 s1, s30  }
0xbb: {  	s0 =	sor.u32 s3, s0;
	s1 =	sshll.u32 s1, $0x11  }
0xbc: {  	s0 =	sor.u32 s1, s0  }
0xbd: {  	s0 =	sadd.s32 $0x8F2B, s0  }
0xbe: {  	[sflag:s0] =	ssyncadd.remote.s32 $0x1  }
0xbf: {  	_ =	sfence.sel $0xFFFF  }
0xc0: {  	[dreg:$0x0] =	wrdreg $0xFFFFFFFF;
	(pc) =	sbr.abs _section_cstart, $3  }
0xc1: {  	[dreg:$0x1] =	wrdreg $0xFFFFFFFF  }
0xc2: {  	_ =	task.clear_ibuf [dreg:s7], $0x2FFFF;
	_ =	strace $0x9FFFFFFF  }
0xc3: {  	(tm) =	ssettm $0x7FFFFFFF  }
tec
execute0_lowered:
.L_overlay_start_1:
0x0: {  	(tag) =	ssettag $0x1  }
0x1: {  	s1 =	rddreg [dreg:$0x0]  }
0x2: {  	s0 =	rddreg [dreg:$0x1]  }
0x3: {  	s2 =	rddreg [dreg:$0x2]  }
0x4: {  	s4 =	srdreg.scid;
	s6 =	stileid.u32;
	s3 =	simm.s32 $0x0  }
0x5: {  	s20 =	simm.s32 $0xC280;
	s28 =	simm.s32 $0x4200;
	s29 =	simm.s32 $0x0  }
0x6: {  	s4 =	sand.u32 $0x1, s4;
	s5 =	smul.u32 $0x140, s6;
	[smem:$0x7FF] =	sst s3  }
0x7: {  	s8 =	sadd.s32 $0x2400, s0;
	s9 =	smul.u32 $0x28000, s6;
	s10 =	sadd.s32 $0xC200, s0  }
0x8: {  	s12 =	smul.u32 $0x4E20, s6;
	s21 =	sadd.s32 $0xA0000, s2;
	p0 =	sne.s32 s6, $0x0  }
0x9: {  	s7 =	smul.u32 $0x1400, s4;
	_ =	strace $0x8000004A;
	s4 =	ssub.s32 $0x2, s4  }
0xa: {  	[dreg:$0x4] =	wrdreg s21;
	s21 =	simm.s32 $0x3;
	s11 =	sshrl.u32 s4, $0x1  }
0xb: {  	s9 =	sshrl.u32 s9, $0x2;
	s22 =	sshrl.u32 s12, $0x3;
	s5 =	sadd.s32 s5, s7  }
0xc: {  	s11 =	ssub.s32 s4, s11;
	s4 =	sadd.s32 s9, s2;
	s12 =	sadd.s32 s8, s22  }
0xd: {  	s23 =	sadd.s32 s10, s22;
	s24 =	sadd.s32 $0x1F4, s22;
	s25 =	sadd.s32 $0x3E8, s22  }
0xe: {  	s14 =	sadd.s32 $0x5DC, s22;
	s9 =	sadd.s32 $0x7D0, s22;
	[dreg:$0x5] =	wrdreg s12  }
0xf: {  	s22 =	simm.s32 $0x2200;
	s5 =	sshll.u32 s5, $0x4;
	[dreg:$0x6] =	wrdreg s23  }
0x10: {  	s13 =	sadd.s32 s8, s24;
	s12 =	sadd.s32 s10, s24;
	s26 =	sadd.s32 s8, s25  }
0x11: {  	s30 =	sadd.s32 s8, s14;
	s31 =	sadd.s32 s10, s14;
	s15 =	sadd.s32 s8, s9  }
0x12: {  	s16 =	sadd.s32 s10, s9;
	s19 =	smax.u32 s11, $0x1;
	[dreg:$0x7] =	wrdreg s13  }
.Ltmp0:
0x13: {  	s23 =	simm.s32 $0x3200;
	[dreg:$0x8] =	wrdreg s12;
	(pc) =	sbr.rel .LBB2_1-.Ltmp0, $4  }
0x14: {  	s24 =	simm.s32 $0x1100;
	s0 =	sadd.s32 s5, s0;
	[dreg:$0x9] =	wrdreg s26  }
0x15: {  	s5 =	sadd.s32 $0x5000, s4;
	s12 =	sadd.s32 s10, s25;
	[dreg:$0xb] =	wrdreg s30  }
0x16: {  	v1 =	vimm.f32 $0.0e+00;
	v2 =	vimm.s32 $0x0;
	[dreg:$0xc] =	wrdreg s31;
	s25 =	simm.s32 $0x1;
	s26 =	simm.s32 $0x80  }
0x17: {  	v3 =	vlaneseq.u32;
	v4 =	vimm.s32 $0x1400;
	v0 =	vmov s7;
	[dreg:$0xa] =	wrdreg s12;
	s17 =	sadd.s32 $0x64200, s0;
	s18 =	sadd.s32 $0x64C00, s0  }
.LBB2_42:
0x18: {  	[sflag:s8] =	ssyncset.done $0x0  }
0x19: {  	[sflag:s8] =	ssyncadd.s32 $0xFFFFC000  }
.LBB2_43:
0x1a: {  	[bflag:$0x0] =	sbarrier.arrive $0xFFFF  }
0x1b: {  	[tilespmem:s20], [sflag:$0x3] =	stream.linear.gather [spmem:s4], $0x5000, $0x38;
	[tilespmem:$0x1B2C0] =	vst v63  }
0x1c: {  	_ =	swait.ge [sflag:s21], $0x5000  }
0x1d: {  	[sflag:s21] =	ssyncset.done $0x0  }
0x1e: {  	[sflag:s21] =	ssyncadd.s32 $0xFFFFB000  }
0x1f: {  	[hbm4b:s17+s3] =	stream.linear.scatter [tilespmem:s20], [sflag:$0x3], $0x5000, $0x38;
	[tilespmem:$0x1B2C0] =	vst v63  }
0x20: {  	_ =	swait.ge [sflag:s21], $0x5000  }
0x21: {  	[sflag:s21] =	ssyncset.done $0x0  }
0x22: {  	[sflag:s21] =	ssyncadd.s32 $0xFFFFB000  }
0x23: {  	[tilespmem:s20], [sflag:$0x3] =	stream.linear.gather [spmem:s5], $0x5000, $0x38;
	[tilespmem:$0x1B2C0] =	vst v63  }
0x24: {  	s29 =	sadd.s32 $0x1, s29;
	_ =	swait.ge [sflag:s21], $0x5000  }
0x25: {  	p1 =	sne.s32 s29, s19;
	[sflag:s21] =	ssyncset.done $0x0  }
.Ltmp1:
0x26: {  	[sflag:s21] =	ssyncadd.s32 $0xFFFFB000;
	(pc) =	sbr.rel @!p1 .LBB2_44-.Ltmp1, $4  }
0x27: {  	[hbm4b:s18+s3] =	stream.linear.scatter [tilespmem:s20], [sflag:$0x3], $0x5000, $0x38;
	[tilespmem:$0x1B2C0] =	vst v63  }
0x28: {  	_ =	swait.ge [sflag:s21], $0x5000  }
0x29: {  	[sflag:s21] =	ssyncset.done $0x0  }
0x2a: {  	[sflag:s21] =	ssyncadd.s32 $0xFFFFB000  }
.LBB2_1:
0x2b: {  	s0 =	simm.s32 $0x70;
	s6 =	simm.s32 $0x3C0  }
.LBB2_2:
0x2c: {  	p1 =	sne.s32 s6, $0x13FC0;
	[tilespmem:s0+$0xC280] =	vst v1  }
0x2d: {  	[tilespmem:s0+$0xC210] =	vst v1  }
0x2e: {  	[tilespmem:s0+$0xC220] =	vst v1  }
.Ltmp2:
0x2f: {  	[tilespmem:s0+$0xC230] =	vst v1;
	(pc) =	sbr.rel @p1 .LBB2_2-.Ltmp2, $4  }
0x30: {  	[tilespmem:s0+$0xC240] =	vst v1  }
0x31: {  	[tilespmem:s0+$0xC250] =	vst v1  }
0x32: {  	[tilespmem:s0+$0xC260] =	vst v1  }
0x33: {  	[tilespmem:s0+$0xC270] =	vst v1;
	s0 =	sshra.s32 s6, $0x2;
	s6 =	sadd.s32 $0x200, s6  }
0x34: {  	[tilespmem:s0+$0xC280] =	vst v1  }
0x35: {  	[tilespmem:s0+$0xC210] =	vst v1  }
0x36: {  	[tilespmem:s0+$0xC220] =	vst v1  }
0x37: {  	[tilespmem:s0+$0xC230] =	vst v1  }
0x38: {  	[tilespmem:s0+$0xC240] =	vst v1  }
0x39: {  	[tilespmem:s0+$0xC250] =	vst v1  }
0x3a: {  	[tilespmem:s0+$0xC260] =	vst v1  }
0x3b: {  	[tilespmem:s0+$0xC270] =	vst v1  }
0x3c: {  	[spmem:s4] =	stream.linear.scatter [tilespmem:s20], [sflag:$0x3], $0x5000, $0x38;
	[tilespmem:$0x1B2C0] =	vst v63  }
0x3d: {  	_ =	swait.ge [sflag:s21], $0x5000  }
0x3e: {  	[sflag:s21] =	ssyncset.done $0x0  }
0x3f: {  	[sflag:s21] =	ssyncadd.s32 $0xFFFFB000  }
0x40: {  	[spmem:s5] =	stream.linear.scatter [tilespmem:s20], [sflag:$0x3], $0x5000, $0x38;
	[tilespmem:$0x1B2C0] =	vst v63  }
0x41: {  	_ =	swait.ge [sflag:s21], $0x5000  }
0x42: {  	[sflag:s21] =	ssyncset.done $0x0  }
0x43: {  	s0 =	simm.s32 @!p0 $0xC280;
	s6 =	rddreg [dreg:$0x4];
	[sflag:s21] =	ssyncadd.s32 $0xFFFFB000  }
0x44: {  	[spmem:s6] =	stream.linear.scatter @!p0 [tilespmem:s0], [sflag:$0x3], $0x400, $0x38;
	[tilespmem:$0x1B2C0] =	vst v63  }
0x45: {  	s0 =	simm.s32 @!p0 $0x3  }
0x46: {  	_ =	swait.ge @!p0 [sflag:s0], $0x400  }
0x47: {  	[sflag:s0] =	ssyncset.done @!p0 $0x0  }
0x48: {  	[sflag:s0] =	ssyncadd.s32 @!p0 $0xFFFFFC00  }
0x49: {  	[bflag:$0x0] =	sbarrier.arrive $0xFFFF  }
0x4a: {  	s0 =	simm.s32 $0x0;
	s14 =	rddreg [dreg:$0x5]  }
0x4b: {  	[tilespmem:s22], [sflag:$0x3] =	stream.linear.gather [hbm4b:s14+s0], $0xFA0, $0x38;
	[tilespmem:$0x1B2C0] =	vst v63  }
0x4c: {  	_ =	swait.ge [sflag:s21], $0xFA0  }
0x4d: {  	[sflag:s21] =	ssyncset.done $0x0  }
0x4e: {  	s30 =	rddreg [dreg:$0x6];
	[sflag:s21] =	ssyncadd.s32 $0xFFFFF060  }
0x4f: {  	[tilespmem:s23], [sflag:$0x3] =	stream.linear.gather [hbm4b:s30+s0], $0xFA0, $0x38;
	[tilespmem:$0x1B2C0] =	vst v63  }
0x50: {  	_ =	swait.ge [sflag:s21], $0xFA0  }
0x51: {  	[sflag:s21] =	ssyncset.done $0x0  }
0x52: {  	s31 =	simm.s32 $0x0;
	[sflag:s21] =	ssyncadd.s32 $0xFFFFF060  }
0x53: {  	v5 =	vld [tilespmem:s31+$0x3200];
	_ =	sdelay $0x4  }
0x54: {  	v5 =	vsub.s32 v5, v0  }
0x55: {  	vm0 =	vlt.u32 v5, $0x1400  }
0x56: {  	v6 =	vsel vm0, $0x1, v2  }
0x57: {  	(xrf0) =	vadd.scan.msk.s32 $0xffff, v6;
	_ =	sdelay $0x5  }
0x58: {  	v7, _, _ =	vpop (xrf0)  }
0x59: {  	v6 =	vmov s0;
	v8 =	vxor.u32 $0x80000000, v7  }
0x5a: {  	v6 =	vadd.s32 $0xFFFFFFFF, v6;
	(xrf0) =	vmax.scan.msk.u32 $0xffff, v8  }
0x5b: {  	v6 =	vbroadcast v6, $0x0;
	_ =	sdelay $0x1  }
0x5c: {  	v63 =	vld [tilespmem:s31+$0x2200];
	v6 =	vadd.s32 v7, v6;
	_ =	sdelay $0x2  }
0x5d: {  	v7, _, _ =	vpop (xrf0)  }
0x5e: {  	(v2sf) =	vpush v7, $0xF  }
0x5f: {  	[tilespmem:v6+s3+$0x0] =	vst.idx.msk vm0, v63  }
0x60: {  	s7 =	simm.s32 $0x80;
	s6 =	simm.s32 $0x10;
	[tilespmem:v6+s24+$0x0] =	vst.idx.msk vm0, v5  }
.LBB2_4:
0x61: {  	p1 =	sne.s32 s7, $0x3E40;
	v5 =	vld [tilespmem:s6+$0x3200];
	_ =	sdelay $0x4  }
0x62: {  	v5 =	vsub.s32 v5, v0  }
0x63: {  	vm0 =	vlt.u32 v5, $0x1400  }
0x64: {  	v6 =	vsel vm0, $0x1, v2  }
0x65: {  	(xrf0) =	vadd.scan.msk.s32 $0xffff, v6;
	_ =	sdelay $0x3  }
0x66: {  	s8 =	spop (v2sf)  }
0x67: {  	s0 =	sadd.s32 s8, s0  }
0x68: {  	v6, _, _ =	vpop (xrf0);
	s0 =	sadd.s32 $0x80000000, s0  }
0x69: {  	v7 =	vmov s0;
	v8 =	vxor.u32 $0x80000000, v6  }
0x6a: {  	v7 =	vadd.s32 $0xFFFFFFFF, v7;
	(xrf0) =	vmax.scan.msk.u32 $0xffff, v8  }
0x6b: {  	v7 =	vbroadcast v7, $0x0;
	_ =	sdelay $0x1  }
0x6c: {  	v8 =	vld [tilespmem:s6+$0x2200];
	v6 =	vadd.s32 v6, v7;
	_ =	sdelay $0x1  }
.Ltmp3:
0x6d: {  	(pc) =	sbr.rel @p1 .LBB2_4-.Ltmp3, $4  }
0x6e: {  	v7, _, _ =	vpop (xrf0)  }
0x6f: {  	(v2sf) =	vpush v7, $0xF  }
0x70: {  	[tilespmem:v6+s3+$0x0] =	vst.idx.msk vm0, v8  }
0x71: {  	s6 =	sshra.s32 s7, $0x2;
	s7 =	sadd.s32 $0x40, s7;
	[tilespmem:v6+s24+$0x0] =	vst.idx.msk vm0, v5  }
0x72: {  	v5 =	vld [tilespmem:s6+$0x3200];
	_ =	sdelay $0x4  }
0x73: {  	v5 =	vsub.s32 v5, v0  }
0x74: {  	vm0 =	vlt.u32 v5, $0x1400  }
0x75: {  	v6 =	vsel vm0, $0x1, v2  }
0x76: {  	(xrf0) =	vadd.scan.msk.s32 $0xffff, v6;
	_ =	sdelay $0x5  }
0x77: {  	v6, _, _ =	vpop (xrf0)  }
0x78: {  	v7 =	vxor.u32 $0x80000000, v6  }
0x79: {  	(xrf0) =	vmax.scan.msk.u32 $0xffff, v7;
	_ =	sdelay $0x5  }
0x7a: {  	v7, _, _ =	vpop (xrf0)  }
0x7b: {  	(v2sf) =	vpush v7, $0xF;
	_ =	sdelay $0x5  }
0x7c: {  	s7 =	spop (v2sf)  }
0x7d: {  	s0 =	sadd.s32 s7, s0  }
0x7e: {  	s7 =	sadd.s32 $0x80000000, s0  }
0x7f: {  	v7 =	vmov s7  }
0x80: {  	v7 =	vadd.s32 $0xFFFFFFFF, v7  }
0x81: {  	v7 =	vbroadcast v7, $0x0;
	_ =	sdelay $0x1  }
0x82: {  	v8 =	vld [tilespmem:s6+$0x2200];
	v6 =	vadd.s32 v6, v7;
	_ =	sdelay $0x1  }
0x83: {  	s30 =	spop (v2sf)  }
0x84: {  	s0 =	sadd.s32 s7, s30  }
0x85: {  	s0 =	sadd.s32 $0x80000000, s0  }
0x86: {  	[tilespmem:v6+s3+$0x0] =	vst.idx.msk vm0, v8;
	s6 =	sadd.s32 s30, s7;
	s31 =	sadd.s32 $0x0, s0  }
0x87: {  	[tilespmem:v6+s24+$0x0] =	vst.idx.msk vm0, v5;
	s7 =	simm.s32 $0x10;
	s6 =	sadd.s32 $0x80000000, s6;
	v5 =	vadd.s32 s31, v3  }
.LBB2_6:
0x88: {  	p1 =	sne.s32 s7, $0xF0  }
.Ltmp4:
0x89: {  	_ = 	snop;
	(pc) =	sbr.rel @p1 .LBB2_6-.Ltmp4, $3  }
0x8a: {  	_ =	sdelay $0x1  }
0x8b: {  	s8 =	sadd.s32 s7, s0;
	[tilespmem:v5+s3+$0x0] =	vst.idx.msk $0xffff, v2  }
0x8c: {  	s7 =	sadd.s32 $0x10, s7;
	[tilespmem:v5+s24+$0x0] =	vst.idx.msk $0xffff, v4;
	v5 =	vadd.s32 s8, v3  }
0x8d: {  	s0 =	sadd.s32 $0x7F, s6  }
0x8e: {  	s6 =	sand.u32 $0x7F, s0  }
0x8f: {  	s31 =	sshra.s32 s0, $0x1F;
	p2 =	slt.s32 s0, $0x1;
	p1 =	sne.s32 s6, $0x0  }
0x90: {  	s6 =	sshrl.u32 s31, $0x19;
	p1 =	por !p2, !p1  }
0x91: {  	s0 =	sadd.s32 s6, s0;
	s6 =	simm.s32 $0x1;
	p1 =	por !p1, !p1  }
0x92: {  	s0 =	sshra.s32 s0, $0x7;
	s6 =	simm.s32 @!p1 $0x0  }
0x93: {  	s30 =	ssub.s32 s0, s6  }
0x94: {  	p1 =	slt.s32 s30, $0x1  }
.Ltmp5:
0x95: {  	_ = 	snop;
	(pc) =	sbr.rel @p1 .LBB2_11-.Ltmp5, $3  }
0x96: {  	_ =	sdelay $0x1  }
0x97: {  	[tilespmem:v5+s3+$0x0] =	vst.idx.msk $0xffff, v2  }
0x98: {  	[tilespmem:v5+s24+$0x0] =	vst.idx.msk $0xffff, v4  }
0x99: {  	[tilespmem:s28], [sflag:$0x1] =	stream.indirect.gather [hbm4b:s1+s26], $0x80, s3, s26, $0xb8;
	[tilespmem:$0x1B2C0] =	vst v63  }
0x9a: {  	s0 =	simm.s32 $0x1180  }
0x9b: {  	v5 =	vld [tilespmem:s0+$0xFFFFFF80];
	_ =	sdelay $0x4  }
0x9c: {  	[tilespmem:$0xC200] =	vst v5  }
0x9d: {  	v5 =	vld [tilespmem:s0+$0xFFFFFF90];
	_ =	sdelay $0x4  }
0x9e: {  	[tilespmem:$0xC210] =	vst v5  }
0x9f: {  	v5 =	vld [tilespmem:s0+$0xFFFFFFA0];
	_ =	sdelay $0x4  }
0xa0: {  	[tilespmem:$0xC220] =	vst v5  }
0xa1: {  	v5 =	vld [tilespmem:s0+$0xFFFFFFB0];
	_ =	sdelay $0x4  }
0xa2: {  	[tilespmem:$0xC230] =	vst v5  }
0xa3: {  	v5 =	vld [tilespmem:s0+$0xFFFFFFC0];
	_ =	sdelay $0x4  }
0xa4: {  	[tilespmem:$0xC240] =	vst v5  }
0xa5: {  	v5 =	vld [tilespmem:s0+$0xFFFFFFD0];
	_ =	sdelay $0x4  }
0xa6: {  	[tilespmem:$0xC250] =	vst v5  }
0xa7: {  	v5 =	vld [tilespmem:s0+$0xFFFFFFE0];
	_ =	sdelay $0x4  }
0xa8: {  	[tilespmem:$0xC260] =	vst v5  }
0xa9: {  	v5 =	vld [tilespmem:s0+$0xFFFFFFF0];
	_ =	sdelay $0x4  }
0xaa: {  	[tilespmem:$0xC270] =	vst v5  }
0xab: {  	p1 =	sle.s32 s30, $0x1;
	_ =	swait.ge [sflag:s25], $0x4000  }
0xac: {  	s6 =	simm.s32 @p1 $0x80;
	[sflag:s25] =	ssyncset.done $0x0  }
0xad: {  	s7 =	simm.s32 @p1 $0xC200;
	s8 =	simm.s32 @p1 $0x4200;
	[sflag:s25] =	ssyncadd.s32 $0xFFFFC000  }
0xae: {  	[spmem:s2] =	stream.indirect.scatter.add.f32 @p1 [tilespmem:s8], [sflag:$0x4], $0x80, s7, s6, $0xb8;
	[tilespmem:$0x1B2C0] =	vst v63  }
0xaf: {  	s9 =	simm.s32 @!p1 $0x80;
	s6 =	simm.s32 @!p1 $0x8200;
	s7 =	simm.s32 @!p1 $0x80  }
0xb0: {  	[tilespmem:s6], [sflag:$0x2] =	stream.indirect.gather @!p1 [hbm4b:s1+s9], $0x80, s7, s9, $0xb8;
	[tilespmem:$0x1B2C0] =	vst v63  }
0xb1: {  	s10 =	simm.s32 @!p1 $0x4;
	s8 =	simm.s32 @!p1 $0x4200;
	s7 =	simm.s32 @!p1 $0xC200  }
0xb2: {  	[spmem:s2] =	stream.indirect.scatter.add.f32 @!p1 [tilespmem:s8], [sflag:$0x4], $0x80, s7, s9, $0xb8;
	[tilespmem:$0x1B2C0] =	vst v63  }
0xb3: {  	_ =	swait.ge @!p1 [sflag:s10], $0x4000  }
0xb4: {  	[sflag:s10] =	ssyncset.done @!p1 $0x0  }
0xb5: {  	[sflag:s10] =	ssyncadd.s32 @!p1 $0xFFFFC000  }
0xb6: {  	v5 =	vld @!p1 [tilespmem:s0+$0x0];
	_ =	sdelay $0x4  }
0xb7: {  	[tilespmem:$0xC200] =	vst @!p1 v5  }
0xb8: {  	v5 =	vld @!p1 [tilespmem:s0+$0x10];
	_ =	sdelay $0x4  }
0xb9: {  	[tilespmem:$0xC210] =	vst @!p1 v5  }
0xba: {  	v5 =	vld @!p1 [tilespmem:s0+$0x20];
	_ =	sdelay $0x4  }
0xbb: {  	[tilespmem:$0xC220] =	vst @!p1 v5  }
0xbc: {  	v5 =	vld @!p1 [tilespmem:s0+$0x30];
	_ =	sdelay $0x4  }
0xbd: {  	[tilespmem:$0xC230] =	vst @!p1 v5  }
0xbe: {  	v5 =	vld @!p1 [tilespmem:s0+$0x40];
	_ =	sdelay $0x4  }
0xbf: {  	[tilespmem:$0xC240] =	vst @!p1 v5  }
0xc0: {  	v5 =	vld @!p1 [tilespmem:s0+$0x50];
	_ =	sdelay $0x4  }
0xc1: {  	[tilespmem:$0xC250] =	vst @!p1 v5  }
0xc2: {  	v5 =	vld @!p1 [tilespmem:s0+$0x60];
	_ =	sdelay $0x4  }
0xc3: {  	[tilespmem:$0xC260] =	vst @!p1 v5  }
0xc4: {  	v5 =	vld @!p1 [tilespmem:s0+$0x70];
	_ =	sdelay $0x4  }
0xc5: {  	p2 =	sle.s32 @!p1 s30, $0x2;
	s8 =	simm.s32 @!p1 $0x2;
	[tilespmem:$0xC270] =	vst @!p1 v5  }
0xc6: {  	s14 =	sadd.s32 $0x1, s30;
	p2 =	por p2, p1;
	_ =	swait.ge @!p1 [sflag:s8], $0x4000  }
0xc7: {  	s11 =	simm.s32 @!p2 $0x80;
	s31 =	simm.s32 @!p2 $0x4200;
	[sflag:s8] =	ssyncset.done @!p1 $0x0  }
0xc8: {  	s10 =	simm.s32 $0x100;
	s0 =	sshrl.u32 s14, $0x1;
	[sflag:s8] =	ssyncadd.s32 @!p1 $0xFFFFC000  }
0xc9: {  	[tilespmem:s31], [sflag:$0x1] =	stream.indirect.gather @!p2 [hbm4b:s1+s11], $0x80, s10, s11, $0xb8;
	[tilespmem:$0x1B2C0] =	vst v63  }
0xca: {  	s31 =	sadd.s32 $0xFFFFFFFF, s0  }
0xcb: {  	p2 =	sne.s32 s31, $0x0  }
.Ltmp6:
0xcc: {  	_ = 	snop;
	(pc) =	sbr.rel @!p2 .LBB2_10-.Ltmp6, $4  }
0xcd: {  	s8 =	simm.s32 @!p1 $0x3  }
0xce: {  	s0 =	simm.s32 $0x2;
	s8 =	simm.s32 @p1 $0x4  }
0xcf: {  	[spmem:s2] =	stream.indirect.scatter.add.f32 @!p1 [tilespmem:s6], [sflag:$0x3], $0x80, s7, s9, $0xb8;
	[tilespmem:$0x1B2C0] =	vst v63  }
0xd0: {  	s6 =	simm.s32 $0x200;
	s7 =	simm.s32 $0x1280;
	_ =	swait.ge [sflag:s8], $0x4000  }
.LBB2_9:
0xd1: {  	s31 =	sadd.s32 $0xFFFFFFFF, s31;
	[sflag:s8] =	ssyncset.done $0x0;
	s0 =	sadd.s32 $0x2, s0  }
0xd2: {  	p1 =	sne.s32 s31, $0x0;
	[sflag:s8] =	ssyncadd.s32 $0xFFFFC000  }
0xd3: {  	v5 =	vld [tilespmem:s7+$0xFFFFFF80];
	_ =	sdelay $0x4  }
0xd4: {  	[tilespmem:$0xC200] =	vst v5  }
0xd5: {  	v5 =	vld [tilespmem:s7+$0xFFFFFF90];
	_ =	sdelay $0x4  }
0xd6: {  	[tilespmem:$0xC210] =	vst v5  }
0xd7: {  	v5 =	vld [tilespmem:s7+$0xFFFFFFA0];
	_ =	sdelay $0x4  }
0xd8: {  	[tilespmem:$0xC220] =	vst v5  }
0xd9: {  	v5 =	vld [tilespmem:s7+$0xFFFFFFB0];
	_ =	sdelay $0x4  }
0xda: {  	[tilespmem:$0xC230] =	vst v5  }
0xdb: {  	v5 =	vld [tilespmem:s7+$0xFFFFFFC0];
	_ =	sdelay $0x4  }
0xdc: {  	[tilespmem:$0xC240] =	vst v5  }
0xdd: {  	v5 =	vld [tilespmem:s7+$0xFFFFFFD0];
	_ =	sdelay $0x4  }
0xde: {  	[tilespmem:$0xC250] =	vst v5  }
0xdf: {  	v5 =	vld [tilespmem:s7+$0xFFFFFFE0];
	_ =	sdelay $0x4  }
0xe0: {  	[tilespmem:$0xC260] =	vst v5  }
0xe1: {  	v5 =	vld [tilespmem:s7+$0xFFFFFFF0];
	_ =	sdelay $0x4  }
0xe2: {  	[tilespmem:$0xC270] =	vst v5  }
0xe3: {  	s8 =	sadd.s32 $0xFFFFFFFF, s0;
	_ =	swait.ge [sflag:s25], $0x4000  }
0xe4: {  	p2 =	sge.s32 s8, s30;
	[sflag:s25] =	ssyncset.done $0x0  }
0xe5: {  	s8 =	simm.s32 @p2 $0x80;
	s9 =	simm.s32 @!p2 $0x8200;
	[sflag:s25] =	ssyncadd.s32 $0xFFFFC000  }
0xe6: {  	s10 =	simm.s32 @p2 $0xC200;
	s11 =	simm.s32 @p2 $0x4200;
	s12 =	sadd.s32 @!p2 $0xFFFFFF80, s6  }
0xe7: {  	[spmem:s2] =	stream.indirect.scatter.add.f32 @p2 [tilespmem:s11], [sflag:$0x4], $0x80, s10, s8, $0xb8;
	[tilespmem:$0x1B2C0] =	vst v63  }
0xe8: {  	s13 =	simm.s32 @!p2 $0x4200;
	s10 =	simm.s32 @!p2 $0x80;
	s11 =	simm.s32 @!p2 $0xC200  }
0xe9: {  	[tilespmem:s9], [sflag:$0x2] =	stream.indirect.gather @!p2 [hbm4b:s1+s10], $0x80, s12, s10, $0xb8;
	[tilespmem:$0x1B2C0] =	vst v63  }
0xea: {  	p3 =	sge.s32 @!p2 s0, s30;
	s8 =	simm.s32 @!p2 $0x3;
	s12 =	simm.s32 @!p2 $0x4  }
0xeb: {  	[spmem:s2] =	stream.indirect.scatter.add.f32 @!p2 [tilespmem:s13], [sflag:$0x4], $0x80, s11, s10, $0xb8;
	[tilespmem:$0x1B2C0] =	vst v63  }
0xec: {  	p3 =	por p3, p2;
	_ =	swait.ge @!p2 [sflag:s12], $0x4000  }
0xed: {  	[sflag:s12] =	ssyncset.done @!p2 $0x0  }
0xee: {  	[sflag:s12] =	ssyncadd.s32 @!p2 $0xFFFFC000  }
0xef: {  	v5 =	vld @!p2 [tilespmem:s7+$0x0];
	_ =	sdelay $0x4  }
0xf0: {  	[tilespmem:$0xC200] =	vst @!p2 v5  }
0xf1: {  	v5 =	vld @!p2 [tilespmem:s7+$0x10];
	_ =	sdelay $0x4  }
0xf2: {  	[tilespmem:$0xC210] =	vst @!p2 v5  }
0xf3: {  	v5 =	vld @!p2 [tilespmem:s7+$0x20];
	_ =	sdelay $0x4  }
0xf4: {  	[tilespmem:$0xC220] =	vst @!p2 v5  }
0xf5: {  	v5 =	vld @!p2 [tilespmem:s7+$0x30];
	_ =	sdelay $0x4  }
0xf6: {  	[tilespmem:$0xC230] =	vst @!p2 v5  }
0xf7: {  	v5 =	vld @!p2 [tilespmem:s7+$0x40];
	_ =	sdelay $0x4  }
0xf8: {  	[tilespmem:$0xC240] =	vst @!p2 v5  }
0xf9: {  	v5 =	vld @!p2 [tilespmem:s7+$0x50];
	_ =	sdelay $0x4  }
0xfa: {  	[tilespmem:$0xC250] =	vst @!p2 v5  }
0xfb: {  	v5 =	vld @!p2 [tilespmem:s7+$0x60];
	_ =	sdelay $0x4  }
0xfc: {  	[tilespmem:$0xC260] =	vst @!p2 v5  }
0xfd: {  	v5 =	vld @!p2 [tilespmem:s7+$0x70];
	_ =	sdelay $0x3  }
0xfe: {  	s12 =	simm.s32 @!p2 $0x2  }
0xff: {  	[tilespmem:$0xC270] =	vst @!p2 v5  }
0x100: {  	_ =	swait.ge @!p2 [sflag:s12], $0x4000  }
0x101: {  	s14 =	simm.s32 @!p3 $0x4200;
	s13 =	simm.s32 @!p3 $0x80;
	[sflag:s12] =	ssyncset.done @!p2 $0x0  }
.Ltmp7:
0x102: {  	[sflag:s12] =	ssyncadd.s32 @!p2 $0xFFFFC000;
	(pc) =	sbr.rel @p1 .LBB2_9-.Ltmp7, $4  }
0x103: {  	[tilespmem:s14], [sflag:$0x1] =	stream.indirect.gather @!p3 [hbm4b:s1+s13], $0x80, s6, s13, $0xb8;
	[tilespmem:$0x1B2C0] =	vst v63  }
0x104: {  	s8 =	simm.s32 @p2 $0x4  }
0x105: {  	[spmem:s2] =	stream.indirect.scatter.add.f32 @!p2 [tilespmem:s9], [sflag:$0x3], $0x80, s11, s10, $0xb8;
	[tilespmem:$0x1B2C0] =	vst v63  }
0x106: {  	s7 =	sadd.s32 $0x100, s7;
	s6 =	sadd.s32 $0x100, s6;
	_ =	swait.ge [sflag:s8], $0x4000  }
.LBB2_10:
0x107: {  	[sflag:s8] =	ssyncset.done $0x0  }
0x108: {  	[sflag:s8] =	ssyncadd.s32 $0xFFFFC000  }
.LBB2_11:
0x109: {  	s0 =	simm.s32 $0x0;
	s6 =	rddreg [dreg:$0x7]  }
0x10a: {  	[tilespmem:s22], [sflag:$0x3] =	stream.linear.gather [hbm4b:s6+s0], $0xFA0, $0x38;
	[tilespmem:$0x1B2C0] =	vst v63  }
0x10b: {  	_ =	swait.ge [sflag:s21], $0xFA0  }
0x10c: {  	[sflag:s21] =	ssyncset.done $0x0  }
0x10d: {  	s30 =	rddreg [dreg:$0x8];
	[sflag:s21] =	ssyncadd.s32 $0xFFFFF060  }
0x10e: {  	[tilespmem:s23], [sflag:$0x3] =	stream.linear.gather [hbm4b:s30+s0], $0xFA0, $0x38;
	[tilespmem:$0x1B2C0] =	vst v63  }
0x10f: {  	_ =	swait.ge [sflag:s21], $0xFA0  }
0x110: {  	[sflag:s21] =	ssyncset.done $0x0  }
0x111: {  	s31 =	simm.s32 $0x0;
	[sflag:s21] =	ssyncadd.s32 $0xFFFFF060  }
0x112: {  	v5 =	vld [tilespmem:s31+$0x3200];
	_ =	sdelay $0x4  }
0x113: {  	v5 =	vsub.s32 v5, v0  }
0x114: {  	vm0 =	vlt.u32 v5, $0x1400  }
0x115: {  	v6 =	vsel vm0, $0x1, v2  }
0x116: {  	(xrf0) =	vadd.scan.msk.s32 $0xffff, v6;
	_ =	sdelay $0x5  }
0x117: {  	v7, _, _ =	vpop (xrf0)  }
0x118: {  	v6 =	vmov s0;
	v8 =	vxor.u32 $0x80000000, v7  }
0x119: {  	v6 =	vadd.s32 $0xFFFFFFFF, v6;
	(xrf0) =	vmax.scan.msk.u32 $0xffff, v8  }
0x11a: {  	v6 =	vbroadcast v6, $0x0;
	_ =	sdelay $0x1  }
0x11b: {  	v63 =	vld [tilespmem:s31+$0x2200];
	v6 =	vadd.s32 v7, v6;
	_ =	sdelay $0x2  }
0x11c: {  	v7, _, _ =	vpop (xrf0)  }
0x11d: {  	(v2sf) =	vpush v7, $0xF  }
0x11e: {  	[tilespmem:v6+s3+$0x0] =	vst.idx.msk vm0, v63  }
0x11f: {  	s7 =	simm.s32 $0x80;
	s6 =	simm.s32 $0x10;
	[tilespmem:v6+s24+$0x0] =	vst.idx.msk vm0, v5  }
.LBB2_12:
0x120: {  	p1 =	sne.s32 s7, $0x3E40;
	v5 =	vld [tilespmem:s6+$0x3200];
	_ =	sdelay $0x4  }
0x121: {  	v5 =	vsub.s32 v5, v0  }
0x122: {  	vm0 =	vlt.u32 v5, $0x1400  }
0x123: {  	v6 =	vsel vm0, $0x1, v2  }
0x124: {  	(xrf0) =	vadd.scan.msk.s32 $0xffff, v6;
	_ =	sdelay $0x3  }
0x125: {  	s8 =	spop (v2sf)  }
0x126: {  	s0 =	sadd.s32 s8, s0  }
0x127: {  	v6, _, _ =	vpop (xrf0);
	s0 =	sadd.s32 $0x80000000, s0  }
0x128: {  	v7 =	vmov s0;
	v8 =	vxor.u32 $0x80000000, v6  }
0x129: {  	v7 =	vadd.s32 $0xFFFFFFFF, v7;
	(xrf0) =	vmax.scan.msk.u32 $0xffff, v8  }
0x12a: {  	v7 =	vbroadcast v7, $0x0;
	_ =	sdelay $0x1  }
0x12b: {  	v8 =	vld [tilespmem:s6+$0x2200];
	v6 =	vadd.s32 v6, v7;
	_ =	sdelay $0x1  }
.Ltmp8:
0x12c: {  	(pc) =	sbr.rel @p1 .LBB2_12-.Ltmp8, $4  }
0x12d: {  	v7, _, _ =	vpop (xrf0)  }
0x12e: {  	(v2sf) =	vpush v7, $0xF  }
0x12f: {  	[tilespmem:v6+s3+$0x0] =	vst.idx.msk vm0, v8  }
0x130: {  	s6 =	sshra.s32 s7, $0x2;
	s7 =	sadd.s32 $0x40, s7;
	[tilespmem:v6+s24+$0x0] =	vst.idx.msk vm0, v5  }
0x131: {  	v5 =	vld [tilespmem:s6+$0x3200];
	_ =	sdelay $0x4  }
0x132: {  	v5 =	vsub.s32 v5, v0  }
0x133: {  	vm0 =	vlt.u32 v5, $0x1400  }
0x134: {  	v6 =	vsel vm0, $0x1, v2  }
0x135: {  	(xrf0) =	vadd.scan.msk.s32 $0xffff, v6;
	_ =	sdelay $0x5  }
0x136: {  	v6, _, _ =	vpop (xrf0)  }
0x137: {  	v7 =	vxor.u32 $0x80000000, v6  }
0x138: {  	(xrf0) =	vmax.scan.msk.u32 $0xffff, v7;
	_ =	sdelay $0x5  }
0x139: {  	v7, _, _ =	vpop (xrf0)  }
0x13a: {  	(v2sf) =	vpush v7, $0xF;
	_ =	sdelay $0x5  }
0x13b: {  	s7 =	spop (v2sf)  }
0x13c: {  	s0 =	sadd.s32 s7, s0  }
0x13d: {  	s7 =	sadd.s32 $0x80000000, s0  }
0x13e: {  	v7 =	vmov s7  }
0x13f: {  	v7 =	vadd.s32 $0xFFFFFFFF, v7  }
0x140: {  	v7 =	vbroadcast v7, $0x0;
	_ =	sdelay $0x1  }
0x141: {  	v8 =	vld [tilespmem:s6+$0x2200];
	v6 =	vadd.s32 v6, v7;
	_ =	sdelay $0x1  }
0x142: {  	s30 =	spop (v2sf)  }
0x143: {  	s0 =	sadd.s32 s7, s30  }
0x144: {  	s0 =	sadd.s32 $0x80000000, s0  }
0x145: {  	[tilespmem:v6+s3+$0x0] =	vst.idx.msk vm0, v8;
	s6 =	sadd.s32 s30, s7;
	s31 =	sadd.s32 $0x0, s0  }
0x146: {  	[tilespmem:v6+s24+$0x0] =	vst.idx.msk vm0, v5;
	s7 =	simm.s32 $0x10;
	s6 =	sadd.s32 $0x80000000, s6;
	v5 =	vadd.s32 s31, v3  }
.LBB2_14:
0x147: {  	p1 =	sne.s32 s7, $0xF0  }
.Ltmp9:
0x148: {  	_ = 	snop;
	(pc) =	sbr.rel @p1 .LBB2_14-.Ltmp9, $3  }
0x149: {  	_ =	sdelay $0x1  }
0x14a: {  	s8 =	sadd.s32 s7, s0;
	[tilespmem:v5+s3+$0x0] =	vst.idx.msk $0xffff, v2  }
0x14b: {  	s7 =	sadd.s32 $0x10, s7;
	[tilespmem:v5+s24+$0x0] =	vst.idx.msk $0xffff, v4;
	v5 =	vadd.s32 s8, v3  }
0x14c: {  	s0 =	sadd.s32 $0x7F, s6  }
0x14d: {  	s6 =	sand.u32 $0x7F, s0  }
0x14e: {  	s31 =	sshra.s32 s0, $0x1F;
	p2 =	slt.s32 s0, $0x1;
	p1 =	sne.s32 s6, $0x0  }
0x14f: {  	s6 =	sshrl.u32 s31, $0x19;
	p1 =	por !p2, !p1  }
0x150: {  	s0 =	sadd.s32 s6, s0;
	s6 =	simm.s32 $0x1;
	p1 =	por !p1, !p1  }
0x151: {  	s0 =	sshra.s32 s0, $0x7;
	s6 =	simm.s32 @!p1 $0x0  }
0x152: {  	s30 =	ssub.s32 s0, s6  }
0x153: {  	p1 =	slt.s32 s30, $0x1  }
.Ltmp10:
0x154: {  	_ = 	snop;
	(pc) =	sbr.rel @p1 .LBB2_19-.Ltmp10, $3  }
0x155: {  	_ =	sdelay $0x1  }
0x156: {  	[tilespmem:v5+s3+$0x0] =	vst.idx.msk $0xffff, v2  }
0x157: {  	[tilespmem:v5+s24+$0x0] =	vst.idx.msk $0xffff, v4  }
0x158: {  	[tilespmem:s28], [sflag:$0x1] =	stream.indirect.gather [hbm4b:s1+s26], $0x80, s3, s26, $0xb8;
	[tilespmem:$0x1B2C0] =	vst v63  }
0x159: {  	s0 =	simm.s32 $0x1180  }
0x15a: {  	v5 =	vld [tilespmem:s0+$0xFFFFFF80];
	_ =	sdelay $0x4  }
0x15b: {  	[tilespmem:$0xC200] =	vst v5  }
0x15c: {  	v5 =	vld [tilespmem:s0+$0xFFFFFF90];
	_ =	sdelay $0x4  }
0x15d: {  	[tilespmem:$0xC210] =	vst v5  }
0x15e: {  	v5 =	vld [tilespmem:s0+$0xFFFFFFA0];
	_ =	sdelay $0x4  }
0x15f: {  	[tilespmem:$0xC220] =	vst v5  }
0x160: {  	v5 =	vld [tilespmem:s0+$0xFFFFFFB0];
	_ =	sdelay $0x4  }
0x161: {  	[tilespmem:$0xC230] =	vst v5  }
0x162: {  	v5 =	vld [tilespmem:s0+$0xFFFFFFC0];
	_ =	sdelay $0x4  }
0x163: {  	[tilespmem:$0xC240] =	vst v5  }
0x164: {  	v5 =	vld [tilespmem:s0+$0xFFFFFFD0];
	_ =	sdelay $0x4  }
0x165: {  	[tilespmem:$0xC250] =	vst v5  }
0x166: {  	v5 =	vld [tilespmem:s0+$0xFFFFFFE0];
	_ =	sdelay $0x4  }
0x167: {  	[tilespmem:$0xC260] =	vst v5  }
0x168: {  	v5 =	vld [tilespmem:s0+$0xFFFFFFF0];
	_ =	sdelay $0x4  }
0x169: {  	[tilespmem:$0xC270] =	vst v5  }
0x16a: {  	p1 =	sle.s32 s30, $0x1;
	_ =	swait.ge [sflag:s25], $0x4000  }
0x16b: {  	s6 =	simm.s32 @p1 $0x80;
	[sflag:s25] =	ssyncset.done $0x0  }
0x16c: {  	s7 =	simm.s32 @p1 $0xC200;
	s8 =	simm.s32 @p1 $0x4200;
	[sflag:s25] =	ssyncadd.s32 $0xFFFFC000  }
0x16d: {  	[spmem:s2] =	stream.indirect.scatter.add.f32 @p1 [tilespmem:s8], [sflag:$0x4], $0x80, s7, s6, $0xb8;
	[tilespmem:$0x1B2C0] =	vst v63  }
0x16e: {  	s9 =	simm.s32 @!p1 $0x80;
	s6 =	simm.s32 @!p1 $0x8200;
	s7 =	simm.s32 @!p1 $0x80  }
0x16f: {  	[tilespmem:s6], [sflag:$0x2] =	stream.indirect.gather @!p1 [hbm4b:s1+s9], $0x80, s7, s9, $0xb8;
	[tilespmem:$0x1B2C0] =	vst v63  }
0x170: {  	s10 =	simm.s32 @!p1 $0x4;
	s8 =	simm.s32 @!p1 $0x4200;
	s7 =	simm.s32 @!p1 $0xC200  }
0x171: {  	[spmem:s2] =	stream.indirect.scatter.add.f32 @!p1 [tilespmem:s8], [sflag:$0x4], $0x80, s7, s9, $0xb8;
	[tilespmem:$0x1B2C0] =	vst v63  }
0x172: {  	_ =	swait.ge @!p1 [sflag:s10], $0x4000  }
0x173: {  	[sflag:s10] =	ssyncset.done @!p1 $0x0  }
0x174: {  	[sflag:s10] =	ssyncadd.s32 @!p1 $0xFFFFC000  }
0x175: {  	v5 =	vld @!p1 [tilespmem:s0+$0x0];
	_ =	sdelay $0x4  }
0x176: {  	[tilespmem:$0xC200] =	vst @!p1 v5  }
0x177: {  	v5 =	vld @!p1 [tilespmem:s0+$0x10];
	_ =	sdelay $0x4  }
0x178: {  	[tilespmem:$0xC210] =	vst @!p1 v5  }
0x179: {  	v5 =	vld @!p1 [tilespmem:s0+$0x20];
	_ =	sdelay $0x4  }
0x17a: {  	[tilespmem:$0xC220] =	vst @!p1 v5  }
0x17b: {  	v5 =	vld @!p1 [tilespmem:s0+$0x30];
	_ =	sdelay $0x4  }
0x17c: {  	[tilespmem:$0xC230] =	vst @!p1 v5  }
0x17d: {  	v5 =	vld @!p1 [tilespmem:s0+$0x40];
	_ =	sdelay $0x4  }
0x17e: {  	[tilespmem:$0xC240] =	vst @!p1 v5  }
0x17f: {  	v5 =	vld @!p1 [tilespmem:s0+$0x50];
	_ =	sdelay $0x4  }
0x180: {  	[tilespmem:$0xC250] =	vst @!p1 v5  }
0x181: {  	v5 =	vld @!p1 [tilespmem:s0+$0x60];
	_ =	sdelay $0x4  }
0x182: {  	[tilespmem:$0xC260] =	vst @!p1 v5  }
0x183: {  	v5 =	vld @!p1 [tilespmem:s0+$0x70];
	_ =	sdelay $0x3  }
0x184: {  	p2 =	sle.s32 @!p1 s30, $0x2  }
0x185: {  	p2 =	por p2, p1;
	s8 =	simm.s32 @!p1 $0x2;
	[tilespmem:$0xC270] =	vst @!p1 v5  }
0x186: {  	s14 =	sadd.s32 $0x1, s30;
	s11 =	simm.s32 @!p2 $0x80;
	_ =	swait.ge @!p1 [sflag:s8], $0x4000  }
0x187: {  	s12 =	simm.s32 @!p2 $0x4200;
	s0 =	sshrl.u32 s14, $0x1;
	[sflag:s8] =	ssyncset.done @!p1 $0x0  }
0x188: {  	s10 =	simm.s32 $0x100;
	s31 =	sadd.s32 $0xFFFFFFFF, s0;
	[sflag:s8] =	ssyncadd.s32 @!p1 $0xFFFFC000  }
0x189: {  	[tilespmem:s12], [sflag:$0x1] =	stream.indirect.gather @!p2 [hbm4b:s1+s11], $0x80, s10, s11, $0xb8;
	[tilespmem:$0x1B2C0] =	vst v63  }
0x18a: {  	p2 =	sne.s32 s31, $0x0  }
.Ltmp11:
0x18b: {  	_ = 	snop;
	(pc) =	sbr.rel @!p2 .LBB2_18-.Ltmp11, $4  }
0x18c: {  	s8 =	simm.s32 @!p1 $0x3  }
0x18d: {  	s0 =	simm.s32 $0x2;
	s8 =	simm.s32 @p1 $0x4  }
0x18e: {  	[spmem:s2] =	stream.indirect.scatter.add.f32 @!p1 [tilespmem:s6], [sflag:$0x3], $0x80, s7, s9, $0xb8;
	[tilespmem:$0x1B2C0] =	vst v63  }
0x18f: {  	s6 =	simm.s32 $0x200;
	s7 =	simm.s32 $0x1280;
	_ =	swait.ge [sflag:s8], $0x4000  }
.LBB2_17:
0x190: {  	s31 =	sadd.s32 $0xFFFFFFFF, s31;
	[sflag:s8] =	ssyncset.done $0x0;
	s0 =	sadd.s32 $0x2, s0  }
0x191: {  	p1 =	sne.s32 s31, $0x0;
	[sflag:s8] =	ssyncadd.s32 $0xFFFFC000  }
0x192: {  	v5 =	vld [tilespmem:s7+$0xFFFFFF80];
	_ =	sdelay $0x4  }
0x193: {  	[tilespmem:$0xC200] =	vst v5  }
0x194: {  	v5 =	vld [tilespmem:s7+$0xFFFFFF90];
	_ =	sdelay $0x4  }
0x195: {  	[tilespmem:$0xC210] =	vst v5  }
0x196: {  	v5 =	vld [tilespmem:s7+$0xFFFFFFA0];
	_ =	sdelay $0x4  }
0x197: {  	[tilespmem:$0xC220] =	vst v5  }
0x198: {  	v5 =	vld [tilespmem:s7+$0xFFFFFFB0];
	_ =	sdelay $0x4  }
0x199: {  	[tilespmem:$0xC230] =	vst v5  }
0x19a: {  	v5 =	vld [tilespmem:s7+$0xFFFFFFC0];
	_ =	sdelay $0x4  }
0x19b: {  	[tilespmem:$0xC240] =	vst v5  }
0x19c: {  	v5 =	vld [tilespmem:s7+$0xFFFFFFD0];
	_ =	sdelay $0x4  }
0x19d: {  	[tilespmem:$0xC250] =	vst v5  }
0x19e: {  	v5 =	vld [tilespmem:s7+$0xFFFFFFE0];
	_ =	sdelay $0x4  }
0x19f: {  	[tilespmem:$0xC260] =	vst v5  }
0x1a0: {  	v5 =	vld [tilespmem:s7+$0xFFFFFFF0];
	_ =	sdelay $0x4  }
0x1a1: {  	[tilespmem:$0xC270] =	vst v5  }
0x1a2: {  	s8 =	sadd.s32 $0xFFFFFFFF, s0;
	_ =	swait.ge [sflag:s25], $0x4000  }
0x1a3: {  	p2 =	sge.s32 s8, s30;
	[sflag:s25] =	ssyncset.done $0x0  }
0x1a4: {  	s8 =	simm.s32 @p2 $0x80;
	s9 =	simm.s32 @!p2 $0x8200;
	[sflag:s25] =	ssyncadd.s32 $0xFFFFC000  }
0x1a5: {  	s10 =	simm.s32 @p2 $0xC200;
	s11 =	simm.s32 @p2 $0x4200;
	s12 =	sadd.s32 @!p2 $0xFFFFFF80, s6  }
0x1a6: {  	[spmem:s2] =	stream.indirect.scatter.add.f32 @p2 [tilespmem:s11], [sflag:$0x4], $0x80, s10, s8, $0xb8;
	[tilespmem:$0x1B2C0] =	vst v63  }
0x1a7: {  	s13 =	simm.s32 @!p2 $0x4200;
	s10 =	simm.s32 @!p2 $0x80;
	s11 =	simm.s32 @!p2 $0xC200  }
0x1a8: {  	[tilespmem:s9], [sflag:$0x2] =	stream.indirect.gather @!p2 [hbm4b:s1+s10], $0x80, s12, s10, $0xb8;
	[tilespmem:$0x1B2C0] =	vst v63  }
0x1a9: {  	p3 =	sge.s32 @!p2 s0, s30;
	s8 =	simm.s32 @!p2 $0x3;
	s12 =	simm.s32 @!p2 $0x4  }
0x1aa: {  	[spmem:s2] =	stream.indirect.scatter.add.f32 @!p2 [tilespmem:s13], [sflag:$0x4], $0x80, s11, s10, $0xb8;
	[tilespmem:$0x1B2C0] =	vst v63  }
0x1ab: {  	p3 =	por p3, p2;
	_ =	swait.ge @!p2 [sflag:s12], $0x4000  }
0x1ac: {  	[sflag:s12] =	ssyncset.done @!p2 $0x0  }
0x1ad: {  	[sflag:s12] =	ssyncadd.s32 @!p2 $0xFFFFC000  }
0x1ae: {  	v5 =	vld @!p2 [tilespmem:s7+$0x0];
	_ =	sdelay $0x4  }
0x1af: {  	[tilespmem:$0xC200] =	vst @!p2 v5  }
0x1b0: {  	v5 =	vld @!p2 [tilespmem:s7+$0x10];
	_ =	sdelay $0x4  }
0x1b1: {  	[tilespmem:$0xC210] =	vst @!p2 v5  }
0x1b2: {  	v5 =	vld @!p2 [tilespmem:s7+$0x20];
	_ =	sdelay $0x4  }
0x1b3: {  	[tilespmem:$0xC220] =	vst @!p2 v5  }
0x1b4: {  	v5 =	vld @!p2 [tilespmem:s7+$0x30];
	_ =	sdelay $0x4  }
0x1b5: {  	[tilespmem:$0xC230] =	vst @!p2 v5  }
0x1b6: {  	v5 =	vld @!p2 [tilespmem:s7+$0x40];
	_ =	sdelay $0x4  }
0x1b7: {  	[tilespmem:$0xC240] =	vst @!p2 v5  }
0x1b8: {  	v5 =	vld @!p2 [tilespmem:s7+$0x50];
	_ =	sdelay $0x4  }
0x1b9: {  	[tilespmem:$0xC250] =	vst @!p2 v5  }
0x1ba: {  	v5 =	vld @!p2 [tilespmem:s7+$0x60];
	_ =	sdelay $0x4  }
0x1bb: {  	[tilespmem:$0xC260] =	vst @!p2 v5  }
0x1bc: {  	v5 =	vld @!p2 [tilespmem:s7+$0x70];
	_ =	sdelay $0x3  }
0x1bd: {  	s12 =	simm.s32 @!p2 $0x2  }
0x1be: {  	[tilespmem:$0xC270] =	vst @!p2 v5  }
0x1bf: {  	_ =	swait.ge @!p2 [sflag:s12], $0x4000  }
0x1c0: {  	s14 =	simm.s32 @!p3 $0x4200;
	s13 =	simm.s32 @!p3 $0x80;
	[sflag:s12] =	ssyncset.done @!p2 $0x0  }
.Ltmp12:
0x1c1: {  	[sflag:s12] =	ssyncadd.s32 @!p2 $0xFFFFC000;
	(pc) =	sbr.rel @p1 .LBB2_17-.Ltmp12, $4  }
0x1c2: {  	[tilespmem:s14], [sflag:$0x1] =	stream.indirect.gather @!p3 [hbm4b:s1+s13], $0x80, s6, s13, $0xb8;
	[tilespmem:$0x1B2C0] =	vst v63  }
0x1c3: {  	s8 =	simm.s32 @p2 $0x4  }
0x1c4: {  	[spmem:s2] =	stream.indirect.scatter.add.f32 @!p2 [tilespmem:s9], [sflag:$0x3], $0x80, s11, s10, $0xb8;
	[tilespmem:$0x1B2C0] =	vst v63  }
0x1c5: {  	s7 =	sadd.s32 $0x100, s7;
	s6 =	sadd.s32 $0x100, s6;
	_ =	swait.ge [sflag:s8], $0x4000  }
.LBB2_18:
0x1c6: {  	[sflag:s8] =	ssyncset.done $0x0  }
0x1c7: {  	[sflag:s8] =	ssyncadd.s32 $0xFFFFC000  }
.LBB2_19:
0x1c8: {  	s0 =	simm.s32 $0x0;
	s6 =	rddreg [dreg:$0x9]  }
0x1c9: {  	[tilespmem:s22], [sflag:$0x3] =	stream.linear.gather [hbm4b:s6+s0], $0xFA0, $0x38;
	[tilespmem:$0x1B2C0] =	vst v63  }
0x1ca: {  	_ =	swait.ge [sflag:s21], $0xFA0  }
0x1cb: {  	[sflag:s21] =	ssyncset.done $0x0  }
0x1cc: {  	s30 =	rddreg [dreg:$0xa];
	[sflag:s21] =	ssyncadd.s32 $0xFFFFF060  }
0x1cd: {  	[tilespmem:s23], [sflag:$0x3] =	stream.linear.gather [hbm4b:s30+s0], $0xFA0, $0x38;
	[tilespmem:$0x1B2C0] =	vst v63  }
0x1ce: {  	_ =	swait.ge [sflag:s21], $0xFA0  }
0x1cf: {  	[sflag:s21] =	ssyncset.done $0x0  }
0x1d0: {  	s31 =	simm.s32 $0x0;
	[sflag:s21] =	ssyncadd.s32 $0xFFFFF060  }
0x1d1: {  	v5 =	vld [tilespmem:s31+$0x3200];
	_ =	sdelay $0x4  }
0x1d2: {  	v5 =	vsub.s32 v5, v0  }
0x1d3: {  	vm0 =	vlt.u32 v5, $0x1400  }
0x1d4: {  	v6 =	vsel vm0, $0x1, v2  }
0x1d5: {  	(xrf0) =	vadd.scan.msk.s32 $0xffff, v6;
	_ =	sdelay $0x5  }
0x1d6: {  	v7, _, _ =	vpop (xrf0)  }
0x1d7: {  	v6 =	vmov s0;
	v8 =	vxor.u32 $0x80000000, v7  }
0x1d8: {  	v6 =	vadd.s32 $0xFFFFFFFF, v6;
	(xrf0) =	vmax.scan.msk.u32 $0xffff, v8  }
0x1d9: {  	v6 =	vbroadcast v6, $0x0;
	_ =	sdelay $0x1  }
0x1da: {  	v63 =	vld [tilespmem:s31+$0x2200];
	v6 =	vadd.s32 v7, v6;
	_ =	sdelay $0x2  }
0x1db: {  	v7, _, _ =	vpop (xrf0)  }
0x1dc: {  	(v2sf) =	vpush v7, $0xF  }
0x1dd: {  	[tilespmem:v6+s3+$0x0] =	vst.idx.msk vm0, v63  }
0x1de: {  	s7 =	simm.s32 $0x80;
	s6 =	simm.s32 $0x10;
	[tilespmem:v6+s24+$0x0] =	vst.idx.msk vm0, v5  }
.LBB2_20:
0x1df: {  	p1 =	sne.s32 s7, $0x3E40;
	v5 =	vld [tilespmem:s6+$0x3200];
	_ =	sdelay $0x4  }
0x1e0: {  	v5 =	vsub.s32 v5, v0  }
0x1e1: {  	vm0 =	vlt.u32 v5, $0x1400  }
0x1e2: {  	v6 =	vsel vm0, $0x1, v2  }
0x1e3: {  	(xrf0) =	vadd.scan.msk.s32 $0xffff, v6;
	_ =	sdelay $0x3  }
0x1e4: {  	s8 =	spop (v2sf)  }
0x1e5: {  	s0 =	sadd.s32 s8, s0  }
0x1e6: {  	v6, _, _ =	vpop (xrf0);
	s0 =	sadd.s32 $0x80000000, s0  }
0x1e7: {  	v7 =	vmov s0;
	v8 =	vxor.u32 $0x80000000, v6  }
0x1e8: {  	v7 =	vadd.s32 $0xFFFFFFFF, v7;
	(xrf0) =	vmax.scan.msk.u32 $0xffff, v8  }
0x1e9: {  	v7 =	vbroadcast v7, $0x0;
	_ =	sdelay $0x1  }
0x1ea: {  	v8 =	vld [tilespmem:s6+$0x2200];
	v6 =	vadd.s32 v6, v7;
	_ =	sdelay $0x1  }
.Ltmp13:
0x1eb: {  	(pc) =	sbr.rel @p1 .LBB2_20-.Ltmp13, $4  }
0x1ec: {  	v7, _, _ =	vpop (xrf0)  }
0x1ed: {  	(v2sf) =	vpush v7, $0xF  }
0x1ee: {  	[tilespmem:v6+s3+$0x0] =	vst.idx.msk vm0, v8  }
0x1ef: {  	s6 =	sshra.s32 s7, $0x2;
	s7 =	sadd.s32 $0x40, s7;
	[tilespmem:v6+s24+$0x0] =	vst.idx.msk vm0, v5  }
0x1f0: {  	v5 =	vld [tilespmem:s6+$0x3200];
	_ =	sdelay $0x4  }
0x1f1: {  	v5 =	vsub.s32 v5, v0  }
0x1f2: {  	vm0 =	vlt.u32 v5, $0x1400  }
0x1f3: {  	v6 =	vsel vm0, $0x1, v2  }
0x1f4: {  	(xrf0) =	vadd.scan.msk.s32 $0xffff, v6;
	_ =	sdelay $0x5  }
0x1f5: {  	v6, _, _ =	vpop (xrf0)  }
0x1f6: {  	v7 =	vxor.u32 $0x80000000, v6  }
0x1f7: {  	(xrf0) =	vmax.scan.msk.u32 $0xffff, v7;
	_ =	sdelay $0x5  }
0x1f8: {  	v7, _, _ =	vpop (xrf0)  }
0x1f9: {  	(v2sf) =	vpush v7, $0xF;
	_ =	sdelay $0x5  }
0x1fa: {  	s7 =	spop (v2sf)  }
0x1fb: {  	s0 =	sadd.s32 s7, s0  }
0x1fc: {  	s7 =	sadd.s32 $0x80000000, s0  }
0x1fd: {  	v7 =	vmov s7  }
0x1fe: {  	v7 =	vadd.s32 $0xFFFFFFFF, v7  }
0x1ff: {  	v7 =	vbroadcast v7, $0x0;
	_ =	sdelay $0x1  }
0x200: {  	v8 =	vld [tilespmem:s6+$0x2200];
	v6 =	vadd.s32 v6, v7;
	_ =	sdelay $0x1  }
0x201: {  	s30 =	spop (v2sf)  }
0x202: {  	s0 =	sadd.s32 s7, s30  }
0x203: {  	s0 =	sadd.s32 $0x80000000, s0  }
0x204: {  	[tilespmem:v6+s3+$0x0] =	vst.idx.msk vm0, v8;
	s6 =	sadd.s32 s30, s7;
	s31 =	sadd.s32 $0x0, s0  }
0x205: {  	[tilespmem:v6+s24+$0x0] =	vst.idx.msk vm0, v5;
	s7 =	simm.s32 $0x10;
	s6 =	sadd.s32 $0x80000000, s6;
	v5 =	vadd.s32 s31, v3  }
.LBB2_22:
0x206: {  	p1 =	sne.s32 s7, $0xF0  }
.Ltmp14:
0x207: {  	_ = 	snop;
	(pc) =	sbr.rel @p1 .LBB2_22-.Ltmp14, $3  }
0x208: {  	_ =	sdelay $0x1  }
0x209: {  	s8 =	sadd.s32 s7, s0;
	[tilespmem:v5+s3+$0x0] =	vst.idx.msk $0xffff, v2  }
0x20a: {  	s7 =	sadd.s32 $0x10, s7;
	[tilespmem:v5+s24+$0x0] =	vst.idx.msk $0xffff, v4;
	v5 =	vadd.s32 s8, v3  }
0x20b: {  	s0 =	sadd.s32 $0x7F, s6  }
0x20c: {  	s6 =	sand.u32 $0x7F, s0  }
0x20d: {  	s31 =	sshra.s32 s0, $0x1F;
	p2 =	slt.s32 s0, $0x1;
	p1 =	sne.s32 s6, $0x0  }
0x20e: {  	s6 =	sshrl.u32 s31, $0x19;
	p1 =	por !p2, !p1  }
0x20f: {  	s0 =	sadd.s32 s6, s0;
	s6 =	simm.s32 $0x1;
	p1 =	por !p1, !p1  }
0x210: {  	s0 =	sshra.s32 s0, $0x7;
	s6 =	simm.s32 @!p1 $0x0  }
0x211: {  	s30 =	ssub.s32 s0, s6  }
0x212: {  	p1 =	slt.s32 s30, $0x1  }
.Ltmp15:
0x213: {  	_ = 	snop;
	(pc) =	sbr.rel @p1 .LBB2_27-.Ltmp15, $3  }
0x214: {  	_ =	sdelay $0x1  }
0x215: {  	[tilespmem:v5+s3+$0x0] =	vst.idx.msk $0xffff, v2  }
0x216: {  	[tilespmem:v5+s24+$0x0] =	vst.idx.msk $0xffff, v4  }
0x217: {  	[tilespmem:s28], [sflag:$0x1] =	stream.indirect.gather [hbm4b:s1+s26], $0x80, s3, s26, $0xb8;
	[tilespmem:$0x1B2C0] =	vst v63  }
0x218: {  	s0 =	simm.s32 $0x1180  }
0x219: {  	v5 =	vld [tilespmem:s0+$0xFFFFFF80];
	_ =	sdelay $0x4  }
0x21a: {  	[tilespmem:$0xC200] =	vst v5  }
0x21b: {  	v5 =	vld [tilespmem:s0+$0xFFFFFF90];
	_ =	sdelay $0x4  }
0x21c: {  	[tilespmem:$0xC210] =	vst v5  }
0x21d: {  	v5 =	vld [tilespmem:s0+$0xFFFFFFA0];
	_ =	sdelay $0x4  }
0x21e: {  	[tilespmem:$0xC220] =	vst v5  }
0x21f: {  	v5 =	vld [tilespmem:s0+$0xFFFFFFB0];
	_ =	sdelay $0x4  }
0x220: {  	[tilespmem:$0xC230] =	vst v5  }
0x221: {  	v5 =	vld [tilespmem:s0+$0xFFFFFFC0];
	_ =	sdelay $0x4  }
0x222: {  	[tilespmem:$0xC240] =	vst v5  }
0x223: {  	v5 =	vld [tilespmem:s0+$0xFFFFFFD0];
	_ =	sdelay $0x4  }
0x224: {  	[tilespmem:$0xC250] =	vst v5  }
0x225: {  	v5 =	vld [tilespmem:s0+$0xFFFFFFE0];
	_ =	sdelay $0x4  }
0x226: {  	[tilespmem:$0xC260] =	vst v5  }
0x227: {  	v5 =	vld [tilespmem:s0+$0xFFFFFFF0];
	_ =	sdelay $0x4  }
0x228: {  	[tilespmem:$0xC270] =	vst v5  }
0x229: {  	p1 =	sle.s32 s30, $0x1;
	_ =	swait.ge [sflag:s25], $0x4000  }
0x22a: {  	s6 =	simm.s32 @p1 $0x80;
	[sflag:s25] =	ssyncset.done $0x0  }
0x22b: {  	s7 =	simm.s32 @p1 $0xC200;
	s8 =	simm.s32 @p1 $0x4200;
	[sflag:s25] =	ssyncadd.s32 $0xFFFFC000  }
0x22c: {  	[spmem:s2] =	stream.indirect.scatter.add.f32 @p1 [tilespmem:s8], [sflag:$0x4], $0x80, s7, s6, $0xb8;
	[tilespmem:$0x1B2C0] =	vst v63  }
0x22d: {  	s9 =	simm.s32 @!p1 $0x80;
	s6 =	simm.s32 @!p1 $0x8200;
	s7 =	simm.s32 @!p1 $0x80  }
0x22e: {  	[tilespmem:s6], [sflag:$0x2] =	stream.indirect.gather @!p1 [hbm4b:s1+s9], $0x80, s7, s9, $0xb8;
	[tilespmem:$0x1B2C0] =	vst v63  }
0x22f: {  	s10 =	simm.s32 @!p1 $0x4;
	s8 =	simm.s32 @!p1 $0x4200;
	s7 =	simm.s32 @!p1 $0xC200  }
0x230: {  	[spmem:s2] =	stream.indirect.scatter.add.f32 @!p1 [tilespmem:s8], [sflag:$0x4], $0x80, s7, s9, $0xb8;
	[tilespmem:$0x1B2C0] =	vst v63  }
0x231: {  	_ =	swait.ge @!p1 [sflag:s10], $0x4000  }
0x232: {  	[sflag:s10] =	ssyncset.done @!p1 $0x0  }
0x233: {  	[sflag:s10] =	ssyncadd.s32 @!p1 $0xFFFFC000  }
0x234: {  	v5 =	vld @!p1 [tilespmem:s0+$0x0];
	_ =	sdelay $0x4  }
0x235: {  	[tilespmem:$0xC200] =	vst @!p1 v5  }
0x236: {  	v5 =	vld @!p1 [tilespmem:s0+$0x10];
	_ =	sdelay $0x4  }
0x237: {  	[tilespmem:$0xC210] =	vst @!p1 v5  }
0x238: {  	v5 =	vld @!p1 [tilespmem:s0+$0x20];
	_ =	sdelay $0x4  }
0x239: {  	[tilespmem:$0xC220] =	vst @!p1 v5  }
0x23a: {  	v5 =	vld @!p1 [tilespmem:s0+$0x30];
	_ =	sdelay $0x4  }
0x23b: {  	[tilespmem:$0xC230] =	vst @!p1 v5  }
0x23c: {  	v5 =	vld @!p1 [tilespmem:s0+$0x40];
	_ =	sdelay $0x4  }
0x23d: {  	[tilespmem:$0xC240] =	vst @!p1 v5  }
0x23e: {  	v5 =	vld @!p1 [tilespmem:s0+$0x50];
	_ =	sdelay $0x4  }
0x23f: {  	[tilespmem:$0xC250] =	vst @!p1 v5  }
0x240: {  	v5 =	vld @!p1 [tilespmem:s0+$0x60];
	_ =	sdelay $0x4  }
0x241: {  	[tilespmem:$0xC260] =	vst @!p1 v5  }
0x242: {  	v5 =	vld @!p1 [tilespmem:s0+$0x70];
	_ =	sdelay $0x3  }
0x243: {  	p2 =	sle.s32 @!p1 s30, $0x2  }
0x244: {  	p2 =	por p2, p1;
	s8 =	simm.s32 @!p1 $0x2;
	[tilespmem:$0xC270] =	vst @!p1 v5  }
0x245: {  	s14 =	sadd.s32 $0x1, s30;
	s11 =	simm.s32 @!p2 $0x80;
	_ =	swait.ge @!p1 [sflag:s8], $0x4000  }
0x246: {  	s12 =	simm.s32 @!p2 $0x4200;
	s0 =	sshrl.u32 s14, $0x1;
	[sflag:s8] =	ssyncset.done @!p1 $0x0  }
0x247: {  	s10 =	simm.s32 $0x100;
	s31 =	sadd.s32 $0xFFFFFFFF, s0;
	[sflag:s8] =	ssyncadd.s32 @!p1 $0xFFFFC000  }
0x248: {  	[tilespmem:s12], [sflag:$0x1] =	stream.indirect.gather @!p2 [hbm4b:s1+s11], $0x80, s10, s11, $0xb8;
	[tilespmem:$0x1B2C0] =	vst v63  }
0x249: {  	p2 =	sne.s32 s31, $0x0  }
.Ltmp16:
0x24a: {  	_ = 	snop;
	(pc) =	sbr.rel @!p2 .LBB2_26-.Ltmp16, $4  }
0x24b: {  	s8 =	simm.s32 @!p1 $0x3  }
0x24c: {  	s0 =	simm.s32 $0x2;
	s8 =	simm.s32 @p1 $0x4  }
0x24d: {  	[spmem:s2] =	stream.indirect.scatter.add.f32 @!p1 [tilespmem:s6], [sflag:$0x3], $0x80, s7, s9, $0xb8;
	[tilespmem:$0x1B2C0] =	vst v63  }
0x24e: {  	s6 =	simm.s32 $0x200;
	s7 =	simm.s32 $0x1280;
	_ =	swait.ge [sflag:s8], $0x4000  }
.LBB2_25:
0x24f: {  	s31 =	sadd.s32 $0xFFFFFFFF, s31;
	[sflag:s8] =	ssyncset.done $0x0;
	s0 =	sadd.s32 $0x2, s0  }
0x250: {  	p1 =	sne.s32 s31, $0x0;
	[sflag:s8] =	ssyncadd.s32 $0xFFFFC000  }
0x251: {  	v5 =	vld [tilespmem:s7+$0xFFFFFF80];
	_ =	sdelay $0x4  }
0x252: {  	[tilespmem:$0xC200] =	vst v5  }
0x253: {  	v5 =	vld [tilespmem:s7+$0xFFFFFF90];
	_ =	sdelay $0x4  }
0x254: {  	[tilespmem:$0xC210] =	vst v5  }
0x255: {  	v5 =	vld [tilespmem:s7+$0xFFFFFFA0];
	_ =	sdelay $0x4  }
0x256: {  	[tilespmem:$0xC220] =	vst v5  }
0x257: {  	v5 =	vld [tilespmem:s7+$0xFFFFFFB0];
	_ =	sdelay $0x4  }
0x258: {  	[tilespmem:$0xC230] =	vst v5  }
0x259: {  	v5 =	vld [tilespmem:s7+$0xFFFFFFC0];
	_ =	sdelay $0x4  }
0x25a: {  	[tilespmem:$0xC240] =	vst v5  }
0x25b: {  	v5 =	vld [tilespmem:s7+$0xFFFFFFD0];
	_ =	sdelay $0x4  }
0x25c: {  	[tilespmem:$0xC250] =	vst v5  }
0x25d: {  	v5 =	vld [tilespmem:s7+$0xFFFFFFE0];
	_ =	sdelay $0x4  }
0x25e: {  	[tilespmem:$0xC260] =	vst v5  }
0x25f: {  	v5 =	vld [tilespmem:s7+$0xFFFFFFF0];
	_ =	sdelay $0x4  }
0x260: {  	[tilespmem:$0xC270] =	vst v5  }
0x261: {  	s8 =	sadd.s32 $0xFFFFFFFF, s0;
	_ =	swait.ge [sflag:s25], $0x4000  }
0x262: {  	p2 =	sge.s32 s8, s30;
	[sflag:s25] =	ssyncset.done $0x0  }
0x263: {  	s8 =	simm.s32 @p2 $0x80;
	s9 =	simm.s32 @!p2 $0x8200;
	[sflag:s25] =	ssyncadd.s32 $0xFFFFC000  }
0x264: {  	s10 =	simm.s32 @p2 $0xC200;
	s11 =	simm.s32 @p2 $0x4200;
	s12 =	sadd.s32 @!p2 $0xFFFFFF80, s6  }
0x265: {  	[spmem:s2] =	stream.indirect.scatter.add.f32 @p2 [tilespmem:s11], [sflag:$0x4], $0x80, s10, s8, $0xb8;
	[tilespmem:$0x1B2C0] =	vst v63  }
0x266: {  	s13 =	simm.s32 @!p2 $0x4200;
	s10 =	simm.s32 @!p2 $0x80;
	s11 =	simm.s32 @!p2 $0xC200  }
0x267: {  	[tilespmem:s9], [sflag:$0x2] =	stream.indirect.gather @!p2 [hbm4b:s1+s10], $0x80, s12, s10, $0xb8;
	[tilespmem:$0x1B2C0] =	vst v63  }
0x268: {  	p3 =	sge.s32 @!p2 s0, s30;
	s8 =	simm.s32 @!p2 $0x3;
	s12 =	simm.s32 @!p2 $0x4  }
0x269: {  	[spmem:s2] =	stream.indirect.scatter.add.f32 @!p2 [tilespmem:s13], [sflag:$0x4], $0x80, s11, s10, $0xb8;
	[tilespmem:$0x1B2C0] =	vst v63  }
0x26a: {  	p3 =	por p3, p2;
	_ =	swait.ge @!p2 [sflag:s12], $0x4000  }
0x26b: {  	[sflag:s12] =	ssyncset.done @!p2 $0x0  }
0x26c: {  	[sflag:s12] =	ssyncadd.s32 @!p2 $0xFFFFC000  }
0x26d: {  	v5 =	vld @!p2 [tilespmem:s7+$0x0];
	_ =	sdelay $0x4  }
0x26e: {  	[tilespmem:$0xC200] =	vst @!p2 v5  }
0x26f: {  	v5 =	vld @!p2 [tilespmem:s7+$0x10];
	_ =	sdelay $0x4  }
0x270: {  	[tilespmem:$0xC210] =	vst @!p2 v5  }
0x271: {  	v5 =	vld @!p2 [tilespmem:s7+$0x20];
	_ =	sdelay $0x4  }
0x272: {  	[tilespmem:$0xC220] =	vst @!p2 v5  }
0x273: {  	v5 =	vld @!p2 [tilespmem:s7+$0x30];
	_ =	sdelay $0x4  }
0x274: {  	[tilespmem:$0xC230] =	vst @!p2 v5  }
0x275: {  	v5 =	vld @!p2 [tilespmem:s7+$0x40];
	_ =	sdelay $0x4  }
0x276: {  	[tilespmem:$0xC240] =	vst @!p2 v5  }
0x277: {  	v5 =	vld @!p2 [tilespmem:s7+$0x50];
	_ =	sdelay $0x4  }
0x278: {  	[tilespmem:$0xC250] =	vst @!p2 v5  }
0x279: {  	v5 =	vld @!p2 [tilespmem:s7+$0x60];
	_ =	sdelay $0x4  }
0x27a: {  	[tilespmem:$0xC260] =	vst @!p2 v5  }
0x27b: {  	v5 =	vld @!p2 [tilespmem:s7+$0x70];
	_ =	sdelay $0x3  }
0x27c: {  	s12 =	simm.s32 @!p2 $0x2  }
0x27d: {  	[tilespmem:$0xC270] =	vst @!p2 v5  }
0x27e: {  	_ =	swait.ge @!p2 [sflag:s12], $0x4000  }
0x27f: {  	s14 =	simm.s32 @!p3 $0x4200;
	s13 =	simm.s32 @!p3 $0x80;
	[sflag:s12] =	ssyncset.done @!p2 $0x0  }
.Ltmp17:
0x280: {  	[sflag:s12] =	ssyncadd.s32 @!p2 $0xFFFFC000;
	(pc) =	sbr.rel @p1 .LBB2_25-.Ltmp17, $4  }
0x281: {  	[tilespmem:s14], [sflag:$0x1] =	stream.indirect.gather @!p3 [hbm4b:s1+s13], $0x80, s6, s13, $0xb8;
	[tilespmem:$0x1B2C0] =	vst v63  }
0x282: {  	s8 =	simm.s32 @p2 $0x4  }
0x283: {  	[spmem:s2] =	stream.indirect.scatter.add.f32 @!p2 [tilespmem:s9], [sflag:$0x3], $0x80, s11, s10, $0xb8;
	[tilespmem:$0x1B2C0] =	vst v63  }
0x284: {  	s7 =	sadd.s32 $0x100, s7;
	s6 =	sadd.s32 $0x100, s6;
	_ =	swait.ge [sflag:s8], $0x4000  }
.LBB2_26:
0x285: {  	[sflag:s8] =	ssyncset.done $0x0  }
0x286: {  	[sflag:s8] =	ssyncadd.s32 $0xFFFFC000  }
.LBB2_27:
0x287: {  	s0 =	simm.s32 $0x0;
	s6 =	rddreg [dreg:$0xb]  }
0x288: {  	[tilespmem:s22], [sflag:$0x3] =	stream.linear.gather [hbm4b:s6+s0], $0xFA0, $0x38;
	[tilespmem:$0x1B2C0] =	vst v63  }
0x289: {  	_ =	swait.ge [sflag:s21], $0xFA0  }
0x28a: {  	[sflag:s21] =	ssyncset.done $0x0  }
0x28b: {  	s30 =	rddreg [dreg:$0xc];
	[sflag:s21] =	ssyncadd.s32 $0xFFFFF060  }
0x28c: {  	[tilespmem:s23], [sflag:$0x3] =	stream.linear.gather [hbm4b:s30+s0], $0xFA0, $0x38;
	[tilespmem:$0x1B2C0] =	vst v63  }
0x28d: {  	_ =	swait.ge [sflag:s21], $0xFA0  }
0x28e: {  	[sflag:s21] =	ssyncset.done $0x0  }
0x28f: {  	s31 =	simm.s32 $0x0;
	[sflag:s21] =	ssyncadd.s32 $0xFFFFF060  }
0x290: {  	v5 =	vld [tilespmem:s31+$0x3200];
	_ =	sdelay $0x4  }
0x291: {  	v5 =	vsub.s32 v5, v0  }
0x292: {  	vm0 =	vlt.u32 v5, $0x1400  }
0x293: {  	v6 =	vsel vm0, $0x1, v2  }
0x294: {  	(xrf0) =	vadd.scan.msk.s32 $0xffff, v6;
	_ =	sdelay $0x5  }
0x295: {  	v7, _, _ =	vpop (xrf0)  }
0x296: {  	v6 =	vmov s0;
	v8 =	vxor.u32 $0x80000000, v7  }
0x297: {  	v6 =	vadd.s32 $0xFFFFFFFF, v6;
	(xrf0) =	vmax.scan.msk.u32 $0xffff, v8  }
0x298: {  	v6 =	vbroadcast v6, $0x0;
	_ =	sdelay $0x1  }
0x299: {  	v63 =	vld [tilespmem:s31+$0x2200];
	v6 =	vadd.s32 v7, v6;
	_ =	sdelay $0x2  }
0x29a: {  	v7, _, _ =	vpop (xrf0)  }
0x29b: {  	(v2sf) =	vpush v7, $0xF  }
0x29c: {  	[tilespmem:v6+s3+$0x0] =	vst.idx.msk vm0, v63  }
0x29d: {  	s7 =	simm.s32 $0x80;
	s6 =	simm.s32 $0x10;
	[tilespmem:v6+s24+$0x0] =	vst.idx.msk vm0, v5  }
.LBB2_28:
0x29e: {  	p1 =	sne.s32 s7, $0x3E40;
	v5 =	vld [tilespmem:s6+$0x3200];
	_ =	sdelay $0x4  }
0x29f: {  	v5 =	vsub.s32 v5, v0  }
0x2a0: {  	vm0 =	vlt.u32 v5, $0x1400  }
0x2a1: {  	v6 =	vsel vm0, $0x1, v2  }
0x2a2: {  	(xrf0) =	vadd.scan.msk.s32 $0xffff, v6;
	_ =	sdelay $0x3  }
0x2a3: {  	s8 =	spop (v2sf)  }
0x2a4: {  	s0 =	sadd.s32 s8, s0  }
0x2a5: {  	v6, _, _ =	vpop (xrf0);
	s0 =	sadd.s32 $0x80000000, s0  }
0x2a6: {  	v7 =	vmov s0;
	v8 =	vxor.u32 $0x80000000, v6  }
0x2a7: {  	v7 =	vadd.s32 $0xFFFFFFFF, v7;
	(xrf0) =	vmax.scan.msk.u32 $0xffff, v8  }
0x2a8: {  	v7 =	vbroadcast v7, $0x0;
	_ =	sdelay $0x1  }
0x2a9: {  	v8 =	vld [tilespmem:s6+$0x2200];
	v6 =	vadd.s32 v6, v7;
	_ =	sdelay $0x1  }
.Ltmp18:
0x2aa: {  	(pc) =	sbr.rel @p1 .LBB2_28-.Ltmp18, $4  }
0x2ab: {  	v7, _, _ =	vpop (xrf0)  }
0x2ac: {  	(v2sf) =	vpush v7, $0xF  }
0x2ad: {  	[tilespmem:v6+s3+$0x0] =	vst.idx.msk vm0, v8  }
0x2ae: {  	s6 =	sshra.s32 s7, $0x2;
	s7 =	sadd.s32 $0x40, s7;
	[tilespmem:v6+s24+$0x0] =	vst.idx.msk vm0, v5  }
0x2af: {  	v5 =	vld [tilespmem:s6+$0x3200];
	_ =	sdelay $0x4  }
0x2b0: {  	v5 =	vsub.s32 v5, v0  }
0x2b1: {  	vm0 =	vlt.u32 v5, $0x1400  }
0x2b2: {  	v6 =	vsel vm0, $0x1, v2  }
0x2b3: {  	(xrf0) =	vadd.scan.msk.s32 $0xffff, v6;
	_ =	sdelay $0x5  }
0x2b4: {  	v6, _, _ =	vpop (xrf0)  }
0x2b5: {  	v7 =	vxor.u32 $0x80000000, v6  }
0x2b6: {  	(xrf0) =	vmax.scan.msk.u32 $0xffff, v7;
	_ =	sdelay $0x5  }
0x2b7: {  	v7, _, _ =	vpop (xrf0)  }
0x2b8: {  	(v2sf) =	vpush v7, $0xF;
	_ =	sdelay $0x5  }
0x2b9: {  	s7 =	spop (v2sf)  }
0x2ba: {  	s0 =	sadd.s32 s7, s0  }
0x2bb: {  	s7 =	sadd.s32 $0x80000000, s0  }
0x2bc: {  	v7 =	vmov s7  }
0x2bd: {  	v7 =	vadd.s32 $0xFFFFFFFF, v7  }
0x2be: {  	v7 =	vbroadcast v7, $0x0;
	_ =	sdelay $0x1  }
0x2bf: {  	v8 =	vld [tilespmem:s6+$0x2200];
	v6 =	vadd.s32 v6, v7;
	_ =	sdelay $0x1  }
0x2c0: {  	s30 =	spop (v2sf)  }
0x2c1: {  	s0 =	sadd.s32 s7, s30  }
0x2c2: {  	s0 =	sadd.s32 $0x80000000, s0  }
0x2c3: {  	[tilespmem:v6+s3+$0x0] =	vst.idx.msk vm0, v8;
	s6 =	sadd.s32 s30, s7;
	s31 =	sadd.s32 $0x0, s0  }
0x2c4: {  	[tilespmem:v6+s24+$0x0] =	vst.idx.msk vm0, v5;
	s7 =	simm.s32 $0x10;
	s6 =	sadd.s32 $0x80000000, s6;
	v5 =	vadd.s32 s31, v3  }
.LBB2_30:
0x2c5: {  	p1 =	sne.s32 s7, $0xF0  }
.Ltmp19:
0x2c6: {  	_ = 	snop;
	(pc) =	sbr.rel @p1 .LBB2_30-.Ltmp19, $3  }
0x2c7: {  	_ =	sdelay $0x1  }
0x2c8: {  	s8 =	sadd.s32 s7, s0;
	[tilespmem:v5+s3+$0x0] =	vst.idx.msk $0xffff, v2  }
0x2c9: {  	s7 =	sadd.s32 $0x10, s7;
	[tilespmem:v5+s24+$0x0] =	vst.idx.msk $0xffff, v4;
	v5 =	vadd.s32 s8, v3  }
0x2ca: {  	s0 =	sadd.s32 $0x7F, s6  }
0x2cb: {  	s6 =	sand.u32 $0x7F, s0  }
0x2cc: {  	s31 =	sshra.s32 s0, $0x1F;
	p2 =	slt.s32 s0, $0x1;
	p1 =	sne.s32 s6, $0x0  }
0x2cd: {  	s6 =	sshrl.u32 s31, $0x19;
	p1 =	por !p2, !p1  }
0x2ce: {  	s0 =	sadd.s32 s6, s0;
	s6 =	simm.s32 $0x1;
	p1 =	por !p1, !p1  }
0x2cf: {  	s0 =	sshra.s32 s0, $0x7;
	s6 =	simm.s32 @!p1 $0x0  }
0x2d0: {  	s30 =	ssub.s32 s0, s6  }
0x2d1: {  	p1 =	slt.s32 s30, $0x1  }
.Ltmp20:
0x2d2: {  	_ = 	snop;
	(pc) =	sbr.rel @p1 .LBB2_35-.Ltmp20, $3  }
0x2d3: {  	_ =	sdelay $0x1  }
0x2d4: {  	[tilespmem:v5+s3+$0x0] =	vst.idx.msk $0xffff, v2  }
0x2d5: {  	[tilespmem:v5+s24+$0x0] =	vst.idx.msk $0xffff, v4  }
0x2d6: {  	[tilespmem:s28], [sflag:$0x1] =	stream.indirect.gather [hbm4b:s1+s26], $0x80, s3, s26, $0xb8;
	[tilespmem:$0x1B2C0] =	vst v63  }
0x2d7: {  	s0 =	simm.s32 $0x1180  }
0x2d8: {  	v5 =	vld [tilespmem:s0+$0xFFFFFF80];
	_ =	sdelay $0x4  }
0x2d9: {  	[tilespmem:$0xC200] =	vst v5  }
0x2da: {  	v5 =	vld [tilespmem:s0+$0xFFFFFF90];
	_ =	sdelay $0x4  }
0x2db: {  	[tilespmem:$0xC210] =	vst v5  }
0x2dc: {  	v5 =	vld [tilespmem:s0+$0xFFFFFFA0];
	_ =	sdelay $0x4  }
0x2dd: {  	[tilespmem:$0xC220] =	vst v5  }
0x2de: {  	v5 =	vld [tilespmem:s0+$0xFFFFFFB0];
	_ =	sdelay $0x4  }
0x2df: {  	[tilespmem:$0xC230] =	vst v5  }
0x2e0: {  	v5 =	vld [tilespmem:s0+$0xFFFFFFC0];
	_ =	sdelay $0x4  }
0x2e1: {  	[tilespmem:$0xC240] =	vst v5  }
0x2e2: {  	v5 =	vld [tilespmem:s0+$0xFFFFFFD0];
	_ =	sdelay $0x4  }
0x2e3: {  	[tilespmem:$0xC250] =	vst v5  }
0x2e4: {  	v5 =	vld [tilespmem:s0+$0xFFFFFFE0];
	_ =	sdelay $0x4  }
0x2e5: {  	[tilespmem:$0xC260] =	vst v5  }
0x2e6: {  	v5 =	vld [tilespmem:s0+$0xFFFFFFF0];
	_ =	sdelay $0x4  }
0x2e7: {  	[tilespmem:$0xC270] =	vst v5  }
0x2e8: {  	p1 =	sle.s32 s30, $0x1;
	_ =	swait.ge [sflag:s25], $0x4000  }
0x2e9: {  	s6 =	simm.s32 @p1 $0x80;
	[sflag:s25] =	ssyncset.done $0x0  }
0x2ea: {  	s7 =	simm.s32 @p1 $0xC200;
	s8 =	simm.s32 @p1 $0x4200;
	[sflag:s25] =	ssyncadd.s32 $0xFFFFC000  }
0x2eb: {  	[spmem:s2] =	stream.indirect.scatter.add.f32 @p1 [tilespmem:s8], [sflag:$0x4], $0x80, s7, s6, $0xb8;
	[tilespmem:$0x1B2C0] =	vst v63  }
0x2ec: {  	s9 =	simm.s32 @!p1 $0x80;
	s6 =	simm.s32 @!p1 $0x8200;
	s7 =	simm.s32 @!p1 $0x80  }
0x2ed: {  	[tilespmem:s6], [sflag:$0x2] =	stream.indirect.gather @!p1 [hbm4b:s1+s9], $0x80, s7, s9, $0xb8;
	[tilespmem:$0x1B2C0] =	vst v63  }
0x2ee: {  	s10 =	simm.s32 @!p1 $0x4;
	s8 =	simm.s32 @!p1 $0x4200;
	s7 =	simm.s32 @!p1 $0xC200  }
0x2ef: {  	[spmem:s2] =	stream.indirect.scatter.add.f32 @!p1 [tilespmem:s8], [sflag:$0x4], $0x80, s7, s9, $0xb8;
	[tilespmem:$0x1B2C0] =	vst v63  }
0x2f0: {  	_ =	swait.ge @!p1 [sflag:s10], $0x4000  }
0x2f1: {  	[sflag:s10] =	ssyncset.done @!p1 $0x0  }
0x2f2: {  	[sflag:s10] =	ssyncadd.s32 @!p1 $0xFFFFC000  }
0x2f3: {  	v5 =	vld @!p1 [tilespmem:s0+$0x0];
	_ =	sdelay $0x4  }
0x2f4: {  	[tilespmem:$0xC200] =	vst @!p1 v5  }
0x2f5: {  	v5 =	vld @!p1 [tilespmem:s0+$0x10];
	_ =	sdelay $0x4  }
0x2f6: {  	[tilespmem:$0xC210] =	vst @!p1 v5  }
0x2f7: {  	v5 =	vld @!p1 [tilespmem:s0+$0x20];
	_ =	sdelay $0x4  }
0x2f8: {  	[tilespmem:$0xC220] =	vst @!p1 v5  }
0x2f9: {  	v5 =	vld @!p1 [tilespmem:s0+$0x30];
	_ =	sdelay $0x4  }
0x2fa: {  	[tilespmem:$0xC230] =	vst @!p1 v5  }
0x2fb: {  	v5 =	vld @!p1 [tilespmem:s0+$0x40];
	_ =	sdelay $0x4  }
0x2fc: {  	[tilespmem:$0xC240] =	vst @!p1 v5  }
0x2fd: {  	v5 =	vld @!p1 [tilespmem:s0+$0x50];
	_ =	sdelay $0x4  }
0x2fe: {  	[tilespmem:$0xC250] =	vst @!p1 v5  }
0x2ff: {  	v5 =	vld @!p1 [tilespmem:s0+$0x60];
	_ =	sdelay $0x4  }
0x300: {  	[tilespmem:$0xC260] =	vst @!p1 v5  }
0x301: {  	v5 =	vld @!p1 [tilespmem:s0+$0x70];
	_ =	sdelay $0x3  }
0x302: {  	p2 =	sle.s32 @!p1 s30, $0x2  }
0x303: {  	p2 =	por p2, p1;
	s8 =	simm.s32 @!p1 $0x2;
	[tilespmem:$0xC270] =	vst @!p1 v5  }
0x304: {  	s14 =	sadd.s32 $0x1, s30;
	s11 =	simm.s32 @!p2 $0x80;
	_ =	swait.ge @!p1 [sflag:s8], $0x4000  }
0x305: {  	s12 =	simm.s32 @!p2 $0x4200;
	s0 =	sshrl.u32 s14, $0x1;
	[sflag:s8] =	ssyncset.done @!p1 $0x0  }
0x306: {  	s10 =	simm.s32 $0x100;
	s31 =	sadd.s32 $0xFFFFFFFF, s0;
	[sflag:s8] =	ssyncadd.s32 @!p1 $0xFFFFC000  }
0x307: {  	[tilespmem:s12], [sflag:$0x1] =	stream.indirect.gather @!p2 [hbm4b:s1+s11], $0x80, s10, s11, $0xb8;
	[tilespmem:$0x1B2C0] =	vst v63  }
0x308: {  	p2 =	sne.s32 s31, $0x0  }
.Ltmp21:
0x309: {  	_ = 	snop;
	(pc) =	sbr.rel @!p2 .LBB2_34-.Ltmp21, $4  }
0x30a: {  	s8 =	simm.s32 @!p1 $0x3  }
0x30b: {  	s0 =	simm.s32 $0x2;
	s8 =	simm.s32 @p1 $0x4  }
0x30c: {  	[spmem:s2] =	stream.indirect.scatter.add.f32 @!p1 [tilespmem:s6], [sflag:$0x3], $0x80, s7, s9, $0xb8;
	[tilespmem:$0x1B2C0] =	vst v63  }
0x30d: {  	s6 =	simm.s32 $0x200;
	s7 =	simm.s32 $0x1280;
	_ =	swait.ge [sflag:s8], $0x4000  }
.LBB2_33:
0x30e: {  	s31 =	sadd.s32 $0xFFFFFFFF, s31;
	[sflag:s8] =	ssyncset.done $0x0;
	s0 =	sadd.s32 $0x2, s0  }
0x30f: {  	p1 =	sne.s32 s31, $0x0;
	[sflag:s8] =	ssyncadd.s32 $0xFFFFC000  }
0x310: {  	v5 =	vld [tilespmem:s7+$0xFFFFFF80];
	_ =	sdelay $0x4  }
0x311: {  	[tilespmem:$0xC200] =	vst v5  }
0x312: {  	v5 =	vld [tilespmem:s7+$0xFFFFFF90];
	_ =	sdelay $0x4  }
0x313: {  	[tilespmem:$0xC210] =	vst v5  }
0x314: {  	v5 =	vld [tilespmem:s7+$0xFFFFFFA0];
	_ =	sdelay $0x4  }
0x315: {  	[tilespmem:$0xC220] =	vst v5  }
0x316: {  	v5 =	vld [tilespmem:s7+$0xFFFFFFB0];
	_ =	sdelay $0x4  }
0x317: {  	[tilespmem:$0xC230] =	vst v5  }
0x318: {  	v5 =	vld [tilespmem:s7+$0xFFFFFFC0];
	_ =	sdelay $0x4  }
0x319: {  	[tilespmem:$0xC240] =	vst v5  }
0x31a: {  	v5 =	vld [tilespmem:s7+$0xFFFFFFD0];
	_ =	sdelay $0x4  }
0x31b: {  	[tilespmem:$0xC250] =	vst v5  }
0x31c: {  	v5 =	vld [tilespmem:s7+$0xFFFFFFE0];
	_ =	sdelay $0x4  }
0x31d: {  	[tilespmem:$0xC260] =	vst v5  }
0x31e: {  	v5 =	vld [tilespmem:s7+$0xFFFFFFF0];
	_ =	sdelay $0x4  }
0x31f: {  	[tilespmem:$0xC270] =	vst v5  }
0x320: {  	s8 =	sadd.s32 $0xFFFFFFFF, s0;
	_ =	swait.ge [sflag:s25], $0x4000  }
0x321: {  	p2 =	sge.s32 s8, s30;
	[sflag:s25] =	ssyncset.done $0x0  }
0x322: {  	s8 =	simm.s32 @p2 $0x80;
	s9 =	simm.s32 @!p2 $0x8200;
	[sflag:s25] =	ssyncadd.s32 $0xFFFFC000  }
0x323: {  	s10 =	simm.s32 @p2 $0xC200;
	s11 =	simm.s32 @p2 $0x4200;
	s12 =	sadd.s32 @!p2 $0xFFFFFF80, s6  }
0x324: {  	[spmem:s2] =	stream.indirect.scatter.add.f32 @p2 [tilespmem:s11], [sflag:$0x4], $0x80, s10, s8, $0xb8;
	[tilespmem:$0x1B2C0] =	vst v63  }
0x325: {  	s13 =	simm.s32 @!p2 $0x4200;
	s10 =	simm.s32 @!p2 $0x80;
	s11 =	simm.s32 @!p2 $0xC200  }
0x326: {  	[tilespmem:s9], [sflag:$0x2] =	stream.indirect.gather @!p2 [hbm4b:s1+s10], $0x80, s12, s10, $0xb8;
	[tilespmem:$0x1B2C0] =	vst v63  }
0x327: {  	p3 =	sge.s32 @!p2 s0, s30;
	s8 =	simm.s32 @!p2 $0x3;
	s12 =	simm.s32 @!p2 $0x4  }
0x328: {  	[spmem:s2] =	stream.indirect.scatter.add.f32 @!p2 [tilespmem:s13], [sflag:$0x4], $0x80, s11, s10, $0xb8;
	[tilespmem:$0x1B2C0] =	vst v63  }
0x329: {  	p3 =	por p3, p2;
	_ =	swait.ge @!p2 [sflag:s12], $0x4000  }
0x32a: {  	[sflag:s12] =	ssyncset.done @!p2 $0x0  }
0x32b: {  	[sflag:s12] =	ssyncadd.s32 @!p2 $0xFFFFC000  }
0x32c: {  	v5 =	vld @!p2 [tilespmem:s7+$0x0];
	_ =	sdelay $0x4  }
0x32d: {  	[tilespmem:$0xC200] =	vst @!p2 v5  }
0x32e: {  	v5 =	vld @!p2 [tilespmem:s7+$0x10];
	_ =	sdelay $0x4  }
0x32f: {  	[tilespmem:$0xC210] =	vst @!p2 v5  }
0x330: {  	v5 =	vld @!p2 [tilespmem:s7+$0x20];
	_ =	sdelay $0x4  }
0x331: {  	[tilespmem:$0xC220] =	vst @!p2 v5  }
0x332: {  	v5 =	vld @!p2 [tilespmem:s7+$0x30];
	_ =	sdelay $0x4  }
0x333: {  	[tilespmem:$0xC230] =	vst @!p2 v5  }
0x334: {  	v5 =	vld @!p2 [tilespmem:s7+$0x40];
	_ =	sdelay $0x4  }
0x335: {  	[tilespmem:$0xC240] =	vst @!p2 v5  }
0x336: {  	v5 =	vld @!p2 [tilespmem:s7+$0x50];
	_ =	sdelay $0x4  }
0x337: {  	[tilespmem:$0xC250] =	vst @!p2 v5  }
0x338: {  	v5 =	vld @!p2 [tilespmem:s7+$0x60];
	_ =	sdelay $0x4  }
0x339: {  	[tilespmem:$0xC260] =	vst @!p2 v5  }
0x33a: {  	v5 =	vld @!p2 [tilespmem:s7+$0x70];
	_ =	sdelay $0x3  }
0x33b: {  	s12 =	simm.s32 @!p2 $0x2  }
0x33c: {  	[tilespmem:$0xC270] =	vst @!p2 v5  }
0x33d: {  	_ =	swait.ge @!p2 [sflag:s12], $0x4000  }
0x33e: {  	s14 =	simm.s32 @!p3 $0x4200;
	s13 =	simm.s32 @!p3 $0x80;
	[sflag:s12] =	ssyncset.done @!p2 $0x0  }
.Ltmp22:
0x33f: {  	[sflag:s12] =	ssyncadd.s32 @!p2 $0xFFFFC000;
	(pc) =	sbr.rel @p1 .LBB2_33-.Ltmp22, $4  }
0x340: {  	[tilespmem:s14], [sflag:$0x1] =	stream.indirect.gather @!p3 [hbm4b:s1+s13], $0x80, s6, s13, $0xb8;
	[tilespmem:$0x1B2C0] =	vst v63  }
0x341: {  	s8 =	simm.s32 @p2 $0x4  }
0x342: {  	[spmem:s2] =	stream.indirect.scatter.add.f32 @!p2 [tilespmem:s9], [sflag:$0x3], $0x80, s11, s10, $0xb8;
	[tilespmem:$0x1B2C0] =	vst v63  }
0x343: {  	s7 =	sadd.s32 $0x100, s7;
	s6 =	sadd.s32 $0x100, s6;
	_ =	swait.ge [sflag:s8], $0x4000  }
.LBB2_34:
0x344: {  	[sflag:s8] =	ssyncset.done $0x0  }
0x345: {  	[sflag:s8] =	ssyncadd.s32 $0xFFFFC000  }
.LBB2_35:
0x346: {  	s0 =	simm.s32 $0x0  }
0x347: {  	[tilespmem:s22], [sflag:$0x3] =	stream.linear.gather [hbm4b:s15+s0], $0xFA0, $0x38;
	[tilespmem:$0x1B2C0] =	vst v63  }
0x348: {  	_ =	swait.ge [sflag:s21], $0xFA0  }
0x349: {  	[sflag:s21] =	ssyncset.done $0x0  }
0x34a: {  	[sflag:s21] =	ssyncadd.s32 $0xFFFFF060  }
0x34b: {  	[tilespmem:s23], [sflag:$0x3] =	stream.linear.gather [hbm4b:s16+s0], $0xFA0, $0x38;
	[tilespmem:$0x1B2C0] =	vst v63  }
0x34c: {  	_ =	swait.ge [sflag:s21], $0xFA0  }
0x34d: {  	[sflag:s21] =	ssyncset.done $0x0  }
0x34e: {  	s6 =	simm.s32 $0x0;
	[sflag:s21] =	ssyncadd.s32 $0xFFFFF060  }
0x34f: {  	v5 =	vld [tilespmem:s6+$0x3200];
	_ =	sdelay $0x4  }
0x350: {  	v5 =	vsub.s32 v5, v0  }
0x351: {  	vm0 =	vlt.u32 v5, $0x1400  }
0x352: {  	v6 =	vsel vm0, $0x1, v2  }
0x353: {  	(xrf0) =	vadd.scan.msk.s32 $0xffff, v6;
	_ =	sdelay $0x5  }
0x354: {  	v7, _, _ =	vpop (xrf0)  }
0x355: {  	v6 =	vmov s0;
	v8 =	vxor.u32 $0x80000000, v7  }
0x356: {  	v6 =	vadd.s32 $0xFFFFFFFF, v6;
	(xrf0) =	vmax.scan.msk.u32 $0xffff, v8  }
0x357: {  	v6 =	vbroadcast v6, $0x0;
	_ =	sdelay $0x1  }
0x358: {  	v63 =	vld [tilespmem:s6+$0x2200];
	v6 =	vadd.s32 v7, v6;
	_ =	sdelay $0x2  }
0x359: {  	v7, _, _ =	vpop (xrf0)  }
0x35a: {  	(v2sf) =	vpush v7, $0xF  }
0x35b: {  	[tilespmem:v6+s3+$0x0] =	vst.idx.msk vm0, v63  }
0x35c: {  	s7 =	simm.s32 $0x80;
	s6 =	simm.s32 $0x10;
	[tilespmem:v6+s24+$0x0] =	vst.idx.msk vm0, v5  }
.LBB2_36:
0x35d: {  	p1 =	sne.s32 s7, $0x3E40;
	v5 =	vld [tilespmem:s6+$0x3200];
	_ =	sdelay $0x4  }
0x35e: {  	v5 =	vsub.s32 v5, v0  }
0x35f: {  	vm0 =	vlt.u32 v5, $0x1400  }
0x360: {  	v6 =	vsel vm0, $0x1, v2  }
0x361: {  	(xrf0) =	vadd.scan.msk.s32 $0xffff, v6;
	_ =	sdelay $0x3  }
0x362: {  	s8 =	spop (v2sf)  }
0x363: {  	s0 =	sadd.s32 s8, s0  }
0x364: {  	v6, _, _ =	vpop (xrf0);
	s0 =	sadd.s32 $0x80000000, s0  }
0x365: {  	v7 =	vmov s0;
	v8 =	vxor.u32 $0x80000000, v6  }
0x366: {  	v7 =	vadd.s32 $0xFFFFFFFF, v7;
	(xrf0) =	vmax.scan.msk.u32 $0xffff, v8  }
0x367: {  	v7 =	vbroadcast v7, $0x0;
	_ =	sdelay $0x1  }
0x368: {  	v8 =	vld [tilespmem:s6+$0x2200];
	v6 =	vadd.s32 v6, v7;
	_ =	sdelay $0x1  }
.Ltmp23:
0x369: {  	(pc) =	sbr.rel @p1 .LBB2_36-.Ltmp23, $4  }
0x36a: {  	v7, _, _ =	vpop (xrf0)  }
0x36b: {  	(v2sf) =	vpush v7, $0xF  }
0x36c: {  	[tilespmem:v6+s3+$0x0] =	vst.idx.msk vm0, v8  }
0x36d: {  	s6 =	sshra.s32 s7, $0x2;
	s7 =	sadd.s32 $0x40, s7;
	[tilespmem:v6+s24+$0x0] =	vst.idx.msk vm0, v5  }
0x36e: {  	v5 =	vld [tilespmem:s6+$0x3200];
	_ =	sdelay $0x4  }
0x36f: {  	v5 =	vsub.s32 v5, v0  }
0x370: {  	vm0 =	vlt.u32 v5, $0x1400  }
0x371: {  	v6 =	vsel vm0, $0x1, v2  }
0x372: {  	(xrf0) =	vadd.scan.msk.s32 $0xffff, v6;
	_ =	sdelay $0x5  }
0x373: {  	v6, _, _ =	vpop (xrf0)  }
0x374: {  	v7 =	vxor.u32 $0x80000000, v6  }
0x375: {  	(xrf0) =	vmax.scan.msk.u32 $0xffff, v7;
	_ =	sdelay $0x5  }
0x376: {  	v7, _, _ =	vpop (xrf0)  }
0x377: {  	(v2sf) =	vpush v7, $0xF;
	_ =	sdelay $0x5  }
0x378: {  	s7 =	spop (v2sf)  }
0x379: {  	s0 =	sadd.s32 s7, s0  }
0x37a: {  	s7 =	sadd.s32 $0x80000000, s0  }
0x37b: {  	v7 =	vmov s7  }
0x37c: {  	v7 =	vadd.s32 $0xFFFFFFFF, v7  }
0x37d: {  	v7 =	vbroadcast v7, $0x0;
	_ =	sdelay $0x1  }
0x37e: {  	v8 =	vld [tilespmem:s6+$0x2200];
	v6 =	vadd.s32 v6, v7;
	_ =	sdelay $0x1  }
0x37f: {  	s30 =	spop (v2sf)  }
0x380: {  	s0 =	sadd.s32 s7, s30  }
0x381: {  	s0 =	sadd.s32 $0x80000000, s0  }
0x382: {  	[tilespmem:v6+s3+$0x0] =	vst.idx.msk vm0, v8;
	s6 =	sadd.s32 s30, s7;
	s31 =	sadd.s32 $0x0, s0  }
0x383: {  	[tilespmem:v6+s24+$0x0] =	vst.idx.msk vm0, v5;
	s7 =	simm.s32 $0x10;
	s6 =	sadd.s32 $0x80000000, s6;
	v5 =	vadd.s32 s31, v3  }
.LBB2_38:
0x384: {  	p1 =	sne.s32 s7, $0xF0  }
.Ltmp24:
0x385: {  	_ = 	snop;
	(pc) =	sbr.rel @p1 .LBB2_38-.Ltmp24, $3  }
0x386: {  	_ =	sdelay $0x1  }
0x387: {  	s8 =	sadd.s32 s7, s0;
	[tilespmem:v5+s3+$0x0] =	vst.idx.msk $0xffff, v2  }
0x388: {  	s7 =	sadd.s32 $0x10, s7;
	[tilespmem:v5+s24+$0x0] =	vst.idx.msk $0xffff, v4;
	v5 =	vadd.s32 s8, v3  }
0x389: {  	s0 =	sadd.s32 $0x7F, s6  }
0x38a: {  	s6 =	sand.u32 $0x7F, s0  }
0x38b: {  	s31 =	sshra.s32 s0, $0x1F;
	p2 =	slt.s32 s0, $0x1;
	p1 =	sne.s32 s6, $0x0  }
0x38c: {  	s6 =	sshrl.u32 s31, $0x19;
	p1 =	por !p2, !p1  }
0x38d: {  	s0 =	sadd.s32 s6, s0;
	s6 =	simm.s32 $0x1;
	p1 =	por !p1, !p1  }
0x38e: {  	s0 =	sshra.s32 s0, $0x7;
	s6 =	simm.s32 @!p1 $0x0  }
0x38f: {  	s30 =	ssub.s32 s0, s6  }
0x390: {  	p1 =	slt.s32 s30, $0x1  }
.Ltmp25:
0x391: {  	_ = 	snop;
	(pc) =	sbr.rel @p1 .LBB2_43-.Ltmp25, $3  }
0x392: {  	_ =	sdelay $0x1  }
0x393: {  	[tilespmem:v5+s3+$0x0] =	vst.idx.msk $0xffff, v2  }
0x394: {  	[tilespmem:v5+s24+$0x0] =	vst.idx.msk $0xffff, v4  }
0x395: {  	[tilespmem:s28], [sflag:$0x1] =	stream.indirect.gather [hbm4b:s1+s26], $0x80, s3, s26, $0xb8;
	[tilespmem:$0x1B2C0] =	vst v63  }
0x396: {  	s0 =	simm.s32 $0x1180  }
0x397: {  	v5 =	vld [tilespmem:s0+$0xFFFFFF80];
	_ =	sdelay $0x4  }
0x398: {  	[tilespmem:$0xC200] =	vst v5  }
0x399: {  	v5 =	vld [tilespmem:s0+$0xFFFFFF90];
	_ =	sdelay $0x4  }
0x39a: {  	[tilespmem:$0xC210] =	vst v5  }
0x39b: {  	v5 =	vld [tilespmem:s0+$0xFFFFFFA0];
	_ =	sdelay $0x4  }
0x39c: {  	[tilespmem:$0xC220] =	vst v5  }
0x39d: {  	v5 =	vld [tilespmem:s0+$0xFFFFFFB0];
	_ =	sdelay $0x4  }
0x39e: {  	[tilespmem:$0xC230] =	vst v5  }
0x39f: {  	v5 =	vld [tilespmem:s0+$0xFFFFFFC0];
	_ =	sdelay $0x4  }
0x3a0: {  	[tilespmem:$0xC240] =	vst v5  }
0x3a1: {  	v5 =	vld [tilespmem:s0+$0xFFFFFFD0];
	_ =	sdelay $0x4  }
0x3a2: {  	[tilespmem:$0xC250] =	vst v5  }
0x3a3: {  	v5 =	vld [tilespmem:s0+$0xFFFFFFE0];
	_ =	sdelay $0x4  }
0x3a4: {  	[tilespmem:$0xC260] =	vst v5  }
0x3a5: {  	v5 =	vld [tilespmem:s0+$0xFFFFFFF0];
	_ =	sdelay $0x4  }
0x3a6: {  	[tilespmem:$0xC270] =	vst v5  }
0x3a7: {  	p1 =	sle.s32 s30, $0x1;
	_ =	swait.ge [sflag:s25], $0x4000  }
0x3a8: {  	s6 =	simm.s32 @p1 $0x80;
	[sflag:s25] =	ssyncset.done $0x0  }
0x3a9: {  	s7 =	simm.s32 @p1 $0xC200;
	s8 =	simm.s32 @p1 $0x4200;
	[sflag:s25] =	ssyncadd.s32 $0xFFFFC000  }
0x3aa: {  	[spmem:s2] =	stream.indirect.scatter.add.f32 @p1 [tilespmem:s8], [sflag:$0x4], $0x80, s7, s6, $0xb8;
	[tilespmem:$0x1B2C0] =	vst v63  }
0x3ab: {  	s9 =	simm.s32 @!p1 $0x80;
	s6 =	simm.s32 @!p1 $0x8200;
	s7 =	simm.s32 @!p1 $0x80  }
0x3ac: {  	[tilespmem:s6], [sflag:$0x2] =	stream.indirect.gather @!p1 [hbm4b:s1+s9], $0x80, s7, s9, $0xb8;
	[tilespmem:$0x1B2C0] =	vst v63  }
0x3ad: {  	s10 =	simm.s32 @!p1 $0x4;
	s8 =	simm.s32 @!p1 $0x4200;
	s7 =	simm.s32 @!p1 $0xC200  }
0x3ae: {  	[spmem:s2] =	stream.indirect.scatter.add.f32 @!p1 [tilespmem:s8], [sflag:$0x4], $0x80, s7, s9, $0xb8;
	[tilespmem:$0x1B2C0] =	vst v63  }
0x3af: {  	_ =	swait.ge @!p1 [sflag:s10], $0x4000  }
0x3b0: {  	[sflag:s10] =	ssyncset.done @!p1 $0x0  }
0x3b1: {  	[sflag:s10] =	ssyncadd.s32 @!p1 $0xFFFFC000  }
0x3b2: {  	v5 =	vld @!p1 [tilespmem:s0+$0x0];
	_ =	sdelay $0x4  }
0x3b3: {  	[tilespmem:$0xC200] =	vst @!p1 v5  }
0x3b4: {  	v5 =	vld @!p1 [tilespmem:s0+$0x10];
	_ =	sdelay $0x4  }
0x3b5: {  	[tilespmem:$0xC210] =	vst @!p1 v5  }
0x3b6: {  	v5 =	vld @!p1 [tilespmem:s0+$0x20];
	_ =	sdelay $0x4  }
0x3b7: {  	[tilespmem:$0xC220] =	vst @!p1 v5  }
0x3b8: {  	v5 =	vld @!p1 [tilespmem:s0+$0x30];
	_ =	sdelay $0x4  }
0x3b9: {  	[tilespmem:$0xC230] =	vst @!p1 v5  }
0x3ba: {  	v5 =	vld @!p1 [tilespmem:s0+$0x40];
	_ =	sdelay $0x4  }
0x3bb: {  	[tilespmem:$0xC240] =	vst @!p1 v5  }
0x3bc: {  	v5 =	vld @!p1 [tilespmem:s0+$0x50];
	_ =	sdelay $0x4  }
0x3bd: {  	[tilespmem:$0xC250] =	vst @!p1 v5  }
0x3be: {  	v5 =	vld @!p1 [tilespmem:s0+$0x60];
	_ =	sdelay $0x4  }
0x3bf: {  	[tilespmem:$0xC260] =	vst @!p1 v5  }
0x3c0: {  	v5 =	vld @!p1 [tilespmem:s0+$0x70];
	_ =	sdelay $0x3  }
0x3c1: {  	p2 =	sle.s32 @!p1 s30, $0x2  }
0x3c2: {  	p2 =	por p2, p1;
	s8 =	simm.s32 @!p1 $0x2;
	[tilespmem:$0xC270] =	vst @!p1 v5  }
0x3c3: {  	s14 =	sadd.s32 $0x1, s30;
	s11 =	simm.s32 @!p2 $0x80;
	_ =	swait.ge @!p1 [sflag:s8], $0x4000  }
0x3c4: {  	s12 =	simm.s32 @!p2 $0x4200;
	s0 =	sshrl.u32 s14, $0x1;
	[sflag:s8] =	ssyncset.done @!p1 $0x0  }
0x3c5: {  	s10 =	simm.s32 $0x100;
	s31 =	sadd.s32 $0xFFFFFFFF, s0;
	[sflag:s8] =	ssyncadd.s32 @!p1 $0xFFFFC000  }
0x3c6: {  	[tilespmem:s12], [sflag:$0x1] =	stream.indirect.gather @!p2 [hbm4b:s1+s11], $0x80, s10, s11, $0xb8;
	[tilespmem:$0x1B2C0] =	vst v63  }
0x3c7: {  	p2 =	sne.s32 s31, $0x0  }
.Ltmp26:
0x3c8: {  	_ = 	snop;
	(pc) =	sbr.rel @!p2 .LBB2_42-.Ltmp26, $4  }
0x3c9: {  	s8 =	simm.s32 @!p1 $0x3  }
0x3ca: {  	s0 =	simm.s32 $0x2;
	s8 =	simm.s32 @p1 $0x4  }
0x3cb: {  	[spmem:s2] =	stream.indirect.scatter.add.f32 @!p1 [tilespmem:s6], [sflag:$0x3], $0x80, s7, s9, $0xb8;
	[tilespmem:$0x1B2C0] =	vst v63  }
0x3cc: {  	s6 =	simm.s32 $0x200;
	s7 =	simm.s32 $0x1280;
	_ =	swait.ge [sflag:s8], $0x4000  }
.LBB2_41:
0x3cd: {  	s31 =	sadd.s32 $0xFFFFFFFF, s31;
	[sflag:s8] =	ssyncset.done $0x0;
	s0 =	sadd.s32 $0x2, s0  }
0x3ce: {  	p1 =	sne.s32 s31, $0x0;
	[sflag:s8] =	ssyncadd.s32 $0xFFFFC000  }
0x3cf: {  	v5 =	vld [tilespmem:s7+$0xFFFFFF80];
	_ =	sdelay $0x4  }
0x3d0: {  	[tilespmem:$0xC200] =	vst v5  }
0x3d1: {  	v5 =	vld [tilespmem:s7+$0xFFFFFF90];
	_ =	sdelay $0x4  }
0x3d2: {  	[tilespmem:$0xC210] =	vst v5  }
0x3d3: {  	v5 =	vld [tilespmem:s7+$0xFFFFFFA0];
	_ =	sdelay $0x4  }
0x3d4: {  	[tilespmem:$0xC220] =	vst v5  }
0x3d5: {  	v5 =	vld [tilespmem:s7+$0xFFFFFFB0];
	_ =	sdelay $0x4  }
0x3d6: {  	[tilespmem:$0xC230] =	vst v5  }
0x3d7: {  	v5 =	vld [tilespmem:s7+$0xFFFFFFC0];
	_ =	sdelay $0x4  }
0x3d8: {  	[tilespmem:$0xC240] =	vst v5  }
0x3d9: {  	v5 =	vld [tilespmem:s7+$0xFFFFFFD0];
	_ =	sdelay $0x4  }
0x3da: {  	[tilespmem:$0xC250] =	vst v5  }
0x3db: {  	v5 =	vld [tilespmem:s7+$0xFFFFFFE0];
	_ =	sdelay $0x4  }
0x3dc: {  	[tilespmem:$0xC260] =	vst v5  }
0x3dd: {  	v5 =	vld [tilespmem:s7+$0xFFFFFFF0];
	_ =	sdelay $0x4  }
0x3de: {  	[tilespmem:$0xC270] =	vst v5  }
0x3df: {  	s8 =	sadd.s32 $0xFFFFFFFF, s0;
	_ =	swait.ge [sflag:s25], $0x4000  }
0x3e0: {  	p2 =	sge.s32 s8, s30;
	[sflag:s25] =	ssyncset.done $0x0  }
0x3e1: {  	s8 =	simm.s32 @p2 $0x80;
	s9 =	simm.s32 @!p2 $0x8200;
	[sflag:s25] =	ssyncadd.s32 $0xFFFFC000  }
0x3e2: {  	s10 =	simm.s32 @p2 $0xC200;
	s11 =	simm.s32 @p2 $0x4200;
	s12 =	sadd.s32 @!p2 $0xFFFFFF80, s6  }
0x3e3: {  	[spmem:s2] =	stream.indirect.scatter.add.f32 @p2 [tilespmem:s11], [sflag:$0x4], $0x80, s10, s8, $0xb8;
	[tilespmem:$0x1B2C0] =	vst v63  }
0x3e4: {  	s13 =	simm.s32 @!p2 $0x4200;
	s10 =	simm.s32 @!p2 $0x80;
	s11 =	simm.s32 @!p2 $0xC200  }
0x3e5: {  	[tilespmem:s9], [sflag:$0x2] =	stream.indirect.gather @!p2 [hbm4b:s1+s10], $0x80, s12, s10, $0xb8;
	[tilespmem:$0x1B2C0] =	vst v63  }
0x3e6: {  	p3 =	sge.s32 @!p2 s0, s30;
	s8 =	simm.s32 @!p2 $0x3;
	s12 =	simm.s32 @!p2 $0x4  }
0x3e7: {  	[spmem:s2] =	stream.indirect.scatter.add.f32 @!p2 [tilespmem:s13], [sflag:$0x4], $0x80, s11, s10, $0xb8;
	[tilespmem:$0x1B2C0] =	vst v63  }
0x3e8: {  	p3 =	por p3, p2;
	_ =	swait.ge @!p2 [sflag:s12], $0x4000  }
0x3e9: {  	[sflag:s12] =	ssyncset.done @!p2 $0x0  }
0x3ea: {  	[sflag:s12] =	ssyncadd.s32 @!p2 $0xFFFFC000  }
0x3eb: {  	v5 =	vld @!p2 [tilespmem:s7+$0x0];
	_ =	sdelay $0x4  }
0x3ec: {  	[tilespmem:$0xC200] =	vst @!p2 v5  }
0x3ed: {  	v5 =	vld @!p2 [tilespmem:s7+$0x10];
	_ =	sdelay $0x4  }
0x3ee: {  	[tilespmem:$0xC210] =	vst @!p2 v5  }
0x3ef: {  	v5 =	vld @!p2 [tilespmem:s7+$0x20];
	_ =	sdelay $0x4  }
0x3f0: {  	[tilespmem:$0xC220] =	vst @!p2 v5  }
0x3f1: {  	v5 =	vld @!p2 [tilespmem:s7+$0x30];
	_ =	sdelay $0x4  }
0x3f2: {  	[tilespmem:$0xC230] =	vst @!p2 v5  }
0x3f3: {  	v5 =	vld @!p2 [tilespmem:s7+$0x40];
	_ =	sdelay $0x4  }
0x3f4: {  	[tilespmem:$0xC240] =	vst @!p2 v5  }
0x3f5: {  	v5 =	vld @!p2 [tilespmem:s7+$0x50];
	_ =	sdelay $0x4  }
0x3f6: {  	[tilespmem:$0xC250] =	vst @!p2 v5  }
0x3f7: {  	v5 =	vld @!p2 [tilespmem:s7+$0x60];
	_ =	sdelay $0x4  }
0x3f8: {  	[tilespmem:$0xC260] =	vst @!p2 v5  }
0x3f9: {  	v5 =	vld @!p2 [tilespmem:s7+$0x70];
	_ =	sdelay $0x3  }
0x3fa: {  	s12 =	simm.s32 @!p2 $0x2  }
0x3fb: {  	[tilespmem:$0xC270] =	vst @!p2 v5  }
0x3fc: {  	_ =	swait.ge @!p2 [sflag:s12], $0x4000  }
0x3fd: {  	s14 =	simm.s32 @!p3 $0x4200;
	s13 =	simm.s32 @!p3 $0x80;
	[sflag:s12] =	ssyncset.done @!p2 $0x0  }
.Ltmp27:
0x3fe: {  	[sflag:s12] =	ssyncadd.s32 @!p2 $0xFFFFC000;
	(pc) =	sbr.rel @p1 .LBB2_41-.Ltmp27, $4  }
0x3ff: {  	[tilespmem:s14], [sflag:$0x1] =	stream.indirect.gather @!p3 [hbm4b:s1+s13], $0x80, s6, s13, $0xb8;
	[tilespmem:$0x1B2C0] =	vst v63  }
0x400: {  	s8 =	simm.s32 @p2 $0x4  }
0x401: {  	[spmem:s2] =	stream.indirect.scatter.add.f32 @!p2 [tilespmem:s9], [sflag:$0x3], $0x80, s11, s10, $0xb8;
	[tilespmem:$0x1B2C0] =	vst v63  }
0x402: {  	s7 =	sadd.s32 $0x100, s7;
	s6 =	sadd.s32 $0x100, s6;
	_ =	swait.ge [sflag:s8], $0x4000  }
.Ltmp28:
0x403: {  	_ = 	snop;
	(pc) =	sbr.rel .LBB2_42-.Ltmp28, $1  }
0x404: {  	_ =	sdelay $0x3  }
.LBB2_44:
0x405: {  	_ =	sfence.sel $0x180000  }
0x406: {  	[bflag:$0x0] =	sbarrier.arrive $0xFFFF  }
0x407: {  	_ =	strace $0x9000004A  }
0x408: {  	[bflag:$0x2] =	sbarrier.arrive $0xFFFF  }
0x409: {  	s0 =	rddreg [dreg:$0x3]  }
0x40a: {  	s0 =	sadd.s32 @!p0 $0x100000, s0  }
0x40b: {  	[sflag:s0] =	ssyncadd.tile.s32 @!p0 $0x1;
	_ =	shalt  }
.Lfunc_end2:
_tile_overlayer_lowered:
.L_overlay_start_2:
0x40c: {  	(tag) =	ssettag $0x2  }
0x40d: {  	s0 =	rddreg [dreg:$0x0];
	s2 =	stileid.u32  }
0x40e: {  	s1 =	rddreg [dreg:$0x1];
	p0 =	sne.s32 s2, $0x0  }
0x40f: {  	s3 =	rddreg [dreg:$0x2];
	[bflag:$0x3] =	sbarrier.arrive $0xFFFF;
	s2 =	simm.s32 @!p0 $0x1C03  }
0x410: {  	[timem:s3], [sflag:s2] =	dma.local @!p0 [hbm:s0], s1  }
0x411: {  	s0 =	simm.s32 @!p0 $0x3  }
0x412: {  	_ =	swait.ge @!p0 [sflag:s0], s1  }
0x413: {  	s1 =	ssub.s32 @!p0 $0x0, s1;
	[sflag:s0] =	ssyncset.done @!p0 $0x0  }
0x414: {  	[sflag:s0] =	ssyncadd.s32 @!p0 s1  }
0x415: {  	[bflag:$0x3] =	sbarrier.arrive $0xFFFF  }
0x416: {  	_ =	shalt  }

</sc_bundles>
